<compile_context>
chip_gen: v7x
topology: tpu7x:2x2x1
jax: 0.10.2.dev20260603
libtpu: 0.0.44.dev20260713+nightly
codegen_flags: <defaults>
</compile_context>

<pallas_src>
import jax
import jax.numpy as jnp
from jax import lax
from jax.experimental import pallas as pl
from jax.experimental.pallas import tpu as pltpu
from jax.experimental.pallas import tpu_sc as plsc

NN = 10000
NP = 10240
NE = 320000
D = 128
LD = 64
NC = 2
NS = 16
NW = NC * NS
EPT = NE // NW
K = 80
NB = EPT // K
RPT = NP // NS

BR = 2048
GRID = NP // BR



NBUF = 5
AHEAD = 3


def _deg_body(dst_hbm, zeros1_hbm, deg_out, didx, ones_v, degbuf, deg_sp,
              *sems):
    c = lax.axis_index("c")
    s = lax.axis_index("s")
    for i in range(K // 16):
        ones_v[pl.ds(i * 16, 16)] = jnp.ones((16,), jnp.float32)
    pltpu.sync_copy(dst_hbm.at[s, pl.ds(c * NB, NB)], didx)
    pltpu.sync_copy(zeros1_hbm.at[pl.ds(s * RPT, RPT)],
                    deg_sp.at[pl.ds(s * RPT, RPT)])
    plsc.subcore_barrier()

    def loop_body(g, carry):
        for i in range(NBUF):
            b = g + i

            @pl.when(b >= NBUF)
            def _():
                pltpu.make_async_copy(ones_v, deg_sp.at[didx.at[b]],
                                      sems[i]).wait()

            pltpu.async_copy(ones_v, deg_sp.at[didx.at[b]], sems[i], add=True)
        return carry

    lax.fori_loop(0, NB // NBUF, lambda g, cy: loop_body(g * NBUF, cy), 0)
    for i in range(NBUF):
        pltpu.make_async_copy(ones_v, deg_sp.at[didx.at[i]], sems[i]).wait()
    plsc.subcore_barrier()
    pltpu.sync_copy(deg_sp.at[pl.ds(s * RPT, RPT)], degbuf)
    pltpu.sync_copy(degbuf, deg_out.at[c, pl.ds(s * RPT, RPT)])


HD = 64
EPS = NE // NS
KA = 80
NBA = EPS // KA


def _agg_body(p2_hbm, src_hbm, dst_hbm, zeros2_hbm, out_hbm,
              sidx, didx, rows, acc_sp, *sems):
    semg = sems[:NBUF]
    sems_sc = sems[NBUF:]
    c = lax.axis_index("c")
    s = lax.axis_index("s")
    pltpu.async_copy(src_hbm.at[s], sidx, semg[0])
    pltpu.async_copy(dst_hbm.at[s], didx, semg[1])
    pltpu.async_copy(zeros2_hbm.at[pl.ds(s * RPT, RPT)],
                     acc_sp.at[pl.ds(s * RPT, RPT)], semg[2])
    pltpu.make_async_copy(src_hbm.at[s], sidx, semg[0]).wait()

    def remap(r, carry):
        for k in range(KA // 16):
            v = sidx[r, pl.ds(k * 16, 16)]
            sidx[r, pl.ds(k * 16, 16)] = v + v + c
        return carry

    lax.fori_loop(0, NBA, remap, 0)
    pltpu.make_async_copy(dst_hbm.at[s], didx, semg[1]).wait()
    pltpu.make_async_copy(zeros2_hbm.at[pl.ds(s * RPT, RPT)],
                          acc_sp.at[pl.ds(s * RPT, RPT)], semg[2]).wait()
    plsc.subcore_barrier()

    def gather(b, slot):
        pltpu.async_copy(p2_hbm.at[sidx.at[b]], rows.at[slot], semg[slot])

    def gather_wait(slot):
        pltpu.make_async_copy(p2_hbm.at[sidx.at[0]], rows.at[slot],
                              semg[slot]).wait()

    def scatter(b, slot):
        pltpu.async_copy(rows.at[slot], acc_sp.at[didx.at[b]],
                         sems_sc[slot], add=True)

    def scatter_wait(slot):
        pltpu.make_async_copy(rows.at[slot], acc_sp.at[didx.at[0]],
                              sems_sc[slot]).wait()

    for b in range(AHEAD):
        gather(b, b % NBUF)

    def loop_body(g, carry):
        for i in range(NBUF):
            b = g + i
            slot = i
            gather_wait(slot)
            scatter(b, slot)
            b2 = b + AHEAD
            slot2 = (i + AHEAD) % NBUF

            @pl.when(b2 < NBA)
            def _():
                @pl.when(b2 >= NBUF)
                def _():
                    scatter_wait(slot2)

                gather(b2, slot2)
        return carry

    lax.fori_loop(0, NBA // NBUF, lambda g, cy: loop_body(g * NBUF, cy), 0)
    for i in range(NBUF):
        scatter_wait(i)
    plsc.subcore_barrier()
    pltpu.sync_copy(acc_sp.at[pl.ds(s * RPT, RPT)],
                    out_hbm.at[pl.ds(s * RPT, RPT), pl.ds(c * HD, HD)])


_MESH = plsc.VectorSubcoreMesh(core_axis_name="c", subcore_axis_name="s")

_deg_call = pl.kernel(
    _deg_body,
    out_type=jax.ShapeDtypeStruct((NC, NP), jnp.float32),
    mesh=_MESH,
    scratch_types=[
        pltpu.VMEM((NB, K), jnp.int32),
        pltpu.VMEM((K,), jnp.float32),
        pltpu.VMEM((RPT,), jnp.float32),
        pltpu.VMEM_SHARED((NP,), jnp.float32),
    ] + [pltpu.SemaphoreType.DMA] * NBUF,
    compiler_params=pltpu.CompilerParams(use_tc_tiling_on_sc=False),
)

_agg_call = pl.kernel(
    _agg_body,
    out_type=jax.ShapeDtypeStruct((NP, D), jnp.float32),
    mesh=_MESH,
    scratch_types=[
        pltpu.VMEM((NBA, KA), jnp.int32),
        pltpu.VMEM((NBA, KA), jnp.int32),
        pltpu.VMEM((NBUF, KA, HD), jnp.float32),
        pltpu.VMEM_SHARED((NP, HD), jnp.float32),
    ] + [pltpu.SemaphoreType.DMA] * (2 * NBUF),
    compiler_params=pltpu.CompilerParams(use_tc_tiling_on_sc=False),
)



def _dinv(deg_ref):
    degt = jnp.transpose(deg_ref[...])
    return lax.rsqrt(degt[:, 0:1] + degt[:, 1:2] + 1.0)


def _scale_body(deg_ref, x_ref, p_ref):
    p_ref[...] = _dinv(deg_ref) * x_ref[...]


def _layer_body(deg_ref, s_ref, p_ref, w_ref, b_ref, o_ref):
    dinv = _dinv(deg_ref)
    g = dinv * (s_ref[...] + p_ref[...])
    h = jnp.tanh(
        jnp.dot(g, w_ref[...], preferred_element_type=jnp.float32,
                precision=lax.Precision.DEFAULT) + b_ref[...])
    o_ref[...] = dinv * h


def _head_body(deg_ref, s_ref, p_ref, wm_ref, bm_ref,
               wl_ref, bl_ref, noise_ref, z_ref, mean_ref, logvar_ref):
    g = _dinv(deg_ref) * (s_ref[...] + p_ref[...])
    mean = jnp.dot(g, wm_ref[...], preferred_element_type=jnp.float32,
                   precision=lax.Precision.DEFAULT) + bm_ref[...]
    logvar = jnp.dot(g, wl_ref[...], preferred_element_type=jnp.float32,
                     precision=lax.Precision.DEFAULT) + bl_ref[...]
    mean_ref[...] = mean
    logvar_ref[...] = logvar
    z_ref[...] = noise_ref[...] * jnp.exp(0.5 * logvar) + mean


def _row_spec(width):
    return pl.BlockSpec((BR, width), lambda i: (i, 0))


def _full_spec(shape):
    return pl.BlockSpec(shape, lambda i: (0,) * len(shape))


_deg_spec = pl.BlockSpec((NC, BR), lambda i: (0, i))

_scale_call = pl.pallas_call(
    _scale_body,
    out_shape=jax.ShapeDtypeStruct((NP, D), jnp.float32),
    grid=(GRID,),
    in_specs=[_deg_spec, _row_spec(D)],
    out_specs=_row_spec(D),
)

_layer_call = pl.pallas_call(
    _layer_body,
    out_shape=jax.ShapeDtypeStruct((NP, D), jnp.float32),
    grid=(GRID,),
    in_specs=[_deg_spec, _row_spec(D), _row_spec(D),
              _full_spec((D, D)), _full_spec((1, D))],
    out_specs=_row_spec(D),
)

_head_call = pl.pallas_call(
    _head_body,
    out_shape=(jax.ShapeDtypeStruct((NN, LD), jnp.float32),
               jax.ShapeDtypeStruct((NN, LD), jnp.float32),
               jax.ShapeDtypeStruct((NN, LD), jnp.float32)),
    grid=(GRID,),
    in_specs=[_deg_spec, _row_spec(D), _row_spec(D),
              _full_spec((D, LD)), _full_spec((1, LD)),
              _full_spec((D, LD)), _full_spec((1, LD)), _row_spec(LD)],
    out_specs=(_row_spec(LD), _row_spec(LD), _row_spec(LD)),
)


def kernel(x, edge_index, W1, b1, W2, b2, Wm, bm, Wl, bl, noise):
    ei = edge_index.astype(jnp.int32)
    src4 = ei[0].reshape(NS, NBA, KA)
    dst4 = ei[1].reshape(NS, NBA, KA)
    zeros1 = jnp.zeros((NP,), jnp.float32)
    zeros2 = jnp.zeros((NP, HD), jnp.float32)

    def agg(p):
        return _agg_call(p.reshape(2 * NP, HD), src4, dst4, zeros2)

    deg2 = _deg_call(dst4, zeros1)
    p1 = _scale_call(deg2, x)
    s1 = agg(p1)
    p2 = _layer_call(deg2, s1, p1, W1, b1.reshape(1, D))
    s2 = agg(p2)
    p3 = _layer_call(deg2, s2, p2, W2, b2.reshape(1, D))
    s3 = agg(p3)
    z, mean, logvar = _head_call(deg2, s3, p3,
                                 Wm, bm.reshape(1, LD),
                                 Wl, bl.reshape(1, LD), noise)
    return (z, mean, logvar)

# --- scband reference (transcript-rebuilt; emitter-appended) ---
"""Pipeline reference for scband-combined-hidden-gcvaeencoder-16286515987220 (READ-ONLY COPY).

The authoritative reference and input builder live on the scoring server;
editing this copy changes nothing except your own understanding.
"""

import jax, jax.numpy as jnp
import numpy as np

N_NODES = 10000
N_EDGES = 320000
IN_DIM = 128
HID_DIM = 128
LAT_DIM = 64


def gcn_conv(x, W, b, src, dst, num_nodes):
    # GCNConv with add_self_loops=True and symmetric normalization:
    # out = D^{-1/2} (A + I) D^{-1/2} X W + b
    h = x @ W
    ones = jnp.ones(src.shape[0], dtype=h.dtype)
    deg = jnp.zeros((num_nodes,), dtype=h.dtype).at[dst].add(ones)
    dinv = jnp.where(deg > 0, 1.0 / jnp.sqrt(deg), 0.0)
    norm = dinv[src] * dinv[dst]
    msgs = norm[:, None] * h[src]
    out = jnp.zeros((num_nodes, W.shape[1]), dtype=h.dtype).at[dst].add(msgs)
    return out + b


def setup_inputs(seed: int = 0) -> dict:
    key = jax.random.key(seed)
    ks = jax.random.split(key, 12)
    x = jax.random.normal(ks[0], (N_NODES, IN_DIM), dtype=jnp.float32)
    edge_index = jax.random.randint(ks[1], (2, N_EDGES), 0, N_NODES, dtype=jnp.int64)
    s1 = 1.0 / np.sqrt(IN_DIM)
    s2 = 1.0 / np.sqrt(HID_DIM)
    W1 = jax.random.normal(ks[2], (IN_DIM, HID_DIM), dtype=jnp.float32) * s1
    b1 = jnp.zeros((HID_DIM,), dtype=jnp.float32)
    W2 = jax.random.normal(ks[3], (HID_DIM, HID_DIM), dtype=jnp.float32) * s2
    b2 = jnp.zeros((HID_DIM,), dtype=jnp.float32)
    Wm = jax.random.normal(ks[4], (HID_DIM, LAT_DIM), dtype=jnp.float32) * s2
    bm = jnp.zeros((LAT_DIM,), dtype=jnp.float32)
    Wl = jax.random.normal(ks[5], (HID_DIM, LAT_DIM), dtype=jnp.float32) * s2
    bl = jnp.zeros((LAT_DIM,), dtype=jnp.float32)
    noise = jax.random.normal(ks[6], (N_NODES, LAT_DIM), dtype=jnp.float32)
    return {"x": x, "edge_index": edge_index, "W1": W1, "b1": b1, "W2": W2,
            "b2": b2, "Wm": Wm, "bm": bm, "Wl": Wl, "bl": bl, "noise": noise}


def reference(x, edge_index, W1, b1, W2, b2, Wm, bm, Wl, bl, noise):
    num_nodes = x.shape[0]
    loop = jnp.arange(num_nodes, dtype=edge_index.dtype)
    src = jnp.concatenate([edge_index[0], loop])
    dst = jnp.concatenate([edge_index[1], loop])
    h = jnp.tanh(gcn_conv(x, W1, b1, src, dst, num_nodes))
    h = jnp.tanh(gcn_conv(h, W2, b2, src, dst, num_nodes))
    # Dropout self.dp is defined but never applied in forward (and eval-mode anyway)
    mean = gcn_conv(h, Wm, bm, src, dst, num_nodes)
    logvar = gcn_conv(h, Wl, bl, src, dst, num_nodes)
    z = noise * jnp.exp(0.5 * logvar) + mean
    return (z, mean, logvar)

if __name__ == "__main__":
    import jax
    _d = setup_inputs()
    print(jax.jit(kernel)(*tuple(_d.values())))

</pallas_src>

<mosaic_0001>
#map = affine_map<(d0, d1) -> (0, 0)>
#map1 = affine_map<(d0, d1) -> (0, 0, 0)>
module attributes {stable_mosaic.version = 14 : i64} {
  func.func @_agg_body(%arg0: i32, %arg1: i32, %arg2: memref<20480x64xf32, #tpu.memory_space<hbm>>, %arg3: memref<16x250x80xi32, #tpu.memory_space<hbm>>, %arg4: memref<16x250x80xi32, #tpu.memory_space<hbm>>, %arg5: memref<10240x64xf32, #tpu.memory_space<hbm>>, %arg6: memref<10240x128xf32, #tpu.memory_space<hbm>>, %arg7: memref<250x80xi32, #tpu.memory_space<vmem>>, %arg8: memref<250x80xi32, #tpu.memory_space<vmem>>, %arg9: memref<5x80x64xf32, #tpu.memory_space<vmem>>, %arg10: memref<10240x64xf32, #tpu.memory_space<vmem_shared>>, %arg11: memref<!tpu.dma_semaphore, #tpu.memory_space<semaphore_mem>>, %arg12: memref<!tpu.dma_semaphore, #tpu.memory_space<semaphore_mem>>, %arg13: memref<!tpu.dma_semaphore, #tpu.memory_space<semaphore_mem>>, %arg14: memref<!tpu.dma_semaphore, #tpu.memory_space<semaphore_mem>>, %arg15: memref<!tpu.dma_semaphore, #tpu.memory_space<semaphore_mem>>, %arg16: memref<!tpu.dma_semaphore, #tpu.memory_space<semaphore_mem>>, %arg17: memref<!tpu.dma_semaphore, #tpu.memory_space<semaphore_mem>>, %arg18: memref<!tpu.dma_semaphore, #tpu.memory_space<semaphore_mem>>, %arg19: memref<!tpu.dma_semaphore, #tpu.memory_space<semaphore_mem>>, %arg20: memref<!tpu.dma_semaphore, #tpu.memory_space<semaphore_mem>>) attributes {dimension_semantics = [#tpu.dimension_semantics<core_parallel>, #tpu.dimension_semantics<subcore_parallel>], iteration_bounds = array<i64: 2, 16>, scalar_prefetch = 0 : i64, scratch_operands = 14 : i64, tpu.core_type = #tpu.core_type<sc_vector_subcore>, window_params = [{transform_indices = #map}, {transform_indices = #map1}, {transform_indices = #map1}, {transform_indices = #map}, {transform_indices = #map}]} {
    %dma_start3A = arith.constant 0 : i32
    %dma_start3A_0 = arith.constant 0 : i32
    %dma_start3A_1 = tpu.memref_slice %arg3[%arg1, %dma_start3A, %dma_start3A_0] : memref<16x250x80xi32, #tpu.memory_space<hbm>> -> memref<1x250x80xi32, #tpu.memory_space<hbm>>
    %dma_start3A_2 = tpu.memref_squeeze %dma_start3A_1 : memref<1x250x80xi32, #tpu.memory_space<hbm>> -> memref<250x80xi32, #tpu.memory_space<hbm>>
    %dma_start3A_3 = arith.constant 0 : i32
    %dma_start3A_4 = arith.constant 0 : i32
    %dma_start3A_5 = tpu.memref_slice %arg3[%arg1, %dma_start3A_3, %dma_start3A_4] : memref<16x250x80xi32, #tpu.memory_space<hbm>> -> memref<1x250x80xi32, #tpu.memory_space<hbm>>
    %dma_start3A_6 = tpu.memref_squeeze %dma_start3A_5 : memref<1x250x80xi32, #tpu.memory_space<hbm>> -> memref<250x80xi32, #tpu.memory_space<hbm>>
    tpu.enqueue_dma source(%dma_start3A_6 : memref<250x80xi32, #tpu.memory_space<hbm>>) target(%arg7 : memref<250x80xi32, #tpu.memory_space<vmem>>) target_semaphore(%arg11 : memref<!tpu.dma_semaphore, #tpu.memory_space<semaphore_mem>>)
    %dma_start3A_7 = arith.constant 0 : i32
    %dma_start3A_8 = arith.constant 0 : i32
    %dma_start3A_9 = tpu.memref_slice %arg4[%arg1, %dma_start3A_7, %dma_start3A_8] : memref<16x250x80xi32, #tpu.memory_space<hbm>> -> memref<1x250x80xi32, #tpu.memory_space<hbm>>
    %dma_start3A_10 = tpu.memref_squeeze %dma_start3A_9 : memref<1x250x80xi32, #tpu.memory_space<hbm>> -> memref<250x80xi32, #tpu.memory_space<hbm>>
    %dma_start3A_11 = arith.constant 0 : i32
    %dma_start3A_12 = arith.constant 0 : i32
    %dma_start3A_13 = tpu.memref_slice %arg4[%arg1, %dma_start3A_11, %dma_start3A_12] : memref<16x250x80xi32, #tpu.memory_space<hbm>> -> memref<1x250x80xi32, #tpu.memory_space<hbm>>
    %dma_start3A_14 = tpu.memref_squeeze %dma_start3A_13 : memref<1x250x80xi32, #tpu.memory_space<hbm>> -> memref<250x80xi32, #tpu.memory_space<hbm>>
    tpu.enqueue_dma source(%dma_start3A_14 : memref<250x80xi32, #tpu.memory_space<hbm>>) target(%arg8 : memref<250x80xi32, #tpu.memory_space<vmem>>) target_semaphore(%arg12 : memref<!tpu.dma_semaphore, #tpu.memory_space<semaphore_mem>>)
    %mul3A = arith.constant 640 : i32
    %mul3A_15 = arith.muli %arg1, %mul3A : i32
    %mul3A_16 = arith.constant 640 : i32
    %mul3A_17 = arith.muli %arg1, %mul3A_16 : i32
    %dma_start3A_18 = arith.constant 0 : i32
    %dma_start3A_19 = tpu.memref_slice %arg10[%mul3A_17, %dma_start3A_18] : memref<10240x64xf32, #tpu.memory_space<vmem_shared>> -> memref<640x64xf32, #tpu.memory_space<vmem_shared>>
    %dma_start3A_20 = arith.constant 0 : i32
    %dma_start3A_21 = tpu.memref_slice %arg5[%mul3A_15, %dma_start3A_20] : memref<10240x64xf32, #tpu.memory_space<hbm>> -> memref<640x64xf32, #tpu.memory_space<hbm>>
    tpu.enqueue_dma source(%dma_start3A_21 : memref<640x64xf32, #tpu.memory_space<hbm>>) target(%dma_start3A_19 : memref<640x64xf32, #tpu.memory_space<vmem_shared>>) target_semaphore(%arg13 : memref<!tpu.dma_semaphore, #tpu.memory_space<semaphore_mem>>)
    %dma_wait3A = arith.constant 0 : i32
    %dma_wait3A_22 = arith.constant 0 : i32
    %dma_wait3A_23 = tpu.memref_slice %arg3[%arg1, %dma_wait3A, %dma_wait3A_22] : memref<16x250x80xi32, #tpu.memory_space<hbm>> -> memref<1x250x80xi32, #tpu.memory_space<hbm>>
    %dma_wait3A_24 = tpu.memref_squeeze %dma_wait3A_23 : memref<1x250x80xi32, #tpu.memory_space<hbm>> -> memref<250x80xi32, #tpu.memory_space<hbm>>
    %dma_wait3A_25 = arith.constant 0 : i32
    %dma_wait3A_26 = arith.constant 0 : i32
    %dma_wait3A_27 = tpu.memref_slice %arg3[%arg1, %dma_wait3A_25, %dma_wait3A_26] : memref<16x250x80xi32, #tpu.memory_space<hbm>> -> memref<1x250x80xi32, #tpu.memory_space<hbm>>
    %dma_wait3A_28 = tpu.memref_squeeze %dma_wait3A_27 : memref<1x250x80xi32, #tpu.memory_space<hbm>> -> memref<250x80xi32, #tpu.memory_space<hbm>>
    tpu.wait_dma2 semaphore(%arg11 : memref<!tpu.dma_semaphore, #tpu.memory_space<semaphore_mem>>) src(%dma_wait3A_28 : memref<250x80xi32, #tpu.memory_space<hbm>>) dst(%arg7 : memref<250x80xi32, #tpu.memory_space<vmem>>)
    %scan3A = arith.constant 0 : i32
    %scan3A_29 = arith.constant 0 : i32
    %scan3A_30 = arith.constant 250 : i32
    %scan3A_31 = arith.addi %scan3A_29, %scan3A_30 : i32
    %scan3A_32 = arith.constant 1 : i32
    scf.for %scan3A_159 = %scan3A_29 to %scan3A_31 step %scan3A_32  : i32 {
      %get3A = arith.index_cast %scan3A_159 : i32 to index
      %get3A_160 = arith.constant 0 : index
      %get3A_161 = tpu.vector_load %arg7[%get3A, %get3A_160] {strides = array<i32>} : memref<250x80xi32, #tpu.memory_space<vmem>>, vector<1x16xi32>,
      %get3A_162 = vector.shape_cast %get3A_161 : vector<1x16xi32> to vector<16xi32>
      %add3A = arith.addi %get3A_162, %get3A_162 : vector<16xi32>
      %add3A_163 = vector.broadcast %arg0 : i32 to vector<16xi32>
      %add3A_164 = arith.addi %add3A, %add3A_163 : vector<16xi32>
      %swap3A = arith.index_cast %scan3A_159 : i32 to index
      %swap3A_165 = arith.constant 0 : index
      %swap3A_166 = tpu.vector_load %arg7[%swap3A, %swap3A_165] {strides = array<i32>} : memref<250x80xi32, #tpu.memory_space<vmem>>, vector<1x16xi32>,
      %swap3A_167 = vector.shape_cast %swap3A_166 : vector<1x16xi32> to vector<16xi32>
      %swap3A_168 = vector.shape_cast %add3A_164 : vector<16xi32> to vector<1x16xi32>
      tpu.vector_store %arg7[%swap3A, %swap3A_165], %swap3A_168 {strides = array<i32>} : memref<250x80xi32, #tpu.memory_space<vmem>>, vector<1x16xi32>,
      %get3A_169 = arith.index_cast %scan3A_159 : i32 to index
      %get3A_170 = arith.constant 16 : index
      %get3A_171 = tpu.vector_load %arg7[%get3A_169, %get3A_170] {strides = array<i32>} : memref<250x80xi32, #tpu.memory_space<vmem>>, vector<1x16xi32>,
      %get3A_172 = vector.shape_cast %get3A_171 : vector<1x16xi32> to vector<16xi32>
      %add3A_173 = arith.addi %get3A_172, %get3A_172 : vector<16xi32>
      %add3A_174 = vector.broadcast %arg0 : i32 to vector<16xi32>
      %add3A_175 = arith.addi %add3A_173, %add3A_174 : vector<16xi32>
      %swap3A_176 = arith.index_cast %scan3A_159 : i32 to index
      %swap3A_177 = arith.constant 16 : index
      %swap3A_178 = tpu.vector_load %arg7[%swap3A_176, %swap3A_177] {strides = array<i32>} : memref<250x80xi32, #tpu.memory_space<vmem>>, vector<1x16xi32>,
      %swap3A_179 = vector.shape_cast %swap3A_178 : vector<1x16xi32> to vector<16xi32>
      %swap3A_180 = vector.shape_cast %add3A_175 : vector<16xi32> to vector<1x16xi32>
      tpu.vector_store %arg7[%swap3A_176, %swap3A_177], %swap3A_180 {strides = array<i32>} : memref<250x80xi32, #tpu.memory_space<vmem>>, vector<1x16xi32>,
      %get3A_181 = arith.index_cast %scan3A_159 : i32 to index
      %get3A_182 = arith.constant 32 : index
      %get3A_183 = tpu.vector_load %arg7[%get3A_181, %get3A_182] {strides = array<i32>} : memref<250x80xi32, #tpu.memory_space<vmem>>, vector<1x16xi32>,
      %get3A_184 = vector.shape_cast %get3A_183 : vector<1x16xi32> to vector<16xi32>
      %add3A_185 = arith.addi %get3A_184, %get3A_184 : vector<16xi32>
      %add3A_186 = vector.broadcast %arg0 : i32 to vector<16xi32>
      %add3A_187 = arith.addi %add3A_185, %add3A_186 : vector<16xi32>
      %swap3A_188 = arith.index_cast %scan3A_159 : i32 to index
      %swap3A_189 = arith.constant 32 : index
      %swap3A_190 = tpu.vector_load %arg7[%swap3A_188, %swap3A_189] {strides = array<i32>} : memref<250x80xi32, #tpu.memory_space<vmem>>, vector<1x16xi32>,
      %swap3A_191 = vector.shape_cast %swap3A_190 : vector<1x16xi32> to vector<16xi32>
      %swap3A_192 = vector.shape_cast %add3A_187 : vector<16xi32> to vector<1x16xi32>
      tpu.vector_store %arg7[%swap3A_188, %swap3A_189], %swap3A_192 {strides = array<i32>} : memref<250x80xi32, #tpu.memory_space<vmem>>, vector<1x16xi32>,
      %get3A_193 = arith.index_cast %scan3A_159 : i32 to index
      %get3A_194 = arith.constant 48 : index
      %get3A_195 = tpu.vector_load %arg7[%get3A_193, %get3A_194] {strides = array<i32>} : memref<250x80xi32, #tpu.memory_space<vmem>>, vector<1x16xi32>,
      %get3A_196 = vector.shape_cast %get3A_195 : vector<1x16xi32> to vector<16xi32>
      %add3A_197 = arith.addi %get3A_196, %get3A_196 : vector<16xi32>
      %add3A_198 = vector.broadcast %arg0 : i32 to vector<16xi32>
      %add3A_199 = arith.addi %add3A_197, %add3A_198 : vector<16xi32>
      %swap3A_200 = arith.index_cast %scan3A_159 : i32 to index
      %swap3A_201 = arith.constant 48 : index
      %swap3A_202 = tpu.vector_load %arg7[%swap3A_200, %swap3A_201] {strides = array<i32>} : memref<250x80xi32, #tpu.memory_space<vmem>>, vector<1x16xi32>,
      %swap3A_203 = vector.shape_cast %swap3A_202 : vector<1x16xi32> to vector<16xi32>
      %swap3A_204 = vector.shape_cast %add3A_199 : vector<16xi32> to vector<1x16xi32>
      tpu.vector_store %arg7[%swap3A_200, %swap3A_201], %swap3A_204 {strides = array<i32>} : memref<250x80xi32, #tpu.memory_space<vmem>>, vector<1x16xi32>,
      %get3A_205 = arith.index_cast %scan3A_159 : i32 to index
      %get3A_206 = arith.constant 64 : index
      %get3A_207 = tpu.vector_load %arg7[%get3A_205, %get3A_206] {strides = array<i32>} : memref<250x80xi32, #tpu.memory_space<vmem>>, vector<1x16xi32>,
      %get3A_208 = vector.shape_cast %get3A_207 : vector<1x16xi32> to vector<16xi32>
      %add3A_209 = arith.addi %get3A_208, %get3A_208 : vector<16xi32>
      %add3A_210 = vector.broadcast %arg0 : i32 to vector<16xi32>
      %add3A_211 = arith.addi %add3A_209, %add3A_210 : vector<16xi32>
      %swap3A_212 = arith.index_cast %scan3A_159 : i32 to index
      %swap3A_213 = arith.constant 64 : index
      %swap3A_214 = tpu.vector_load %arg7[%swap3A_212, %swap3A_213] {strides = array<i32>} : memref<250x80xi32, #tpu.memory_space<vmem>>, vector<1x16xi32>,
      %swap3A_215 = vector.shape_cast %swap3A_214 : vector<1x16xi32> to vector<16xi32>
      %swap3A_216 = vector.shape_cast %add3A_211 : vector<16xi32> to vector<1x16xi32>
      tpu.vector_store %arg7[%swap3A_212, %swap3A_213], %swap3A_216 {strides = array<i32>} : memref<250x80xi32, #tpu.memory_space<vmem>>, vector<1x16xi32>,
    }
    %scan3A_33 = arith.constant 250 : i32
    %dma_wait3A_34 = arith.constant 0 : i32
    %dma_wait3A_35 = arith.constant 0 : i32
    %dma_wait3A_36 = tpu.memref_slice %arg4[%arg1, %dma_wait3A_34, %dma_wait3A_35] : memref<16x250x80xi32, #tpu.memory_space<hbm>> -> memref<1x250x80xi32, #tpu.memory_space<hbm>>
    %dma_wait3A_37 = tpu.memref_squeeze %dma_wait3A_36 : memref<1x250x80xi32, #tpu.memory_space<hbm>> -> memref<250x80xi32, #tpu.memory_space<hbm>>
    %dma_wait3A_38 = arith.constant 0 : i32
    %dma_wait3A_39 = arith.constant 0 : i32
    %dma_wait3A_40 = tpu.memref_slice %arg4[%arg1, %dma_wait3A_38, %dma_wait3A_39] : memref<16x250x80xi32, #tpu.memory_space<hbm>> -> memref<1x250x80xi32, #tpu.memory_space<hbm>>
    %dma_wait3A_41 = tpu.memref_squeeze %dma_wait3A_40 : memref<1x250x80xi32, #tpu.memory_space<hbm>> -> memref<250x80xi32, #tpu.memory_space<hbm>>
    tpu.wait_dma2 semaphore(%arg12 : memref<!tpu.dma_semaphore, #tpu.memory_space<semaphore_mem>>) src(%dma_wait3A_41 : memref<250x80xi32, #tpu.memory_space<hbm>>) dst(%arg8 : memref<250x80xi32, #tpu.memory_space<vmem>>)
    %mul3A_42 = arith.constant 640 : i32
    %mul3A_43 = arith.muli %arg1, %mul3A_42 : i32
    %mul3A_44 = arith.constant 640 : i32
    %mul3A_45 = arith.muli %arg1, %mul3A_44 : i32
    %dma_wait3A_46 = arith.constant 0 : i32
    %dma_wait3A_47 = tpu.memref_slice %arg10[%mul3A_45, %dma_wait3A_46] : memref<10240x64xf32, #tpu.memory_space<vmem_shared>> -> memref<640x64xf32, #tpu.memory_space<vmem_shared>>
    %dma_wait3A_48 = arith.constant 0 : i32
    %dma_wait3A_49 = tpu.memref_slice %arg5[%mul3A_43, %dma_wait3A_48] : memref<10240x64xf32, #tpu.memory_space<hbm>> -> memref<640x64xf32, #tpu.memory_space<hbm>>
    tpu.wait_dma2 semaphore(%arg13 : memref<!tpu.dma_semaphore, #tpu.memory_space<semaphore_mem>>) src(%dma_wait3A_49 : memref<640x64xf32, #tpu.memory_space<hbm>>) dst(%dma_wait3A_47 : memref<640x64xf32, #tpu.memory_space<vmem_shared>>)
    %barrier3A = arith.constant 0 : index
    tpu.barrier barrier_id(%barrier3A)
    %dma_start3A_50 = arith.constant 0 : i32
    %dma_start3A_51 = arith.constant 0 : i32
    %dma_start3A_52 = arith.constant 0 : i32
    %dma_start3A_53 = arith.constant 0 : i32
    %dma_start3A_54 = tpu.memref_slice %arg9[%dma_start3A_51, %dma_start3A_52, %dma_start3A_53] : memref<5x80x64xf32, #tpu.memory_space<vmem>> -> memref<1x80x64xf32, #tpu.memory_space<vmem>>
    %dma_start3A_55 = tpu.memref_squeeze %dma_start3A_54 : memref<1x80x64xf32, #tpu.memory_space<vmem>> -> memref<80x64xf32, #tpu.memory_space<vmem>>
    %dma_start3A_56 = arith.constant 0 : i32
    %dma_start3A_57 = tpu.memref_slice %arg7[%dma_start3A_50, %dma_start3A_56] : memref<250x80xi32, #tpu.memory_space<vmem>> -> memref<1x80xi32, #tpu.memory_space<vmem>>
    %dma_start3A_58 = tpu.memref_squeeze %dma_start3A_57 : memref<1x80xi32, #tpu.memory_space<vmem>> -> memref<80xi32, #tpu.memory_space<vmem>>
    %dma_start3A_59 = arith.constant 0 : i32
    %dma_start3A_60 = arith.constant 0 : i32
    %dma_start3A_61 = tpu.memref_slice %arg2[%dma_start3A_59, %dma_start3A_60] : memref<20480x64xf32, #tpu.memory_space<hbm>> -> memref<20480x64xf32, #tpu.memory_space<hbm>>
    tpu.enqueue_indirect_dma source(%dma_start3A_61 : memref<20480x64xf32, #tpu.memory_space<hbm>>) target(%dma_start3A_55 : memref<80x64xf32, #tpu.memory_space<vmem>>) offsets(%dma_start3A_58 : memref<80xi32, #tpu.memory_space<vmem>>) semaphore(%arg11 : memref<!tpu.dma_semaphore, #tpu.memory_space<semaphore_mem>>)
    %dma_start3A_62 = arith.constant 1 : i32
    %dma_start3A_63 = arith.constant 1 : i32
    %dma_start3A_64 = arith.constant 0 : i32
    %dma_start3A_65 = arith.constant 0 : i32
    %dma_start3A_66 = tpu.memref_slice %arg9[%dma_start3A_63, %dma_start3A_64, %dma_start3A_65] : memref<5x80x64xf32, #tpu.memory_space<vmem>> -> memref<1x80x64xf32, #tpu.memory_space<vmem>>
    %dma_start3A_67 = tpu.memref_squeeze %dma_start3A_66 : memref<1x80x64xf32, #tpu.memory_space<vmem>> -> memref<80x64xf32, #tpu.memory_space<vmem>>
    %dma_start3A_68 = arith.constant 0 : i32
    %dma_start3A_69 = tpu.memref_slice %arg7[%dma_start3A_62, %dma_start3A_68] : memref<250x80xi32, #tpu.memory_space<vmem>> -> memref<1x80xi32, #tpu.memory_space<vmem>>
    %dma_start3A_70 = tpu.memref_squeeze %dma_start3A_69 : memref<1x80xi32, #tpu.memory_space<vmem>> -> memref<80xi32, #tpu.memory_space<vmem>>
    %dma_start3A_71 = arith.constant 0 : i32
    %dma_start3A_72 = arith.constant 0 : i32
    %dma_start3A_73 = tpu.memref_slice %arg2[%dma_start3A_71, %dma_start3A_72] : memref<20480x64xf32, #tpu.memory_space<hbm>> -> memref<20480x64xf32, #tpu.memory_space<hbm>>
    tpu.enqueue_indirect_dma source(%dma_start3A_73 : memref<20480x64xf32, #tpu.memory_space<hbm>>) target(%dma_start3A_67 : memref<80x64xf32, #tpu.memory_space<vmem>>) offsets(%dma_start3A_70 : memref<80xi32, #tpu.memory_space<vmem>>) semaphore(%arg12 : memref<!tpu.dma_semaphore, #tpu.memory_space<semaphore_mem>>)
    %dma_start3A_74 = arith.constant 2 : i32
    %dma_start3A_75 = arith.constant 2 : i32
    %dma_start3A_76 = arith.constant 0 : i32
    %dma_start3A_77 = arith.constant 0 : i32
    %dma_start3A_78 = tpu.memref_slice %arg9[%dma_start3A_75, %dma_start3A_76, %dma_start3A_77] : memref<5x80x64xf32, #tpu.memory_space<vmem>> -> memref<1x80x64xf32, #tpu.memory_space<vmem>>
    %dma_start3A_79 = tpu.memref_squeeze %dma_start3A_78 : memref<1x80x64xf32, #tpu.memory_space<vmem>> -> memref<80x64xf32, #tpu.memory_space<vmem>>
    %dma_start3A_80 = arith.constant 0 : i32
    %dma_start3A_81 = tpu.memref_slice %arg7[%dma_start3A_74, %dma_start3A_80] : memref<250x80xi32, #tpu.memory_space<vmem>> -> memref<1x80xi32, #tpu.memory_space<vmem>>
    %dma_start3A_82 = tpu.memref_squeeze %dma_start3A_81 : memref<1x80xi32, #tpu.memory_space<vmem>> -> memref<80xi32, #tpu.memory_space<vmem>>
    %dma_start3A_83 = arith.constant 0 : i32
    %dma_start3A_84 = arith.constant 0 : i32
    %dma_start3A_85 = tpu.memref_slice %arg2[%dma_start3A_83, %dma_start3A_84] : memref<20480x64xf32, #tpu.memory_space<hbm>> -> memref<20480x64xf32, #tpu.memory_space<hbm>>
    tpu.enqueue_indirect_dma source(%dma_start3A_85 : memref<20480x64xf32, #tpu.memory_space<hbm>>) target(%dma_start3A_79 : memref<80x64xf32, #tpu.memory_space<vmem>>) offsets(%dma_start3A_82 : memref<80xi32, #tpu.memory_space<vmem>>) semaphore(%arg13 : memref<!tpu.dma_semaphore, #tpu.memory_space<semaphore_mem>>)
    %scan3A_86 = arith.constant 0 : i32
    %scan3A_87 = arith.constant 0 : i32
    %scan3A_88 = arith.constant 50 : i32
    %scan3A_89 = arith.addi %scan3A_87, %scan3A_88 : i32
    %scan3A_90 = arith.constant 1 : i32
    scf.for %scan3A_159 = %scan3A_87 to %scan3A_89 step %scan3A_90  : i32 {
      %mul3A_160 = arith.constant 5 : i32
      %mul3A_161 = arith.muli %scan3A_159, %mul3A_160 : i32
      %add3A = arith.constant 0 : i32
      %add3A_162 = arith.addi %mul3A_161, %add3A : i32
      %dma_wait3A_163 = arith.constant 0 : i32
      %dma_wait3A_164 = arith.constant 0 : i32
      %dma_wait3A_165 = arith.constant 0 : i32
      %dma_wait3A_166 = arith.constant 0 : i32
      %dma_wait3A_167 = tpu.memref_slice %arg9[%dma_wait3A_164, %dma_wait3A_165, %dma_wait3A_166] : memref<5x80x64xf32, #tpu.memory_space<vmem>> -> memref<1x80x64xf32, #tpu.memory_space<vmem>>
      %dma_wait3A_168 = tpu.memref_squeeze %dma_wait3A_167 : memref<1x80x64xf32, #tpu.memory_space<vmem>> -> memref<80x64xf32, #tpu.memory_space<vmem>>
      %dma_wait3A_169 = arith.constant 0 : i32
      %dma_wait3A_170 = tpu.memref_slice %arg7[%dma_wait3A_163, %dma_wait3A_169] : memref<250x80xi32, #tpu.memory_space<vmem>> -> memref<1x80xi32, #tpu.memory_space<vmem>>
      %dma_wait3A_171 = tpu.memref_squeeze %dma_wait3A_170 : memref<1x80xi32, #tpu.memory_space<vmem>> -> memref<80xi32, #tpu.memory_space<vmem>>
      %dma_wait3A_172 = arith.constant 0 : i32
      %dma_wait3A_173 = arith.constant 0 : i32
      %dma_wait3A_174 = tpu.memref_slice %arg2[%dma_wait3A_172, %dma_wait3A_173] : memref<20480x64xf32, #tpu.memory_space<hbm>> -> memref<20480x64xf32, #tpu.memory_space<hbm>>
      tpu.wait_indirect_dma semaphore(%arg11 : memref<!tpu.dma_semaphore, #tpu.memory_space<semaphore_mem>>) src(%dma_wait3A_174 : memref<20480x64xf32, #tpu.memory_space<hbm>>) dst(%dma_wait3A_168 : memref<80x64xf32, #tpu.memory_space<vmem>>)
      %dma_start3A_175 = arith.constant 0 : i32
      %dma_start3A_176 = arith.constant 0 : i32
      %dma_start3A_177 = arith.constant 0 : i32
      %dma_start3A_178 = tpu.memref_slice %arg9[%dma_start3A_175, %dma_start3A_176, %dma_start3A_177] : memref<5x80x64xf32, #tpu.memory_space<vmem>> -> memref<1x80x64xf32, #tpu.memory_space<vmem>>
      %dma_start3A_179 = tpu.memref_squeeze %dma_start3A_178 : memref<1x80x64xf32, #tpu.memory_space<vmem>> -> memref<80x64xf32, #tpu.memory_space<vmem>>
      %dma_start3A_180 = arith.constant 0 : i32
      %dma_start3A_181 = tpu.memref_slice %arg8[%add3A_162, %dma_start3A_180] : memref<250x80xi32, #tpu.memory_space<vmem>> -> memref<1x80xi32, #tpu.memory_space<vmem>>
      %dma_start3A_182 = tpu.memref_squeeze %dma_start3A_181 : memref<1x80xi32, #tpu.memory_space<vmem>> -> memref<80xi32, #tpu.memory_space<vmem>>
      %dma_start3A_183 = arith.constant 0 : i32
      %dma_start3A_184 = arith.constant 0 : i32
      %dma_start3A_185 = tpu.memref_slice %arg10[%dma_start3A_183, %dma_start3A_184] : memref<10240x64xf32, #tpu.memory_space<vmem_shared>> -> memref<10240x64xf32, #tpu.memory_space<vmem_shared>>
      tpu.enqueue_indirect_dma source(%dma_start3A_179 : memref<80x64xf32, #tpu.memory_space<vmem>>) target(%dma_start3A_185 : memref<10240x64xf32, #tpu.memory_space<vmem_shared>>) offsets(%dma_start3A_182 : memref<80xi32, #tpu.memory_space<vmem>>) semaphore(%arg16 : memref<!tpu.dma_semaphore, #tpu.memory_space<semaphore_mem>>) {add = true}
      %add3A_186 = arith.constant 3 : i32
      %add3A_187 = arith.addi %add3A_162, %add3A_186 : i32
      %lt3A = arith.constant 250 : i32
      %lt3A_188 = arith.cmpi slt, %add3A_187, %lt3A : i32
      %convert_element_type3A = arith.extui %lt3A_188 : i1 to i32
      %cond3A = arith.constant 0 : i32
      %cond3A_189 = arith.cmpi ne, %convert_element_type3A, %cond3A : i32
      scf.if %cond3A_189 {
        %ge3A = arith.constant 5 : i32
        %ge3A_318 = arith.cmpi sge, %add3A_187, %ge3A : i32
        %convert_element_type3A_319 = arith.extui %ge3A_318 : i1 to i32
        %cond3A_320 = arith.constant 0 : i32
        %cond3A_321 = arith.cmpi ne, %convert_element_type3A_319, %cond3A_320 : i32
        scf.if %cond3A_321 {
          %dma_wait3A_333 = arith.constant 3 : i32
          %dma_wait3A_334 = arith.constant 0 : i32
          %dma_wait3A_335 = arith.constant 0 : i32
          %dma_wait3A_336 = arith.constant 0 : i32
          %dma_wait3A_337 = tpu.memref_slice %arg9[%dma_wait3A_333, %dma_wait3A_335, %dma_wait3A_336] : memref<5x80x64xf32, #tpu.memory_space<vmem>> -> memref<1x80x64xf32, #tpu.memory_space<vmem>>
          %dma_wait3A_338 = tpu.memref_squeeze %dma_wait3A_337 : memref<1x80x64xf32, #tpu.memory_space<vmem>> -> memref<80x64xf32, #tpu.memory_space<vmem>>
          %dma_wait3A_339 = arith.constant 0 : i32
          %dma_wait3A_340 = tpu.memref_slice %arg8[%dma_wait3A_334, %dma_wait3A_339] : memref<250x80xi32, #tpu.memory_space<vmem>> -> memref<1x80xi32, #tpu.memory_space<vmem>>
          %dma_wait3A_341 = tpu.memref_squeeze %dma_wait3A_340 : memref<1x80xi32, #tpu.memory_space<vmem>> -> memref<80xi32, #tpu.memory_space<vmem>>
          %dma_wait3A_342 = arith.constant 0 : i32
          %dma_wait3A_343 = arith.constant 0 : i32
          %dma_wait3A_344 = tpu.memref_slice %arg10[%dma_wait3A_342, %dma_wait3A_343] : memref<10240x64xf32, #tpu.memory_space<vmem_shared>> -> memref<10240x64xf32, #tpu.memory_space<vmem_shared>>
          tpu.wait_indirect_dma semaphore(%arg19 : memref<!tpu.dma_semaphore, #tpu.memory_space<semaphore_mem>>) src(%dma_wait3A_338 : memref<80x64xf32, #tpu.memory_space<vmem>>) dst(%dma_wait3A_344 : memref<10240x64xf32, #tpu.memory_space<vmem_shared>>)
        } else {
        }
        %dma_start3A_322 = arith.constant 3 : i32
        %dma_start3A_323 = arith.constant 0 : i32
        %dma_start3A_324 = arith.constant 0 : i32
        %dma_start3A_325 = tpu.memref_slice %arg9[%dma_start3A_322, %dma_start3A_323, %dma_start3A_324] : memref<5x80x64xf32, #tpu.memory_space<vmem>> -> memref<1x80x64xf32, #tpu.memory_space<vmem>>
        %dma_start3A_326 = tpu.memref_squeeze %dma_start3A_325 : memref<1x80x64xf32, #tpu.memory_space<vmem>> -> memref<80x64xf32, #tpu.memory_space<vmem>>
        %dma_start3A_327 = arith.constant 0 : i32
        %dma_start3A_328 = tpu.memref_slice %arg7[%add3A_187, %dma_start3A_327] : memref<250x80xi32, #tpu.memory_space<vmem>> -> memref<1x80xi32, #tpu.memory_space<vmem>>
        %dma_start3A_329 = tpu.memref_squeeze %dma_start3A_328 : memref<1x80xi32, #tpu.memory_space<vmem>> -> memref<80xi32, #tpu.memory_space<vmem>>
        %dma_start3A_330 = arith.constant 0 : i32
        %dma_start3A_331 = arith.constant 0 : i32
        %dma_start3A_332 = tpu.memref_slice %arg2[%dma_start3A_330, %dma_start3A_331] : memref<20480x64xf32, #tpu.memory_space<hbm>> -> memref<20480x64xf32, #tpu.memory_space<hbm>>
        tpu.enqueue_indirect_dma source(%dma_start3A_332 : memref<20480x64xf32, #tpu.memory_space<hbm>>) target(%dma_start3A_326 : memref<80x64xf32, #tpu.memory_space<vmem>>) offsets(%dma_start3A_329 : memref<80xi32, #tpu.memory_space<vmem>>) semaphore(%arg14 : memref<!tpu.dma_semaphore, #tpu.memory_space<semaphore_mem>>)
      } else {
      }
      %add3A_190 = arith.constant 1 : i32
      %add3A_191 = arith.addi %mul3A_161, %add3A_190 : i32
      %dma_wait3A_192 = arith.constant 0 : i32
      %dma_wait3A_193 = arith.constant 1 : i32
      %dma_wait3A_194 = arith.constant 0 : i32
      %dma_wait3A_195 = arith.constant 0 : i32
      %dma_wait3A_196 = tpu.memref_slice %arg9[%dma_wait3A_193, %dma_wait3A_194, %dma_wait3A_195] : memref<5x80x64xf32, #tpu.memory_space<vmem>> -> memref<1x80x64xf32, #tpu.memory_space<vmem>>
      %dma_wait3A_197 = tpu.memref_squeeze %dma_wait3A_196 : memref<1x80x64xf32, #tpu.memory_space<vmem>> -> memref<80x64xf32, #tpu.memory_space<vmem>>
      %dma_wait3A_198 = arith.constant 0 : i32
      %dma_wait3A_199 = tpu.memref_slice %arg7[%dma_wait3A_192, %dma_wait3A_198] : memref<250x80xi32, #tpu.memory_space<vmem>> -> memref<1x80xi32, #tpu.memory_space<vmem>>
      %dma_wait3A_200 = tpu.memref_squeeze %dma_wait3A_199 : memref<1x80xi32, #tpu.memory_space<vmem>> -> memref<80xi32, #tpu.memory_space<vmem>>
      %dma_wait3A_201 = arith.constant 0 : i32
      %dma_wait3A_202 = arith.constant 0 : i32
      %dma_wait3A_203 = tpu.memref_slice %arg2[%dma_wait3A_201, %dma_wait3A_202] : memref<20480x64xf32, #tpu.memory_space<hbm>> -> memref<20480x64xf32, #tpu.memory_space<hbm>>
      tpu.wait_indirect_dma semaphore(%arg12 : memref<!tpu.dma_semaphore, #tpu.memory_space<semaphore_mem>>) src(%dma_wait3A_203 : memref<20480x64xf32, #tpu.memory_space<hbm>>) dst(%dma_wait3A_197 : memref<80x64xf32, #tpu.memory_space<vmem>>)
      %dma_start3A_204 = arith.constant 1 : i32
      %dma_start3A_205 = arith.constant 0 : i32
      %dma_start3A_206 = arith.constant 0 : i32
      %dma_start3A_207 = tpu.memref_slice %arg9[%dma_start3A_204, %dma_start3A_205, %dma_start3A_206] : memref<5x80x64xf32, #tpu.memory_space<vmem>> -> memref<1x80x64xf32, #tpu.memory_space<vmem>>
      %dma_start3A_208 = tpu.memref_squeeze %dma_start3A_207 : memref<1x80x64xf32, #tpu.memory_space<vmem>> -> memref<80x64xf32, #tpu.memory_space<vmem>>
      %dma_start3A_209 = arith.constant 0 : i32
      %dma_start3A_210 = tpu.memref_slice %arg8[%add3A_191, %dma_start3A_209] : memref<250x80xi32, #tpu.memory_space<vmem>> -> memref<1x80xi32, #tpu.memory_space<vmem>>
      %dma_start3A_211 = tpu.memref_squeeze %dma_start3A_210 : memref<1x80xi32, #tpu.memory_space<vmem>> -> memref<80xi32, #tpu.memory_space<vmem>>
      %dma_start3A_212 = arith.constant 0 : i32
      %dma_start3A_213 = arith.constant 0 : i32
      %dma_start3A_214 = tpu.memref_slice %arg10[%dma_start3A_212, %dma_start3A_213] : memref<10240x64xf32, #tpu.memory_space<vmem_shared>> -> memref<10240x64xf32, #tpu.memory_space<vmem_shared>>
      tpu.enqueue_indirect_dma source(%dma_start3A_208 : memref<80x64xf32, #tpu.memory_space<vmem>>) target(%dma_start3A_214 : memref<10240x64xf32, #tpu.memory_space<vmem_shared>>) offsets(%dma_start3A_211 : memref<80xi32, #tpu.memory_space<vmem>>) semaphore(%arg17 : memref<!tpu.dma_semaphore, #tpu.memory_space<semaphore_mem>>) {add = true}
      %add3A_215 = arith.constant 3 : i32
      %add3A_216 = arith.addi %add3A_191, %add3A_215 : i32
      %lt3A_217 = arith.constant 250 : i32
      %lt3A_218 = arith.cmpi slt, %add3A_216, %lt3A_217 : i32
      %convert_element_type3A_219 = arith.extui %lt3A_218 : i1 to i32
      %cond3A_220 = arith.constant 0 : i32
      %cond3A_221 = arith.cmpi ne, %convert_element_type3A_219, %cond3A_220 : i32
      scf.if %cond3A_221 {
        %ge3A = arith.constant 5 : i32
        %ge3A_318 = arith.cmpi sge, %add3A_216, %ge3A : i32
        %convert_element_type3A_319 = arith.extui %ge3A_318 : i1 to i32
        %cond3A_320 = arith.constant 0 : i32
        %cond3A_321 = arith.cmpi ne, %convert_element_type3A_319, %cond3A_320 : i32
        scf.if %cond3A_321 {
          %dma_wait3A_333 = arith.constant 4 : i32
          %dma_wait3A_334 = arith.constant 0 : i32
          %dma_wait3A_335 = arith.constant 0 : i32
          %dma_wait3A_336 = arith.constant 0 : i32
          %dma_wait3A_337 = tpu.memref_slice %arg9[%dma_wait3A_333, %dma_wait3A_335, %dma_wait3A_336] : memref<5x80x64xf32, #tpu.memory_space<vmem>> -> memref<1x80x64xf32, #tpu.memory_space<vmem>>
          %dma_wait3A_338 = tpu.memref_squeeze %dma_wait3A_337 : memref<1x80x64xf32, #tpu.memory_space<vmem>> -> memref<80x64xf32, #tpu.memory_space<vmem>>
          %dma_wait3A_339 = arith.constant 0 : i32
          %dma_wait3A_340 = tpu.memref_slice %arg8[%dma_wait3A_334, %dma_wait3A_339] : memref<250x80xi32, #tpu.memory_space<vmem>> -> memref<1x80xi32, #tpu.memory_space<vmem>>
          %dma_wait3A_341 = tpu.memref_squeeze %dma_wait3A_340 : memref<1x80xi32, #tpu.memory_space<vmem>> -> memref<80xi32, #tpu.memory_space<vmem>>
          %dma_wait3A_342 = arith.constant 0 : i32
          %dma_wait3A_343 = arith.constant 0 : i32
          %dma_wait3A_344 = tpu.memref_slice %arg10[%dma_wait3A_342, %dma_wait3A_343] : memref<10240x64xf32, #tpu.memory_space<vmem_shared>> -> memref<10240x64xf32, #tpu.memory_space<vmem_shared>>
          tpu.wait_indirect_dma semaphore(%arg20 : memref<!tpu.dma_semaphore, #tpu.memory_space<semaphore_mem>>) src(%dma_wait3A_338 : memref<80x64xf32, #tpu.memory_space<vmem>>) dst(%dma_wait3A_344 : memref<10240x64xf32, #tpu.memory_space<vmem_shared>>)
        } else {
        }
        %dma_start3A_322 = arith.constant 4 : i32
        %dma_start3A_323 = arith.constant 0 : i32
        %dma_start3A_324 = arith.constant 0 : i32
        %dma_start3A_325 = tpu.memref_slice %arg9[%dma_start3A_322, %dma_start3A_323, %dma_start3A_324] : memref<5x80x64xf32, #tpu.memory_space<vmem>> -> memref<1x80x64xf32, #tpu.memory_space<vmem>>
        %dma_start3A_326 = tpu.memref_squeeze %dma_start3A_325 : memref<1x80x64xf32, #tpu.memory_space<vmem>> -> memref<80x64xf32, #tpu.memory_space<vmem>>
        %dma_start3A_327 = arith.constant 0 : i32
        %dma_start3A_328 = tpu.memref_slice %arg7[%add3A_216, %dma_start3A_327] : memref<250x80xi32, #tpu.memory_space<vmem>> -> memref<1x80xi32, #tpu.memory_space<vmem>>
        %dma_start3A_329 = tpu.memref_squeeze %dma_start3A_328 : memref<1x80xi32, #tpu.memory_space<vmem>> -> memref<80xi32, #tpu.memory_space<vmem>>
        %dma_start3A_330 = arith.constant 0 : i32
        %dma_start3A_331 = arith.constant 0 : i32
        %dma_start3A_332 = tpu.memref_slice %arg2[%dma_start3A_330, %dma_start3A_331] : memref<20480x64xf32, #tpu.memory_space<hbm>> -> memref<20480x64xf32, #tpu.memory_space<hbm>>
        tpu.enqueue_indirect_dma source(%dma_start3A_332 : memref<20480x64xf32, #tpu.memory_space<hbm>>) target(%dma_start3A_326 : memref<80x64xf32, #tpu.memory_space<vmem>>) offsets(%dma_start3A_329 : memref<80xi32, #tpu.memory_space<vmem>>) semaphore(%arg15 : memref<!tpu.dma_semaphore, #tpu.memory_space<semaphore_mem>>)
      } else {
      }
      %add3A_222 = arith.constant 2 : i32
      %add3A_223 = arith.addi %mul3A_161, %add3A_222 : i32
      %dma_wait3A_224 = arith.constant 0 : i32
      %dma_wait3A_225 = arith.constant 2 : i32
      %dma_wait3A_226 = arith.constant 0 : i32
      %dma_wait3A_227 = arith.constant 0 : i32
      %dma_wait3A_228 = tpu.memref_slice %arg9[%dma_wait3A_225, %dma_wait3A_226, %dma_wait3A_227] : memref<5x80x64xf32, #tpu.memory_space<vmem>> -> memref<1x80x64xf32, #tpu.memory_space<vmem>>
      %dma_wait3A_229 = tpu.memref_squeeze %dma_wait3A_228 : memref<1x80x64xf32, #tpu.memory_space<vmem>> -> memref<80x64xf32, #tpu.memory_space<vmem>>
      %dma_wait3A_230 = arith.constant 0 : i32
      %dma_wait3A_231 = tpu.memref_slice %arg7[%dma_wait3A_224, %dma_wait3A_230] : memref<250x80xi32, #tpu.memory_space<vmem>> -> memref<1x80xi32, #tpu.memory_space<vmem>>
      %dma_wait3A_232 = tpu.memref_squeeze %dma_wait3A_231 : memref<1x80xi32, #tpu.memory_space<vmem>> -> memref<80xi32, #tpu.memory_space<vmem>>
      %dma_wait3A_233 = arith.constant 0 : i32
      %dma_wait3A_234 = arith.constant 0 : i32
      %dma_wait3A_235 = tpu.memref_slice %arg2[%dma_wait3A_233, %dma_wait3A_234] : memref<20480x64xf32, #tpu.memory_space<hbm>> -> memref<20480x64xf32, #tpu.memory_space<hbm>>
      tpu.wait_indirect_dma semaphore(%arg13 : memref<!tpu.dma_semaphore, #tpu.memory_space<semaphore_mem>>) src(%dma_wait3A_235 : memref<20480x64xf32, #tpu.memory_space<hbm>>) dst(%dma_wait3A_229 : memref<80x64xf32, #tpu.memory_space<vmem>>)
      %dma_start3A_236 = arith.constant 2 : i32
      %dma_start3A_237 = arith.constant 0 : i32
      %dma_start3A_238 = arith.constant 0 : i32
      %dma_start3A_239 = tpu.memref_slice %arg9[%dma_start3A_236, %dma_start3A_237, %dma_start3A_238] : memref<5x80x64xf32, #tpu.memory_space<vmem>> -> memref<1x80x64xf32, #tpu.memory_space<vmem>>
      %dma_start3A_240 = tpu.memref_squeeze %dma_start3A_239 : memref<1x80x64xf32, #tpu.memory_space<vmem>> -> memref<80x64xf32, #tpu.memory_space<vmem>>
      %dma_start3A_241 = arith.constant 0 : i32
      %dma_start3A_242 = tpu.memref_slice %arg8[%add3A_223, %dma_start3A_241] : memref<250x80xi32, #tpu.memory_space<vmem>> -> memref<1x80xi32, #tpu.memory_space<vmem>>
      %dma_start3A_243 = tpu.memref_squeeze %dma_start3A_242 : memref<1x80xi32, #tpu.memory_space<vmem>> -> memref<80xi32, #tpu.memory_space<vmem>>
      %dma_start3A_244 = arith.constant 0 : i32
      %dma_start3A_245 = arith.constant 0 : i32
      %dma_start3A_246 = tpu.memref_slice %arg10[%dma_start3A_244, %dma_start3A_245] : memref<10240x64xf32, #tpu.memory_space<vmem_shared>> -> memref<10240x64xf32, #tpu.memory_space<vmem_shared>>
      tpu.enqueue_indirect_dma source(%dma_start3A_240 : memref<80x64xf32, #tpu.memory_space<vmem>>) target(%dma_start3A_246 : memref<10240x64xf32, #tpu.memory_space<vmem_shared>>) offsets(%dma_start3A_243 : memref<80xi32, #tpu.memory_space<vmem>>) semaphore(%arg18 : memref<!tpu.dma_semaphore, #tpu.memory_space<semaphore_mem>>) {add = true}
      %add3A_247 = arith.constant 3 : i32
      %add3A_248 = arith.addi %add3A_223, %add3A_247 : i32
      %lt3A_249 = arith.constant 250 : i32
      %lt3A_250 = arith.cmpi slt, %add3A_248, %lt3A_249 : i32
      %convert_element_type3A_251 = arith.extui %lt3A_250 : i1 to i32
      %cond3A_252 = arith.constant 0 : i32
      %cond3A_253 = arith.cmpi ne, %convert_element_type3A_251, %cond3A_252 : i32
      scf.if %cond3A_253 {
        %ge3A = arith.constant 5 : i32
        %ge3A_318 = arith.cmpi sge, %add3A_248, %ge3A : i32
        %convert_element_type3A_319 = arith.extui %ge3A_318 : i1 to i32
        %cond3A_320 = arith.constant 0 : i32
        %cond3A_321 = arith.cmpi ne, %convert_element_type3A_319, %cond3A_320 : i32
        scf.if %cond3A_321 {
          %dma_wait3A_333 = arith.constant 0 : i32
          %dma_wait3A_334 = arith.constant 0 : i32
          %dma_wait3A_335 = arith.constant 0 : i32
          %dma_wait3A_336 = arith.constant 0 : i32
          %dma_wait3A_337 = tpu.memref_slice %arg9[%dma_wait3A_333, %dma_wait3A_335, %dma_wait3A_336] : memref<5x80x64xf32, #tpu.memory_space<vmem>> -> memref<1x80x64xf32, #tpu.memory_space<vmem>>
          %dma_wait3A_338 = tpu.memref_squeeze %dma_wait3A_337 : memref<1x80x64xf32, #tpu.memory_space<vmem>> -> memref<80x64xf32, #tpu.memory_space<vmem>>
          %dma_wait3A_339 = arith.constant 0 : i32
          %dma_wait3A_340 = tpu.memref_slice %arg8[%dma_wait3A_334, %dma_wait3A_339] : memref<250x80xi32, #tpu.memory_space<vmem>> -> memref<1x80xi32, #tpu.memory_space<vmem>>
          %dma_wait3A_341 = tpu.memref_squeeze %dma_wait3A_340 : memref<1x80xi32, #tpu.memory_space<vmem>> -> memref<80xi32, #tpu.memory_space<vmem>>
          %dma_wait3A_342 = arith.constant 0 : i32
          %dma_wait3A_343 = arith.constant 0 : i32
          %dma_wait3A_344 = tpu.memref_slice %arg10[%dma_wait3A_342, %dma_wait3A_343] : memref<10240x64xf32, #tpu.memory_space<vmem_shared>> -> memref<10240x64xf32, #tpu.memory_space<vmem_shared>>
          tpu.wait_indirect_dma semaphore(%arg16 : memref<!tpu.dma_semaphore, #tpu.memory_space<semaphore_mem>>) src(%dma_wait3A_338 : memref<80x64xf32, #tpu.memory_space<vmem>>) dst(%dma_wait3A_344 : memref<10240x64xf32, #tpu.memory_space<vmem_shared>>)
        } else {
        }
        %dma_start3A_322 = arith.constant 0 : i32
        %dma_start3A_323 = arith.constant 0 : i32
        %dma_start3A_324 = arith.constant 0 : i32
        %dma_start3A_325 = tpu.memref_slice %arg9[%dma_start3A_322, %dma_start3A_323, %dma_start3A_324] : memref<5x80x64xf32, #tpu.memory_space<vmem>> -> memref<1x80x64xf32, #tpu.memory_space<vmem>>
        %dma_start3A_326 = tpu.memref_squeeze %dma_start3A_325 : memref<1x80x64xf32, #tpu.memory_space<vmem>> -> memref<80x64xf32, #tpu.memory_space<vmem>>
        %dma_start3A_327 = arith.constant 0 : i32
        %dma_start3A_328 = tpu.memref_slice %arg7[%add3A_248, %dma_start3A_327] : memref<250x80xi32, #tpu.memory_space<vmem>> -> memref<1x80xi32, #tpu.memory_space<vmem>>
        %dma_start3A_329 = tpu.memref_squeeze %dma_start3A_328 : memref<1x80xi32, #tpu.memory_space<vmem>> -> memref<80xi32, #tpu.memory_space<vmem>>
        %dma_start3A_330 = arith.constant 0 : i32
        %dma_start3A_331 = arith.constant 0 : i32
        %dma_start3A_332 = tpu.memref_slice %arg2[%dma_start3A_330, %dma_start3A_331] : memref<20480x64xf32, #tpu.memory_space<hbm>> -> memref<20480x64xf32, #tpu.memory_space<hbm>>
        tpu.enqueue_indirect_dma source(%dma_start3A_332 : memref<20480x64xf32, #tpu.memory_space<hbm>>) target(%dma_start3A_326 : memref<80x64xf32, #tpu.memory_space<vmem>>) offsets(%dma_start3A_329 : memref<80xi32, #tpu.memory_space<vmem>>) semaphore(%arg11 : memref<!tpu.dma_semaphore, #tpu.memory_space<semaphore_mem>>)
      } else {
      }
      %add3A_254 = arith.constant 3 : i32
      %add3A_255 = arith.addi %mul3A_161, %add3A_254 : i32
      %dma_wait3A_256 = arith.constant 0 : i32
      %dma_wait3A_257 = arith.constant 3 : i32
      %dma_wait3A_258 = arith.constant 0 : i32
      %dma_wait3A_259 = arith.constant 0 : i32
      %dma_wait3A_260 = tpu.memref_slice %arg9[%dma_wait3A_257, %dma_wait3A_258, %dma_wait3A_259] : memref<5x80x64xf32, #tpu.memory_space<vmem>> -> memref<1x80x64xf32, #tpu.memory_space<vmem>>
      %dma_wait3A_261 = tpu.memref_squeeze %dma_wait3A_260 : memref<1x80x64xf32, #tpu.memory_space<vmem>> -> memref<80x64xf32, #tpu.memory_space<vmem>>
      %dma_wait3A_262 = arith.constant 0 : i32
      %dma_wait3A_263 = tpu.memref_slice %arg7[%dma_wait3A_256, %dma_wait3A_262] : memref<250x80xi32, #tpu.memory_space<vmem>> -> memref<1x80xi32, #tpu.memory_space<vmem>>
      %dma_wait3A_264 = tpu.memref_squeeze %dma_wait3A_263 : memref<1x80xi32, #tpu.memory_space<vmem>> -> memref<80xi32, #tpu.memory_space<vmem>>
      %dma_wait3A_265 = arith.constant 0 : i32
      %dma_wait3A_266 = arith.constant 0 : i32
      %dma_wait3A_267 = tpu.memref_slice %arg2[%dma_wait3A_265, %dma_wait3A_266] : memref<20480x64xf32, #tpu.memory_space<hbm>> -> memref<20480x64xf32, #tpu.memory_space<hbm>>
      tpu.wait_indirect_dma semaphore(%arg14 : memref<!tpu.dma_semaphore, #tpu.memory_space<semaphore_mem>>) src(%dma_wait3A_267 : memref<20480x64xf32, #tpu.memory_space<hbm>>) dst(%dma_wait3A_261 : memref<80x64xf32, #tpu.memory_space<vmem>>)
      %dma_start3A_268 = arith.constant 3 : i32
      %dma_start3A_269 = arith.constant 0 : i32
      %dma_start3A_270 = arith.constant 0 : i32
      %dma_start3A_271 = tpu.memref_slice %arg9[%dma_start3A_268, %dma_start3A_269, %dma_start3A_270] : memref<5x80x64xf32, #tpu.memory_space<vmem>> -> memref<1x80x64xf32, #tpu.memory_space<vmem>>
      %dma_start3A_272 = tpu.memref_squeeze %dma_start3A_271 : memref<1x80x64xf32, #tpu.memory_space<vmem>> -> memref<80x64xf32, #tpu.memory_space<vmem>>
      %dma_start3A_273 = arith.constant 0 : i32
      %dma_start3A_274 = tpu.memref_slice %arg8[%add3A_255, %dma_start3A_273] : memref<250x80xi32, #tpu.memory_space<vmem>> -> memref<1x80xi32, #tpu.memory_space<vmem>>
      %dma_start3A_275 = tpu.memref_squeeze %dma_start3A_274 : memref<1x80xi32, #tpu.memory_space<vmem>> -> memref<80xi32, #tpu.memory_space<vmem>>
      %dma_start3A_276 = arith.constant 0 : i32
      %dma_start3A_277 = arith.constant 0 : i32
      %dma_start3A_278 = tpu.memref_slice %arg10[%dma_start3A_276, %dma_start3A_277] : memref<10240x64xf32, #tpu.memory_space<vmem_shared>> -> memref<10240x64xf32, #tpu.memory_space<vmem_shared>>
      tpu.enqueue_indirect_dma source(%dma_start3A_272 : memref<80x64xf32, #tpu.memory_space<vmem>>) target(%dma_start3A_278 : memref<10240x64xf32, #tpu.memory_space<vmem_shared>>) offsets(%dma_start3A_275 : memref<80xi32, #tpu.memory_space<vmem>>) semaphore(%arg19 : memref<!tpu.dma_semaphore, #tpu.memory_space<semaphore_mem>>) {add = true}
      %add3A_279 = arith.constant 3 : i32
      %add3A_280 = arith.addi %add3A_255, %add3A_279 : i32
      %lt3A_281 = arith.constant 250 : i32
      %lt3A_282 = arith.cmpi slt, %add3A_280, %lt3A_281 : i32
      %convert_element_type3A_283 = arith.extui %lt3A_282 : i1 to i32
      %cond3A_284 = arith.constant 0 : i32
      %cond3A_285 = arith.cmpi ne, %convert_element_type3A_283, %cond3A_284 : i32
      scf.if %cond3A_285 {
        %ge3A = arith.constant 5 : i32
        %ge3A_318 = arith.cmpi sge, %add3A_280, %ge3A : i32
        %convert_element_type3A_319 = arith.extui %ge3A_318 : i1 to i32
        %cond3A_320 = arith.constant 0 : i32
        %cond3A_321 = arith.cmpi ne, %convert_element_type3A_319, %cond3A_320 : i32
        scf.if %cond3A_321 {
          %dma_wait3A_333 = arith.constant 1 : i32
          %dma_wait3A_334 = arith.constant 0 : i32
          %dma_wait3A_335 = arith.constant 0 : i32
          %dma_wait3A_336 = arith.constant 0 : i32
          %dma_wait3A_337 = tpu.memref_slice %arg9[%dma_wait3A_333, %dma_wait3A_335, %dma_wait3A_336] : memref<5x80x64xf32, #tpu.memory_space<vmem>> -> memref<1x80x64xf32, #tpu.memory_space<vmem>>
          %dma_wait3A_338 = tpu.memref_squeeze %dma_wait3A_337 : memref<1x80x64xf32, #tpu.memory_space<vmem>> -> memref<80x64xf32, #tpu.memory_space<vmem>>
          %dma_wait3A_339 = arith.constant 0 : i32
          %dma_wait3A_340 = tpu.memref_slice %arg8[%dma_wait3A_334, %dma_wait3A_339] : memref<250x80xi32, #tpu.memory_space<vmem>> -> memref<1x80xi32, #tpu.memory_space<vmem>>
          %dma_wait3A_341 = tpu.memref_squeeze %dma_wait3A_340 : memref<1x80xi32, #tpu.memory_space<vmem>> -> memref<80xi32, #tpu.memory_space<vmem>>
          %dma_wait3A_342 = arith.constant 0 : i32
          %dma_wait3A_343 = arith.constant 0 : i32
          %dma_wait3A_344 = tpu.memref_slice %arg10[%dma_wait3A_342, %dma_wait3A_343] : memref<10240x64xf32, #tpu.memory_space<vmem_shared>> -> memref<10240x64xf32, #tpu.memory_space<vmem_shared>>
          tpu.wait_indirect_dma semaphore(%arg17 : memref<!tpu.dma_semaphore, #tpu.memory_space<semaphore_mem>>) src(%dma_wait3A_338 : memref<80x64xf32, #tpu.memory_space<vmem>>) dst(%dma_wait3A_344 : memref<10240x64xf32, #tpu.memory_space<vmem_shared>>)
        } else {
        }
        %dma_start3A_322 = arith.constant 1 : i32
        %dma_start3A_323 = arith.constant 0 : i32
        %dma_start3A_324 = arith.constant 0 : i32
        %dma_start3A_325 = tpu.memref_slice %arg9[%dma_start3A_322, %dma_start3A_323, %dma_start3A_324] : memref<5x80x64xf32, #tpu.memory_space<vmem>> -> memref<1x80x64xf32, #tpu.memory_space<vmem>>
        %dma_start3A_326 = tpu.memref_squeeze %dma_start3A_325 : memref<1x80x64xf32, #tpu.memory_space<vmem>> -> memref<80x64xf32, #tpu.memory_space<vmem>>
        %dma_start3A_327 = arith.constant 0 : i32
        %dma_start3A_328 = tpu.memref_slice %arg7[%add3A_280, %dma_start3A_327] : memref<250x80xi32, #tpu.memory_space<vmem>> -> memref<1x80xi32, #tpu.memory_space<vmem>>
        %dma_start3A_329 = tpu.memref_squeeze %dma_start3A_328 : memref<1x80xi32, #tpu.memory_space<vmem>> -> memref<80xi32, #tpu.memory_space<vmem>>
        %dma_start3A_330 = arith.constant 0 : i32
        %dma_start3A_331 = arith.constant 0 : i32
        %dma_start3A_332 = tpu.memref_slice %arg2[%dma_start3A_330, %dma_start3A_331] : memref<20480x64xf32, #tpu.memory_space<hbm>> -> memref<20480x64xf32, #tpu.memory_space<hbm>>
        tpu.enqueue_indirect_dma source(%dma_start3A_332 : memref<20480x64xf32, #tpu.memory_space<hbm>>) target(%dma_start3A_326 : memref<80x64xf32, #tpu.memory_space<vmem>>) offsets(%dma_start3A_329 : memref<80xi32, #tpu.memory_space<vmem>>) semaphore(%arg12 : memref<!tpu.dma_semaphore, #tpu.memory_space<semaphore_mem>>)
      } else {
      }
      %add3A_286 = arith.constant 4 : i32
      %add3A_287 = arith.addi %mul3A_161, %add3A_286 : i32
      %dma_wait3A_288 = arith.constant 0 : i32
      %dma_wait3A_289 = arith.constant 4 : i32
      %dma_wait3A_290 = arith.constant 0 : i32
      %dma_wait3A_291 = arith.constant 0 : i32
      %dma_wait3A_292 = tpu.memref_slice %arg9[%dma_wait3A_289, %dma_wait3A_290, %dma_wait3A_291] : memref<5x80x64xf32, #tpu.memory_space<vmem>> -> memref<1x80x64xf32, #tpu.memory_space<vmem>>
      %dma_wait3A_293 = tpu.memref_squeeze %dma_wait3A_292 : memref<1x80x64xf32, #tpu.memory_space<vmem>> -> memref<80x64xf32, #tpu.memory_space<vmem>>
      %dma_wait3A_294 = arith.constant 0 : i32
      %dma_wait3A_295 = tpu.memref_slice %arg7[%dma_wait3A_288, %dma_wait3A_294] : memref<250x80xi32, #tpu.memory_space<vmem>> -> memref<1x80xi32, #tpu.memory_space<vmem>>
      %dma_wait3A_296 = tpu.memref_squeeze %dma_wait3A_295 : memref<1x80xi32, #tpu.memory_space<vmem>> -> memref<80xi32, #tpu.memory_space<vmem>>
      %dma_wait3A_297 = arith.constant 0 : i32
      %dma_wait3A_298 = arith.constant 0 : i32
      %dma_wait3A_299 = tpu.memref_slice %arg2[%dma_wait3A_297, %dma_wait3A_298] : memref<20480x64xf32, #tpu.memory_space<hbm>> -> memref<20480x64xf32, #tpu.memory_space<hbm>>
      tpu.wait_indirect_dma semaphore(%arg15 : memref<!tpu.dma_semaphore, #tpu.memory_space<semaphore_mem>>) src(%dma_wait3A_299 : memref<20480x64xf32, #tpu.memory_space<hbm>>) dst(%dma_wait3A_293 : memref<80x64xf32, #tpu.memory_space<vmem>>)
      %dma_start3A_300 = arith.constant 4 : i32
      %dma_start3A_301 = arith.constant 0 : i32
      %dma_start3A_302 = arith.constant 0 : i32
      %dma_start3A_303 = tpu.memref_slice %arg9[%dma_start3A_300, %dma_start3A_301, %dma_start3A_302] : memref<5x80x64xf32, #tpu.memory_space<vmem>> -> memref<1x80x64xf32, #tpu.memory_space<vmem>>
      %dma_start3A_304 = tpu.memref_squeeze %dma_start3A_303 : memref<1x80x64xf32, #tpu.memory_space<vmem>> -> memref<80x64xf32, #tpu.memory_space<vmem>>
      %dma_start3A_305 = arith.constant 0 : i32
      %dma_start3A_306 = tpu.memref_slice %arg8[%add3A_287, %dma_start3A_305] : memref<250x80xi32, #tpu.memory_space<vmem>> -> memref<1x80xi32, #tpu.memory_space<vmem>>
      %dma_start3A_307 = tpu.memref_squeeze %dma_start3A_306 : memref<1x80xi32, #tpu.memory_space<vmem>> -> memref<80xi32, #tpu.memory_space<vmem>>
      %dma_start3A_308 = arith.constant 0 : i32
      %dma_start3A_309 = arith.constant 0 : i32
      %dma_start3A_310 = tpu.memref_slice %arg10[%dma_start3A_308, %dma_start3A_309] : memref<10240x64xf32, #tpu.memory_space<vmem_shared>> -> memref<10240x64xf32, #tpu.memory_space<vmem_shared>>
      tpu.enqueue_indirect_dma source(%dma_start3A_304 : memref<80x64xf32, #tpu.memory_space<vmem>>) target(%dma_start3A_310 : memref<10240x64xf32, #tpu.memory_space<vmem_shared>>) offsets(%dma_start3A_307 : memref<80xi32, #tpu.memory_space<vmem>>) semaphore(%arg20 : memref<!tpu.dma_semaphore, #tpu.memory_space<semaphore_mem>>) {add = true}
      %add3A_311 = arith.constant 3 : i32
      %add3A_312 = arith.addi %add3A_287, %add3A_311 : i32
      %lt3A_313 = arith.constant 250 : i32
      %lt3A_314 = arith.cmpi slt, %add3A_312, %lt3A_313 : i32
      %convert_element_type3A_315 = arith.extui %lt3A_314 : i1 to i32
      %cond3A_316 = arith.constant 0 : i32
      %cond3A_317 = arith.cmpi ne, %convert_element_type3A_315, %cond3A_316 : i32
      scf.if %cond3A_317 {
        %ge3A = arith.constant 5 : i32
        %ge3A_318 = arith.cmpi sge, %add3A_312, %ge3A : i32
        %convert_element_type3A_319 = arith.extui %ge3A_318 : i1 to i32
        %cond3A_320 = arith.constant 0 : i32
        %cond3A_321 = arith.cmpi ne, %convert_element_type3A_319, %cond3A_320 : i32
        scf.if %cond3A_321 {
          %dma_wait3A_333 = arith.constant 2 : i32
          %dma_wait3A_334 = arith.constant 0 : i32
          %dma_wait3A_335 = arith.constant 0 : i32
          %dma_wait3A_336 = arith.constant 0 : i32
          %dma_wait3A_337 = tpu.memref_slice %arg9[%dma_wait3A_333, %dma_wait3A_335, %dma_wait3A_336] : memref<5x80x64xf32, #tpu.memory_space<vmem>> -> memref<1x80x64xf32, #tpu.memory_space<vmem>>
          %dma_wait3A_338 = tpu.memref_squeeze %dma_wait3A_337 : memref<1x80x64xf32, #tpu.memory_space<vmem>> -> memref<80x64xf32, #tpu.memory_space<vmem>>
          %dma_wait3A_339 = arith.constant 0 : i32
          %dma_wait3A_340 = tpu.memref_slice %arg8[%dma_wait3A_334, %dma_wait3A_339] : memref<250x80xi32, #tpu.memory_space<vmem>> -> memref<1x80xi32, #tpu.memory_space<vmem>>
          %dma_wait3A_341 = tpu.memref_squeeze %dma_wait3A_340 : memref<1x80xi32, #tpu.memory_space<vmem>> -> memref<80xi32, #tpu.memory_space<vmem>>
          %dma_wait3A_342 = arith.constant 0 : i32
          %dma_wait3A_343 = arith.constant 0 : i32
          %dma_wait3A_344 = tpu.memref_slice %arg10[%dma_wait3A_342, %dma_wait3A_343] : memref<10240x64xf32, #tpu.memory_space<vmem_shared>> -> memref<10240x64xf32, #tpu.memory_space<vmem_shared>>
          tpu.wait_indirect_dma semaphore(%arg18 : memref<!tpu.dma_semaphore, #tpu.memory_space<semaphore_mem>>) src(%dma_wait3A_338 : memref<80x64xf32, #tpu.memory_space<vmem>>) dst(%dma_wait3A_344 : memref<10240x64xf32, #tpu.memory_space<vmem_shared>>)
        } else {
        }
        %dma_start3A_322 = arith.constant 2 : i32
        %dma_start3A_323 = arith.constant 0 : i32
        %dma_start3A_324 = arith.constant 0 : i32
        %dma_start3A_325 = tpu.memref_slice %arg9[%dma_start3A_322, %dma_start3A_323, %dma_start3A_324] : memref<5x80x64xf32, #tpu.memory_space<vmem>> -> memref<1x80x64xf32, #tpu.memory_space<vmem>>
        %dma_start3A_326 = tpu.memref_squeeze %dma_start3A_325 : memref<1x80x64xf32, #tpu.memory_space<vmem>> -> memref<80x64xf32, #tpu.memory_space<vmem>>
        %dma_start3A_327 = arith.constant 0 : i32
        %dma_start3A_328 = tpu.memref_slice %arg7[%add3A_312, %dma_start3A_327] : memref<250x80xi32, #tpu.memory_space<vmem>> -> memref<1x80xi32, #tpu.memory_space<vmem>>
        %dma_start3A_329 = tpu.memref_squeeze %dma_start3A_328 : memref<1x80xi32, #tpu.memory_space<vmem>> -> memref<80xi32, #tpu.memory_space<vmem>>
        %dma_start3A_330 = arith.constant 0 : i32
        %dma_start3A_331 = arith.constant 0 : i32
        %dma_start3A_332 = tpu.memref_slice %arg2[%dma_start3A_330, %dma_start3A_331] : memref<20480x64xf32, #tpu.memory_space<hbm>> -> memref<20480x64xf32, #tpu.memory_space<hbm>>
        tpu.enqueue_indirect_dma source(%dma_start3A_332 : memref<20480x64xf32, #tpu.memory_space<hbm>>) target(%dma_start3A_326 : memref<80x64xf32, #tpu.memory_space<vmem>>) offsets(%dma_start3A_329 : memref<80xi32, #tpu.memory_space<vmem>>) semaphore(%arg13 : memref<!tpu.dma_semaphore, #tpu.memory_space<semaphore_mem>>)
      } else {
      }
    }
    %scan3A_91 = arith.constant 50 : i32
    %dma_wait3A_92 = arith.constant 0 : i32
    %dma_wait3A_93 = arith.constant 0 : i32
    %dma_wait3A_94 = arith.constant 0 : i32
    %dma_wait3A_95 = arith.constant 0 : i32
    %dma_wait3A_96 = tpu.memref_slice %arg9[%dma_wait3A_92, %dma_wait3A_94, %dma_wait3A_95] : memref<5x80x64xf32, #tpu.memory_space<vmem>> -> memref<1x80x64xf32, #tpu.memory_space<vmem>>
    %dma_wait3A_97 = tpu.memref_squeeze %dma_wait3A_96 : memref<1x80x64xf32, #tpu.memory_space<vmem>> -> memref<80x64xf32, #tpu.memory_space<vmem>>
    %dma_wait3A_98 = arith.constant 0 : i32
    %dma_wait3A_99 = tpu.memref_slice %arg8[%dma_wait3A_93, %dma_wait3A_98] : memref<250x80xi32, #tpu.memory_space<vmem>> -> memref<1x80xi32, #tpu.memory_space<vmem>>
    %dma_wait3A_100 = tpu.memref_squeeze %dma_wait3A_99 : memref<1x80xi32, #tpu.memory_space<vmem>> -> memref<80xi32, #tpu.memory_space<vmem>>
    %dma_wait3A_101 = arith.constant 0 : i32
    %dma_wait3A_102 = arith.constant 0 : i32
    %dma_wait3A_103 = tpu.memref_slice %arg10[%dma_wait3A_101, %dma_wait3A_102] : memref<10240x64xf32, #tpu.memory_space<vmem_shared>> -> memref<10240x64xf32, #tpu.memory_space<vmem_shared>>
    tpu.wait_indirect_dma semaphore(%arg16 : memref<!tpu.dma_semaphore, #tpu.memory_space<semaphore_mem>>) src(%dma_wait3A_97 : memref<80x64xf32, #tpu.memory_space<vmem>>) dst(%dma_wait3A_103 : memref<10240x64xf32, #tpu.memory_space<vmem_shared>>)
    %dma_wait3A_104 = arith.constant 1 : i32
    %dma_wait3A_105 = arith.constant 0 : i32
    %dma_wait3A_106 = arith.constant 0 : i32
    %dma_wait3A_107 = arith.constant 0 : i32
    %dma_wait3A_108 = tpu.memref_slice %arg9[%dma_wait3A_104, %dma_wait3A_106, %dma_wait3A_107] : memref<5x80x64xf32, #tpu.memory_space<vmem>> -> memref<1x80x64xf32, #tpu.memory_space<vmem>>
    %dma_wait3A_109 = tpu.memref_squeeze %dma_wait3A_108 : memref<1x80x64xf32, #tpu.memory_space<vmem>> -> memref<80x64xf32, #tpu.memory_space<vmem>>
    %dma_wait3A_110 = arith.constant 0 : i32
    %dma_wait3A_111 = tpu.memref_slice %arg8[%dma_wait3A_105, %dma_wait3A_110] : memref<250x80xi32, #tpu.memory_space<vmem>> -> memref<1x80xi32, #tpu.memory_space<vmem>>
    %dma_wait3A_112 = tpu.memref_squeeze %dma_wait3A_111 : memref<1x80xi32, #tpu.memory_space<vmem>> -> memref<80xi32, #tpu.memory_space<vmem>>
    %dma_wait3A_113 = arith.constant 0 : i32
    %dma_wait3A_114 = arith.constant 0 : i32
    %dma_wait3A_115 = tpu.memref_slice %arg10[%dma_wait3A_113, %dma_wait3A_114] : memref<10240x64xf32, #tpu.memory_space<vmem_shared>> -> memref<10240x64xf32, #tpu.memory_space<vmem_shared>>
    tpu.wait_indirect_dma semaphore(%arg17 : memref<!tpu.dma_semaphore, #tpu.memory_space<semaphore_mem>>) src(%dma_wait3A_109 : memref<80x64xf32, #tpu.memory_space<vmem>>) dst(%dma_wait3A_115 : memref<10240x64xf32, #tpu.memory_space<vmem_shared>>)
    %dma_wait3A_116 = arith.constant 2 : i32
    %dma_wait3A_117 = arith.constant 0 : i32
    %dma_wait3A_118 = arith.constant 0 : i32
    %dma_wait3A_119 = arith.constant 0 : i32
    %dma_wait3A_120 = tpu.memref_slice %arg9[%dma_wait3A_116, %dma_wait3A_118, %dma_wait3A_119] : memref<5x80x64xf32, #tpu.memory_space<vmem>> -> memref<1x80x64xf32, #tpu.memory_space<vmem>>
    %dma_wait3A_121 = tpu.memref_squeeze %dma_wait3A_120 : memref<1x80x64xf32, #tpu.memory_space<vmem>> -> memref<80x64xf32, #tpu.memory_space<vmem>>
    %dma_wait3A_122 = arith.constant 0 : i32
    %dma_wait3A_123 = tpu.memref_slice %arg8[%dma_wait3A_117, %dma_wait3A_122] : memref<250x80xi32, #tpu.memory_space<vmem>> -> memref<1x80xi32, #tpu.memory_space<vmem>>
    %dma_wait3A_124 = tpu.memref_squeeze %dma_wait3A_123 : memref<1x80xi32, #tpu.memory_space<vmem>> -> memref<80xi32, #tpu.memory_space<vmem>>
    %dma_wait3A_125 = arith.constant 0 : i32
    %dma_wait3A_126 = arith.constant 0 : i32
    %dma_wait3A_127 = tpu.memref_slice %arg10[%dma_wait3A_125, %dma_wait3A_126] : memref<10240x64xf32, #tpu.memory_space<vmem_shared>> -> memref<10240x64xf32, #tpu.memory_space<vmem_shared>>
    tpu.wait_indirect_dma semaphore(%arg18 : memref<!tpu.dma_semaphore, #tpu.memory_space<semaphore_mem>>) src(%dma_wait3A_121 : memref<80x64xf32, #tpu.memory_space<vmem>>) dst(%dma_wait3A_127 : memref<10240x64xf32, #tpu.memory_space<vmem_shared>>)
    %dma_wait3A_128 = arith.constant 3 : i32
    %dma_wait3A_129 = arith.constant 0 : i32
    %dma_wait3A_130 = arith.constant 0 : i32
    %dma_wait3A_131 = arith.constant 0 : i32
    %dma_wait3A_132 = tpu.memref_slice %arg9[%dma_wait3A_128, %dma_wait3A_130, %dma_wait3A_131] : memref<5x80x64xf32, #tpu.memory_space<vmem>> -> memref<1x80x64xf32, #tpu.memory_space<vmem>>
    %dma_wait3A_133 = tpu.memref_squeeze %dma_wait3A_132 : memref<1x80x64xf32, #tpu.memory_space<vmem>> -> memref<80x64xf32, #tpu.memory_space<vmem>>
    %dma_wait3A_134 = arith.constant 0 : i32
    %dma_wait3A_135 = tpu.memref_slice %arg8[%dma_wait3A_129, %dma_wait3A_134] : memref<250x80xi32, #tpu.memory_space<vmem>> -> memref<1x80xi32, #tpu.memory_space<vmem>>
    %dma_wait3A_136 = tpu.memref_squeeze %dma_wait3A_135 : memref<1x80xi32, #tpu.memory_space<vmem>> -> memref<80xi32, #tpu.memory_space<vmem>>
    %dma_wait3A_137 = arith.constant 0 : i32
    %dma_wait3A_138 = arith.constant 0 : i32
    %dma_wait3A_139 = tpu.memref_slice %arg10[%dma_wait3A_137, %dma_wait3A_138] : memref<10240x64xf32, #tpu.memory_space<vmem_shared>> -> memref<10240x64xf32, #tpu.memory_space<vmem_shared>>
    tpu.wait_indirect_dma semaphore(%arg19 : memref<!tpu.dma_semaphore, #tpu.memory_space<semaphore_mem>>) src(%dma_wait3A_133 : memref<80x64xf32, #tpu.memory_space<vmem>>) dst(%dma_wait3A_139 : memref<10240x64xf32, #tpu.memory_space<vmem_shared>>)
    %dma_wait3A_140 = arith.constant 4 : i32
    %dma_wait3A_141 = arith.constant 0 : i32
    %dma_wait3A_142 = arith.constant 0 : i32
    %dma_wait3A_143 = arith.constant 0 : i32
    %dma_wait3A_144 = tpu.memref_slice %arg9[%dma_wait3A_140, %dma_wait3A_142, %dma_wait3A_143] : memref<5x80x64xf32, #tpu.memory_space<vmem>> -> memref<1x80x64xf32, #tpu.memory_space<vmem>>
    %dma_wait3A_145 = tpu.memref_squeeze %dma_wait3A_144 : memref<1x80x64xf32, #tpu.memory_space<vmem>> -> memref<80x64xf32, #tpu.memory_space<vmem>>
    %dma_wait3A_146 = arith.constant 0 : i32
    %dma_wait3A_147 = tpu.memref_slice %arg8[%dma_wait3A_141, %dma_wait3A_146] : memref<250x80xi32, #tpu.memory_space<vmem>> -> memref<1x80xi32, #tpu.memory_space<vmem>>
    %dma_wait3A_148 = tpu.memref_squeeze %dma_wait3A_147 : memref<1x80xi32, #tpu.memory_space<vmem>> -> memref<80xi32, #tpu.memory_space<vmem>>
    %dma_wait3A_149 = arith.constant 0 : i32
    %dma_wait3A_150 = arith.constant 0 : i32
    %dma_wait3A_151 = tpu.memref_slice %arg10[%dma_wait3A_149, %dma_wait3A_150] : memref<10240x64xf32, #tpu.memory_space<vmem_shared>> -> memref<10240x64xf32, #tpu.memory_space<vmem_shared>>
    tpu.wait_indirect_dma semaphore(%arg20 : memref<!tpu.dma_semaphore, #tpu.memory_space<semaphore_mem>>) src(%dma_wait3A_145 : memref<80x64xf32, #tpu.memory_space<vmem>>) dst(%dma_wait3A_151 : memref<10240x64xf32, #tpu.memory_space<vmem_shared>>)
    %barrier3A_152 = arith.constant 0 : index
    tpu.barrier barrier_id(%barrier3A_152)
    %mul3A_153 = arith.constant 640 : i32
    %mul3A_154 = arith.muli %arg1, %mul3A_153 : i32
    %mul3A_155 = arith.constant 640 : i32
    %mul3A_156 = arith.muli %arg1, %mul3A_155 : i32
    %mul3A_157 = arith.constant 64 : i32
    %mul3A_158 = arith.muli %arg0, %mul3A_157 : i32
    "tpu.region"() ({
      %run_scoped3A = tpu.sem_alloc : memref<!tpu.dma_semaphore, #tpu.memory_space<semaphore_mem>>
      %dma_start3A_159 = tpu.memref_slice %arg6[%mul3A_156, %mul3A_158] : memref<10240x128xf32, #tpu.memory_space<hbm>> -> memref<640x64xf32, #tpu.memory_space<hbm>>
      %dma_start3A_160 = arith.constant 0 : i32
      %dma_start3A_161 = tpu.memref_slice %arg10[%mul3A_154, %dma_start3A_160] : memref<10240x64xf32, #tpu.memory_space<vmem_shared>> -> memref<640x64xf32, #tpu.memory_space<vmem_shared>>
      tpu.enqueue_dma source(%dma_start3A_161 : memref<640x64xf32, #tpu.memory_space<vmem_shared>>) target(%dma_start3A_159 : memref<640x64xf32, #tpu.memory_space<hbm>>) target_semaphore(%run_scoped3A : memref<!tpu.dma_semaphore, #tpu.memory_space<semaphore_mem>>)
      %dma_wait3A_162 = tpu.memref_slice %arg6[%mul3A_156, %mul3A_158] : memref<10240x128xf32, #tpu.memory_space<hbm>> -> memref<640x64xf32, #tpu.memory_space<hbm>>
      %dma_wait3A_163 = arith.constant 0 : i32
      %dma_wait3A_164 = tpu.memref_slice %arg10[%mul3A_154, %dma_wait3A_163] : memref<10240x64xf32, #tpu.memory_space<vmem_shared>> -> memref<640x64xf32, #tpu.memory_space<vmem_shared>>
      tpu.wait_dma2 semaphore(%run_scoped3A : memref<!tpu.dma_semaphore, #tpu.memory_space<semaphore_mem>>) src(%dma_wait3A_164 : memref<640x64xf32, #tpu.memory_space<vmem_shared>>) dst(%dma_wait3A_162 : memref<640x64xf32, #tpu.memory_space<hbm>>)
      tpu.yield
    }) : () -> ()
    return
  }
}

#map = affine_map<(d0, d1) -> (0, 0)>
#map1 = affine_map<(d0, d1) -> (0, 0, 0)>
module attributes {stable_mosaic.version = 14 : i64} {
  func.func @_agg_body(%arg0: i32, %arg1: i32, %arg2: memref<20480x64xf32, #tpu.memory_space<hbm>>, %arg3: memref<16x250x80xi32, #tpu.memory_space<hbm>>, %arg4: memref<16x250x80xi32, #tpu.memory_space<hbm>>, %arg5: memref<10240x64xf32, #tpu.memory_space<hbm>>, %arg6: memref<10240x128xf32, #tpu.memory_space<hbm>>, %arg7: memref<250x80xi32, #tpu.memory_space<vmem>>, %arg8: memref<250x80xi32, #tpu.memory_space<vmem>>, %arg9: memref<5x80x64xf32, #tpu.memory_space<vmem>>, %arg10: memref<10240x64xf32, #tpu.memory_space<vmem_shared>>, %arg11: memref<!tpu.dma_semaphore, #tpu.memory_space<semaphore_mem>>, %arg12: memref<!tpu.dma_semaphore, #tpu.memory_space<semaphore_mem>>, %arg13: memref<!tpu.dma_semaphore, #tpu.memory_space<semaphore_mem>>, %arg14: memref<!tpu.dma_semaphore, #tpu.memory_space<semaphore_mem>>, %arg15: memref<!tpu.dma_semaphore, #tpu.memory_space<semaphore_mem>>, %arg16: memref<!tpu.dma_semaphore, #tpu.memory_space<semaphore_mem>>, %arg17: memref<!tpu.dma_semaphore, #tpu.memory_space<semaphore_mem>>, %arg18: memref<!tpu.dma_semaphore, #tpu.memory_space<semaphore_mem>>, %arg19: memref<!tpu.dma_semaphore, #tpu.memory_space<semaphore_mem>>, %arg20: memref<!tpu.dma_semaphore, #tpu.memory_space<semaphore_mem>>) attributes {dimension_semantics = [#tpu.dimension_semantics<core_parallel>, #tpu.dimension_semantics<subcore_parallel>], iteration_bounds = array<i64: 2, 16>, scalar_prefetch = 0 : i64, scratch_operands = 14 : i64, tpu.core_type = #tpu.core_type<sc_vector_subcore>, window_params = [{transform_indices = #map}, {transform_indices = #map1}, {transform_indices = #map1}, {transform_indices = #map}, {transform_indices = #map}]} {
    %dma_start3A = arith.constant 0 : i32
    %dma_start3A_0 = arith.constant 0 : i32
    %dma_start3A_1 = tpu.memref_slice %arg3[%arg1, %dma_start3A, %dma_start3A_0] : memref<16x250x80xi32, #tpu.memory_space<hbm>> -> memref<1x250x80xi32, #tpu.memory_space<hbm>>
    %dma_start3A_2 = tpu.memref_squeeze %dma_start3A_1 : memref<1x250x80xi32, #tpu.memory_space<hbm>> -> memref<250x80xi32, #tpu.memory_space<hbm>>
    %dma_start3A_3 = arith.constant 0 : i32
    %dma_start3A_4 = arith.constant 0 : i32
    %dma_start3A_5 = tpu.memref_slice %arg3[%arg1, %dma_start3A_3, %dma_start3A_4] : memref<16x250x80xi32, #tpu.memory_space<hbm>> -> memref<1x250x80xi32, #tpu.memory_space<hbm>>
    %dma_start3A_6 = tpu.memref_squeeze %dma_start3A_5 : memref<1x250x80xi32, #tpu.memory_space<hbm>> -> memref<250x80xi32, #tpu.memory_space<hbm>>
    tpu.enqueue_dma source(%dma_start3A_6 : memref<250x80xi32, #tpu.memory_space<hbm>>) target(%arg7 : memref<250x80xi32, #tpu.memory_space<vmem>>) target_semaphore(%arg11 : memref<!tpu.dma_semaphore, #tpu.memory_space<semaphore_mem>>)
    %dma_start3A_7 = arith.constant 0 : i32
    %dma_start3A_8 = arith.constant 0 : i32
    %dma_start3A_9 = tpu.memref_slice %arg4[%arg1, %dma_start3A_7, %dma_start3A_8] : memref<16x250x80xi32, #tpu.memory_space<hbm>> -> memref<1x250x80xi32, #tpu.memory_space<hbm>>
    %dma_start3A_10 = tpu.memref_squeeze %dma_start3A_9 : memref<1x250x80xi32, #tpu.memory_space<hbm>> -> memref<250x80xi32, #tpu.memory_space<hbm>>
    %dma_start3A_11 = arith.constant 0 : i32
    %dma_start3A_12 = arith.constant 0 : i32
    %dma_start3A_13 = tpu.memref_slice %arg4[%arg1, %dma_start3A_11, %dma_start3A_12] : memref<16x250x80xi32, #tpu.memory_space<hbm>> -> memref<1x250x80xi32, #tpu.memory_space<hbm>>
    %dma_start3A_14 = tpu.memref_squeeze %dma_start3A_13 : memref<1x250x80xi32, #tpu.memory_space<hbm>> -> memref<250x80xi32, #tpu.memory_space<hbm>>
    tpu.enqueue_dma source(%dma_start3A_14 : memref<250x80xi32, #tpu.memory_space<hbm>>) target(%arg8 : memref<250x80xi32, #tpu.memory_space<vmem>>) target_semaphore(%arg12 : memref<!tpu.dma_semaphore, #tpu.memory_space<semaphore_mem>>)
    %mul3A = arith.constant 640 : i32
    %mul3A_15 = arith.muli %arg1, %mul3A : i32
    %mul3A_16 = arith.constant 640 : i32
    %mul3A_17 = arith.muli %arg1, %mul3A_16 : i32
    %dma_start3A_18 = arith.constant 0 : i32
    %dma_start3A_19 = tpu.memref_slice %arg10[%mul3A_17, %dma_start3A_18] : memref<10240x64xf32, #tpu.memory_space<vmem_shared>> -> memref<640x64xf32, #tpu.memory_space<vmem_shared>>
    %dma_start3A_20 = arith.constant 0 : i32
    %dma_start3A_21 = tpu.memref_slice %arg5[%mul3A_15, %dma_start3A_20] : memref<10240x64xf32, #tpu.memory_space<hbm>> -> memref<640x64xf32, #tpu.memory_space<hbm>>
    tpu.enqueue_dma source(%dma_start3A_21 : memref<640x64xf32, #tpu.memory_space<hbm>>) target(%dma_start3A_19 : memref<640x64xf32, #tpu.memory_space<vmem_shared>>) target_semaphore(%arg13 : memref<!tpu.dma_semaphore, #tpu.memory_space<semaphore_mem>>)
    %dma_wait3A = arith.constant 0 : i32
    %dma_wait3A_22 = arith.constant 0 : i32
    %dma_wait3A_23 = tpu.memref_slice %arg3[%arg1, %dma_wait3A, %dma_wait3A_22] : memref<16x250x80xi32, #tpu.memory_space<hbm>> -> memref<1x250x80xi32, #tpu.memory_space<hbm>>
    %dma_wait3A_24 = tpu.memref_squeeze %dma_wait3A_23 : memref<1x250x80xi32, #tpu.memory_space<hbm>> -> memref<250x80xi32, #tpu.memory_space<hbm>>
    %dma_wait3A_25 = arith.constant 0 : i32
    %dma_wait3A_26 = arith.constant 0 : i32
    %dma_wait3A_27 = tpu.memref_slice %arg3[%arg1, %dma_wait3A_25, %dma_wait3A_26] : memref<16x250x80xi32, #tpu.memory_space<hbm>> -> memref<1x250x80xi32, #tpu.memory_space<hbm>>
    %dma_wait3A_28 = tpu.memref_squeeze %dma_wait3A_27 : memref<1x250x80xi32, #tpu.memory_space<hbm>> -> memref<250x80xi32, #tpu.memory_space<hbm>>
    tpu.wait_dma2 semaphore(%arg11 : memref<!tpu.dma_semaphore, #tpu.memory_space<semaphore_mem>>) src(%dma_wait3A_28 : memref<250x80xi32, #tpu.memory_space<hbm>>) dst(%arg7 : memref<250x80xi32, #tpu.memory_space<vmem>>)
    %scan3A = arith.constant 0 : i32
    %scan3A_29 = arith.constant 0 : i32
    %scan3A_30 = arith.constant 250 : i32
    %scan3A_31 = arith.addi %scan3A_29, %scan3A_30 : i32
    %scan3A_32 = arith.constant 1 : i32
    scf.for %scan3A_159 = %scan3A_29 to %scan3A_31 step %scan3A_32  : i32 {
      %get3A = arith.index_cast %scan3A_159 : i32 to index
      %get3A_160 = arith.constant 0 : index
      %get3A_161 = tpu.vector_load %arg7[%get3A, %get3A_160] {strides = array<i32>} : memref<250x80xi32, #tpu.memory_space<vmem>>, vector<1x16xi32>,
      %get3A_162 = vector.shape_cast %get3A_161 : vector<1x16xi32> to vector<16xi32>
      %add3A = arith.addi %get3A_162, %get3A_162 : vector<16xi32>
      %add3A_163 = vector.broadcast %arg0 : i32 to vector<16xi32>
      %add3A_164 = arith.addi %add3A, %add3A_163 : vector<16xi32>
      %swap3A = arith.index_cast %scan3A_159 : i32 to index
      %swap3A_165 = arith.constant 0 : index
      %swap3A_166 = tpu.vector_load %arg7[%swap3A, %swap3A_165] {strides = array<i32>} : memref<250x80xi32, #tpu.memory_space<vmem>>, vector<1x16xi32>,
      %swap3A_167 = vector.shape_cast %swap3A_166 : vector<1x16xi32> to vector<16xi32>
      %swap3A_168 = vector.shape_cast %add3A_164 : vector<16xi32> to vector<1x16xi32>
      tpu.vector_store %arg7[%swap3A, %swap3A_165], %swap3A_168 {strides = array<i32>} : memref<250x80xi32, #tpu.memory_space<vmem>>, vector<1x16xi32>,
      %get3A_169 = arith.index_cast %scan3A_159 : i32 to index
      %get3A_170 = arith.constant 16 : index
      %get3A_171 = tpu.vector_load %arg7[%get3A_169, %get3A_170] {strides = array<i32>} : memref<250x80xi32, #tpu.memory_space<vmem>>, vector<1x16xi32>,
      %get3A_172 = vector.shape_cast %get3A_171 : vector<1x16xi32> to vector<16xi32>
      %add3A_173 = arith.addi %get3A_172, %get3A_172 : vector<16xi32>
      %add3A_174 = vector.broadcast %arg0 : i32 to vector<16xi32>
      %add3A_175 = arith.addi %add3A_173, %add3A_174 : vector<16xi32>
      %swap3A_176 = arith.index_cast %scan3A_159 : i32 to index
      %swap3A_177 = arith.constant 16 : index
      %swap3A_178 = tpu.vector_load %arg7[%swap3A_176, %swap3A_177] {strides = array<i32>} : memref<250x80xi32, #tpu.memory_space<vmem>>, vector<1x16xi32>,
      %swap3A_179 = vector.shape_cast %swap3A_178 : vector<1x16xi32> to vector<16xi32>
      %swap3A_180 = vector.shape_cast %add3A_175 : vector<16xi32> to vector<1x16xi32>
      tpu.vector_store %arg7[%swap3A_176, %swap3A_177], %swap3A_180 {strides = array<i32>} : memref<250x80xi32, #tpu.memory_space<vmem>>, vector<1x16xi32>,
      %get3A_181 = arith.index_cast %scan3A_159 : i32 to index
      %get3A_182 = arith.constant 32 : index
      %get3A_183 = tpu.vector_load %arg7[%get3A_181, %get3A_182] {strides = array<i32>} : memref<250x80xi32, #tpu.memory_space<vmem>>, vector<1x16xi32>,
      %get3A_184 = vector.shape_cast %get3A_183 : vector<1x16xi32> to vector<16xi32>
      %add3A_185 = arith.addi %get3A_184, %get3A_184 : vector<16xi32>
      %add3A_186 = vector.broadcast %arg0 : i32 to vector<16xi32>
      %add3A_187 = arith.addi %add3A_185, %add3A_186 : vector<16xi32>
      %swap3A_188 = arith.index_cast %scan3A_159 : i32 to index
      %swap3A_189 = arith.constant 32 : index
      %swap3A_190 = tpu.vector_load %arg7[%swap3A_188, %swap3A_189] {strides = array<i32>} : memref<250x80xi32, #tpu.memory_space<vmem>>, vector<1x16xi32>,
      %swap3A_191 = vector.shape_cast %swap3A_190 : vector<1x16xi32> to vector<16xi32>
      %swap3A_192 = vector.shape_cast %add3A_187 : vector<16xi32> to vector<1x16xi32>
      tpu.vector_store %arg7[%swap3A_188, %swap3A_189], %swap3A_192 {strides = array<i32>} : memref<250x80xi32, #tpu.memory_space<vmem>>, vector<1x16xi32>,
      %get3A_193 = arith.index_cast %scan3A_159 : i32 to index
      %get3A_194 = arith.constant 48 : index
      %get3A_195 = tpu.vector_load %arg7[%get3A_193, %get3A_194] {strides = array<i32>} : memref<250x80xi32, #tpu.memory_space<vmem>>, vector<1x16xi32>,
      %get3A_196 = vector.shape_cast %get3A_195 : vector<1x16xi32> to vector<16xi32>
      %add3A_197 = arith.addi %get3A_196, %get3A_196 : vector<16xi32>
      %add3A_198 = vector.broadcast %arg0 : i32 to vector<16xi32>
      %add3A_199 = arith.addi %add3A_197, %add3A_198 : vector<16xi32>
      %swap3A_200 = arith.index_cast %scan3A_159 : i32 to index
      %swap3A_201 = arith.constant 48 : index
      %swap3A_202 = tpu.vector_load %arg7[%swap3A_200, %swap3A_201] {strides = array<i32>} : memref<250x80xi32, #tpu.memory_space<vmem>>, vector<1x16xi32>,
      %swap3A_203 = vector.shape_cast %swap3A_202 : vector<1x16xi32> to vector<16xi32>
      %swap3A_204 = vector.shape_cast %add3A_199 : vector<16xi32> to vector<1x16xi32>
      tpu.vector_store %arg7[%swap3A_200, %swap3A_201], %swap3A_204 {strides = array<i32>} : memref<250x80xi32, #tpu.memory_space<vmem>>, vector<1x16xi32>,
      %get3A_205 = arith.index_cast %scan3A_159 : i32 to index
      %get3A_206 = arith.constant 64 : index
      %get3A_207 = tpu.vector_load %arg7[%get3A_205, %get3A_206] {strides = array<i32>} : memref<250x80xi32, #tpu.memory_space<vmem>>, vector<1x16xi32>,
      %get3A_208 = vector.shape_cast %get3A_207 : vector<1x16xi32> to vector<16xi32>
      %add3A_209 = arith.addi %get3A_208, %get3A_208 : vector<16xi32>
      %add3A_210 = vector.broadcast %arg0 : i32 to vector<16xi32>
      %add3A_211 = arith.addi %add3A_209, %add3A_210 : vector<16xi32>
      %swap3A_212 = arith.index_cast %scan3A_159 : i32 to index
      %swap3A_213 = arith.constant 64 : index
      %swap3A_214 = tpu.vector_load %arg7[%swap3A_212, %swap3A_213] {strides = array<i32>} : memref<250x80xi32, #tpu.memory_space<vmem>>, vector<1x16xi32>,
      %swap3A_215 = vector.shape_cast %swap3A_214 : vector<1x16xi32> to vector<16xi32>
      %swap3A_216 = vector.shape_cast %add3A_211 : vector<16xi32> to vector<1x16xi32>
      tpu.vector_store %arg7[%swap3A_212, %swap3A_213], %swap3A_216 {strides = array<i32>} : memref<250x80xi32, #tpu.memory_space<vmem>>, vector<1x16xi32>,
    }
    %scan3A_33 = arith.constant 250 : i32
    %dma_wait3A_34 = arith.constant 0 : i32
    %dma_wait3A_35 = arith.constant 0 : i32
    %dma_wait3A_36 = tpu.memref_slice %arg4[%arg1, %dma_wait3A_34, %dma_wait3A_35] : memref<16x250x80xi32, #tpu.memory_space<hbm>> -> memref<1x250x80xi32, #tpu.memory_space<hbm>>
    %dma_wait3A_37 = tpu.memref_squeeze %dma_wait3A_36 : memref<1x250x80xi32, #tpu.memory_space<hbm>> -> memref<250x80xi32, #tpu.memory_space<hbm>>
    %dma_wait3A_38 = arith.constant 0 : i32
    %dma_wait3A_39 = arith.constant 0 : i32
    %dma_wait3A_40 = tpu.memref_slice %arg4[%arg1, %dma_wait3A_38, %dma_wait3A_39] : memref<16x250x80xi32, #tpu.memory_space<hbm>> -> memref<1x250x80xi32, #tpu.memory_space<hbm>>
    %dma_wait3A_41 = tpu.memref_squeeze %dma_wait3A_40 : memref<1x250x80xi32, #tpu.memory_space<hbm>> -> memref<250x80xi32, #tpu.memory_space<hbm>>
    tpu.wait_dma2 semaphore(%arg12 : memref<!tpu.dma_semaphore, #tpu.memory_space<semaphore_mem>>) src(%dma_wait3A_41 : memref<250x80xi32, #tpu.memory_space<hbm>>) dst(%arg8 : memref<250x80xi32, #tpu.memory_space<vmem>>)
    %mul3A_42 = arith.constant 640 : i32
    %mul3A_43 = arith.muli %arg1, %mul3A_42 : i32
    %mul3A_44 = arith.constant 640 : i32
    %mul3A_45 = arith.muli %arg1, %mul3A_44 : i32
    %dma_wait3A_46 = arith.constant 0 : i32
    %dma_wait3A_47 = tpu.memref_slice %arg10[%mul3A_45, %dma_wait3A_46] : memref<10240x64xf32, #tpu.memory_space<vmem_shared>> -> memref<640x64xf32, #tpu.memory_space<vmem_shared>>
    %dma_wait3A_48 = arith.constant 0 : i32
    %dma_wait3A_49 = tpu.memref_slice %arg5[%mul3A_43, %dma_wait3A_48] : memref<10240x64xf32, #tpu.memory_space<hbm>> -> memref<640x64xf32, #tpu.memory_space<hbm>>
    tpu.wait_dma2 semaphore(%arg13 : memref<!tpu.dma_semaphore, #tpu.memory_space<semaphore_mem>>) src(%dma_wait3A_49 : memref<640x64xf32, #tpu.memory_space<hbm>>) dst(%dma_wait3A_47 : memref<640x64xf32, #tpu.memory_space<vmem_shared>>)
    %barrier3A = arith.constant 0 : index
    tpu.barrier barrier_id(%barrier3A)
    %dma_start3A_50 = arith.constant 0 : i32
    %dma_start3A_51 = arith.constant 0 : i32
    %dma_start3A_52 = arith.constant 0 : i32
    %dma_start3A_53 = arith.constant 0 : i32
    %dma_start3A_54 = tpu.memref_slice %arg9[%dma_start3A_51, %dma_start3A_52, %dma_start3A_53] : memref<5x80x64xf32, #tpu.memory_space<vmem>> -> memref<1x80x64xf32, #tpu.memory_space<vmem>>
    %dma_start3A_55 = tpu.memref_squeeze %dma_start3A_54 : memref<1x80x64xf32, #tpu.memory_space<vmem>> -> memref<80x64xf32, #tpu.memory_space<vmem>>
    %dma_start3A_56 = arith.constant 0 : i32
    %dma_start3A_57 = tpu.memref_slice %arg7[%dma_start3A_50, %dma_start3A_56] : memref<250x80xi32, #tpu.memory_space<vmem>> -> memref<1x80xi32, #tpu.memory_space<vmem>>
    %dma_start3A_58 = tpu.memref_squeeze %dma_start3A_57 : memref<1x80xi32, #tpu.memory_space<vmem>> -> memref<80xi32, #tpu.memory_space<vmem>>
    %dma_start3A_59 = arith.constant 0 : i32
    %dma_start3A_60 = arith.constant 0 : i32
    %dma_start3A_61 = tpu.memref_slice %arg2[%dma_start3A_59, %dma_start3A_60] : memref<20480x64xf32, #tpu.memory_space<hbm>> -> memref<20480x64xf32, #tpu.memory_space<hbm>>
    tpu.enqueue_indirect_dma source(%dma_start3A_61 : memref<20480x64xf32, #tpu.memory_space<hbm>>) target(%dma_start3A_55 : memref<80x64xf32, #tpu.memory_space<vmem>>) offsets(%dma_start3A_58 : memref<80xi32, #tpu.memory_space<vmem>>) semaphore(%arg11 : memref<!tpu.dma_semaphore, #tpu.memory_space<semaphore_mem>>)
    %dma_start3A_62 = arith.constant 1 : i32
    %dma_start3A_63 = arith.constant 1 : i32
    %dma_start3A_64 = arith.constant 0 : i32
    %dma_start3A_65 = arith.constant 0 : i32
    %dma_start3A_66 = tpu.memref_slice %arg9[%dma_start3A_63, %dma_start3A_64, %dma_start3A_65] : memref<5x80x64xf32, #tpu.memory_space<vmem>> -> memref<1x80x64xf32, #tpu.memory_space<vmem>>
    %dma_start3A_67 = tpu.memref_squeeze %dma_start3A_66 : memref<1x80x64xf32, #tpu.memory_space<vmem>> -> memref<80x64xf32, #tpu.memory_space<vmem>>
    %dma_start3A_68 = arith.constant 0 : i32
    %dma_start3A_69 = tpu.memref_slice %arg7[%dma_start3A_62, %dma_start3A_68] : memref<250x80xi32, #tpu.memory_space<vmem>> -> memref<1x80xi32, #tpu.memory_space<vmem>>
    %dma_start3A_70 = tpu.memref_squeeze %dma_start3A_69 : memref<1x80xi32, #tpu.memory_space<vmem>> -> memref<80xi32, #tpu.memory_space<vmem>>
    %dma_start3A_71 = arith.constant 0 : i32
    %dma_start3A_72 = arith.constant 0 : i32
    %dma_start3A_73 = tpu.memref_slice %arg2[%dma_start3A_71, %dma_start3A_72] : memref<20480x64xf32, #tpu.memory_space<hbm>> -> memref<20480x64xf32, #tpu.memory_space<hbm>>
    tpu.enqueue_indirect_dma source(%dma_start3A_73 : memref<20480x64xf32, #tpu.memory_space<hbm>>) target(%dma_start3A_67 : memref<80x64xf32, #tpu.memory_space<vmem>>) offsets(%dma_start3A_70 : memref<80xi32, #tpu.memory_space<vmem>>) semaphore(%arg12 : memref<!tpu.dma_semaphore, #tpu.memory_space<semaphore_mem>>)
    %dma_start3A_74 = arith.constant 2 : i32
    %dma_start3A_75 = arith.constant 2 : i32
    %dma_start3A_76 = arith.constant 0 : i32
    %dma_start3A_77 = arith.constant 0 : i32
    %dma_start3A_78 = tpu.memref_slice %arg9[%dma_start3A_75, %dma_start3A_76, %dma_start3A_77] : memref<5x80x64xf32, #tpu.memory_space<vmem>> -> memref<1x80x64xf32, #tpu.memory_space<vmem>>
    %dma_start3A_79 = tpu.memref_squeeze %dma_start3A_78 : memref<1x80x64xf32, #tpu.memory_space<vmem>> -> memref<80x64xf32, #tpu.memory_space<vmem>>
    %dma_start3A_80 = arith.constant 0 : i32
    %dma_start3A_81 = tpu.memref_slice %arg7[%dma_start3A_74, %dma_start3A_80] : memref<250x80xi32, #tpu.memory_space<vmem>> -> memref<1x80xi32, #tpu.memory_space<vmem>>
    %dma_start3A_82 = tpu.memref_squeeze %dma_start3A_81 : memref<1x80xi32, #tpu.memory_space<vmem>> -> memref<80xi32, #tpu.memory_space<vmem>>
    %dma_start3A_83 = arith.constant 0 : i32
    %dma_start3A_84 = arith.constant 0 : i32
    %dma_start3A_85 = tpu.memref_slice %arg2[%dma_start3A_83, %dma_start3A_84] : memref<20480x64xf32, #tpu.memory_space<hbm>> -> memref<20480x64xf32, #tpu.memory_space<hbm>>
    tpu.enqueue_indirect_dma source(%dma_start3A_85 : memref<20480x64xf32, #tpu.memory_space<hbm>>) target(%dma_start3A_79 : memref<80x64xf32, #tpu.memory_space<vmem>>) offsets(%dma_start3A_82 : memref<80xi32, #tpu.memory_space<vmem>>) semaphore(%arg13 : memref<!tpu.dma_semaphore, #tpu.memory_space<semaphore_mem>>)
    %scan3A_86 = arith.constant 0 : i32
    %scan3A_87 = arith.constant 0 : i32
    %scan3A_88 = arith.constant 50 : i32
    %scan3A_89 = arith.addi %scan3A_87, %scan3A_88 : i32
    %scan3A_90 = arith.constant 1 : i32
    scf.for %scan3A_159 = %scan3A_87 to %scan3A_89 step %scan3A_90  : i32 {
      %mul3A_160 = arith.constant 5 : i32
      %mul3A_161 = arith.muli %scan3A_159, %mul3A_160 : i32
      %add3A = arith.constant 0 : i32
      %add3A_162 = arith.addi %mul3A_161, %add3A : i32
      %dma_wait3A_163 = arith.constant 0 : i32
      %dma_wait3A_164 = arith.constant 0 : i32
      %dma_wait3A_165 = arith.constant 0 : i32
      %dma_wait3A_166 = arith.constant 0 : i32
      %dma_wait3A_167 = tpu.memref_slice %arg9[%dma_wait3A_164, %dma_wait3A_165, %dma_wait3A_166] : memref<5x80x64xf32, #tpu.memory_space<vmem>> -> memref<1x80x64xf32, #tpu.memory_space<vmem>>
      %dma_wait3A_168 = tpu.memref_squeeze %dma_wait3A_167 : memref<1x80x64xf32, #tpu.memory_space<vmem>> -> memref<80x64xf32, #tpu.memory_space<vmem>>
      %dma_wait3A_169 = arith.constant 0 : i32
      %dma_wait3A_170 = tpu.memref_slice %arg7[%dma_wait3A_163, %dma_wait3A_169] : memref<250x80xi32, #tpu.memory_space<vmem>> -> memref<1x80xi32, #tpu.memory_space<vmem>>
      %dma_wait3A_171 = tpu.memref_squeeze %dma_wait3A_170 : memref<1x80xi32, #tpu.memory_space<vmem>> -> memref<80xi32, #tpu.memory_space<vmem>>
      %dma_wait3A_172 = arith.constant 0 : i32
      %dma_wait3A_173 = arith.constant 0 : i32
      %dma_wait3A_174 = tpu.memref_slice %arg2[%dma_wait3A_172, %dma_wait3A_173] : memref<20480x64xf32, #tpu.memory_space<hbm>> -> memref<20480x64xf32, #tpu.memory_space<hbm>>
      tpu.wait_indirect_dma semaphore(%arg11 : memref<!tpu.dma_semaphore, #tpu.memory_space<semaphore_mem>>) src(%dma_wait3A_174 : memref<20480x64xf32, #tpu.memory_space<hbm>>) dst(%dma_wait3A_168 : memref<80x64xf32, #tpu.memory_space<vmem>>)
      %dma_start3A_175 = arith.constant 0 : i32
      %dma_start3A_176 = arith.constant 0 : i32
      %dma_start3A_177 = arith.constant 0 : i32
      %dma_start3A_178 = tpu.memref_slice %arg9[%dma_start3A_175, %dma_start3A_176, %dma_start3A_177] : memref<5x80x64xf32, #tpu.memory_space<vmem>> -> memref<1x80x64xf32, #tpu.memory_space<vmem>>
      %dma_start3A_179 = tpu.memref_squeeze %dma_start3A_178 : memref<1x80x64xf32, #tpu.memory_space<vmem>> -> memref<80x64xf32, #tpu.memory_space<vmem>>
      %dma_start3A_180 = arith.constant 0 : i32
      %dma_start3A_181 = tpu.memref_slice %arg8[%add3A_162, %dma_start3A_180] : memref<250x80xi32, #tpu.memory_space<vmem>> -> memref<1x80xi32, #tpu.memory_space<vmem>>
      %dma_start3A_182 = tpu.memref_squeeze %dma_start3A_181 : memref<1x80xi32, #tpu.memory_space<vmem>> -> memref<80xi32, #tpu.memory_space<vmem>>
      %dma_start3A_183 = arith.constant 0 : i32
      %dma_start3A_184 = arith.constant 0 : i32
      %dma_start3A_185 = tpu.memref_slice %arg10[%dma_start3A_183, %dma_start3A_184] : memref<10240x64xf32, #tpu.memory_space<vmem_shared>> -> memref<10240x64xf32, #tpu.memory_space<vmem_shared>>
      tpu.enqueue_indirect_dma source(%dma_start3A_179 : memref<80x64xf32, #tpu.memory_space<vmem>>) target(%dma_start3A_185 : memref<10240x64xf32, #tpu.memory_space<vmem_shared>>) offsets(%dma_start3A_182 : memref<80xi32, #tpu.memory_space<vmem>>) semaphore(%arg16 : memref<!tpu.dma_semaphore, #tpu.memory_space<semaphore_mem>>) {add = true}
      %add3A_186 = arith.constant 3 : i32
      %add3A_187 = arith.addi %add3A_162, %add3A_186 : i32
      %lt3A = arith.constant 250 : i32
      %lt3A_188 = arith.cmpi slt, %add3A_187, %lt3A : i32
      %convert_element_type3A = arith.extui %lt3A_188 : i1 to i32
      %cond3A = arith.constant 0 : i32
      %cond3A_189 = arith.cmpi ne, %convert_element_type3A, %cond3A : i32
      scf.if %cond3A_189 {
        %ge3A = arith.constant 5 : i32
        %ge3A_318 = arith.cmpi sge, %add3A_187, %ge3A : i32
        %convert_element_type3A_319 = arith.extui %ge3A_318 : i1 to i32
        %cond3A_320 = arith.constant 0 : i32
        %cond3A_321 = arith.cmpi ne, %convert_element_type3A_319, %cond3A_320 : i32
        scf.if %cond3A_321 {
          %dma_wait3A_333 = arith.constant 3 : i32
          %dma_wait3A_334 = arith.constant 0 : i32
          %dma_wait3A_335 = arith.constant 0 : i32
          %dma_wait3A_336 = arith.constant 0 : i32
          %dma_wait3A_337 = tpu.memref_slice %arg9[%dma_wait3A_333, %dma_wait3A_335, %dma_wait3A_336] : memref<5x80x64xf32, #tpu.memory_space<vmem>> -> memref<1x80x64xf32, #tpu.memory_space<vmem>>
          %dma_wait3A_338 = tpu.memref_squeeze %dma_wait3A_337 : memref<1x80x64xf32, #tpu.memory_space<vmem>> -> memref<80x64xf32, #tpu.memory_space<vmem>>
          %dma_wait3A_339 = arith.constant 0 : i32
          %dma_wait3A_340 = tpu.memref_slice %arg8[%dma_wait3A_334, %dma_wait3A_339] : memref<250x80xi32, #tpu.memory_space<vmem>> -> memref<1x80xi32, #tpu.memory_space<vmem>>
          %dma_wait3A_341 = tpu.memref_squeeze %dma_wait3A_340 : memref<1x80xi32, #tpu.memory_space<vmem>> -> memref<80xi32, #tpu.memory_space<vmem>>
          %dma_wait3A_342 = arith.constant 0 : i32
          %dma_wait3A_343 = arith.constant 0 : i32
          %dma_wait3A_344 = tpu.memref_slice %arg10[%dma_wait3A_342, %dma_wait3A_343] : memref<10240x64xf32, #tpu.memory_space<vmem_shared>> -> memref<10240x64xf32, #tpu.memory_space<vmem_shared>>
          tpu.wait_indirect_dma semaphore(%arg19 : memref<!tpu.dma_semaphore, #tpu.memory_space<semaphore_mem>>) src(%dma_wait3A_338 : memref<80x64xf32, #tpu.memory_space<vmem>>) dst(%dma_wait3A_344 : memref<10240x64xf32, #tpu.memory_space<vmem_shared>>)
        } else {
        }
        %dma_start3A_322 = arith.constant 3 : i32
        %dma_start3A_323 = arith.constant 0 : i32
        %dma_start3A_324 = arith.constant 0 : i32
        %dma_start3A_325 = tpu.memref_slice %arg9[%dma_start3A_322, %dma_start3A_323, %dma_start3A_324] : memref<5x80x64xf32, #tpu.memory_space<vmem>> -> memref<1x80x64xf32, #tpu.memory_space<vmem>>
        %dma_start3A_326 = tpu.memref_squeeze %dma_start3A_325 : memref<1x80x64xf32, #tpu.memory_space<vmem>> -> memref<80x64xf32, #tpu.memory_space<vmem>>
        %dma_start3A_327 = arith.constant 0 : i32
        %dma_start3A_328 = tpu.memref_slice %arg7[%add3A_187, %dma_start3A_327] : memref<250x80xi32, #tpu.memory_space<vmem>> -> memref<1x80xi32, #tpu.memory_space<vmem>>
        %dma_start3A_329 = tpu.memref_squeeze %dma_start3A_328 : memref<1x80xi32, #tpu.memory_space<vmem>> -> memref<80xi32, #tpu.memory_space<vmem>>
        %dma_start3A_330 = arith.constant 0 : i32
        %dma_start3A_331 = arith.constant 0 : i32
        %dma_start3A_332 = tpu.memref_slice %arg2[%dma_start3A_330, %dma_start3A_331] : memref<20480x64xf32, #tpu.memory_space<hbm>> -> memref<20480x64xf32, #tpu.memory_space<hbm>>
        tpu.enqueue_indirect_dma source(%dma_start3A_332 : memref<20480x64xf32, #tpu.memory_space<hbm>>) target(%dma_start3A_326 : memref<80x64xf32, #tpu.memory_space<vmem>>) offsets(%dma_start3A_329 : memref<80xi32, #tpu.memory_space<vmem>>) semaphore(%arg14 : memref<!tpu.dma_semaphore, #tpu.memory_space<semaphore_mem>>)
      } else {
      }
      %add3A_190 = arith.constant 1 : i32
      %add3A_191 = arith.addi %mul3A_161, %add3A_190 : i32
      %dma_wait3A_192 = arith.constant 0 : i32
      %dma_wait3A_193 = arith.constant 1 : i32
      %dma_wait3A_194 = arith.constant 0 : i32
      %dma_wait3A_195 = arith.constant 0 : i32
      %dma_wait3A_196 = tpu.memref_slice %arg9[%dma_wait3A_193, %dma_wait3A_194, %dma_wait3A_195] : memref<5x80x64xf32, #tpu.memory_space<vmem>> -> memref<1x80x64xf32, #tpu.memory_space<vmem>>
      %dma_wait3A_197 = tpu.memref_squeeze %dma_wait3A_196 : memref<1x80x64xf32, #tpu.memory_space<vmem>> -> memref<80x64xf32, #tpu.memory_space<vmem>>
      %dma_wait3A_198 = arith.constant 0 : i32
      %dma_wait3A_199 = tpu.memref_slice %arg7[%dma_wait3A_192, %dma_wait3A_198] : memref<250x80xi32, #tpu.memory_space<vmem>> -> memref<1x80xi32, #tpu.memory_space<vmem>>
      %dma_wait3A_200 = tpu.memref_squeeze %dma_wait3A_199 : memref<1x80xi32, #tpu.memory_space<vmem>> -> memref<80xi32, #tpu.memory_space<vmem>>
      %dma_wait3A_201 = arith.constant 0 : i32
      %dma_wait3A_202 = arith.constant 0 : i32
      %dma_wait3A_203 = tpu.memref_slice %arg2[%dma_wait3A_201, %dma_wait3A_202] : memref<20480x64xf32, #tpu.memory_space<hbm>> -> memref<20480x64xf32, #tpu.memory_space<hbm>>
      tpu.wait_indirect_dma semaphore(%arg12 : memref<!tpu.dma_semaphore, #tpu.memory_space<semaphore_mem>>) src(%dma_wait3A_203 : memref<20480x64xf32, #tpu.memory_space<hbm>>) dst(%dma_wait3A_197 : memref<80x64xf32, #tpu.memory_space<vmem>>)
      %dma_start3A_204 = arith.constant 1 : i32
      %dma_start3A_205 = arith.constant 0 : i32
      %dma_start3A_206 = arith.constant 0 : i32
      %dma_start3A_207 = tpu.memref_slice %arg9[%dma_start3A_204, %dma_start3A_205, %dma_start3A_206] : memref<5x80x64xf32, #tpu.memory_space<vmem>> -> memref<1x80x64xf32, #tpu.memory_space<vmem>>
      %dma_start3A_208 = tpu.memref_squeeze %dma_start3A_207 : memref<1x80x64xf32, #tpu.memory_space<vmem>> -> memref<80x64xf32, #tpu.memory_space<vmem>>
      %dma_start3A_209 = arith.constant 0 : i32
      %dma_start3A_210 = tpu.memref_slice %arg8[%add3A_191, %dma_start3A_209] : memref<250x80xi32, #tpu.memory_space<vmem>> -> memref<1x80xi32, #tpu.memory_space<vmem>>
      %dma_start3A_211 = tpu.memref_squeeze %dma_start3A_210 : memref<1x80xi32, #tpu.memory_space<vmem>> -> memref<80xi32, #tpu.memory_space<vmem>>
      %dma_start3A_212 = arith.constant 0 : i32
      %dma_start3A_213 = arith.constant 0 : i32
      %dma_start3A_214 = tpu.memref_slice %arg10[%dma_start3A_212, %dma_start3A_213] : memref<10240x64xf32, #tpu.memory_space<vmem_shared>> -> memref<10240x64xf32, #tpu.memory_space<vmem_shared>>
      tpu.enqueue_indirect_dma source(%dma_start3A_208 : memref<80x64xf32, #tpu.memory_space<vmem>>) target(%dma_start3A_214 : memref<10240x64xf32, #tpu.memory_space<vmem_shared>>) offsets(%dma_start3A_211 : memref<80xi32, #tpu.memory_space<vmem>>) semaphore(%arg17 : memref<!tpu.dma_semaphore, #tpu.memory_space<semaphore_mem>>) {add = true}
      %add3A_215 = arith.constant 3 : i32
      %add3A_216 = arith.addi %add3A_191, %add3A_215 : i32
      %lt3A_217 = arith.constant 250 : i32
      %lt3A_218 = arith.cmpi slt, %add3A_216, %lt3A_217 : i32
      %convert_element_type3A_219 = arith.extui %lt3A_218 : i1 to i32
      %cond3A_220 = arith.constant 0 : i32
      %cond3A_221 = arith.cmpi ne, %convert_element_type3A_219, %cond3A_220 : i32
      scf.if %cond3A_221 {
        %ge3A = arith.constant 5 : i32
        %ge3A_318 = arith.cmpi sge, %add3A_216, %ge3A : i32
        %convert_element_type3A_319 = arith.extui %ge3A_318 : i1 to i32
        %cond3A_320 = arith.constant 0 : i32
        %cond3A_321 = arith.cmpi ne, %convert_element_type3A_319, %cond3A_320 : i32
        scf.if %cond3A_321 {
          %dma_wait3A_333 = arith.constant 4 : i32
          %dma_wait3A_334 = arith.constant 0 : i32
          %dma_wait3A_335 = arith.constant 0 : i32
          %dma_wait3A_336 = arith.constant 0 : i32
          %dma_wait3A_337 = tpu.memref_slice %arg9[%dma_wait3A_333, %dma_wait3A_335, %dma_wait3A_336] : memref<5x80x64xf32, #tpu.memory_space<vmem>> -> memref<1x80x64xf32, #tpu.memory_space<vmem>>
          %dma_wait3A_338 = tpu.memref_squeeze %dma_wait3A_337 : memref<1x80x64xf32, #tpu.memory_space<vmem>> -> memref<80x64xf32, #tpu.memory_space<vmem>>
          %dma_wait3A_339 = arith.constant 0 : i32
          %dma_wait3A_340 = tpu.memref_slice %arg8[%dma_wait3A_334, %dma_wait3A_339] : memref<250x80xi32, #tpu.memory_space<vmem>> -> memref<1x80xi32, #tpu.memory_space<vmem>>
          %dma_wait3A_341 = tpu.memref_squeeze %dma_wait3A_340 : memref<1x80xi32, #tpu.memory_space<vmem>> -> memref<80xi32, #tpu.memory_space<vmem>>
          %dma_wait3A_342 = arith.constant 0 : i32
          %dma_wait3A_343 = arith.constant 0 : i32
          %dma_wait3A_344 = tpu.memref_slice %arg10[%dma_wait3A_342, %dma_wait3A_343] : memref<10240x64xf32, #tpu.memory_space<vmem_shared>> -> memref<10240x64xf32, #tpu.memory_space<vmem_shared>>
          tpu.wait_indirect_dma semaphore(%arg20 : memref<!tpu.dma_semaphore, #tpu.memory_space<semaphore_mem>>) src(%dma_wait3A_338 : memref<80x64xf32, #tpu.memory_space<vmem>>) dst(%dma_wait3A_344 : memref<10240x64xf32, #tpu.memory_space<vmem_shared>>)
        } else {
        }
        %dma_start3A_322 = arith.constant 4 : i32
        %dma_start3A_323 = arith.constant 0 : i32
        %dma_start3A_324 = arith.constant 0 : i32
        %dma_start3A_325 = tpu.memref_slice %arg9[%dma_start3A_322, %dma_start3A_323, %dma_start3A_324] : memref<5x80x64xf32, #tpu.memory_space<vmem>> -> memref<1x80x64xf32, #tpu.memory_space<vmem>>
        %dma_start3A_326 = tpu.memref_squeeze %dma_start3A_325 : memref<1x80x64xf32, #tpu.memory_space<vmem>> -> memref<80x64xf32, #tpu.memory_space<vmem>>
        %dma_start3A_327 = arith.constant 0 : i32
        %dma_start3A_328 = tpu.memref_slice %arg7[%add3A_216, %dma_start3A_327] : memref<250x80xi32, #tpu.memory_space<vmem>> -> memref<1x80xi32, #tpu.memory_space<vmem>>
        %dma_start3A_329 = tpu.memref_squeeze %dma_start3A_328 : memref<1x80xi32, #tpu.memory_space<vmem>> -> memref<80xi32, #tpu.memory_space<vmem>>
        %dma_start3A_330 = arith.constant 0 : i32
        %dma_start3A_331 = arith.constant 0 : i32
        %dma_start3A_332 = tpu.memref_slice %arg2[%dma_start3A_330, %dma_start3A_331] : memref<20480x64xf32, #tpu.memory_space<hbm>> -> memref<20480x64xf32, #tpu.memory_space<hbm>>
        tpu.enqueue_indirect_dma source(%dma_start3A_332 : memref<20480x64xf32, #tpu.memory_space<hbm>>) target(%dma_start3A_326 : memref<80x64xf32, #tpu.memory_space<vmem>>) offsets(%dma_start3A_329 : memref<80xi32, #tpu.memory_space<vmem>>) semaphore(%arg15 : memref<!tpu.dma_semaphore, #tpu.memory_space<semaphore_mem>>)
      } else {
      }
      %add3A_222 = arith.constant 2 : i32
      %add3A_223 = arith.addi %mul3A_161, %add3A_222 : i32
      %dma_wait3A_224 = arith.constant 0 : i32
      %dma_wait3A_225 = arith.constant 2 : i32
      %dma_wait3A_226 = arith.constant 0 : i32
      %dma_wait3A_227 = arith.constant 0 : i32
      %dma_wait3A_228 = tpu.memref_slice %arg9[%dma_wait3A_225, %dma_wait3A_226, %dma_wait3A_227] : memref<5x80x64xf32, #tpu.memory_space<vmem>> -> memref<1x80x64xf32, #tpu.memory_space<vmem>>
      %dma_wait3A_229 = tpu.memref_squeeze %dma_wait3A_228 : memref<1x80x64xf32, #tpu.memory_space<vmem>> -> memref<80x64xf32, #tpu.memory_space<vmem>>
      %dma_wait3A_230 = arith.constant 0 : i32
      %dma_wait3A_231 = tpu.memref_slice %arg7[%dma_wait3A_224, %dma_wait3A_230] : memref<250x80xi32, #tpu.memory_space<vmem>> -> memref<1x80xi32, #tpu.memory_space<vmem>>
      %dma_wait3A_232 = tpu.memref_squeeze %dma_wait3A_231 : memref<1x80xi32, #tpu.memory_space<vmem>> -> memref<80xi32, #tpu.memory_space<vmem>>
      %dma_wait3A_233 = arith.constant 0 : i32
      %dma_wait3A_234 = arith.constant 0 : i32
      %dma_wait3A_235 = tpu.memref_slice %arg2[%dma_wait3A_233, %dma_wait3A_234] : memref<20480x64xf32, #tpu.memory_space<hbm>> -> memref<20480x64xf32, #tpu.memory_space<hbm>>
      tpu.wait_indirect_dma semaphore(%arg13 : memref<!tpu.dma_semaphore, #tpu.memory_space<semaphore_mem>>) src(%dma_wait3A_235 : memref<20480x64xf32, #tpu.memory_space<hbm>>) dst(%dma_wait3A_229 : memref<80x64xf32, #tpu.memory_space<vmem>>)
      %dma_start3A_236 = arith.constant 2 : i32
      %dma_start3A_237 = arith.constant 0 : i32
      %dma_start3A_238 = arith.constant 0 : i32
      %dma_start3A_239 = tpu.memref_slice %arg9[%dma_start3A_236, %dma_start3A_237, %dma_start3A_238] : memref<5x80x64xf32, #tpu.memory_space<vmem>> -> memref<1x80x64xf32, #tpu.memory_space<vmem>>
      %dma_start3A_240 = tpu.memref_squeeze %dma_start3A_239 : memref<1x80x64xf32, #tpu.memory_space<vmem>> -> memref<80x64xf32, #tpu.memory_space<vmem>>
      %dma_start3A_241 = arith.constant 0 : i32
      %dma_start3A_242 = tpu.memref_slice %arg8[%add3A_223, %dma_start3A_241] : memref<250x80xi32, #tpu.memory_space<vmem>> -> memref<1x80xi32, #tpu.memory_space<vmem>>
      %dma_start3A_243 = tpu.memref_squeeze %dma_start3A_242 : memref<1x80xi32, #tpu.memory_space<vmem>> -> memref<80xi32, #tpu.memory_space<vmem>>
      %dma_start3A_244 = arith.constant 0 : i32
      %dma_start3A_245 = arith.constant 0 : i32
      %dma_start3A_246 = tpu.memref_slice %arg10[%dma_start3A_244, %dma_start3A_245] : memref<10240x64xf32, #tpu.memory_space<vmem_shared>> -> memref<10240x64xf32, #tpu.memory_space<vmem_shared>>
      tpu.enqueue_indirect_dma source(%dma_start3A_240 : memref<80x64xf32, #tpu.memory_space<vmem>>) target(%dma_start3A_246 : memref<10240x64xf32, #tpu.memory_space<vmem_shared>>) offsets(%dma_start3A_243 : memref<80xi32, #tpu.memory_space<vmem>>) semaphore(%arg18 : memref<!tpu.dma_semaphore, #tpu.memory_space<semaphore_mem>>) {add = true}
      %add3A_247 = arith.constant 3 : i32
      %add3A_248 = arith.addi %add3A_223, %add3A_247 : i32
      %lt3A_249 = arith.constant 250 : i32
      %lt3A_250 = arith.cmpi slt, %add3A_248, %lt3A_249 : i32
      %convert_element_type3A_251 = arith.extui %lt3A_250 : i1 to i32
      %cond3A_252 = arith.constant 0 : i32
      %cond3A_253 = arith.cmpi ne, %convert_element_type3A_251, %cond3A_252 : i32
      scf.if %cond3A_253 {
        %ge3A = arith.constant 5 : i32
        %ge3A_318 = arith.cmpi sge, %add3A_248, %ge3A : i32
        %convert_element_type3A_319 = arith.extui %ge3A_318 : i1 to i32
        %cond3A_320 = arith.constant 0 : i32
        %cond3A_321 = arith.cmpi ne, %convert_element_type3A_319, %cond3A_320 : i32
        scf.if %cond3A_321 {
          %dma_wait3A_333 = arith.constant 0 : i32
          %dma_wait3A_334 = arith.constant 0 : i32
          %dma_wait3A_335 = arith.constant 0 : i32
          %dma_wait3A_336 = arith.constant 0 : i32
          %dma_wait3A_337 = tpu.memref_slice %arg9[%dma_wait3A_333, %dma_wait3A_335, %dma_wait3A_336] : memref<5x80x64xf32, #tpu.memory_space<vmem>> -> memref<1x80x64xf32, #tpu.memory_space<vmem>>
          %dma_wait3A_338 = tpu.memref_squeeze %dma_wait3A_337 : memref<1x80x64xf32, #tpu.memory_space<vmem>> -> memref<80x64xf32, #tpu.memory_space<vmem>>
          %dma_wait3A_339 = arith.constant 0 : i32
          %dma_wait3A_340 = tpu.memref_slice %arg8[%dma_wait3A_334, %dma_wait3A_339] : memref<250x80xi32, #tpu.memory_space<vmem>> -> memref<1x80xi32, #tpu.memory_space<vmem>>
          %dma_wait3A_341 = tpu.memref_squeeze %dma_wait3A_340 : memref<1x80xi32, #tpu.memory_space<vmem>> -> memref<80xi32, #tpu.memory_space<vmem>>
          %dma_wait3A_342 = arith.constant 0 : i32
          %dma_wait3A_343 = arith.constant 0 : i32
          %dma_wait3A_344 = tpu.memref_slice %arg10[%dma_wait3A_342, %dma_wait3A_343] : memref<10240x64xf32, #tpu.memory_space<vmem_shared>> -> memref<10240x64xf32, #tpu.memory_space<vmem_shared>>
          tpu.wait_indirect_dma semaphore(%arg16 : memref<!tpu.dma_semaphore, #tpu.memory_space<semaphore_mem>>) src(%dma_wait3A_338 : memref<80x64xf32, #tpu.memory_space<vmem>>) dst(%dma_wait3A_344 : memref<10240x64xf32, #tpu.memory_space<vmem_shared>>)
        } else {
        }
        %dma_start3A_322 = arith.constant 0 : i32
        %dma_start3A_323 = arith.constant 0 : i32
        %dma_start3A_324 = arith.constant 0 : i32
        %dma_start3A_325 = tpu.memref_slice %arg9[%dma_start3A_322, %dma_start3A_323, %dma_start3A_324] : memref<5x80x64xf32, #tpu.memory_space<vmem>> -> memref<1x80x64xf32, #tpu.memory_space<vmem>>
        %dma_start3A_326 = tpu.memref_squeeze %dma_start3A_325 : memref<1x80x64xf32, #tpu.memory_space<vmem>> -> memref<80x64xf32, #tpu.memory_space<vmem>>
        %dma_start3A_327 = arith.constant 0 : i32
        %dma_start3A_328 = tpu.memref_slice %arg7[%add3A_248, %dma_start3A_327] : memref<250x80xi32, #tpu.memory_space<vmem>> -> memref<1x80xi32, #tpu.memory_space<vmem>>
        %dma_start3A_329 = tpu.memref_squeeze %dma_start3A_328 : memref<1x80xi32, #tpu.memory_space<vmem>> -> memref<80xi32, #tpu.memory_space<vmem>>
        %dma_start3A_330 = arith.constant 0 : i32
        %dma_start3A_331 = arith.constant 0 : i32
        %dma_start3A_332 = tpu.memref_slice %arg2[%dma_start3A_330, %dma_start3A_331] : memref<20480x64xf32, #tpu.memory_space<hbm>> -> memref<20480x64xf32, #tpu.memory_space<hbm>>
        tpu.enqueue_indirect_dma source(%dma_start3A_332 : memref<20480x64xf32, #tpu.memory_space<hbm>>) target(%dma_start3A_326 : memref<80x64xf32, #tpu.memory_space<vmem>>) offsets(%dma_start3A_329 : memref<80xi32, #tpu.memory_space<vmem>>) semaphore(%arg11 : memref<!tpu.dma_semaphore, #tpu.memory_space<semaphore_mem>>)
      } else {
      }
      %add3A_254 = arith.constant 3 : i32
      %add3A_255 = arith.addi %mul3A_161, %add3A_254 : i32
      %dma_wait3A_256 = arith.constant 0 : i32
      %dma_wait3A_257 = arith.constant 3 : i32
      %dma_wait3A_258 = arith.constant 0 : i32
      %dma_wait3A_259 = arith.constant 0 : i32
      %dma_wait3A_260 = tpu.memref_slice %arg9[%dma_wait3A_257, %dma_wait3A_258, %dma_wait3A_259] : memref<5x80x64xf32, #tpu.memory_space<vmem>> -> memref<1x80x64xf32, #tpu.memory_space<vmem>>
      %dma_wait3A_261 = tpu.memref_squeeze %dma_wait3A_260 : memref<1x80x64xf32, #tpu.memory_space<vmem>> -> memref<80x64xf32, #tpu.memory_space<vmem>>
      %dma_wait3A_262 = arith.constant 0 : i32
      %dma_wait3A_263 = tpu.memref_slice %arg7[%dma_wait3A_256, %dma_wait3A_262] : memref<250x80xi32, #tpu.memory_space<vmem>> -> memref<1x80xi32, #tpu.memory_space<vmem>>
      %dma_wait3A_264 = tpu.memref_squeeze %dma_wait3A_263 : memref<1x80xi32, #tpu.memory_space<vmem>> -> memref<80xi32, #tpu.memory_space<vmem>>
      %dma_wait3A_265 = arith.constant 0 : i32
      %dma_wait3A_266 = arith.constant 0 : i32
      %dma_wait3A_267 = tpu.memref_slice %arg2[%dma_wait3A_265, %dma_wait3A_266] : memref<20480x64xf32, #tpu.memory_space<hbm>> -> memref<20480x64xf32, #tpu.memory_space<hbm>>
      tpu.wait_indirect_dma semaphore(%arg14 : memref<!tpu.dma_semaphore, #tpu.memory_space<semaphore_mem>>) src(%dma_wait3A_267 : memref<20480x64xf32, #tpu.memory_space<hbm>>) dst(%dma_wait3A_261 : memref<80x64xf32, #tpu.memory_space<vmem>>)
      %dma_start3A_268 = arith.constant 3 : i32
      %dma_start3A_269 = arith.constant 0 : i32
      %dma_start3A_270 = arith.constant 0 : i32
      %dma_start3A_271 = tpu.memref_slice %arg9[%dma_start3A_268, %dma_start3A_269, %dma_start3A_270] : memref<5x80x64xf32, #tpu.memory_space<vmem>> -> memref<1x80x64xf32, #tpu.memory_space<vmem>>
      %dma_start3A_272 = tpu.memref_squeeze %dma_start3A_271 : memref<1x80x64xf32, #tpu.memory_space<vmem>> -> memref<80x64xf32, #tpu.memory_space<vmem>>
      %dma_start3A_273 = arith.constant 0 : i32
      %dma_start3A_274 = tpu.memref_slice %arg8[%add3A_255, %dma_start3A_273] : memref<250x80xi32, #tpu.memory_space<vmem>> -> memref<1x80xi32, #tpu.memory_space<vmem>>
      %dma_start3A_275 = tpu.memref_squeeze %dma_start3A_274 : memref<1x80xi32, #tpu.memory_space<vmem>> -> memref<80xi32, #tpu.memory_space<vmem>>
      %dma_start3A_276 = arith.constant 0 : i32
      %dma_start3A_277 = arith.constant 0 : i32
      %dma_start3A_278 = tpu.memref_slice %arg10[%dma_start3A_276, %dma_start3A_277] : memref<10240x64xf32, #tpu.memory_space<vmem_shared>> -> memref<10240x64xf32, #tpu.memory_space<vmem_shared>>
      tpu.enqueue_indirect_dma source(%dma_start3A_272 : memref<80x64xf32, #tpu.memory_space<vmem>>) target(%dma_start3A_278 : memref<10240x64xf32, #tpu.memory_space<vmem_shared>>) offsets(%dma_start3A_275 : memref<80xi32, #tpu.memory_space<vmem>>) semaphore(%arg19 : memref<!tpu.dma_semaphore, #tpu.memory_space<semaphore_mem>>) {add = true}
      %add3A_279 = arith.constant 3 : i32
      %add3A_280 = arith.addi %add3A_255, %add3A_279 : i32
      %lt3A_281 = arith.constant 250 : i32
      %lt3A_282 = arith.cmpi slt, %add3A_280, %lt3A_281 : i32
      %convert_element_type3A_283 = arith.extui %lt3A_282 : i1 to i32
      %cond3A_284 = arith.constant 0 : i32
      %cond3A_285 = arith.cmpi ne, %convert_element_type3A_283, %cond3A_284 : i32
      scf.if %cond3A_285 {
        %ge3A = arith.constant 5 : i32
        %ge3A_318 = arith.cmpi sge, %add3A_280, %ge3A : i32
        %convert_element_type3A_319 = arith.extui %ge3A_318 : i1 to i32
        %cond3A_320 = arith.constant 0 : i32
        %cond3A_321 = arith.cmpi ne, %convert_element_type3A_319, %cond3A_320 : i32
        scf.if %cond3A_321 {
          %dma_wait3A_333 = arith.constant 1 : i32
          %dma_wait3A_334 = arith.constant 0 : i32
          %dma_wait3A_335 = arith.constant 0 : i32
          %dma_wait3A_336 = arith.constant 0 : i32
          %dma_wait3A_337 = tpu.memref_slice %arg9[%dma_wait3A_333, %dma_wait3A_335, %dma_wait3A_336] : memref<5x80x64xf32, #tpu.memory_space<vmem>> -> memref<1x80x64xf32, #tpu.memory_space<vmem>>
          %dma_wait3A_338 = tpu.memref_squeeze %dma_wait3A_337 : memref<1x80x64xf32, #tpu.memory_space<vmem>> -> memref<80x64xf32, #tpu.memory_space<vmem>>
          %dma_wait3A_339 = arith.constant 0 : i32
          %dma_wait3A_340 = tpu.memref_slice %arg8[%dma_wait3A_334, %dma_wait3A_339] : memref<250x80xi32, #tpu.memory_space<vmem>> -> memref<1x80xi32, #tpu.memory_space<vmem>>
          %dma_wait3A_341 = tpu.memref_squeeze %dma_wait3A_340 : memref<1x80xi32, #tpu.memory_space<vmem>> -> memref<80xi32, #tpu.memory_space<vmem>>
          %dma_wait3A_342 = arith.constant 0 : i32
          %dma_wait3A_343 = arith.constant 0 : i32
          %dma_wait3A_344 = tpu.memref_slice %arg10[%dma_wait3A_342, %dma_wait3A_343] : memref<10240x64xf32, #tpu.memory_space<vmem_shared>> -> memref<10240x64xf32, #tpu.memory_space<vmem_shared>>
          tpu.wait_indirect_dma semaphore(%arg17 : memref<!tpu.dma_semaphore, #tpu.memory_space<semaphore_mem>>) src(%dma_wait3A_338 : memref<80x64xf32, #tpu.memory_space<vmem>>) dst(%dma_wait3A_344 : memref<10240x64xf32, #tpu.memory_space<vmem_shared>>)
        } else {
        }
        %dma_start3A_322 = arith.constant 1 : i32
        %dma_start3A_323 = arith.constant 0 : i32
        %dma_start3A_324 = arith.constant 0 : i32
        %dma_start3A_325 = tpu.memref_slice %arg9[%dma_start3A_322, %dma_start3A_323, %dma_start3A_324] : memref<5x80x64xf32, #tpu.memory_space<vmem>> -> memref<1x80x64xf32, #tpu.memory_space<vmem>>
        %dma_start3A_326 = tpu.memref_squeeze %dma_start3A_325 : memref<1x80x64xf32, #tpu.memory_space<vmem>> -> memref<80x64xf32, #tpu.memory_space<vmem>>
        %dma_start3A_327 = arith.constant 0 : i32
        %dma_start3A_328 = tpu.memref_slice %arg7[%add3A_280, %dma_start3A_327] : memref<250x80xi32, #tpu.memory_space<vmem>> -> memref<1x80xi32, #tpu.memory_space<vmem>>
        %dma_start3A_329 = tpu.memref_squeeze %dma_start3A_328 : memref<1x80xi32, #tpu.memory_space<vmem>> -> memref<80xi32, #tpu.memory_space<vmem>>
        %dma_start3A_330 = arith.constant 0 : i32
        %dma_start3A_331 = arith.constant 0 : i32
        %dma_start3A_332 = tpu.memref_slice %arg2[%dma_start3A_330, %dma_start3A_331] : memref<20480x64xf32, #tpu.memory_space<hbm>> -> memref<20480x64xf32, #tpu.memory_space<hbm>>
        tpu.enqueue_indirect_dma source(%dma_start3A_332 : memref<20480x64xf32, #tpu.memory_space<hbm>>) target(%dma_start3A_326 : memref<80x64xf32, #tpu.memory_space<vmem>>) offsets(%dma_start3A_329 : memref<80xi32, #tpu.memory_space<vmem>>) semaphore(%arg12 : memref<!tpu.dma_semaphore, #tpu.memory_space<semaphore_mem>>)
      } else {
      }
      %add3A_286 = arith.constant 4 : i32
      %add3A_287 = arith.addi %mul3A_161, %add3A_286 : i32
      %dma_wait3A_288 = arith.constant 0 : i32
      %dma_wait3A_289 = arith.constant 4 : i32
      %dma_wait3A_290 = arith.constant 0 : i32
      %dma_wait3A_291 = arith.constant 0 : i32
      %dma_wait3A_292 = tpu.memref_slice %arg9[%dma_wait3A_289, %dma_wait3A_290, %dma_wait3A_291] : memref<5x80x64xf32, #tpu.memory_space<vmem>> -> memref<1x80x64xf32, #tpu.memory_space<vmem>>
      %dma_wait3A_293 = tpu.memref_squeeze %dma_wait3A_292 : memref<1x80x64xf32, #tpu.memory_space<vmem>> -> memref<80x64xf32, #tpu.memory_space<vmem>>
      %dma_wait3A_294 = arith.constant 0 : i32
      %dma_wait3A_295 = tpu.memref_slice %arg7[%dma_wait3A_288, %dma_wait3A_294] : memref<250x80xi32, #tpu.memory_space<vmem>> -> memref<1x80xi32, #tpu.memory_space<vmem>>
      %dma_wait3A_296 = tpu.memref_squeeze %dma_wait3A_295 : memref<1x80xi32, #tpu.memory_space<vmem>> -> memref<80xi32, #tpu.memory_space<vmem>>
      %dma_wait3A_297 = arith.constant 0 : i32
      %dma_wait3A_298 = arith.constant 0 : i32
      %dma_wait3A_299 = tpu.memref_slice %arg2[%dma_wait3A_297, %dma_wait3A_298] : memref<20480x64xf32, #tpu.memory_space<hbm>> -> memref<20480x64xf32, #tpu.memory_space<hbm>>
      tpu.wait_indirect_dma semaphore(%arg15 : memref<!tpu.dma_semaphore, #tpu.memory_space<semaphore_mem>>) src(%dma_wait3A_299 : memref<20480x64xf32, #tpu.memory_space<hbm>>) dst(%dma_wait3A_293 : memref<80x64xf32, #tpu.memory_space<vmem>>)
      %dma_start3A_300 = arith.constant 4 : i32
      %dma_start3A_301 = arith.constant 0 : i32
      %dma_start3A_302 = arith.constant 0 : i32
      %dma_start3A_303 = tpu.memref_slice %arg9[%dma_start3A_300, %dma_start3A_301, %dma_start3A_302] : memref<5x80x64xf32, #tpu.memory_space<vmem>> -> memref<1x80x64xf32, #tpu.memory_space<vmem>>
      %dma_start3A_304 = tpu.memref_squeeze %dma_start3A_303 : memref<1x80x64xf32, #tpu.memory_space<vmem>> -> memref<80x64xf32, #tpu.memory_space<vmem>>
      %dma_start3A_305 = arith.constant 0 : i32
      %dma_start3A_306 = tpu.memref_slice %arg8[%add3A_287, %dma_start3A_305] : memref<250x80xi32, #tpu.memory_space<vmem>> -> memref<1x80xi32, #tpu.memory_space<vmem>>
      %dma_start3A_307 = tpu.memref_squeeze %dma_start3A_306 : memref<1x80xi32, #tpu.memory_space<vmem>> -> memref<80xi32, #tpu.memory_space<vmem>>
      %dma_start3A_308 = arith.constant 0 : i32
      %dma_start3A_309 = arith.constant 0 : i32
      %dma_start3A_310 = tpu.memref_slice %arg10[%dma_start3A_308, %dma_start3A_309] : memref<10240x64xf32, #tpu.memory_space<vmem_shared>> -> memref<10240x64xf32, #tpu.memory_space<vmem_shared>>
      tpu.enqueue_indirect_dma source(%dma_start3A_304 : memref<80x64xf32, #tpu.memory_space<vmem>>) target(%dma_start3A_310 : memref<10240x64xf32, #tpu.memory_space<vmem_shared>>) offsets(%dma_start3A_307 : memref<80xi32, #tpu.memory_space<vmem>>) semaphore(%arg20 : memref<!tpu.dma_semaphore, #tpu.memory_space<semaphore_mem>>) {add = true}
      %add3A_311 = arith.constant 3 : i32
      %add3A_312 = arith.addi %add3A_287, %add3A_311 : i32
      %lt3A_313 = arith.constant 250 : i32
      %lt3A_314 = arith.cmpi slt, %add3A_312, %lt3A_313 : i32
      %convert_element_type3A_315 = arith.extui %lt3A_314 : i1 to i32
      %cond3A_316 = arith.constant 0 : i32
      %cond3A_317 = arith.cmpi ne, %convert_element_type3A_315, %cond3A_316 : i32
      scf.if %cond3A_317 {
        %ge3A = arith.constant 5 : i32
        %ge3A_318 = arith.cmpi sge, %add3A_312, %ge3A : i32
        %convert_element_type3A_319 = arith.extui %ge3A_318 : i1 to i32
        %cond3A_320 = arith.constant 0 : i32
        %cond3A_321 = arith.cmpi ne, %convert_element_type3A_319, %cond3A_320 : i32
        scf.if %cond3A_321 {
          %dma_wait3A_333 = arith.constant 2 : i32
          %dma_wait3A_334 = arith.constant 0 : i32
          %dma_wait3A_335 = arith.constant 0 : i32
          %dma_wait3A_336 = arith.constant 0 : i32
          %dma_wait3A_337 = tpu.memref_slice %arg9[%dma_wait3A_333, %dma_wait3A_335, %dma_wait3A_336] : memref<5x80x64xf32, #tpu.memory_space<vmem>> -> memref<1x80x64xf32, #tpu.memory_space<vmem>>
          %dma_wait3A_338 = tpu.memref_squeeze %dma_wait3A_337 : memref<1x80x64xf32, #tpu.memory_space<vmem>> -> memref<80x64xf32, #tpu.memory_space<vmem>>
          %dma_wait3A_339 = arith.constant 0 : i32
          %dma_wait3A_340 = tpu.memref_slice %arg8[%dma_wait3A_334, %dma_wait3A_339] : memref<250x80xi32, #tpu.memory_space<vmem>> -> memref<1x80xi32, #tpu.memory_space<vmem>>
          %dma_wait3A_341 = tpu.memref_squeeze %dma_wait3A_340 : memref<1x80xi32, #tpu.memory_space<vmem>> -> memref<80xi32, #tpu.memory_space<vmem>>
          %dma_wait3A_342 = arith.constant 0 : i32
          %dma_wait3A_343 = arith.constant 0 : i32
          %dma_wait3A_344 = tpu.memref_slice %arg10[%dma_wait3A_342, %dma_wait3A_343] : memref<10240x64xf32, #tpu.memory_space<vmem_shared>> -> memref<10240x64xf32, #tpu.memory_space<vmem_shared>>
          tpu.wait_indirect_dma semaphore(%arg18 : memref<!tpu.dma_semaphore, #tpu.memory_space<semaphore_mem>>) src(%dma_wait3A_338 : memref<80x64xf32, #tpu.memory_space<vmem>>) dst(%dma_wait3A_344 : memref<10240x64xf32, #tpu.memory_space<vmem_shared>>)
        } else {
        }
        %dma_start3A_322 = arith.constant 2 : i32
        %dma_start3A_323 = arith.constant 0 : i32
        %dma_start3A_324 = arith.constant 0 : i32
        %dma_start3A_325 = tpu.memref_slice %arg9[%dma_start3A_322, %dma_start3A_323, %dma_start3A_324] : memref<5x80x64xf32, #tpu.memory_space<vmem>> -> memref<1x80x64xf32, #tpu.memory_space<vmem>>
        %dma_start3A_326 = tpu.memref_squeeze %dma_start3A_325 : memref<1x80x64xf32, #tpu.memory_space<vmem>> -> memref<80x64xf32, #tpu.memory_space<vmem>>
        %dma_start3A_327 = arith.constant 0 : i32
        %dma_start3A_328 = tpu.memref_slice %arg7[%add3A_312, %dma_start3A_327] : memref<250x80xi32, #tpu.memory_space<vmem>> -> memref<1x80xi32, #tpu.memory_space<vmem>>
        %dma_start3A_329 = tpu.memref_squeeze %dma_start3A_328 : memref<1x80xi32, #tpu.memory_space<vmem>> -> memref<80xi32, #tpu.memory_space<vmem>>
        %dma_start3A_330 = arith.constant 0 : i32
        %dma_start3A_331 = arith.constant 0 : i32
        %dma_start3A_332 = tpu.memref_slice %arg2[%dma_start3A_330, %dma_start3A_331] : memref<20480x64xf32, #tpu.memory_space<hbm>> -> memref<20480x64xf32, #tpu.memory_space<hbm>>
        tpu.enqueue_indirect_dma source(%dma_start3A_332 : memref<20480x64xf32, #tpu.memory_space<hbm>>) target(%dma_start3A_326 : memref<80x64xf32, #tpu.memory_space<vmem>>) offsets(%dma_start3A_329 : memref<80xi32, #tpu.memory_space<vmem>>) semaphore(%arg13 : memref<!tpu.dma_semaphore, #tpu.memory_space<semaphore_mem>>)
      } else {
      }
    }
    %scan3A_91 = arith.constant 50 : i32
    %dma_wait3A_92 = arith.constant 0 : i32
    %dma_wait3A_93 = arith.constant 0 : i32
    %dma_wait3A_94 = arith.constant 0 : i32
    %dma_wait3A_95 = arith.constant 0 : i32
    %dma_wait3A_96 = tpu.memref_slice %arg9[%dma_wait3A_92, %dma_wait3A_94, %dma_wait3A_95] : memref<5x80x64xf32, #tpu.memory_space<vmem>> -> memref<1x80x64xf32, #tpu.memory_space<vmem>>
    %dma_wait3A_97 = tpu.memref_squeeze %dma_wait3A_96 : memref<1x80x64xf32, #tpu.memory_space<vmem>> -> memref<80x64xf32, #tpu.memory_space<vmem>>
    %dma_wait3A_98 = arith.constant 0 : i32
    %dma_wait3A_99 = tpu.memref_slice %arg8[%dma_wait3A_93, %dma_wait3A_98] : memref<250x80xi32, #tpu.memory_space<vmem>> -> memref<1x80xi32, #tpu.memory_space<vmem>>
    %dma_wait3A_100 = tpu.memref_squeeze %dma_wait3A_99 : memref<1x80xi32, #tpu.memory_space<vmem>> -> memref<80xi32, #tpu.memory_space<vmem>>
    %dma_wait3A_101 = arith.constant 0 : i32
    %dma_wait3A_102 = arith.constant 0 : i32
    %dma_wait3A_103 = tpu.memref_slice %arg10[%dma_wait3A_101, %dma_wait3A_102] : memref<10240x64xf32, #tpu.memory_space<vmem_shared>> -> memref<10240x64xf32, #tpu.memory_space<vmem_shared>>
    tpu.wait_indirect_dma semaphore(%arg16 : memref<!tpu.dma_semaphore, #tpu.memory_space<semaphore_mem>>) src(%dma_wait3A_97 : memref<80x64xf32, #tpu.memory_space<vmem>>) dst(%dma_wait3A_103 : memref<10240x64xf32, #tpu.memory_space<vmem_shared>>)
    %dma_wait3A_104 = arith.constant 1 : i32
    %dma_wait3A_105 = arith.constant 0 : i32
    %dma_wait3A_106 = arith.constant 0 : i32
    %dma_wait3A_107 = arith.constant 0 : i32
    %dma_wait3A_108 = tpu.memref_slice %arg9[%dma_wait3A_104, %dma_wait3A_106, %dma_wait3A_107] : memref<5x80x64xf32, #tpu.memory_space<vmem>> -> memref<1x80x64xf32, #tpu.memory_space<vmem>>
    %dma_wait3A_109 = tpu.memref_squeeze %dma_wait3A_108 : memref<1x80x64xf32, #tpu.memory_space<vmem>> -> memref<80x64xf32, #tpu.memory_space<vmem>>
    %dma_wait3A_110 = arith.constant 0 : i32
    %dma_wait3A_111 = tpu.memref_slice %arg8[%dma_wait3A_105, %dma_wait3A_110] : memref<250x80xi32, #tpu.memory_space<vmem>> -> memref<1x80xi32, #tpu.memory_space<vmem>>
    %dma_wait3A_112 = tpu.memref_squeeze %dma_wait3A_111 : memref<1x80xi32, #tpu.memory_space<vmem>> -> memref<80xi32, #tpu.memory_space<vmem>>
    %dma_wait3A_113 = arith.constant 0 : i32
    %dma_wait3A_114 = arith.constant 0 : i32
    %dma_wait3A_115 = tpu.memref_slice %arg10[%dma_wait3A_113, %dma_wait3A_114] : memref<10240x64xf32, #tpu.memory_space<vmem_shared>> -> memref<10240x64xf32, #tpu.memory_space<vmem_shared>>
    tpu.wait_indirect_dma semaphore(%arg17 : memref<!tpu.dma_semaphore, #tpu.memory_space<semaphore_mem>>) src(%dma_wait3A_109 : memref<80x64xf32, #tpu.memory_space<vmem>>) dst(%dma_wait3A_115 : memref<10240x64xf32, #tpu.memory_space<vmem_shared>>)
    %dma_wait3A_116 = arith.constant 2 : i32
    %dma_wait3A_117 = arith.constant 0 : i32
    %dma_wait3A_118 = arith.constant 0 : i32
    %dma_wait3A_119 = arith.constant 0 : i32
    %dma_wait3A_120 = tpu.memref_slice %arg9[%dma_wait3A_116, %dma_wait3A_118, %dma_wait3A_119] : memref<5x80x64xf32, #tpu.memory_space<vmem>> -> memref<1x80x64xf32, #tpu.memory_space<vmem>>
    %dma_wait3A_121 = tpu.memref_squeeze %dma_wait3A_120 : memref<1x80x64xf32, #tpu.memory_space<vmem>> -> memref<80x64xf32, #tpu.memory_space<vmem>>
    %dma_wait3A_122 = arith.constant 0 : i32
    %dma_wait3A_123 = tpu.memref_slice %arg8[%dma_wait3A_117, %dma_wait3A_122] : memref<250x80xi32, #tpu.memory_space<vmem>> -> memref<1x80xi32, #tpu.memory_space<vmem>>
    %dma_wait3A_124 = tpu.memref_squeeze %dma_wait3A_123 : memref<1x80xi32, #tpu.memory_space<vmem>> -> memref<80xi32, #tpu.memory_space<vmem>>
    %dma_wait3A_125 = arith.constant 0 : i32
    %dma_wait3A_126 = arith.constant 0 : i32
    %dma_wait3A_127 = tpu.memref_slice %arg10[%dma_wait3A_125, %dma_wait3A_126] : memref<10240x64xf32, #tpu.memory_space<vmem_shared>> -> memref<10240x64xf32, #tpu.memory_space<vmem_shared>>
    tpu.wait_indirect_dma semaphore(%arg18 : memref<!tpu.dma_semaphore, #tpu.memory_space<semaphore_mem>>) src(%dma_wait3A_121 : memref<80x64xf32, #tpu.memory_space<vmem>>) dst(%dma_wait3A_127 : memref<10240x64xf32, #tpu.memory_space<vmem_shared>>)
    %dma_wait3A_128 = arith.constant 3 : i32
    %dma_wait3A_129 = arith.constant 0 : i32
    %dma_wait3A_130 = arith.constant 0 : i32
    %dma_wait3A_131 = arith.constant 0 : i32
    %dma_wait3A_132 = tpu.memref_slice %arg9[%dma_wait3A_128, %dma_wait3A_130, %dma_wait3A_131] : memref<5x80x64xf32, #tpu.memory_space<vmem>> -> memref<1x80x64xf32, #tpu.memory_space<vmem>>
    %dma_wait3A_133 = tpu.memref_squeeze %dma_wait3A_132 : memref<1x80x64xf32, #tpu.memory_space<vmem>> -> memref<80x64xf32, #tpu.memory_space<vmem>>
    %dma_wait3A_134 = arith.constant 0 : i32
    %dma_wait3A_135 = tpu.memref_slice %arg8[%dma_wait3A_129, %dma_wait3A_134] : memref<250x80xi32, #tpu.memory_space<vmem>> -> memref<1x80xi32, #tpu.memory_space<vmem>>
    %dma_wait3A_136 = tpu.memref_squeeze %dma_wait3A_135 : memref<1x80xi32, #tpu.memory_space<vmem>> -> memref<80xi32, #tpu.memory_space<vmem>>
    %dma_wait3A_137 = arith.constant 0 : i32
    %dma_wait3A_138 = arith.constant 0 : i32
    %dma_wait3A_139 = tpu.memref_slice %arg10[%dma_wait3A_137, %dma_wait3A_138] : memref<10240x64xf32, #tpu.memory_space<vmem_shared>> -> memref<10240x64xf32, #tpu.memory_space<vmem_shared>>
    tpu.wait_indirect_dma semaphore(%arg19 : memref<!tpu.dma_semaphore, #tpu.memory_space<semaphore_mem>>) src(%dma_wait3A_133 : memref<80x64xf32, #tpu.memory_space<vmem>>) dst(%dma_wait3A_139 : memref<10240x64xf32, #tpu.memory_space<vmem_shared>>)
    %dma_wait3A_140 = arith.constant 4 : i32
    %dma_wait3A_141 = arith.constant 0 : i32
    %dma_wait3A_142 = arith.constant 0 : i32
    %dma_wait3A_143 = arith.constant 0 : i32
    %dma_wait3A_144 = tpu.memref_slice %arg9[%dma_wait3A_140, %dma_wait3A_142, %dma_wait3A_143] : memref<5x80x64xf32, #tpu.memory_space<vmem>> -> memref<1x80x64xf32, #tpu.memory_space<vmem>>
    %dma_wait3A_145 = tpu.memref_squeeze %dma_wait3A_144 : memref<1x80x64xf32, #tpu.memory_space<vmem>> -> memref<80x64xf32, #tpu.memory_space<vmem>>
    %dma_wait3A_146 = arith.constant 0 : i32
    %dma_wait3A_147 = tpu.memref_slice %arg8[%dma_wait3A_141, %dma_wait3A_146] : memref<250x80xi32, #tpu.memory_space<vmem>> -> memref<1x80xi32, #tpu.memory_space<vmem>>
    %dma_wait3A_148 = tpu.memref_squeeze %dma_wait3A_147 : memref<1x80xi32, #tpu.memory_space<vmem>> -> memref<80xi32, #tpu.memory_space<vmem>>
    %dma_wait3A_149 = arith.constant 0 : i32
    %dma_wait3A_150 = arith.constant 0 : i32
    %dma_wait3A_151 = tpu.memref_slice %arg10[%dma_wait3A_149, %dma_wait3A_150] : memref<10240x64xf32, #tpu.memory_space<vmem_shared>> -> memref<10240x64xf32, #tpu.memory_space<vmem_shared>>
    tpu.wait_indirect_dma semaphore(%arg20 : memref<!tpu.dma_semaphore, #tpu.memory_space<semaphore_mem>>) src(%dma_wait3A_145 : memref<80x64xf32, #tpu.memory_space<vmem>>) dst(%dma_wait3A_151 : memref<10240x64xf32, #tpu.memory_space<vmem_shared>>)
    %barrier3A_152 = arith.constant 0 : index
    tpu.barrier barrier_id(%barrier3A_152)
    %mul3A_153 = arith.constant 640 : i32
    %mul3A_154 = arith.muli %arg1, %mul3A_153 : i32
    %mul3A_155 = arith.constant 640 : i32
    %mul3A_156 = arith.muli %arg1, %mul3A_155 : i32
    %mul3A_157 = arith.constant 64 : i32
    %mul3A_158 = arith.muli %arg0, %mul3A_157 : i32
    "tpu.region"() ({
      %run_scoped3A = tpu.sem_alloc : memref<!tpu.dma_semaphore, #tpu.memory_space<semaphore_mem>>
      %dma_start3A_159 = tpu.memref_slice %arg6[%mul3A_156, %mul3A_158] : memref<10240x128xf32, #tpu.memory_space<hbm>> -> memref<640x64xf32, #tpu.memory_space<hbm>>
      %dma_start3A_160 = arith.constant 0 : i32
      %dma_start3A_161 = tpu.memref_slice %arg10[%mul3A_154, %dma_start3A_160] : memref<10240x64xf32, #tpu.memory_space<vmem_shared>> -> memref<640x64xf32, #tpu.memory_space<vmem_shared>>
      tpu.enqueue_dma source(%dma_start3A_161 : memref<640x64xf32, #tpu.memory_space<vmem_shared>>) target(%dma_start3A_159 : memref<640x64xf32, #tpu.memory_space<hbm>>) target_semaphore(%run_scoped3A : memref<!tpu.dma_semaphore, #tpu.memory_space<semaphore_mem>>)
      %dma_wait3A_162 = tpu.memref_slice %arg6[%mul3A_156, %mul3A_158] : memref<10240x128xf32, #tpu.memory_space<hbm>> -> memref<640x64xf32, #tpu.memory_space<hbm>>
      %dma_wait3A_163 = arith.constant 0 : i32
      %dma_wait3A_164 = tpu.memref_slice %arg10[%mul3A_154, %dma_wait3A_163] : memref<10240x64xf32, #tpu.memory_space<vmem_shared>> -> memref<640x64xf32, #tpu.memory_space<vmem_shared>>
      tpu.wait_dma2 semaphore(%run_scoped3A : memref<!tpu.dma_semaphore, #tpu.memory_space<semaphore_mem>>) src(%dma_wait3A_164 : memref<640x64xf32, #tpu.memory_space<vmem_shared>>) dst(%dma_wait3A_162 : memref<640x64xf32, #tpu.memory_space<hbm>>)
      tpu.yield
    }) : () -> ()
    return
  }
}

#map = affine_map<(d0, d1) -> (0, 0, 0)>
#map1 = affine_map<(d0, d1) -> (0)>
#map2 = affine_map<(d0, d1) -> (0, 0)>
module attributes {stable_mosaic.version = 14 : i64} {
  func.func @_deg_body(%arg0: i32, %arg1: i32, %arg2: memref<16x250x80xi32, #tpu.memory_space<hbm>>, %arg3: memref<10240xf32, #tpu.memory_space<hbm>>, %arg4: memref<2x10240xf32, #tpu.memory_space<hbm>>, %arg5: memref<125x80xi32, #tpu.memory_space<vmem>>, %arg6: memref<80xf32, #tpu.memory_space<vmem>>, %arg7: memref<640xf32, #tpu.memory_space<vmem>>, %arg8: memref<10240xf32, #tpu.memory_space<vmem_shared>>, %arg9: memref<!tpu.dma_semaphore, #tpu.memory_space<semaphore_mem>>, %arg10: memref<!tpu.dma_semaphore, #tpu.memory_space<semaphore_mem>>, %arg11: memref<!tpu.dma_semaphore, #tpu.memory_space<semaphore_mem>>, %arg12: memref<!tpu.dma_semaphore, #tpu.memory_space<semaphore_mem>>, %arg13: memref<!tpu.dma_semaphore, #tpu.memory_space<semaphore_mem>>) attributes {dimension_semantics = [#tpu.dimension_semantics<core_parallel>, #tpu.dimension_semantics<subcore_parallel>], iteration_bounds = array<i64: 2, 16>, scalar_prefetch = 0 : i64, scratch_operands = 9 : i64, tpu.core_type = #tpu.core_type<sc_vector_subcore>, window_params = [{transform_indices = #map}, {transform_indices = #map1}, {transform_indices = #map2}]} {
    %broadcast_in_dim3A = arith.constant 1.000000e+00 : f32
    %broadcast_in_dim3A_0 = vector.broadcast %broadcast_in_dim3A : f32 to vector<16xf32>
    %swap3A = arith.constant 0 : index
    %swap3A_1 = tpu.vector_load %arg6[%swap3A] {strides = array<i32>} : memref<80xf32, #tpu.memory_space<vmem>>, vector<16xf32>,
    %swap3A_2 = vector.shape_cast %swap3A_1 : vector<16xf32> to vector<16xf32>
    %swap3A_3 = vector.shape_cast %broadcast_in_dim3A_0 : vector<16xf32> to vector<16xf32>
    tpu.vector_store %arg6[%swap3A], %swap3A_3 {strides = array<i32>} : memref<80xf32, #tpu.memory_space<vmem>>, vector<16xf32>,
    %broadcast_in_dim3A_4 = arith.constant 1.000000e+00 : f32
    %broadcast_in_dim3A_5 = vector.broadcast %broadcast_in_dim3A_4 : f32 to vector<16xf32>
    %swap3A_6 = arith.constant 16 : index
    %swap3A_7 = tpu.vector_load %arg6[%swap3A_6] {strides = array<i32>} : memref<80xf32, #tpu.memory_space<vmem>>, vector<16xf32>,
    %swap3A_8 = vector.shape_cast %swap3A_7 : vector<16xf32> to vector<16xf32>
    %swap3A_9 = vector.shape_cast %broadcast_in_dim3A_5 : vector<16xf32> to vector<16xf32>
    tpu.vector_store %arg6[%swap3A_6], %swap3A_9 {strides = array<i32>} : memref<80xf32, #tpu.memory_space<vmem>>, vector<16xf32>,
    %broadcast_in_dim3A_10 = arith.constant 1.000000e+00 : f32
    %broadcast_in_dim3A_11 = vector.broadcast %broadcast_in_dim3A_10 : f32 to vector<16xf32>
    %swap3A_12 = arith.constant 32 : index
    %swap3A_13 = tpu.vector_load %arg6[%swap3A_12] {strides = array<i32>} : memref<80xf32, #tpu.memory_space<vmem>>, vector<16xf32>,
    %swap3A_14 = vector.shape_cast %swap3A_13 : vector<16xf32> to vector<16xf32>
    %swap3A_15 = vector.shape_cast %broadcast_in_dim3A_11 : vector<16xf32> to vector<16xf32>
    tpu.vector_store %arg6[%swap3A_12], %swap3A_15 {strides = array<i32>} : memref<80xf32, #tpu.memory_space<vmem>>, vector<16xf32>,
    %broadcast_in_dim3A_16 = arith.constant 1.000000e+00 : f32
    %broadcast_in_dim3A_17 = vector.broadcast %broadcast_in_dim3A_16 : f32 to vector<16xf32>
    %swap3A_18 = arith.constant 48 : index
    %swap3A_19 = tpu.vector_load %arg6[%swap3A_18] {strides = array<i32>} : memref<80xf32, #tpu.memory_space<vmem>>, vector<16xf32>,
    %swap3A_20 = vector.shape_cast %swap3A_19 : vector<16xf32> to vector<16xf32>
    %swap3A_21 = vector.shape_cast %broadcast_in_dim3A_17 : vector<16xf32> to vector<16xf32>
    tpu.vector_store %arg6[%swap3A_18], %swap3A_21 {strides = array<i32>} : memref<80xf32, #tpu.memory_space<vmem>>, vector<16xf32>,
    %broadcast_in_dim3A_22 = arith.constant 1.000000e+00 : f32
    %broadcast_in_dim3A_23 = vector.broadcast %broadcast_in_dim3A_22 : f32 to vector<16xf32>
    %swap3A_24 = arith.constant 64 : index
    %swap3A_25 = tpu.vector_load %arg6[%swap3A_24] {strides = array<i32>} : memref<80xf32, #tpu.memory_space<vmem>>, vector<16xf32>,
    %swap3A_26 = vector.shape_cast %swap3A_25 : vector<16xf32> to vector<16xf32>
    %swap3A_27 = vector.shape_cast %broadcast_in_dim3A_23 : vector<16xf32> to vector<16xf32>
    tpu.vector_store %arg6[%swap3A_24], %swap3A_27 {strides = array<i32>} : memref<80xf32, #tpu.memory_space<vmem>>, vector<16xf32>,
    %mul3A = arith.constant 125 : i32
    %mul3A_28 = arith.muli %arg0, %mul3A : i32
    "tpu.region"() ({
      %run_scoped3A = tpu.sem_alloc : memref<!tpu.dma_semaphore, #tpu.memory_space<semaphore_mem>>
      %dma_start3A = arith.constant 0 : i32
      %dma_start3A_72 = tpu.memref_slice %arg2[%arg1, %mul3A_28, %dma_start3A] : memref<16x250x80xi32, #tpu.memory_space<hbm>> -> memref<1x125x80xi32, #tpu.memory_space<hbm>>
      %dma_start3A_73 = tpu.memref_squeeze %dma_start3A_72 : memref<1x125x80xi32, #tpu.memory_space<hbm>> -> memref<125x80xi32, #tpu.memory_space<hbm>>
      %dma_start3A_74 = arith.constant 0 : i32
      %dma_start3A_75 = tpu.memref_slice %arg2[%arg1, %mul3A_28, %dma_start3A_74] : memref<16x250x80xi32, #tpu.memory_space<hbm>> -> memref<1x125x80xi32, #tpu.memory_space<hbm>>
      %dma_start3A_76 = tpu.memref_squeeze %dma_start3A_75 : memref<1x125x80xi32, #tpu.memory_space<hbm>> -> memref<125x80xi32, #tpu.memory_space<hbm>>
      tpu.enqueue_dma source(%dma_start3A_76 : memref<125x80xi32, #tpu.memory_space<hbm>>) target(%arg5 : memref<125x80xi32, #tpu.memory_space<vmem>>) target_semaphore(%run_scoped3A : memref<!tpu.dma_semaphore, #tpu.memory_space<semaphore_mem>>)
      %dma_wait3A_77 = arith.constant 0 : i32
      %dma_wait3A_78 = tpu.memref_slice %arg2[%arg1, %mul3A_28, %dma_wait3A_77] : memref<16x250x80xi32, #tpu.memory_space<hbm>> -> memref<1x125x80xi32, #tpu.memory_space<hbm>>
      %dma_wait3A_79 = tpu.memref_squeeze %dma_wait3A_78 : memref<1x125x80xi32, #tpu.memory_space<hbm>> -> memref<125x80xi32, #tpu.memory_space<hbm>>
      %dma_wait3A_80 = arith.constant 0 : i32
      %dma_wait3A_81 = tpu.memref_slice %arg2[%arg1, %mul3A_28, %dma_wait3A_80] : memref<16x250x80xi32, #tpu.memory_space<hbm>> -> memref<1x125x80xi32, #tpu.memory_space<hbm>>
      %dma_wait3A_82 = tpu.memref_squeeze %dma_wait3A_81 : memref<1x125x80xi32, #tpu.memory_space<hbm>> -> memref<125x80xi32, #tpu.memory_space<hbm>>
      tpu.wait_dma2 semaphore(%run_scoped3A : memref<!tpu.dma_semaphore, #tpu.memory_space<semaphore_mem>>) src(%dma_wait3A_82 : memref<125x80xi32, #tpu.memory_space<hbm>>) dst(%arg5 : memref<125x80xi32, #tpu.memory_space<vmem>>)
      tpu.yield
    }) : () -> ()
    %mul3A_29 = arith.constant 640 : i32
    %mul3A_30 = arith.muli %arg1, %mul3A_29 : i32
    %mul3A_31 = arith.constant 640 : i32
    %mul3A_32 = arith.muli %arg1, %mul3A_31 : i32
    "tpu.region"() ({
      %run_scoped3A = tpu.sem_alloc : memref<!tpu.dma_semaphore, #tpu.memory_space<semaphore_mem>>
      %dma_start3A = tpu.memref_slice %arg8[%mul3A_32] : memref<10240xf32, #tpu.memory_space<vmem_shared>> -> memref<640xf32, #tpu.memory_space<vmem_shared>>
      %dma_start3A_72 = tpu.memref_slice %arg3[%mul3A_30] : memref<10240xf32, #tpu.memory_space<hbm>> -> memref<640xf32, #tpu.memory_space<hbm>>
      tpu.enqueue_dma source(%dma_start3A_72 : memref<640xf32, #tpu.memory_space<hbm>>) target(%dma_start3A : memref<640xf32, #tpu.memory_space<vmem_shared>>) target_semaphore(%run_scoped3A : memref<!tpu.dma_semaphore, #tpu.memory_space<semaphore_mem>>)
      %dma_wait3A_73 = tpu.memref_slice %arg8[%mul3A_32] : memref<10240xf32, #tpu.memory_space<vmem_shared>> -> memref<640xf32, #tpu.memory_space<vmem_shared>>
      %dma_wait3A_74 = tpu.memref_slice %arg3[%mul3A_30] : memref<10240xf32, #tpu.memory_space<hbm>> -> memref<640xf32, #tpu.memory_space<hbm>>
      tpu.wait_dma2 semaphore(%run_scoped3A : memref<!tpu.dma_semaphore, #tpu.memory_space<semaphore_mem>>) src(%dma_wait3A_74 : memref<640xf32, #tpu.memory_space<hbm>>) dst(%dma_wait3A_73 : memref<640xf32, #tpu.memory_space<vmem_shared>>)
      tpu.yield
    }) : () -> ()
    %barrier3A = arith.constant 0 : index
    tpu.barrier barrier_id(%barrier3A)
    %scan3A = arith.constant 0 : i32
    %scan3A_33 = arith.constant 0 : i32
    %scan3A_34 = arith.constant 25 : i32
    %scan3A_35 = arith.addi %scan3A_33, %scan3A_34 : i32
    %scan3A_36 = arith.constant 1 : i32
    scf.for %scan3A_72 = %scan3A_33 to %scan3A_35 step %scan3A_36  : i32 {
      %mul3A_73 = arith.constant 5 : i32
      %mul3A_74 = arith.muli %scan3A_72, %mul3A_73 : i32
      %add3A = arith.constant 0 : i32
      %add3A_75 = arith.addi %mul3A_74, %add3A : i32
      %ge3A = arith.constant 5 : i32
      %ge3A_76 = arith.cmpi sge, %add3A_75, %ge3A : i32
      %convert_element_type3A = arith.extui %ge3A_76 : i1 to i32
      %cond3A = arith.constant 0 : i32
      %cond3A_77 = arith.cmpi ne, %convert_element_type3A, %cond3A : i32
      scf.if %cond3A_77 {
        %dma_wait3A_130 = arith.constant 0 : i32
        %dma_wait3A_131 = tpu.memref_slice %arg5[%add3A_75, %dma_wait3A_130] : memref<125x80xi32, #tpu.memory_space<vmem>> -> memref<1x80xi32, #tpu.memory_space<vmem>>
        %dma_wait3A_132 = tpu.memref_squeeze %dma_wait3A_131 : memref<1x80xi32, #tpu.memory_space<vmem>> -> memref<80xi32, #tpu.memory_space<vmem>>
        %dma_wait3A_133 = arith.constant 0 : i32
        %dma_wait3A_134 = tpu.memref_slice %arg8[%dma_wait3A_133] : memref<10240xf32, #tpu.memory_space<vmem_shared>> -> memref<10240xf32, #tpu.memory_space<vmem_shared>>
        tpu.wait_indirect_dma semaphore(%arg9 : memref<!tpu.dma_semaphore, #tpu.memory_space<semaphore_mem>>) src(%arg6 : memref<80xf32, #tpu.memory_space<vmem>>) dst(%dma_wait3A_134 : memref<10240xf32, #tpu.memory_space<vmem_shared>>)
      } else {
      }
      %dma_start3A = arith.constant 0 : i32
      %dma_start3A_78 = tpu.memref_slice %arg5[%add3A_75, %dma_start3A] : memref<125x80xi32, #tpu.memory_space<vmem>> -> memref<1x80xi32, #tpu.memory_space<vmem>>
      %dma_start3A_79 = tpu.memref_squeeze %dma_start3A_78 : memref<1x80xi32, #tpu.memory_space<vmem>> -> memref<80xi32, #tpu.memory_space<vmem>>
      %dma_start3A_80 = arith.constant 0 : i32
      %dma_start3A_81 = tpu.memref_slice %arg8[%dma_start3A_80] : memref<10240xf32, #tpu.memory_space<vmem_shared>> -> memref<10240xf32, #tpu.memory_space<vmem_shared>>
      tpu.enqueue_indirect_dma source(%arg6 : memref<80xf32, #tpu.memory_space<vmem>>) target(%dma_start3A_81 : memref<10240xf32, #tpu.memory_space<vmem_shared>>) offsets(%dma_start3A_79 : memref<80xi32, #tpu.memory_space<vmem>>) semaphore(%arg9 : memref<!tpu.dma_semaphore, #tpu.memory_space<semaphore_mem>>) {add = true}
      %add3A_82 = arith.constant 1 : i32
      %add3A_83 = arith.addi %mul3A_74, %add3A_82 : i32
      %ge3A_84 = arith.constant 5 : i32
      %ge3A_85 = arith.cmpi sge, %add3A_83, %ge3A_84 : i32
      %convert_element_type3A_86 = arith.extui %ge3A_85 : i1 to i32
      %cond3A_87 = arith.constant 0 : i32
      %cond3A_88 = arith.cmpi ne, %convert_element_type3A_86, %cond3A_87 : i32
      scf.if %cond3A_88 {
        %dma_wait3A_130 = arith.constant 0 : i32
        %dma_wait3A_131 = tpu.memref_slice %arg5[%add3A_83, %dma_wait3A_130] : memref<125x80xi32, #tpu.memory_space<vmem>> -> memref<1x80xi32, #tpu.memory_space<vmem>>
        %dma_wait3A_132 = tpu.memref_squeeze %dma_wait3A_131 : memref<1x80xi32, #tpu.memory_space<vmem>> -> memref<80xi32, #tpu.memory_space<vmem>>
        %dma_wait3A_133 = arith.constant 0 : i32
        %dma_wait3A_134 = tpu.memref_slice %arg8[%dma_wait3A_133] : memref<10240xf32, #tpu.memory_space<vmem_shared>> -> memref<10240xf32, #tpu.memory_space<vmem_shared>>
        tpu.wait_indirect_dma semaphore(%arg10 : memref<!tpu.dma_semaphore, #tpu.memory_space<semaphore_mem>>) src(%arg6 : memref<80xf32, #tpu.memory_space<vmem>>) dst(%dma_wait3A_134 : memref<10240xf32, #tpu.memory_space<vmem_shared>>)
      } else {
      }
      %dma_start3A_89 = arith.constant 0 : i32
      %dma_start3A_90 = tpu.memref_slice %arg5[%add3A_83, %dma_start3A_89] : memref<125x80xi32, #tpu.memory_space<vmem>> -> memref<1x80xi32, #tpu.memory_space<vmem>>
      %dma_start3A_91 = tpu.memref_squeeze %dma_start3A_90 : memref<1x80xi32, #tpu.memory_space<vmem>> -> memref<80xi32, #tpu.memory_space<vmem>>
      %dma_start3A_92 = arith.constant 0 : i32
      %dma_start3A_93 = tpu.memref_slice %arg8[%dma_start3A_92] : memref<10240xf32, #tpu.memory_space<vmem_shared>> -> memref<10240xf32, #tpu.memory_space<vmem_shared>>
      tpu.enqueue_indirect_dma source(%arg6 : memref<80xf32, #tpu.memory_space<vmem>>) target(%dma_start3A_93 : memref<10240xf32, #tpu.memory_space<vmem_shared>>) offsets(%dma_start3A_91 : memref<80xi32, #tpu.memory_space<vmem>>) semaphore(%arg10 : memref<!tpu.dma_semaphore, #tpu.memory_space<semaphore_mem>>) {add = true}
      %add3A_94 = arith.constant 2 : i32
      %add3A_95 = arith.addi %mul3A_74, %add3A_94 : i32
      %ge3A_96 = arith.constant 5 : i32
      %ge3A_97 = arith.cmpi sge, %add3A_95, %ge3A_96 : i32
      %convert_element_type3A_98 = arith.extui %ge3A_97 : i1 to i32
      %cond3A_99 = arith.constant 0 : i32
      %cond3A_100 = arith.cmpi ne, %convert_element_type3A_98, %cond3A_99 : i32
      scf.if %cond3A_100 {
        %dma_wait3A_130 = arith.constant 0 : i32
        %dma_wait3A_131 = tpu.memref_slice %arg5[%add3A_95, %dma_wait3A_130] : memref<125x80xi32, #tpu.memory_space<vmem>> -> memref<1x80xi32, #tpu.memory_space<vmem>>
        %dma_wait3A_132 = tpu.memref_squeeze %dma_wait3A_131 : memref<1x80xi32, #tpu.memory_space<vmem>> -> memref<80xi32, #tpu.memory_space<vmem>>
        %dma_wait3A_133 = arith.constant 0 : i32
        %dma_wait3A_134 = tpu.memref_slice %arg8[%dma_wait3A_133] : memref<10240xf32, #tpu.memory_space<vmem_shared>> -> memref<10240xf32, #tpu.memory_space<vmem_shared>>
        tpu.wait_indirect_dma semaphore(%arg11 : memref<!tpu.dma_semaphore, #tpu.memory_space<semaphore_mem>>) src(%arg6 : memref<80xf32, #tpu.memory_space<vmem>>) dst(%dma_wait3A_134 : memref<10240xf32, #tpu.memory_space<vmem_shared>>)
      } else {
      }
      %dma_start3A_101 = arith.constant 0 : i32
      %dma_start3A_102 = tpu.memref_slice %arg5[%add3A_95, %dma_start3A_101] : memref<125x80xi32, #tpu.memory_space<vmem>> -> memref<1x80xi32, #tpu.memory_space<vmem>>
      %dma_start3A_103 = tpu.memref_squeeze %dma_start3A_102 : memref<1x80xi32, #tpu.memory_space<vmem>> -> memref<80xi32, #tpu.memory_space<vmem>>
      %dma_start3A_104 = arith.constant 0 : i32
      %dma_start3A_105 = tpu.memref_slice %arg8[%dma_start3A_104] : memref<10240xf32, #tpu.memory_space<vmem_shared>> -> memref<10240xf32, #tpu.memory_space<vmem_shared>>
      tpu.enqueue_indirect_dma source(%arg6 : memref<80xf32, #tpu.memory_space<vmem>>) target(%dma_start3A_105 : memref<10240xf32, #tpu.memory_space<vmem_shared>>) offsets(%dma_start3A_103 : memref<80xi32, #tpu.memory_space<vmem>>) semaphore(%arg11 : memref<!tpu.dma_semaphore, #tpu.memory_space<semaphore_mem>>) {add = true}
      %add3A_106 = arith.constant 3 : i32
      %add3A_107 = arith.addi %mul3A_74, %add3A_106 : i32
      %ge3A_108 = arith.constant 5 : i32
      %ge3A_109 = arith.cmpi sge, %add3A_107, %ge3A_108 : i32
      %convert_element_type3A_110 = arith.extui %ge3A_109 : i1 to i32
      %cond3A_111 = arith.constant 0 : i32
      %cond3A_112 = arith.cmpi ne, %convert_element_type3A_110, %cond3A_111 : i32
      scf.if %cond3A_112 {
        %dma_wait3A_130 = arith.constant 0 : i32
        %dma_wait3A_131 = tpu.memref_slice %arg5[%add3A_107, %dma_wait3A_130] : memref<125x80xi32, #tpu.memory_space<vmem>> -> memref<1x80xi32, #tpu.memory_space<vmem>>
        %dma_wait3A_132 = tpu.memref_squeeze %dma_wait3A_131 : memref<1x80xi32, #tpu.memory_space<vmem>> -> memref<80xi32, #tpu.memory_space<vmem>>
        %dma_wait3A_133 = arith.constant 0 : i32
        %dma_wait3A_134 = tpu.memref_slice %arg8[%dma_wait3A_133] : memref<10240xf32, #tpu.memory_space<vmem_shared>> -> memref<10240xf32, #tpu.memory_space<vmem_shared>>
        tpu.wait_indirect_dma semaphore(%arg12 : memref<!tpu.dma_semaphore, #tpu.memory_space<semaphore_mem>>) src(%arg6 : memref<80xf32, #tpu.memory_space<vmem>>) dst(%dma_wait3A_134 : memref<10240xf32, #tpu.memory_space<vmem_shared>>)
      } else {
      }
      %dma_start3A_113 = arith.constant 0 : i32
      %dma_start3A_114 = tpu.memref_slice %arg5[%add3A_107, %dma_start3A_113] : memref<125x80xi32, #tpu.memory_space<vmem>> -> memref<1x80xi32, #tpu.memory_space<vmem>>
      %dma_start3A_115 = tpu.memref_squeeze %dma_start3A_114 : memref<1x80xi32, #tpu.memory_space<vmem>> -> memref<80xi32, #tpu.memory_space<vmem>>
      %dma_start3A_116 = arith.constant 0 : i32
      %dma_start3A_117 = tpu.memref_slice %arg8[%dma_start3A_116] : memref<10240xf32, #tpu.memory_space<vmem_shared>> -> memref<10240xf32, #tpu.memory_space<vmem_shared>>
      tpu.enqueue_indirect_dma source(%arg6 : memref<80xf32, #tpu.memory_space<vmem>>) target(%dma_start3A_117 : memref<10240xf32, #tpu.memory_space<vmem_shared>>) offsets(%dma_start3A_115 : memref<80xi32, #tpu.memory_space<vmem>>) semaphore(%arg12 : memref<!tpu.dma_semaphore, #tpu.memory_space<semaphore_mem>>) {add = true}
      %add3A_118 = arith.constant 4 : i32
      %add3A_119 = arith.addi %mul3A_74, %add3A_118 : i32
      %ge3A_120 = arith.constant 5 : i32
      %ge3A_121 = arith.cmpi sge, %add3A_119, %ge3A_120 : i32
      %convert_element_type3A_122 = arith.extui %ge3A_121 : i1 to i32
      %cond3A_123 = arith.constant 0 : i32
      %cond3A_124 = arith.cmpi ne, %convert_element_type3A_122, %cond3A_123 : i32
      scf.if %cond3A_124 {
        %dma_wait3A_130 = arith.constant 0 : i32
        %dma_wait3A_131 = tpu.memref_slice %arg5[%add3A_119, %dma_wait3A_130] : memref<125x80xi32, #tpu.memory_space<vmem>> -> memref<1x80xi32, #tpu.memory_space<vmem>>
        %dma_wait3A_132 = tpu.memref_squeeze %dma_wait3A_131 : memref<1x80xi32, #tpu.memory_space<vmem>> -> memref<80xi32, #tpu.memory_space<vmem>>
        %dma_wait3A_133 = arith.constant 0 : i32
        %dma_wait3A_134 = tpu.memref_slice %arg8[%dma_wait3A_133] : memref<10240xf32, #tpu.memory_space<vmem_shared>> -> memref<10240xf32, #tpu.memory_space<vmem_shared>>
        tpu.wait_indirect_dma semaphore(%arg13 : memref<!tpu.dma_semaphore, #tpu.memory_space<semaphore_mem>>) src(%arg6 : memref<80xf32, #tpu.memory_space<vmem>>) dst(%dma_wait3A_134 : memref<10240xf32, #tpu.memory_space<vmem_shared>>)
      } else {
      }
      %dma_start3A_125 = arith.constant 0 : i32
      %dma_start3A_126 = tpu.memref_slice %arg5[%add3A_119, %dma_start3A_125] : memref<125x80xi32, #tpu.memory_space<vmem>> -> memref<1x80xi32, #tpu.memory_space<vmem>>
      %dma_start3A_127 = tpu.memref_squeeze %dma_start3A_126 : memref<1x80xi32, #tpu.memory_space<vmem>> -> memref<80xi32, #tpu.memory_space<vmem>>
      %dma_start3A_128 = arith.constant 0 : i32
      %dma_start3A_129 = tpu.memref_slice %arg8[%dma_start3A_128] : memref<10240xf32, #tpu.memory_space<vmem_shared>> -> memref<10240xf32, #tpu.memory_space<vmem_shared>>
      tpu.enqueue_indirect_dma source(%arg6 : memref<80xf32, #tpu.memory_space<vmem>>) target(%dma_start3A_129 : memref<10240xf32, #tpu.memory_space<vmem_shared>>) offsets(%dma_start3A_127 : memref<80xi32, #tpu.memory_space<vmem>>) semaphore(%arg13 : memref<!tpu.dma_semaphore, #tpu.memory_space<semaphore_mem>>) {add = true}
    }
    %scan3A_37 = arith.constant 25 : i32
    %dma_wait3A = arith.constant 0 : i32
    %dma_wait3A_38 = arith.constant 0 : i32
    %dma_wait3A_39 = tpu.memref_slice %arg5[%dma_wait3A, %dma_wait3A_38] : memref<125x80xi32, #tpu.memory_space<vmem>> -> memref<1x80xi32, #tpu.memory_space<vmem>>
    %dma_wait3A_40 = tpu.memref_squeeze %dma_wait3A_39 : memref<1x80xi32, #tpu.memory_space<vmem>> -> memref<80xi32, #tpu.memory_space<vmem>>
    %dma_wait3A_41 = arith.constant 0 : i32
    %dma_wait3A_42 = tpu.memref_slice %arg8[%dma_wait3A_41] : memref<10240xf32, #tpu.memory_space<vmem_shared>> -> memref<10240xf32, #tpu.memory_space<vmem_shared>>
    tpu.wait_indirect_dma semaphore(%arg9 : memref<!tpu.dma_semaphore, #tpu.memory_space<semaphore_mem>>) src(%arg6 : memref<80xf32, #tpu.memory_space<vmem>>) dst(%dma_wait3A_42 : memref<10240xf32, #tpu.memory_space<vmem_shared>>)
    %dma_wait3A_43 = arith.constant 1 : i32
    %dma_wait3A_44 = arith.constant 0 : i32
    %dma_wait3A_45 = tpu.memref_slice %arg5[%dma_wait3A_43, %dma_wait3A_44] : memref<125x80xi32, #tpu.memory_space<vmem>> -> memref<1x80xi32, #tpu.memory_space<vmem>>
    %dma_wait3A_46 = tpu.memref_squeeze %dma_wait3A_45 : memref<1x80xi32, #tpu.memory_space<vmem>> -> memref<80xi32, #tpu.memory_space<vmem>>
    %dma_wait3A_47 = arith.constant 0 : i32
    %dma_wait3A_48 = tpu.memref_slice %arg8[%dma_wait3A_47] : memref<10240xf32, #tpu.memory_space<vmem_shared>> -> memref<10240xf32, #tpu.memory_space<vmem_shared>>
    tpu.wait_indirect_dma semaphore(%arg10 : memref<!tpu.dma_semaphore, #tpu.memory_space<semaphore_mem>>) src(%arg6 : memref<80xf32, #tpu.memory_space<vmem>>) dst(%dma_wait3A_48 : memref<10240xf32, #tpu.memory_space<vmem_shared>>)
    %dma_wait3A_49 = arith.constant 2 : i32
    %dma_wait3A_50 = arith.constant 0 : i32
    %dma_wait3A_51 = tpu.memref_slice %arg5[%dma_wait3A_49, %dma_wait3A_50] : memref<125x80xi32, #tpu.memory_space<vmem>> -> memref<1x80xi32, #tpu.memory_space<vmem>>
    %dma_wait3A_52 = tpu.memref_squeeze %dma_wait3A_51 : memref<1x80xi32, #tpu.memory_space<vmem>> -> memref<80xi32, #tpu.memory_space<vmem>>
    %dma_wait3A_53 = arith.constant 0 : i32
    %dma_wait3A_54 = tpu.memref_slice %arg8[%dma_wait3A_53] : memref<10240xf32, #tpu.memory_space<vmem_shared>> -> memref<10240xf32, #tpu.memory_space<vmem_shared>>
    tpu.wait_indirect_dma semaphore(%arg11 : memref<!tpu.dma_semaphore, #tpu.memory_space<semaphore_mem>>) src(%arg6 : memref<80xf32, #tpu.memory_space<vmem>>) dst(%dma_wait3A_54 : memref<10240xf32, #tpu.memory_space<vmem_shared>>)
    %dma_wait3A_55 = arith.constant 3 : i32
    %dma_wait3A_56 = arith.constant 0 : i32
    %dma_wait3A_57 = tpu.memref_slice %arg5[%dma_wait3A_55, %dma_wait3A_56] : memref<125x80xi32, #tpu.memory_space<vmem>> -> memref<1x80xi32, #tpu.memory_space<vmem>>
    %dma_wait3A_58 = tpu.memref_squeeze %dma_wait3A_57 : memref<1x80xi32, #tpu.memory_space<vmem>> -> memref<80xi32, #tpu.memory_space<vmem>>
    %dma_wait3A_59 = arith.constant 0 : i32
    %dma_wait3A_60 = tpu.memref_slice %arg8[%dma_wait3A_59] : memref<10240xf32, #tpu.memory_space<vmem_shared>> -> memref<10240xf32, #tpu.memory_space<vmem_shared>>
    tpu.wait_indirect_dma semaphore(%arg12 : memref<!tpu.dma_semaphore, #tpu.memory_space<semaphore_mem>>) src(%arg6 : memref<80xf32, #tpu.memory_space<vmem>>) dst(%dma_wait3A_60 : memref<10240xf32, #tpu.memory_space<vmem_shared>>)
    %dma_wait3A_61 = arith.constant 4 : i32
    %dma_wait3A_62 = arith.constant 0 : i32
    %dma_wait3A_63 = tpu.memref_slice %arg5[%dma_wait3A_61, %dma_wait3A_62] : memref<125x80xi32, #tpu.memory_space<vmem>> -> memref<1x80xi32, #tpu.memory_space<vmem>>
    %dma_wait3A_64 = tpu.memref_squeeze %dma_wait3A_63 : memref<1x80xi32, #tpu.memory_space<vmem>> -> memref<80xi32, #tpu.memory_space<vmem>>
    %dma_wait3A_65 = arith.constant 0 : i32
    %dma_wait3A_66 = tpu.memref_slice %arg8[%dma_wait3A_65] : memref<10240xf32, #tpu.memory_space<vmem_shared>> -> memref<10240xf32, #tpu.memory_space<vmem_shared>>
    tpu.wait_indirect_dma semaphore(%arg13 : memref<!tpu.dma_semaphore, #tpu.memory_space<semaphore_mem>>) src(%arg6 : memref<80xf32, #tpu.memory_space<vmem>>) dst(%dma_wait3A_66 : memref<10240xf32, #tpu.memory_space<vmem_shared>>)
    %barrier3A_67 = arith.constant 0 : index
    tpu.barrier barrier_id(%barrier3A_67)
    %mul3A_68 = arith.constant 640 : i32
    %mul3A_69 = arith.muli %arg1, %mul3A_68 : i32
    "tpu.region"() ({
      %run_scoped3A = tpu.sem_alloc : memref<!tpu.dma_semaphore, #tpu.memory_space<semaphore_mem>>
      %dma_start3A = tpu.memref_slice %arg8[%mul3A_69] : memref<10240xf32, #tpu.memory_space<vmem_shared>> -> memref<640xf32, #tpu.memory_space<vmem_shared>>
      %dma_start3A_72 = tpu.memref_slice %arg8[%mul3A_69] : memref<10240xf32, #tpu.memory_space<vmem_shared>> -> memref<640xf32, #tpu.memory_space<vmem_shared>>
      tpu.enqueue_dma source(%dma_start3A_72 : memref<640xf32, #tpu.memory_space<vmem_shared>>) target(%arg7 : memref<640xf32, #tpu.memory_space<vmem>>) target_semaphore(%run_scoped3A : memref<!tpu.dma_semaphore, #tpu.memory_space<semaphore_mem>>)
      %dma_wait3A_73 = tpu.memref_slice %arg8[%mul3A_69] : memref<10240xf32, #tpu.memory_space<vmem_shared>> -> memref<640xf32, #tpu.memory_space<vmem_shared>>
      %dma_wait3A_74 = tpu.memref_slice %arg8[%mul3A_69] : memref<10240xf32, #tpu.memory_space<vmem_shared>> -> memref<640xf32, #tpu.memory_space<vmem_shared>>
      tpu.wait_dma2 semaphore(%run_scoped3A : memref<!tpu.dma_semaphore, #tpu.memory_space<semaphore_mem>>) src(%dma_wait3A_74 : memref<640xf32, #tpu.memory_space<vmem_shared>>) dst(%arg7 : memref<640xf32, #tpu.memory_space<vmem>>)
      tpu.yield
    }) : () -> ()
    %mul3A_70 = arith.constant 640 : i32
    %mul3A_71 = arith.muli %arg1, %mul3A_70 : i32
    "tpu.region"() ({
      %run_scoped3A = tpu.sem_alloc : memref<!tpu.dma_semaphore, #tpu.memory_space<semaphore_mem>>
      %dma_start3A = tpu.memref_slice %arg4[%arg0, %mul3A_71] : memref<2x10240xf32, #tpu.memory_space<hbm>> -> memref<1x640xf32, #tpu.memory_space<hbm>>
      %dma_start3A_72 = tpu.memref_squeeze %dma_start3A : memref<1x640xf32, #tpu.memory_space<hbm>> -> memref<640xf32, #tpu.memory_space<hbm>>
      %dma_start3A_73 = tpu.memref_slice %arg4[%arg0, %mul3A_71] : memref<2x10240xf32, #tpu.memory_space<hbm>> -> memref<1x640xf32, #tpu.memory_space<hbm>>
      %dma_start3A_74 = tpu.memref_squeeze %dma_start3A_73 : memref<1x640xf32, #tpu.memory_space<hbm>> -> memref<640xf32, #tpu.memory_space<hbm>>
      tpu.enqueue_dma source(%arg7 : memref<640xf32, #tpu.memory_space<vmem>>) target(%dma_start3A_74 : memref<640xf32, #tpu.memory_space<hbm>>) target_semaphore(%run_scoped3A : memref<!tpu.dma_semaphore, #tpu.memory_space<semaphore_mem>>)
      %dma_wait3A_75 = tpu.memref_slice %arg4[%arg0, %mul3A_71] : memref<2x10240xf32, #tpu.memory_space<hbm>> -> memref<1x640xf32, #tpu.memory_space<hbm>>
      %dma_wait3A_76 = tpu.memref_squeeze %dma_wait3A_75 : memref<1x640xf32, #tpu.memory_space<hbm>> -> memref<640xf32, #tpu.memory_space<hbm>>
      %dma_wait3A_77 = tpu.memref_slice %arg4[%arg0, %mul3A_71] : memref<2x10240xf32, #tpu.memory_space<hbm>> -> memref<1x640xf32, #tpu.memory_space<hbm>>
      %dma_wait3A_78 = tpu.memref_squeeze %dma_wait3A_77 : memref<1x640xf32, #tpu.memory_space<hbm>> -> memref<640xf32, #tpu.memory_space<hbm>>
      tpu.wait_dma2 semaphore(%run_scoped3A : memref<!tpu.dma_semaphore, #tpu.memory_space<semaphore_mem>>) src(%arg7 : memref<640xf32, #tpu.memory_space<vmem>>) dst(%dma_wait3A_78 : memref<640xf32, #tpu.memory_space<hbm>>)
      tpu.yield
    }) : () -> ()
    return
  }
}

#map = affine_map<(d0, d1) -> (0, 0)>
#map1 = affine_map<(d0, d1) -> (0, 0, 0)>
module attributes {stable_mosaic.version = 14 : i64} {
  func.func @_agg_body(%arg0: i32, %arg1: i32, %arg2: memref<20480x64xf32, #tpu.memory_space<hbm>>, %arg3: memref<16x250x80xi32, #tpu.memory_space<hbm>>, %arg4: memref<16x250x80xi32, #tpu.memory_space<hbm>>, %arg5: memref<10240x64xf32, #tpu.memory_space<hbm>>, %arg6: memref<10240x128xf32, #tpu.memory_space<hbm>>, %arg7: memref<250x80xi32, #tpu.memory_space<vmem>>, %arg8: memref<250x80xi32, #tpu.memory_space<vmem>>, %arg9: memref<5x80x64xf32, #tpu.memory_space<vmem>>, %arg10: memref<10240x64xf32, #tpu.memory_space<vmem_shared>>, %arg11: memref<!tpu.dma_semaphore, #tpu.memory_space<semaphore_mem>>, %arg12: memref<!tpu.dma_semaphore, #tpu.memory_space<semaphore_mem>>, %arg13: memref<!tpu.dma_semaphore, #tpu.memory_space<semaphore_mem>>, %arg14: memref<!tpu.dma_semaphore, #tpu.memory_space<semaphore_mem>>, %arg15: memref<!tpu.dma_semaphore, #tpu.memory_space<semaphore_mem>>, %arg16: memref<!tpu.dma_semaphore, #tpu.memory_space<semaphore_mem>>, %arg17: memref<!tpu.dma_semaphore, #tpu.memory_space<semaphore_mem>>, %arg18: memref<!tpu.dma_semaphore, #tpu.memory_space<semaphore_mem>>, %arg19: memref<!tpu.dma_semaphore, #tpu.memory_space<semaphore_mem>>, %arg20: memref<!tpu.dma_semaphore, #tpu.memory_space<semaphore_mem>>) attributes {dimension_semantics = [#tpu.dimension_semantics<core_parallel>, #tpu.dimension_semantics<subcore_parallel>], iteration_bounds = array<i64: 2, 16>, scalar_prefetch = 0 : i64, scratch_operands = 14 : i64, tpu.core_type = #tpu.core_type<sc_vector_subcore>, window_params = [{transform_indices = #map}, {transform_indices = #map1}, {transform_indices = #map1}, {transform_indices = #map}, {transform_indices = #map}]} {
    %dma_start3A = arith.constant 0 : i32
    %dma_start3A_0 = arith.constant 0 : i32
    %dma_start3A_1 = tpu.memref_slice %arg3[%arg1, %dma_start3A, %dma_start3A_0] : memref<16x250x80xi32, #tpu.memory_space<hbm>> -> memref<1x250x80xi32, #tpu.memory_space<hbm>>
    %dma_start3A_2 = tpu.memref_squeeze %dma_start3A_1 : memref<1x250x80xi32, #tpu.memory_space<hbm>> -> memref<250x80xi32, #tpu.memory_space<hbm>>
    %dma_start3A_3 = arith.constant 0 : i32
    %dma_start3A_4 = arith.constant 0 : i32
    %dma_start3A_5 = tpu.memref_slice %arg3[%arg1, %dma_start3A_3, %dma_start3A_4] : memref<16x250x80xi32, #tpu.memory_space<hbm>> -> memref<1x250x80xi32, #tpu.memory_space<hbm>>
    %dma_start3A_6 = tpu.memref_squeeze %dma_start3A_5 : memref<1x250x80xi32, #tpu.memory_space<hbm>> -> memref<250x80xi32, #tpu.memory_space<hbm>>
    tpu.enqueue_dma source(%dma_start3A_6 : memref<250x80xi32, #tpu.memory_space<hbm>>) target(%arg7 : memref<250x80xi32, #tpu.memory_space<vmem>>) target_semaphore(%arg11 : memref<!tpu.dma_semaphore, #tpu.memory_space<semaphore_mem>>)
    %dma_start3A_7 = arith.constant 0 : i32
    %dma_start3A_8 = arith.constant 0 : i32
    %dma_start3A_9 = tpu.memref_slice %arg4[%arg1, %dma_start3A_7, %dma_start3A_8] : memref<16x250x80xi32, #tpu.memory_space<hbm>> -> memref<1x250x80xi32, #tpu.memory_space<hbm>>
    %dma_start3A_10 = tpu.memref_squeeze %dma_start3A_9 : memref<1x250x80xi32, #tpu.memory_space<hbm>> -> memref<250x80xi32, #tpu.memory_space<hbm>>
    %dma_start3A_11 = arith.constant 0 : i32
    %dma_start3A_12 = arith.constant 0 : i32
    %dma_start3A_13 = tpu.memref_slice %arg4[%arg1, %dma_start3A_11, %dma_start3A_12] : memref<16x250x80xi32, #tpu.memory_space<hbm>> -> memref<1x250x80xi32, #tpu.memory_space<hbm>>
    %dma_start3A_14 = tpu.memref_squeeze %dma_start3A_13 : memref<1x250x80xi32, #tpu.memory_space<hbm>> -> memref<250x80xi32, #tpu.memory_space<hbm>>
    tpu.enqueue_dma source(%dma_start3A_14 : memref<250x80xi32, #tpu.memory_space<hbm>>) target(%arg8 : memref<250x80xi32, #tpu.memory_space<vmem>>) target_semaphore(%arg12 : memref<!tpu.dma_semaphore, #tpu.memory_space<semaphore_mem>>)
    %mul3A = arith.constant 640 : i32
    %mul3A_15 = arith.muli %arg1, %mul3A : i32
    %mul3A_16 = arith.constant 640 : i32
    %mul3A_17 = arith.muli %arg1, %mul3A_16 : i32
    %dma_start3A_18 = arith.constant 0 : i32
    %dma_start3A_19 = tpu.memref_slice %arg10[%mul3A_17, %dma_start3A_18] : memref<10240x64xf32, #tpu.memory_space<vmem_shared>> -> memref<640x64xf32, #tpu.memory_space<vmem_shared>>
    %dma_start3A_20 = arith.constant 0 : i32
    %dma_start3A_21 = tpu.memref_slice %arg5[%mul3A_15, %dma_start3A_20] : memref<10240x64xf32, #tpu.memory_space<hbm>> -> memref<640x64xf32, #tpu.memory_space<hbm>>
    tpu.enqueue_dma source(%dma_start3A_21 : memref<640x64xf32, #tpu.memory_space<hbm>>) target(%dma_start3A_19 : memref<640x64xf32, #tpu.memory_space<vmem_shared>>) target_semaphore(%arg13 : memref<!tpu.dma_semaphore, #tpu.memory_space<semaphore_mem>>)
    %dma_wait3A = arith.constant 0 : i32
    %dma_wait3A_22 = arith.constant 0 : i32
    %dma_wait3A_23 = tpu.memref_slice %arg3[%arg1, %dma_wait3A, %dma_wait3A_22] : memref<16x250x80xi32, #tpu.memory_space<hbm>> -> memref<1x250x80xi32, #tpu.memory_space<hbm>>
    %dma_wait3A_24 = tpu.memref_squeeze %dma_wait3A_23 : memref<1x250x80xi32, #tpu.memory_space<hbm>> -> memref<250x80xi32, #tpu.memory_space<hbm>>
    %dma_wait3A_25 = arith.constant 0 : i32
    %dma_wait3A_26 = arith.constant 0 : i32
    %dma_wait3A_27 = tpu.memref_slice %arg3[%arg1, %dma_wait3A_25, %dma_wait3A_26] : memref<16x250x80xi32, #tpu.memory_space<hbm>> -> memref<1x250x80xi32, #tpu.memory_space<hbm>>
    %dma_wait3A_28 = tpu.memref_squeeze %dma_wait3A_27 : memref<1x250x80xi32, #tpu.memory_space<hbm>> -> memref<250x80xi32, #tpu.memory_space<hbm>>
    tpu.wait_dma2 semaphore(%arg11 : memref<!tpu.dma_semaphore, #tpu.memory_space<semaphore_mem>>) src(%dma_wait3A_28 : memref<250x80xi32, #tpu.memory_space<hbm>>) dst(%arg7 : memref<250x80xi32, #tpu.memory_space<vmem>>)
    %scan3A = arith.constant 0 : i32
    %scan3A_29 = arith.constant 0 : i32
    %scan3A_30 = arith.constant 250 : i32
    %scan3A_31 = arith.addi %scan3A_29, %scan3A_30 : i32
    %scan3A_32 = arith.constant 1 : i32
    scf.for %scan3A_159 = %scan3A_29 to %scan3A_31 step %scan3A_32  : i32 {
      %get3A = arith.index_cast %scan3A_159 : i32 to index
      %get3A_160 = arith.constant 0 : index
      %get3A_161 = tpu.vector_load %arg7[%get3A, %get3A_160] {strides = array<i32>} : memref<250x80xi32, #tpu.memory_space<vmem>>, vector<1x16xi32>,
      %get3A_162 = vector.shape_cast %get3A_161 : vector<1x16xi32> to vector<16xi32>
      %add3A = arith.addi %get3A_162, %get3A_162 : vector<16xi32>
      %add3A_163 = vector.broadcast %arg0 : i32 to vector<16xi32>
      %add3A_164 = arith.addi %add3A, %add3A_163 : vector<16xi32>
      %swap3A = arith.index_cast %scan3A_159 : i32 to index
      %swap3A_165 = arith.constant 0 : index
      %swap3A_166 = tpu.vector_load %arg7[%swap3A, %swap3A_165] {strides = array<i32>} : memref<250x80xi32, #tpu.memory_space<vmem>>, vector<1x16xi32>,
      %swap3A_167 = vector.shape_cast %swap3A_166 : vector<1x16xi32> to vector<16xi32>
      %swap3A_168 = vector.shape_cast %add3A_164 : vector<16xi32> to vector<1x16xi32>
      tpu.vector_store %arg7[%swap3A, %swap3A_165], %swap3A_168 {strides = array<i32>} : memref<250x80xi32, #tpu.memory_space<vmem>>, vector<1x16xi32>,
      %get3A_169 = arith.index_cast %scan3A_159 : i32 to index
      %get3A_170 = arith.constant 16 : index
      %get3A_171 = tpu.vector_load %arg7[%get3A_169, %get3A_170] {strides = array<i32>} : memref<250x80xi32, #tpu.memory_space<vmem>>, vector<1x16xi32>,
      %get3A_172 = vector.shape_cast %get3A_171 : vector<1x16xi32> to vector<16xi32>
      %add3A_173 = arith.addi %get3A_172, %get3A_172 : vector<16xi32>
      %add3A_174 = vector.broadcast %arg0 : i32 to vector<16xi32>
      %add3A_175 = arith.addi %add3A_173, %add3A_174 : vector<16xi32>
      %swap3A_176 = arith.index_cast %scan3A_159 : i32 to index
      %swap3A_177 = arith.constant 16 : index
      %swap3A_178 = tpu.vector_load %arg7[%swap3A_176, %swap3A_177] {strides = array<i32>} : memref<250x80xi32, #tpu.memory_space<vmem>>, vector<1x16xi32>,
      %swap3A_179 = vector.shape_cast %swap3A_178 : vector<1x16xi32> to vector<16xi32>
      %swap3A_180 = vector.shape_cast %add3A_175 : vector<16xi32> to vector<1x16xi32>
      tpu.vector_store %arg7[%swap3A_176, %swap3A_177], %swap3A_180 {strides = array<i32>} : memref<250x80xi32, #tpu.memory_space<vmem>>, vector<1x16xi32>,
      %get3A_181 = arith.index_cast %scan3A_159 : i32 to index
      %get3A_182 = arith.constant 32 : index
      %get3A_183 = tpu.vector_load %arg7[%get3A_181, %get3A_182] {strides = array<i32>} : memref<250x80xi32, #tpu.memory_space<vmem>>, vector<1x16xi32>,
      %get3A_184 = vector.shape_cast %get3A_183 : vector<1x16xi32> to vector<16xi32>
      %add3A_185 = arith.addi %get3A_184, %get3A_184 : vector<16xi32>
      %add3A_186 = vector.broadcast %arg0 : i32 to vector<16xi32>
      %add3A_187 = arith.addi %add3A_185, %add3A_186 : vector<16xi32>
      %swap3A_188 = arith.index_cast %scan3A_159 : i32 to index
      %swap3A_189 = arith.constant 32 : index
      %swap3A_190 = tpu.vector_load %arg7[%swap3A_188, %swap3A_189] {strides = array<i32>} : memref<250x80xi32, #tpu.memory_space<vmem>>, vector<1x16xi32>,
      %swap3A_191 = vector.shape_cast %swap3A_190 : vector<1x16xi32> to vector<16xi32>
      %swap3A_192 = vector.shape_cast %add3A_187 : vector<16xi32> to vector<1x16xi32>
      tpu.vector_store %arg7[%swap3A_188, %swap3A_189], %swap3A_192 {strides = array<i32>} : memref<250x80xi32, #tpu.memory_space<vmem>>, vector<1x16xi32>,
      %get3A_193 = arith.index_cast %scan3A_159 : i32 to index
      %get3A_194 = arith.constant 48 : index
      %get3A_195 = tpu.vector_load %arg7[%get3A_193, %get3A_194] {strides = array<i32>} : memref<250x80xi32, #tpu.memory_space<vmem>>, vector<1x16xi32>,
      %get3A_196 = vector.shape_cast %get3A_195 : vector<1x16xi32> to vector<16xi32>
      %add3A_197 = arith.addi %get3A_196, %get3A_196 : vector<16xi32>
      %add3A_198 = vector.broadcast %arg0 : i32 to vector<16xi32>
      %add3A_199 = arith.addi %add3A_197, %add3A_198 : vector<16xi32>
      %swap3A_200 = arith.index_cast %scan3A_159 : i32 to index
      %swap3A_201 = arith.constant 48 : index
      %swap3A_202 = tpu.vector_load %arg7[%swap3A_200, %swap3A_201] {strides = array<i32>} : memref<250x80xi32, #tpu.memory_space<vmem>>, vector<1x16xi32>,
      %swap3A_203 = vector.shape_cast %swap3A_202 : vector<1x16xi32> to vector<16xi32>
      %swap3A_204 = vector.shape_cast %add3A_199 : vector<16xi32> to vector<1x16xi32>
      tpu.vector_store %arg7[%swap3A_200, %swap3A_201], %swap3A_204 {strides = array<i32>} : memref<250x80xi32, #tpu.memory_space<vmem>>, vector<1x16xi32>,
      %get3A_205 = arith.index_cast %scan3A_159 : i32 to index
      %get3A_206 = arith.constant 64 : index
      %get3A_207 = tpu.vector_load %arg7[%get3A_205, %get3A_206] {strides = array<i32>} : memref<250x80xi32, #tpu.memory_space<vmem>>, vector<1x16xi32>,
      %get3A_208 = vector.shape_cast %get3A_207 : vector<1x16xi32> to vector<16xi32>
      %add3A_209 = arith.addi %get3A_208, %get3A_208 : vector<16xi32>
      %add3A_210 = vector.broadcast %arg0 : i32 to vector<16xi32>
      %add3A_211 = arith.addi %add3A_209, %add3A_210 : vector<16xi32>
      %swap3A_212 = arith.index_cast %scan3A_159 : i32 to index
      %swap3A_213 = arith.constant 64 : index
      %swap3A_214 = tpu.vector_load %arg7[%swap3A_212, %swap3A_213] {strides = array<i32>} : memref<250x80xi32, #tpu.memory_space<vmem>>, vector<1x16xi32>,
      %swap3A_215 = vector.shape_cast %swap3A_214 : vector<1x16xi32> to vector<16xi32>
      %swap3A_216 = vector.shape_cast %add3A_211 : vector<16xi32> to vector<1x16xi32>
      tpu.vector_store %arg7[%swap3A_212, %swap3A_213], %swap3A_216 {strides = array<i32>} : memref<250x80xi32, #tpu.memory_space<vmem>>, vector<1x16xi32>,
    }
    %scan3A_33 = arith.constant 250 : i32
    %dma_wait3A_34 = arith.constant 0 : i32
    %dma_wait3A_35 = arith.constant 0 : i32
    %dma_wait3A_36 = tpu.memref_slice %arg4[%arg1, %dma_wait3A_34, %dma_wait3A_35] : memref<16x250x80xi32, #tpu.memory_space<hbm>> -> memref<1x250x80xi32, #tpu.memory_space<hbm>>
    %dma_wait3A_37 = tpu.memref_squeeze %dma_wait3A_36 : memref<1x250x80xi32, #tpu.memory_space<hbm>> -> memref<250x80xi32, #tpu.memory_space<hbm>>
    %dma_wait3A_38 = arith.constant 0 : i32
    %dma_wait3A_39 = arith.constant 0 : i32
    %dma_wait3A_40 = tpu.memref_slice %arg4[%arg1, %dma_wait3A_38, %dma_wait3A_39] : memref<16x250x80xi32, #tpu.memory_space<hbm>> -> memref<1x250x80xi32, #tpu.memory_space<hbm>>
    %dma_wait3A_41 = tpu.memref_squeeze %dma_wait3A_40 : memref<1x250x80xi32, #tpu.memory_space<hbm>> -> memref<250x80xi32, #tpu.memory_space<hbm>>
    tpu.wait_dma2 semaphore(%arg12 : memref<!tpu.dma_semaphore, #tpu.memory_space<semaphore_mem>>) src(%dma_wait3A_41 : memref<250x80xi32, #tpu.memory_space<hbm>>) dst(%arg8 : memref<250x80xi32, #tpu.memory_space<vmem>>)
    %mul3A_42 = arith.constant 640 : i32
    %mul3A_43 = arith.muli %arg1, %mul3A_42 : i32
    %mul3A_44 = arith.constant 640 : i32
    %mul3A_45 = arith.muli %arg1, %mul3A_44 : i32
    %dma_wait3A_46 = arith.constant 0 : i32
    %dma_wait3A_47 = tpu.memref_slice %arg10[%mul3A_45, %dma_wait3A_46] : memref<10240x64xf32, #tpu.memory_space<vmem_shared>> -> memref<640x64xf32, #tpu.memory_space<vmem_shared>>
    %dma_wait3A_48 = arith.constant 0 : i32
    %dma_wait3A_49 = tpu.memref_slice %arg5[%mul3A_43, %dma_wait3A_48] : memref<10240x64xf32, #tpu.memory_space<hbm>> -> memref<640x64xf32, #tpu.memory_space<hbm>>
    tpu.wait_dma2 semaphore(%arg13 : memref<!tpu.dma_semaphore, #tpu.memory_space<semaphore_mem>>) src(%dma_wait3A_49 : memref<640x64xf32, #tpu.memory_space<hbm>>) dst(%dma_wait3A_47 : memref<640x64xf32, #tpu.memory_space<vmem_shared>>)
    %barrier3A = arith.constant 0 : index
    tpu.barrier barrier_id(%barrier3A)
    %dma_start3A_50 = arith.constant 0 : i32
    %dma_start3A_51 = arith.constant 0 : i32
    %dma_start3A_52 = arith.constant 0 : i32
    %dma_start3A_53 = arith.constant 0 : i32
    %dma_start3A_54 = tpu.memref_slice %arg9[%dma_start3A_51, %dma_start3A_52, %dma_start3A_53] : memref<5x80x64xf32, #tpu.memory_space<vmem>> -> memref<1x80x64xf32, #tpu.memory_space<vmem>>
    %dma_start3A_55 = tpu.memref_squeeze %dma_start3A_54 : memref<1x80x64xf32, #tpu.memory_space<vmem>> -> memref<80x64xf32, #tpu.memory_space<vmem>>
    %dma_start3A_56 = arith.constant 0 : i32
    %dma_start3A_57 = tpu.memref_slice %arg7[%dma_start3A_50, %dma_start3A_56] : memref<250x80xi32, #tpu.memory_space<vmem>> -> memref<1x80xi32, #tpu.memory_space<vmem>>
    %dma_start3A_58 = tpu.memref_squeeze %dma_start3A_57 : memref<1x80xi32, #tpu.memory_space<vmem>> -> memref<80xi32, #tpu.memory_space<vmem>>
    %dma_start3A_59 = arith.constant 0 : i32
    %dma_start3A_60 = arith.constant 0 : i32
    %dma_start3A_61 = tpu.memref_slice %arg2[%dma_start3A_59, %dma_start3A_60] : memref<20480x64xf32, #tpu.memory_space<hbm>> -> memref<20480x64xf32, #tpu.memory_space<hbm>>
    tpu.enqueue_indirect_dma source(%dma_start3A_61 : memref<20480x64xf32, #tpu.memory_space<hbm>>) target(%dma_start3A_55 : memref<80x64xf32, #tpu.memory_space<vmem>>) offsets(%dma_start3A_58 : memref<80xi32, #tpu.memory_space<vmem>>) semaphore(%arg11 : memref<!tpu.dma_semaphore, #tpu.memory_space<semaphore_mem>>)
    %dma_start3A_62 = arith.constant 1 : i32
    %dma_start3A_63 = arith.constant 1 : i32
    %dma_start3A_64 = arith.constant 0 : i32
    %dma_start3A_65 = arith.constant 0 : i32
    %dma_start3A_66 = tpu.memref_slice %arg9[%dma_start3A_63, %dma_start3A_64, %dma_start3A_65] : memref<5x80x64xf32, #tpu.memory_space<vmem>> -> memref<1x80x64xf32, #tpu.memory_space<vmem>>
    %dma_start3A_67 = tpu.memref_squeeze %dma_start3A_66 : memref<1x80x64xf32, #tpu.memory_space<vmem>> -> memref<80x64xf32, #tpu.memory_space<vmem>>
    %dma_start3A_68 = arith.constant 0 : i32
    %dma_start3A_69 = tpu.memref_slice %arg7[%dma_start3A_62, %dma_start3A_68] : memref<250x80xi32, #tpu.memory_space<vmem>> -> memref<1x80xi32, #tpu.memory_space<vmem>>
    %dma_start3A_70 = tpu.memref_squeeze %dma_start3A_69 : memref<1x80xi32, #tpu.memory_space<vmem>> -> memref<80xi32, #tpu.memory_space<vmem>>
    %dma_start3A_71 = arith.constant 0 : i32
    %dma_start3A_72 = arith.constant 0 : i32
    %dma_start3A_73 = tpu.memref_slice %arg2[%dma_start3A_71, %dma_start3A_72] : memref<20480x64xf32, #tpu.memory_space<hbm>> -> memref<20480x64xf32, #tpu.memory_space<hbm>>
    tpu.enqueue_indirect_dma source(%dma_start3A_73 : memref<20480x64xf32, #tpu.memory_space<hbm>>) target(%dma_start3A_67 : memref<80x64xf32, #tpu.memory_space<vmem>>) offsets(%dma_start3A_70 : memref<80xi32, #tpu.memory_space<vmem>>) semaphore(%arg12 : memref<!tpu.dma_semaphore, #tpu.memory_space<semaphore_mem>>)
    %dma_start3A_74 = arith.constant 2 : i32
    %dma_start3A_75 = arith.constant 2 : i32
    %dma_start3A_76 = arith.constant 0 : i32
    %dma_start3A_77 = arith.constant 0 : i32
    %dma_start3A_78 = tpu.memref_slice %arg9[%dma_start3A_75, %dma_start3A_76, %dma_start3A_77] : memref<5x80x64xf32, #tpu.memory_space<vmem>> -> memref<1x80x64xf32, #tpu.memory_space<vmem>>
    %dma_start3A_79 = tpu.memref_squeeze %dma_start3A_78 : memref<1x80x64xf32, #tpu.memory_space<vmem>> -> memref<80x64xf32, #tpu.memory_space<vmem>>
    %dma_start3A_80 = arith.constant 0 : i32
    %dma_start3A_81 = tpu.memref_slice %arg7[%dma_start3A_74, %dma_start3A_80] : memref<250x80xi32, #tpu.memory_space<vmem>> -> memref<1x80xi32, #tpu.memory_space<vmem>>
    %dma_start3A_82 = tpu.memref_squeeze %dma_start3A_81 : memref<1x80xi32, #tpu.memory_space<vmem>> -> memref<80xi32, #tpu.memory_space<vmem>>
    %dma_start3A_83 = arith.constant 0 : i32
    %dma_start3A_84 = arith.constant 0 : i32
    %dma_start3A_85 = tpu.memref_slice %arg2[%dma_start3A_83, %dma_start3A_84] : memref<20480x64xf32, #tpu.memory_space<hbm>> -> memref<20480x64xf32, #tpu.memory_space<hbm>>
    tpu.enqueue_indirect_dma source(%dma_start3A_85 : memref<20480x64xf32, #tpu.memory_space<hbm>>) target(%dma_start3A_79 : memref<80x64xf32, #tpu.memory_space<vmem>>) offsets(%dma_start3A_82 : memref<80xi32, #tpu.memory_space<vmem>>) semaphore(%arg13 : memref<!tpu.dma_semaphore, #tpu.memory_space<semaphore_mem>>)
    %scan3A_86 = arith.constant 0 : i32
    %scan3A_87 = arith.constant 0 : i32
    %scan3A_88 = arith.constant 50 : i32
    %scan3A_89 = arith.addi %scan3A_87, %scan3A_88 : i32
    %scan3A_90 = arith.constant 1 : i32
    scf.for %scan3A_159 = %scan3A_87 to %scan3A_89 step %scan3A_90  : i32 {
      %mul3A_160 = arith.constant 5 : i32
      %mul3A_161 = arith.muli %scan3A_159, %mul3A_160 : i32
      %add3A = arith.constant 0 : i32
      %add3A_162 = arith.addi %mul3A_161, %add3A : i32
      %dma_wait3A_163 = arith.constant 0 : i32
      %dma_wait3A_164 = arith.constant 0 : i32
      %dma_wait3A_165 = arith.constant 0 : i32
      %dma_wait3A_166 = arith.constant 0 : i32
      %dma_wait3A_167 = tpu.memref_slice %arg9[%dma_wait3A_164, %dma_wait3A_165, %dma_wait3A_166] : memref<5x80x64xf32, #tpu.memory_space<vmem>> -> memref<1x80x64xf32, #tpu.memory_space<vmem>>
      %dma_wait3A_168 = tpu.memref_squeeze %dma_wait3A_167 : memref<1x80x64xf32, #tpu.memory_space<vmem>> -> memref<80x64xf32, #tpu.memory_space<vmem>>
      %dma_wait3A_169 = arith.constant 0 : i32
      %dma_wait3A_170 = tpu.memref_slice %arg7[%dma_wait3A_163, %dma_wait3A_169] : memref<250x80xi32, #tpu.memory_space<vmem>> -> memref<1x80xi32, #tpu.memory_space<vmem>>
      %dma_wait3A_171 = tpu.memref_squeeze %dma_wait3A_170 : memref<1x80xi32, #tpu.memory_space<vmem>> -> memref<80xi32, #tpu.memory_space<vmem>>
      %dma_wait3A_172 = arith.constant 0 : i32
      %dma_wait3A_173 = arith.constant 0 : i32
      %dma_wait3A_174 = tpu.memref_slice %arg2[%dma_wait3A_172, %dma_wait3A_173] : memref<20480x64xf32, #tpu.memory_space<hbm>> -> memref<20480x64xf32, #tpu.memory_space<hbm>>
      tpu.wait_indirect_dma semaphore(%arg11 : memref<!tpu.dma_semaphore, #tpu.memory_space<semaphore_mem>>) src(%dma_wait3A_174 : memref<20480x64xf32, #tpu.memory_space<hbm>>) dst(%dma_wait3A_168 : memref<80x64xf32, #tpu.memory_space<vmem>>)
      %dma_start3A_175 = arith.constant 0 : i32
      %dma_start3A_176 = arith.constant 0 : i32
      %dma_start3A_177 = arith.constant 0 : i32
      %dma_start3A_178 = tpu.memref_slice %arg9[%dma_start3A_175, %dma_start3A_176, %dma_start3A_177] : memref<5x80x64xf32, #tpu.memory_space<vmem>> -> memref<1x80x64xf32, #tpu.memory_space<vmem>>
      %dma_start3A_179 = tpu.memref_squeeze %dma_start3A_178 : memref<1x80x64xf32, #tpu.memory_space<vmem>> -> memref<80x64xf32, #tpu.memory_space<vmem>>
      %dma_start3A_180 = arith.constant 0 : i32
      %dma_start3A_181 = tpu.memref_slice %arg8[%add3A_162, %dma_start3A_180] : memref<250x80xi32, #tpu.memory_space<vmem>> -> memref<1x80xi32, #tpu.memory_space<vmem>>
      %dma_start3A_182 = tpu.memref_squeeze %dma_start3A_181 : memref<1x80xi32, #tpu.memory_space<vmem>> -> memref<80xi32, #tpu.memory_space<vmem>>
      %dma_start3A_183 = arith.constant 0 : i32
      %dma_start3A_184 = arith.constant 0 : i32
      %dma_start3A_185 = tpu.memref_slice %arg10[%dma_start3A_183, %dma_start3A_184] : memref<10240x64xf32, #tpu.memory_space<vmem_shared>> -> memref<10240x64xf32, #tpu.memory_space<vmem_shared>>
      tpu.enqueue_indirect_dma source(%dma_start3A_179 : memref<80x64xf32, #tpu.memory_space<vmem>>) target(%dma_start3A_185 : memref<10240x64xf32, #tpu.memory_space<vmem_shared>>) offsets(%dma_start3A_182 : memref<80xi32, #tpu.memory_space<vmem>>) semaphore(%arg16 : memref<!tpu.dma_semaphore, #tpu.memory_space<semaphore_mem>>) {add = true}
      %add3A_186 = arith.constant 3 : i32
      %add3A_187 = arith.addi %add3A_162, %add3A_186 : i32
      %lt3A = arith.constant 250 : i32
      %lt3A_188 = arith.cmpi slt, %add3A_187, %lt3A : i32
      %convert_element_type3A = arith.extui %lt3A_188 : i1 to i32
      %cond3A = arith.constant 0 : i32
      %cond3A_189 = arith.cmpi ne, %convert_element_type3A, %cond3A : i32
      scf.if %cond3A_189 {
        %ge3A = arith.constant 5 : i32
        %ge3A_318 = arith.cmpi sge, %add3A_187, %ge3A : i32
        %convert_element_type3A_319 = arith.extui %ge3A_318 : i1 to i32
        %cond3A_320 = arith.constant 0 : i32
        %cond3A_321 = arith.cmpi ne, %convert_element_type3A_319, %cond3A_320 : i32
        scf.if %cond3A_321 {
          %dma_wait3A_333 = arith.constant 3 : i32
          %dma_wait3A_334 = arith.constant 0 : i32
          %dma_wait3A_335 = arith.constant 0 : i32
          %dma_wait3A_336 = arith.constant 0 : i32
          %dma_wait3A_337 = tpu.memref_slice %arg9[%dma_wait3A_333, %dma_wait3A_335, %dma_wait3A_336] : memref<5x80x64xf32, #tpu.memory_space<vmem>> -> memref<1x80x64xf32, #tpu.memory_space<vmem>>
          %dma_wait3A_338 = tpu.memref_squeeze %dma_wait3A_337 : memref<1x80x64xf32, #tpu.memory_space<vmem>> -> memref<80x64xf32, #tpu.memory_space<vmem>>
          %dma_wait3A_339 = arith.constant 0 : i32
          %dma_wait3A_340 = tpu.memref_slice %arg8[%dma_wait3A_334, %dma_wait3A_339] : memref<250x80xi32, #tpu.memory_space<vmem>> -> memref<1x80xi32, #tpu.memory_space<vmem>>
          %dma_wait3A_341 = tpu.memref_squeeze %dma_wait3A_340 : memref<1x80xi32, #tpu.memory_space<vmem>> -> memref<80xi32, #tpu.memory_space<vmem>>
          %dma_wait3A_342 = arith.constant 0 : i32
          %dma_wait3A_343 = arith.constant 0 : i32
          %dma_wait3A_344 = tpu.memref_slice %arg10[%dma_wait3A_342, %dma_wait3A_343] : memref<10240x64xf32, #tpu.memory_space<vmem_shared>> -> memref<10240x64xf32, #tpu.memory_space<vmem_shared>>
          tpu.wait_indirect_dma semaphore(%arg19 : memref<!tpu.dma_semaphore, #tpu.memory_space<semaphore_mem>>) src(%dma_wait3A_338 : memref<80x64xf32, #tpu.memory_space<vmem>>) dst(%dma_wait3A_344 : memref<10240x64xf32, #tpu.memory_space<vmem_shared>>)
        } else {
        }
        %dma_start3A_322 = arith.constant 3 : i32
        %dma_start3A_323 = arith.constant 0 : i32
        %dma_start3A_324 = arith.constant 0 : i32
        %dma_start3A_325 = tpu.memref_slice %arg9[%dma_start3A_322, %dma_start3A_323, %dma_start3A_324] : memref<5x80x64xf32, #tpu.memory_space<vmem>> -> memref<1x80x64xf32, #tpu.memory_space<vmem>>
        %dma_start3A_326 = tpu.memref_squeeze %dma_start3A_325 : memref<1x80x64xf32, #tpu.memory_space<vmem>> -> memref<80x64xf32, #tpu.memory_space<vmem>>
        %dma_start3A_327 = arith.constant 0 : i32
        %dma_start3A_328 = tpu.memref_slice %arg7[%add3A_187, %dma_start3A_327] : memref<250x80xi32, #tpu.memory_space<vmem>> -> memref<1x80xi32, #tpu.memory_space<vmem>>
        %dma_start3A_329 = tpu.memref_squeeze %dma_start3A_328 : memref<1x80xi32, #tpu.memory_space<vmem>> -> memref<80xi32, #tpu.memory_space<vmem>>
        %dma_start3A_330 = arith.constant 0 : i32
        %dma_start3A_331 = arith.constant 0 : i32
        %dma_start3A_332 = tpu.memref_slice %arg2[%dma_start3A_330, %dma_start3A_331] : memref<20480x64xf32, #tpu.memory_space<hbm>> -> memref<20480x64xf32, #tpu.memory_space<hbm>>
        tpu.enqueue_indirect_dma source(%dma_start3A_332 : memref<20480x64xf32, #tpu.memory_space<hbm>>) target(%dma_start3A_326 : memref<80x64xf32, #tpu.memory_space<vmem>>) offsets(%dma_start3A_329 : memref<80xi32, #tpu.memory_space<vmem>>) semaphore(%arg14 : memref<!tpu.dma_semaphore, #tpu.memory_space<semaphore_mem>>)
      } else {
      }
      %add3A_190 = arith.constant 1 : i32
      %add3A_191 = arith.addi %mul3A_161, %add3A_190 : i32
      %dma_wait3A_192 = arith.constant 0 : i32
      %dma_wait3A_193 = arith.constant 1 : i32
      %dma_wait3A_194 = arith.constant 0 : i32
      %dma_wait3A_195 = arith.constant 0 : i32
      %dma_wait3A_196 = tpu.memref_slice %arg9[%dma_wait3A_193, %dma_wait3A_194, %dma_wait3A_195] : memref<5x80x64xf32, #tpu.memory_space<vmem>> -> memref<1x80x64xf32, #tpu.memory_space<vmem>>
      %dma_wait3A_197 = tpu.memref_squeeze %dma_wait3A_196 : memref<1x80x64xf32, #tpu.memory_space<vmem>> -> memref<80x64xf32, #tpu.memory_space<vmem>>
      %dma_wait3A_198 = arith.constant 0 : i32
      %dma_wait3A_199 = tpu.memref_slice %arg7[%dma_wait3A_192, %dma_wait3A_198] : memref<250x80xi32, #tpu.memory_space<vmem>> -> memref<1x80xi32, #tpu.memory_space<vmem>>
      %dma_wait3A_200 = tpu.memref_squeeze %dma_wait3A_199 : memref<1x80xi32, #tpu.memory_space<vmem>> -> memref<80xi32, #tpu.memory_space<vmem>>
      %dma_wait3A_201 = arith.constant 0 : i32
      %dma_wait3A_202 = arith.constant 0 : i32
      %dma_wait3A_203 = tpu.memref_slice %arg2[%dma_wait3A_201, %dma_wait3A_202] : memref<20480x64xf32, #tpu.memory_space<hbm>> -> memref<20480x64xf32, #tpu.memory_space<hbm>>
      tpu.wait_indirect_dma semaphore(%arg12 : memref<!tpu.dma_semaphore, #tpu.memory_space<semaphore_mem>>) src(%dma_wait3A_203 : memref<20480x64xf32, #tpu.memory_space<hbm>>) dst(%dma_wait3A_197 : memref<80x64xf32, #tpu.memory_space<vmem>>)
      %dma_start3A_204 = arith.constant 1 : i32
      %dma_start3A_205 = arith.constant 0 : i32
      %dma_start3A_206 = arith.constant 0 : i32
      %dma_start3A_207 = tpu.memref_slice %arg9[%dma_start3A_204, %dma_start3A_205, %dma_start3A_206] : memref<5x80x64xf32, #tpu.memory_space<vmem>> -> memref<1x80x64xf32, #tpu.memory_space<vmem>>
      %dma_start3A_208 = tpu.memref_squeeze %dma_start3A_207 : memref<1x80x64xf32, #tpu.memory_space<vmem>> -> memref<80x64xf32, #tpu.memory_space<vmem>>
      %dma_start3A_209 = arith.constant 0 : i32
      %dma_start3A_210 = tpu.memref_slice %arg8[%add3A_191, %dma_start3A_209] : memref<250x80xi32, #tpu.memory_space<vmem>> -> memref<1x80xi32, #tpu.memory_space<vmem>>
      %dma_start3A_211 = tpu.memref_squeeze %dma_start3A_210 : memref<1x80xi32, #tpu.memory_space<vmem>> -> memref<80xi32, #tpu.memory_space<vmem>>
      %dma_start3A_212 = arith.constant 0 : i32
      %dma_start3A_213 = arith.constant 0 : i32
      %dma_start3A_214 = tpu.memref_slice %arg10[%dma_start3A_212, %dma_start3A_213] : memref<10240x64xf32, #tpu.memory_space<vmem_shared>> -> memref<10240x64xf32, #tpu.memory_space<vmem_shared>>
      tpu.enqueue_indirect_dma source(%dma_start3A_208 : memref<80x64xf32, #tpu.memory_space<vmem>>) target(%dma_start3A_214 : memref<10240x64xf32, #tpu.memory_space<vmem_shared>>) offsets(%dma_start3A_211 : memref<80xi32, #tpu.memory_space<vmem>>) semaphore(%arg17 : memref<!tpu.dma_semaphore, #tpu.memory_space<semaphore_mem>>) {add = true}
      %add3A_215 = arith.constant 3 : i32
      %add3A_216 = arith.addi %add3A_191, %add3A_215 : i32
      %lt3A_217 = arith.constant 250 : i32
      %lt3A_218 = arith.cmpi slt, %add3A_216, %lt3A_217 : i32
      %convert_element_type3A_219 = arith.extui %lt3A_218 : i1 to i32
      %cond3A_220 = arith.constant 0 : i32
      %cond3A_221 = arith.cmpi ne, %convert_element_type3A_219, %cond3A_220 : i32
      scf.if %cond3A_221 {
        %ge3A = arith.constant 5 : i32
        %ge3A_318 = arith.cmpi sge, %add3A_216, %ge3A : i32
        %convert_element_type3A_319 = arith.extui %ge3A_318 : i1 to i32
        %cond3A_320 = arith.constant 0 : i32
        %cond3A_321 = arith.cmpi ne, %convert_element_type3A_319, %cond3A_320 : i32
        scf.if %cond3A_321 {
          %dma_wait3A_333 = arith.constant 4 : i32
          %dma_wait3A_334 = arith.constant 0 : i32
          %dma_wait3A_335 = arith.constant 0 : i32
          %dma_wait3A_336 = arith.constant 0 : i32
          %dma_wait3A_337 = tpu.memref_slice %arg9[%dma_wait3A_333, %dma_wait3A_335, %dma_wait3A_336] : memref<5x80x64xf32, #tpu.memory_space<vmem>> -> memref<1x80x64xf32, #tpu.memory_space<vmem>>
          %dma_wait3A_338 = tpu.memref_squeeze %dma_wait3A_337 : memref<1x80x64xf32, #tpu.memory_space<vmem>> -> memref<80x64xf32, #tpu.memory_space<vmem>>
          %dma_wait3A_339 = arith.constant 0 : i32
          %dma_wait3A_340 = tpu.memref_slice %arg8[%dma_wait3A_334, %dma_wait3A_339] : memref<250x80xi32, #tpu.memory_space<vmem>> -> memref<1x80xi32, #tpu.memory_space<vmem>>
          %dma_wait3A_341 = tpu.memref_squeeze %dma_wait3A_340 : memref<1x80xi32, #tpu.memory_space<vmem>> -> memref<80xi32, #tpu.memory_space<vmem>>
          %dma_wait3A_342 = arith.constant 0 : i32
          %dma_wait3A_343 = arith.constant 0 : i32
          %dma_wait3A_344 = tpu.memref_slice %arg10[%dma_wait3A_342, %dma_wait3A_343] : memref<10240x64xf32, #tpu.memory_space<vmem_shared>> -> memref<10240x64xf32, #tpu.memory_space<vmem_shared>>
          tpu.wait_indirect_dma semaphore(%arg20 : memref<!tpu.dma_semaphore, #tpu.memory_space<semaphore_mem>>) src(%dma_wait3A_338 : memref<80x64xf32, #tpu.memory_space<vmem>>) dst(%dma_wait3A_344 : memref<10240x64xf32, #tpu.memory_space<vmem_shared>>)
        } else {
        }
        %dma_start3A_322 = arith.constant 4 : i32
        %dma_start3A_323 = arith.constant 0 : i32
        %dma_start3A_324 = arith.constant 0 : i32
        %dma_start3A_325 = tpu.memref_slice %arg9[%dma_start3A_322, %dma_start3A_323, %dma_start3A_324] : memref<5x80x64xf32, #tpu.memory_space<vmem>> -> memref<1x80x64xf32, #tpu.memory_space<vmem>>
        %dma_start3A_326 = tpu.memref_squeeze %dma_start3A_325 : memref<1x80x64xf32, #tpu.memory_space<vmem>> -> memref<80x64xf32, #tpu.memory_space<vmem>>
        %dma_start3A_327 = arith.constant 0 : i32
        %dma_start3A_328 = tpu.memref_slice %arg7[%add3A_216, %dma_start3A_327] : memref<250x80xi32, #tpu.memory_space<vmem>> -> memref<1x80xi32, #tpu.memory_space<vmem>>
        %dma_start3A_329 = tpu.memref_squeeze %dma_start3A_328 : memref<1x80xi32, #tpu.memory_space<vmem>> -> memref<80xi32, #tpu.memory_space<vmem>>
        %dma_start3A_330 = arith.constant 0 : i32
        %dma_start3A_331 = arith.constant 0 : i32
        %dma_start3A_332 = tpu.memref_slice %arg2[%dma_start3A_330, %dma_start3A_331] : memref<20480x64xf32, #tpu.memory_space<hbm>> -> memref<20480x64xf32, #tpu.memory_space<hbm>>
        tpu.enqueue_indirect_dma source(%dma_start3A_332 : memref<20480x64xf32, #tpu.memory_space<hbm>>) target(%dma_start3A_326 : memref<80x64xf32, #tpu.memory_space<vmem>>) offsets(%dma_start3A_329 : memref<80xi32, #tpu.memory_space<vmem>>) semaphore(%arg15 : memref<!tpu.dma_semaphore, #tpu.memory_space<semaphore_mem>>)
      } else {
      }
      %add3A_222 = arith.constant 2 : i32
      %add3A_223 = arith.addi %mul3A_161, %add3A_222 : i32
      %dma_wait3A_224 = arith.constant 0 : i32
      %dma_wait3A_225 = arith.constant 2 : i32
      %dma_wait3A_226 = arith.constant 0 : i32
      %dma_wait3A_227 = arith.constant 0 : i32
      %dma_wait3A_228 = tpu.memref_slice %arg9[%dma_wait3A_225, %dma_wait3A_226, %dma_wait3A_227] : memref<5x80x64xf32, #tpu.memory_space<vmem>> -> memref<1x80x64xf32, #tpu.memory_space<vmem>>
      %dma_wait3A_229 = tpu.memref_squeeze %dma_wait3A_228 : memref<1x80x64xf32, #tpu.memory_space<vmem>> -> memref<80x64xf32, #tpu.memory_space<vmem>>
      %dma_wait3A_230 = arith.constant 0 : i32
      %dma_wait3A_231 = tpu.memref_slice %arg7[%dma_wait3A_224, %dma_wait3A_230] : memref<250x80xi32, #tpu.memory_space<vmem>> -> memref<1x80xi32, #tpu.memory_space<vmem>>
      %dma_wait3A_232 = tpu.memref_squeeze %dma_wait3A_231 : memref<1x80xi32, #tpu.memory_space<vmem>> -> memref<80xi32, #tpu.memory_space<vmem>>
      %dma_wait3A_233 = arith.constant 0 : i32
      %dma_wait3A_234 = arith.constant 0 : i32
      %dma_wait3A_235 = tpu.memref_slice %arg2[%dma_wait3A_233, %dma_wait3A_234] : memref<20480x64xf32, #tpu.memory_space<hbm>> -> memref<20480x64xf32, #tpu.memory_space<hbm>>
      tpu.wait_indirect_dma semaphore(%arg13 : memref<!tpu.dma_semaphore, #tpu.memory_space<semaphore_mem>>) src(%dma_wait3A_235 : memref<20480x64xf32, #tpu.memory_space<hbm>>) dst(%dma_wait3A_229 : memref<80x64xf32, #tpu.memory_space<vmem>>)
      %dma_start3A_236 = arith.constant 2 : i32
      %dma_start3A_237 = arith.constant 0 : i32
      %dma_start3A_238 = arith.constant 0 : i32
      %dma_start3A_239 = tpu.memref_slice %arg9[%dma_start3A_236, %dma_start3A_237, %dma_start3A_238] : memref<5x80x64xf32, #tpu.memory_space<vmem>> -> memref<1x80x64xf32, #tpu.memory_space<vmem>>
      %dma_start3A_240 = tpu.memref_squeeze %dma_start3A_239 : memref<1x80x64xf32, #tpu.memory_space<vmem>> -> memref<80x64xf32, #tpu.memory_space<vmem>>
      %dma_start3A_241 = arith.constant 0 : i32
      %dma_start3A_242 = tpu.memref_slice %arg8[%add3A_223, %dma_start3A_241] : memref<250x80xi32, #tpu.memory_space<vmem>> -> memref<1x80xi32, #tpu.memory_space<vmem>>
      %dma_start3A_243 = tpu.memref_squeeze %dma_start3A_242 : memref<1x80xi32, #tpu.memory_space<vmem>> -> memref<80xi32, #tpu.memory_space<vmem>>
      %dma_start3A_244 = arith.constant 0 : i32
      %dma_start3A_245 = arith.constant 0 : i32
      %dma_start3A_246 = tpu.memref_slice %arg10[%dma_start3A_244, %dma_start3A_245] : memref<10240x64xf32, #tpu.memory_space<vmem_shared>> -> memref<10240x64xf32, #tpu.memory_space<vmem_shared>>
      tpu.enqueue_indirect_dma source(%dma_start3A_240 : memref<80x64xf32, #tpu.memory_space<vmem>>) target(%dma_start3A_246 : memref<10240x64xf32, #tpu.memory_space<vmem_shared>>) offsets(%dma_start3A_243 : memref<80xi32, #tpu.memory_space<vmem>>) semaphore(%arg18 : memref<!tpu.dma_semaphore, #tpu.memory_space<semaphore_mem>>) {add = true}
      %add3A_247 = arith.constant 3 : i32
      %add3A_248 = arith.addi %add3A_223, %add3A_247 : i32
      %lt3A_249 = arith.constant 250 : i32
      %lt3A_250 = arith.cmpi slt, %add3A_248, %lt3A_249 : i32
      %convert_element_type3A_251 = arith.extui %lt3A_250 : i1 to i32
      %cond3A_252 = arith.constant 0 : i32
      %cond3A_253 = arith.cmpi ne, %convert_element_type3A_251, %cond3A_252 : i32
      scf.if %cond3A_253 {
        %ge3A = arith.constant 5 : i32
        %ge3A_318 = arith.cmpi sge, %add3A_248, %ge3A : i32
        %convert_element_type3A_319 = arith.extui %ge3A_318 : i1 to i32
        %cond3A_320 = arith.constant 0 : i32
        %cond3A_321 = arith.cmpi ne, %convert_element_type3A_319, %cond3A_320 : i32
        scf.if %cond3A_321 {
          %dma_wait3A_333 = arith.constant 0 : i32
          %dma_wait3A_334 = arith.constant 0 : i32
          %dma_wait3A_335 = arith.constant 0 : i32
          %dma_wait3A_336 = arith.constant 0 : i32
          %dma_wait3A_337 = tpu.memref_slice %arg9[%dma_wait3A_333, %dma_wait3A_335, %dma_wait3A_336] : memref<5x80x64xf32, #tpu.memory_space<vmem>> -> memref<1x80x64xf32, #tpu.memory_space<vmem>>
          %dma_wait3A_338 = tpu.memref_squeeze %dma_wait3A_337 : memref<1x80x64xf32, #tpu.memory_space<vmem>> -> memref<80x64xf32, #tpu.memory_space<vmem>>
          %dma_wait3A_339 = arith.constant 0 : i32
          %dma_wait3A_340 = tpu.memref_slice %arg8[%dma_wait3A_334, %dma_wait3A_339] : memref<250x80xi32, #tpu.memory_space<vmem>> -> memref<1x80xi32, #tpu.memory_space<vmem>>
          %dma_wait3A_341 = tpu.memref_squeeze %dma_wait3A_340 : memref<1x80xi32, #tpu.memory_space<vmem>> -> memref<80xi32, #tpu.memory_space<vmem>>
          %dma_wait3A_342 = arith.constant 0 : i32
          %dma_wait3A_343 = arith.constant 0 : i32
          %dma_wait3A_344 = tpu.memref_slice %arg10[%dma_wait3A_342, %dma_wait3A_343] : memref<10240x64xf32, #tpu.memory_space<vmem_shared>> -> memref<10240x64xf32, #tpu.memory_space<vmem_shared>>
          tpu.wait_indirect_dma semaphore(%arg16 : memref<!tpu.dma_semaphore, #tpu.memory_space<semaphore_mem>>) src(%dma_wait3A_338 : memref<80x64xf32, #tpu.memory_space<vmem>>) dst(%dma_wait3A_344 : memref<10240x64xf32, #tpu.memory_space<vmem_shared>>)
        } else {
        }
        %dma_start3A_322 = arith.constant 0 : i32
        %dma_start3A_323 = arith.constant 0 : i32
        %dma_start3A_324 = arith.constant 0 : i32
        %dma_start3A_325 = tpu.memref_slice %arg9[%dma_start3A_322, %dma_start3A_323, %dma_start3A_324] : memref<5x80x64xf32, #tpu.memory_space<vmem>> -> memref<1x80x64xf32, #tpu.memory_space<vmem>>
        %dma_start3A_326 = tpu.memref_squeeze %dma_start3A_325 : memref<1x80x64xf32, #tpu.memory_space<vmem>> -> memref<80x64xf32, #tpu.memory_space<vmem>>
        %dma_start3A_327 = arith.constant 0 : i32
        %dma_start3A_328 = tpu.memref_slice %arg7[%add3A_248, %dma_start3A_327] : memref<250x80xi32, #tpu.memory_space<vmem>> -> memref<1x80xi32, #tpu.memory_space<vmem>>
        %dma_start3A_329 = tpu.memref_squeeze %dma_start3A_328 : memref<1x80xi32, #tpu.memory_space<vmem>> -> memref<80xi32, #tpu.memory_space<vmem>>
        %dma_start3A_330 = arith.constant 0 : i32
        %dma_start3A_331 = arith.constant 0 : i32
        %dma_start3A_332 = tpu.memref_slice %arg2[%dma_start3A_330, %dma_start3A_331] : memref<20480x64xf32, #tpu.memory_space<hbm>> -> memref<20480x64xf32, #tpu.memory_space<hbm>>
        tpu.enqueue_indirect_dma source(%dma_start3A_332 : memref<20480x64xf32, #tpu.memory_space<hbm>>) target(%dma_start3A_326 : memref<80x64xf32, #tpu.memory_space<vmem>>) offsets(%dma_start3A_329 : memref<80xi32, #tpu.memory_space<vmem>>) semaphore(%arg11 : memref<!tpu.dma_semaphore, #tpu.memory_space<semaphore_mem>>)
      } else {
      }
      %add3A_254 = arith.constant 3 : i32
      %add3A_255 = arith.addi %mul3A_161, %add3A_254 : i32
      %dma_wait3A_256 = arith.constant 0 : i32
      %dma_wait3A_257 = arith.constant 3 : i32
      %dma_wait3A_258 = arith.constant 0 : i32
      %dma_wait3A_259 = arith.constant 0 : i32
      %dma_wait3A_260 = tpu.memref_slice %arg9[%dma_wait3A_257, %dma_wait3A_258, %dma_wait3A_259] : memref<5x80x64xf32, #tpu.memory_space<vmem>> -> memref<1x80x64xf32, #tpu.memory_space<vmem>>
      %dma_wait3A_261 = tpu.memref_squeeze %dma_wait3A_260 : memref<1x80x64xf32, #tpu.memory_space<vmem>> -> memref<80x64xf32, #tpu.memory_space<vmem>>
      %dma_wait3A_262 = arith.constant 0 : i32
      %dma_wait3A_263 = tpu.memref_slice %arg7[%dma_wait3A_256, %dma_wait3A_262] : memref<250x80xi32, #tpu.memory_space<vmem>> -> memref<1x80xi32, #tpu.memory_space<vmem>>
      %dma_wait3A_264 = tpu.memref_squeeze %dma_wait3A_263 : memref<1x80xi32, #tpu.memory_space<vmem>> -> memref<80xi32, #tpu.memory_space<vmem>>
      %dma_wait3A_265 = arith.constant 0 : i32
      %dma_wait3A_266 = arith.constant 0 : i32
      %dma_wait3A_267 = tpu.memref_slice %arg2[%dma_wait3A_265, %dma_wait3A_266] : memref<20480x64xf32, #tpu.memory_space<hbm>> -> memref<20480x64xf32, #tpu.memory_space<hbm>>
      tpu.wait_indirect_dma semaphore(%arg14 : memref<!tpu.dma_semaphore, #tpu.memory_space<semaphore_mem>>) src(%dma_wait3A_267 : memref<20480x64xf32, #tpu.memory_space<hbm>>) dst(%dma_wait3A_261 : memref<80x64xf32, #tpu.memory_space<vmem>>)
      %dma_start3A_268 = arith.constant 3 : i32
      %dma_start3A_269 = arith.constant 0 : i32
      %dma_start3A_270 = arith.constant 0 : i32
      %dma_start3A_271 = tpu.memref_slice %arg9[%dma_start3A_268, %dma_start3A_269, %dma_start3A_270] : memref<5x80x64xf32, #tpu.memory_space<vmem>> -> memref<1x80x64xf32, #tpu.memory_space<vmem>>
      %dma_start3A_272 = tpu.memref_squeeze %dma_start3A_271 : memref<1x80x64xf32, #tpu.memory_space<vmem>> -> memref<80x64xf32, #tpu.memory_space<vmem>>
      %dma_start3A_273 = arith.constant 0 : i32
      %dma_start3A_274 = tpu.memref_slice %arg8[%add3A_255, %dma_start3A_273] : memref<250x80xi32, #tpu.memory_space<vmem>> -> memref<1x80xi32, #tpu.memory_space<vmem>>
      %dma_start3A_275 = tpu.memref_squeeze %dma_start3A_274 : memref<1x80xi32, #tpu.memory_space<vmem>> -> memref<80xi32, #tpu.memory_space<vmem>>
      %dma_start3A_276 = arith.constant 0 : i32
      %dma_start3A_277 = arith.constant 0 : i32
      %dma_start3A_278 = tpu.memref_slice %arg10[%dma_start3A_276, %dma_start3A_277] : memref<10240x64xf32, #tpu.memory_space<vmem_shared>> -> memref<10240x64xf32, #tpu.memory_space<vmem_shared>>
      tpu.enqueue_indirect_dma source(%dma_start3A_272 : memref<80x64xf32, #tpu.memory_space<vmem>>) target(%dma_start3A_278 : memref<10240x64xf32, #tpu.memory_space<vmem_shared>>) offsets(%dma_start3A_275 : memref<80xi32, #tpu.memory_space<vmem>>) semaphore(%arg19 : memref<!tpu.dma_semaphore, #tpu.memory_space<semaphore_mem>>) {add = true}
      %add3A_279 = arith.constant 3 : i32
      %add3A_280 = arith.addi %add3A_255, %add3A_279 : i32
      %lt3A_281 = arith.constant 250 : i32
      %lt3A_282 = arith.cmpi slt, %add3A_280, %lt3A_281 : i32
      %convert_element_type3A_283 = arith.extui %lt3A_282 : i1 to i32
      %cond3A_284 = arith.constant 0 : i32
      %cond3A_285 = arith.cmpi ne, %convert_element_type3A_283, %cond3A_284 : i32
      scf.if %cond3A_285 {
        %ge3A = arith.constant 5 : i32
        %ge3A_318 = arith.cmpi sge, %add3A_280, %ge3A : i32
        %convert_element_type3A_319 = arith.extui %ge3A_318 : i1 to i32
        %cond3A_320 = arith.constant 0 : i32
        %cond3A_321 = arith.cmpi ne, %convert_element_type3A_319, %cond3A_320 : i32
        scf.if %cond3A_321 {
          %dma_wait3A_333 = arith.constant 1 : i32
          %dma_wait3A_334 = arith.constant 0 : i32
          %dma_wait3A_335 = arith.constant 0 : i32
          %dma_wait3A_336 = arith.constant 0 : i32
          %dma_wait3A_337 = tpu.memref_slice %arg9[%dma_wait3A_333, %dma_wait3A_335, %dma_wait3A_336] : memref<5x80x64xf32, #tpu.memory_space<vmem>> -> memref<1x80x64xf32, #tpu.memory_space<vmem>>
          %dma_wait3A_338 = tpu.memref_squeeze %dma_wait3A_337 : memref<1x80x64xf32, #tpu.memory_space<vmem>> -> memref<80x64xf32, #tpu.memory_space<vmem>>
          %dma_wait3A_339 = arith.constant 0 : i32
          %dma_wait3A_340 = tpu.memref_slice %arg8[%dma_wait3A_334, %dma_wait3A_339] : memref<250x80xi32, #tpu.memory_space<vmem>> -> memref<1x80xi32, #tpu.memory_space<vmem>>
          %dma_wait3A_341 = tpu.memref_squeeze %dma_wait3A_340 : memref<1x80xi32, #tpu.memory_space<vmem>> -> memref<80xi32, #tpu.memory_space<vmem>>
          %dma_wait3A_342 = arith.constant 0 : i32
          %dma_wait3A_343 = arith.constant 0 : i32
          %dma_wait3A_344 = tpu.memref_slice %arg10[%dma_wait3A_342, %dma_wait3A_343] : memref<10240x64xf32, #tpu.memory_space<vmem_shared>> -> memref<10240x64xf32, #tpu.memory_space<vmem_shared>>
          tpu.wait_indirect_dma semaphore(%arg17 : memref<!tpu.dma_semaphore, #tpu.memory_space<semaphore_mem>>) src(%dma_wait3A_338 : memref<80x64xf32, #tpu.memory_space<vmem>>) dst(%dma_wait3A_344 : memref<10240x64xf32, #tpu.memory_space<vmem_shared>>)
        } else {
        }
        %dma_start3A_322 = arith.constant 1 : i32
        %dma_start3A_323 = arith.constant 0 : i32
        %dma_start3A_324 = arith.constant 0 : i32
        %dma_start3A_325 = tpu.memref_slice %arg9[%dma_start3A_322, %dma_start3A_323, %dma_start3A_324] : memref<5x80x64xf32, #tpu.memory_space<vmem>> -> memref<1x80x64xf32, #tpu.memory_space<vmem>>
        %dma_start3A_326 = tpu.memref_squeeze %dma_start3A_325 : memref<1x80x64xf32, #tpu.memory_space<vmem>> -> memref<80x64xf32, #tpu.memory_space<vmem>>
        %dma_start3A_327 = arith.constant 0 : i32
        %dma_start3A_328 = tpu.memref_slice %arg7[%add3A_280, %dma_start3A_327] : memref<250x80xi32, #tpu.memory_space<vmem>> -> memref<1x80xi32, #tpu.memory_space<vmem>>
        %dma_start3A_329 = tpu.memref_squeeze %dma_start3A_328 : memref<1x80xi32, #tpu.memory_space<vmem>> -> memref<80xi32, #tpu.memory_space<vmem>>
        %dma_start3A_330 = arith.constant 0 : i32
        %dma_start3A_331 = arith.constant 0 : i32
        %dma_start3A_332 = tpu.memref_slice %arg2[%dma_start3A_330, %dma_start3A_331] : memref<20480x64xf32, #tpu.memory_space<hbm>> -> memref<20480x64xf32, #tpu.memory_space<hbm>>
        tpu.enqueue_indirect_dma source(%dma_start3A_332 : memref<20480x64xf32, #tpu.memory_space<hbm>>) target(%dma_start3A_326 : memref<80x64xf32, #tpu.memory_space<vmem>>) offsets(%dma_start3A_329 : memref<80xi32, #tpu.memory_space<vmem>>) semaphore(%arg12 : memref<!tpu.dma_semaphore, #tpu.memory_space<semaphore_mem>>)
      } else {
      }
      %add3A_286 = arith.constant 4 : i32
      %add3A_287 = arith.addi %mul3A_161, %add3A_286 : i32
      %dma_wait3A_288 = arith.constant 0 : i32
      %dma_wait3A_289 = arith.constant 4 : i32
      %dma_wait3A_290 = arith.constant 0 : i32
      %dma_wait3A_291 = arith.constant 0 : i32
      %dma_wait3A_292 = tpu.memref_slice %arg9[%dma_wait3A_289, %dma_wait3A_290, %dma_wait3A_291] : memref<5x80x64xf32, #tpu.memory_space<vmem>> -> memref<1x80x64xf32, #tpu.memory_space<vmem>>
      %dma_wait3A_293 = tpu.memref_squeeze %dma_wait3A_292 : memref<1x80x64xf32, #tpu.memory_space<vmem>> -> memref<80x64xf32, #tpu.memory_space<vmem>>
      %dma_wait3A_294 = arith.constant 0 : i32
      %dma_wait3A_295 = tpu.memref_slice %arg7[%dma_wait3A_288, %dma_wait3A_294] : memref<250x80xi32, #tpu.memory_space<vmem>> -> memref<1x80xi32, #tpu.memory_space<vmem>>
      %dma_wait3A_296 = tpu.memref_squeeze %dma_wait3A_295 : memref<1x80xi32, #tpu.memory_space<vmem>> -> memref<80xi32, #tpu.memory_space<vmem>>
      %dma_wait3A_297 = arith.constant 0 : i32
      %dma_wait3A_298 = arith.constant 0 : i32
      %dma_wait3A_299 = tpu.memref_slice %arg2[%dma_wait3A_297, %dma_wait3A_298] : memref<20480x64xf32, #tpu.memory_space<hbm>> -> memref<20480x64xf32, #tpu.memory_space<hbm>>
      tpu.wait_indirect_dma semaphore(%arg15 : memref<!tpu.dma_semaphore, #tpu.memory_space<semaphore_mem>>) src(%dma_wait3A_299 : memref<20480x64xf32, #tpu.memory_space<hbm>>) dst(%dma_wait3A_293 : memref<80x64xf32, #tpu.memory_space<vmem>>)
      %dma_start3A_300 = arith.constant 4 : i32
      %dma_start3A_301 = arith.constant 0 : i32
      %dma_start3A_302 = arith.constant 0 : i32
      %dma_start3A_303 = tpu.memref_slice %arg9[%dma_start3A_300, %dma_start3A_301, %dma_start3A_302] : memref<5x80x64xf32, #tpu.memory_space<vmem>> -> memref<1x80x64xf32, #tpu.memory_space<vmem>>
      %dma_start3A_304 = tpu.memref_squeeze %dma_start3A_303 : memref<1x80x64xf32, #tpu.memory_space<vmem>> -> memref<80x64xf32, #tpu.memory_space<vmem>>
      %dma_start3A_305 = arith.constant 0 : i32
      %dma_start3A_306 = tpu.memref_slice %arg8[%add3A_287, %dma_start3A_305] : memref<250x80xi32, #tpu.memory_space<vmem>> -> memref<1x80xi32, #tpu.memory_space<vmem>>
      %dma_start3A_307 = tpu.memref_squeeze %dma_start3A_306 : memref<1x80xi32, #tpu.memory_space<vmem>> -> memref<80xi32, #tpu.memory_space<vmem>>
      %dma_start3A_308 = arith.constant 0 : i32
      %dma_start3A_309 = arith.constant 0 : i32
      %dma_start3A_310 = tpu.memref_slice %arg10[%dma_start3A_308, %dma_start3A_309] : memref<10240x64xf32, #tpu.memory_space<vmem_shared>> -> memref<10240x64xf32, #tpu.memory_space<vmem_shared>>
      tpu.enqueue_indirect_dma source(%dma_start3A_304 : memref<80x64xf32, #tpu.memory_space<vmem>>) target(%dma_start3A_310 : memref<10240x64xf32, #tpu.memory_space<vmem_shared>>) offsets(%dma_start3A_307 : memref<80xi32, #tpu.memory_space<vmem>>) semaphore(%arg20 : memref<!tpu.dma_semaphore, #tpu.memory_space<semaphore_mem>>) {add = true}
      %add3A_311 = arith.constant 3 : i32
      %add3A_312 = arith.addi %add3A_287, %add3A_311 : i32
      %lt3A_313 = arith.constant 250 : i32
      %lt3A_314 = arith.cmpi slt, %add3A_312, %lt3A_313 : i32
      %convert_element_type3A_315 = arith.extui %lt3A_314 : i1 to i32
      %cond3A_316 = arith.constant 0 : i32
      %cond3A_317 = arith.cmpi ne, %convert_element_type3A_315, %cond3A_316 : i32
      scf.if %cond3A_317 {
        %ge3A = arith.constant 5 : i32
        %ge3A_318 = arith.cmpi sge, %add3A_312, %ge3A : i32
        %convert_element_type3A_319 = arith.extui %ge3A_318 : i1 to i32
        %cond3A_320 = arith.constant 0 : i32
        %cond3A_321 = arith.cmpi ne, %convert_element_type3A_319, %cond3A_320 : i32
        scf.if %cond3A_321 {
          %dma_wait3A_333 = arith.constant 2 : i32
          %dma_wait3A_334 = arith.constant 0 : i32
          %dma_wait3A_335 = arith.constant 0 : i32
          %dma_wait3A_336 = arith.constant 0 : i32
          %dma_wait3A_337 = tpu.memref_slice %arg9[%dma_wait3A_333, %dma_wait3A_335, %dma_wait3A_336] : memref<5x80x64xf32, #tpu.memory_space<vmem>> -> memref<1x80x64xf32, #tpu.memory_space<vmem>>
          %dma_wait3A_338 = tpu.memref_squeeze %dma_wait3A_337 : memref<1x80x64xf32, #tpu.memory_space<vmem>> -> memref<80x64xf32, #tpu.memory_space<vmem>>
          %dma_wait3A_339 = arith.constant 0 : i32
          %dma_wait3A_340 = tpu.memref_slice %arg8[%dma_wait3A_334, %dma_wait3A_339] : memref<250x80xi32, #tpu.memory_space<vmem>> -> memref<1x80xi32, #tpu.memory_space<vmem>>
          %dma_wait3A_341 = tpu.memref_squeeze %dma_wait3A_340 : memref<1x80xi32, #tpu.memory_space<vmem>> -> memref<80xi32, #tpu.memory_space<vmem>>
          %dma_wait3A_342 = arith.constant 0 : i32
          %dma_wait3A_343 = arith.constant 0 : i32
          %dma_wait3A_344 = tpu.memref_slice %arg10[%dma_wait3A_342, %dma_wait3A_343] : memref<10240x64xf32, #tpu.memory_space<vmem_shared>> -> memref<10240x64xf32, #tpu.memory_space<vmem_shared>>
          tpu.wait_indirect_dma semaphore(%arg18 : memref<!tpu.dma_semaphore, #tpu.memory_space<semaphore_mem>>) src(%dma_wait3A_338 : memref<80x64xf32, #tpu.memory_space<vmem>>) dst(%dma_wait3A_344 : memref<10240x64xf32, #tpu.memory_space<vmem_shared>>)
        } else {
        }
        %dma_start3A_322 = arith.constant 2 : i32
        %dma_start3A_323 = arith.constant 0 : i32
        %dma_start3A_324 = arith.constant 0 : i32
        %dma_start3A_325 = tpu.memref_slice %arg9[%dma_start3A_322, %dma_start3A_323, %dma_start3A_324] : memref<5x80x64xf32, #tpu.memory_space<vmem>> -> memref<1x80x64xf32, #tpu.memory_space<vmem>>
        %dma_start3A_326 = tpu.memref_squeeze %dma_start3A_325 : memref<1x80x64xf32, #tpu.memory_space<vmem>> -> memref<80x64xf32, #tpu.memory_space<vmem>>
        %dma_start3A_327 = arith.constant 0 : i32
        %dma_start3A_328 = tpu.memref_slice %arg7[%add3A_312, %dma_start3A_327] : memref<250x80xi32, #tpu.memory_space<vmem>> -> memref<1x80xi32, #tpu.memory_space<vmem>>
        %dma_start3A_329 = tpu.memref_squeeze %dma_start3A_328 : memref<1x80xi32, #tpu.memory_space<vmem>> -> memref<80xi32, #tpu.memory_space<vmem>>
        %dma_start3A_330 = arith.constant 0 : i32
        %dma_start3A_331 = arith.constant 0 : i32
        %dma_start3A_332 = tpu.memref_slice %arg2[%dma_start3A_330, %dma_start3A_331] : memref<20480x64xf32, #tpu.memory_space<hbm>> -> memref<20480x64xf32, #tpu.memory_space<hbm>>
        tpu.enqueue_indirect_dma source(%dma_start3A_332 : memref<20480x64xf32, #tpu.memory_space<hbm>>) target(%dma_start3A_326 : memref<80x64xf32, #tpu.memory_space<vmem>>) offsets(%dma_start3A_329 : memref<80xi32, #tpu.memory_space<vmem>>) semaphore(%arg13 : memref<!tpu.dma_semaphore, #tpu.memory_space<semaphore_mem>>)
      } else {
      }
    }
    %scan3A_91 = arith.constant 50 : i32
    %dma_wait3A_92 = arith.constant 0 : i32
    %dma_wait3A_93 = arith.constant 0 : i32
    %dma_wait3A_94 = arith.constant 0 : i32
    %dma_wait3A_95 = arith.constant 0 : i32
    %dma_wait3A_96 = tpu.memref_slice %arg9[%dma_wait3A_92, %dma_wait3A_94, %dma_wait3A_95] : memref<5x80x64xf32, #tpu.memory_space<vmem>> -> memref<1x80x64xf32, #tpu.memory_space<vmem>>
    %dma_wait3A_97 = tpu.memref_squeeze %dma_wait3A_96 : memref<1x80x64xf32, #tpu.memory_space<vmem>> -> memref<80x64xf32, #tpu.memory_space<vmem>>
    %dma_wait3A_98 = arith.constant 0 : i32
    %dma_wait3A_99 = tpu.memref_slice %arg8[%dma_wait3A_93, %dma_wait3A_98] : memref<250x80xi32, #tpu.memory_space<vmem>> -> memref<1x80xi32, #tpu.memory_space<vmem>>
    %dma_wait3A_100 = tpu.memref_squeeze %dma_wait3A_99 : memref<1x80xi32, #tpu.memory_space<vmem>> -> memref<80xi32, #tpu.memory_space<vmem>>
    %dma_wait3A_101 = arith.constant 0 : i32
    %dma_wait3A_102 = arith.constant 0 : i32
    %dma_wait3A_103 = tpu.memref_slice %arg10[%dma_wait3A_101, %dma_wait3A_102] : memref<10240x64xf32, #tpu.memory_space<vmem_shared>> -> memref<10240x64xf32, #tpu.memory_space<vmem_shared>>
    tpu.wait_indirect_dma semaphore(%arg16 : memref<!tpu.dma_semaphore, #tpu.memory_space<semaphore_mem>>) src(%dma_wait3A_97 : memref<80x64xf32, #tpu.memory_space<vmem>>) dst(%dma_wait3A_103 : memref<10240x64xf32, #tpu.memory_space<vmem_shared>>)
    %dma_wait3A_104 = arith.constant 1 : i32
    %dma_wait3A_105 = arith.constant 0 : i32
    %dma_wait3A_106 = arith.constant 0 : i32
    %dma_wait3A_107 = arith.constant 0 : i32
    %dma_wait3A_108 = tpu.memref_slice %arg9[%dma_wait3A_104, %dma_wait3A_106, %dma_wait3A_107] : memref<5x80x64xf32, #tpu.memory_space<vmem>> -> memref<1x80x64xf32, #tpu.memory_space<vmem>>
    %dma_wait3A_109 = tpu.memref_squeeze %dma_wait3A_108 : memref<1x80x64xf32, #tpu.memory_space<vmem>> -> memref<80x64xf32, #tpu.memory_space<vmem>>
    %dma_wait3A_110 = arith.constant 0 : i32
    %dma_wait3A_111 = tpu.memref_slice %arg8[%dma_wait3A_105, %dma_wait3A_110] : memref<250x80xi32, #tpu.memory_space<vmem>> -> memref<1x80xi32, #tpu.memory_space<vmem>>
    %dma_wait3A_112 = tpu.memref_squeeze %dma_wait3A_111 : memref<1x80xi32, #tpu.memory_space<vmem>> -> memref<80xi32, #tpu.memory_space<vmem>>
    %dma_wait3A_113 = arith.constant 0 : i32
    %dma_wait3A_114 = arith.constant 0 : i32
    %dma_wait3A_115 = tpu.memref_slice %arg10[%dma_wait3A_113, %dma_wait3A_114] : memref<10240x64xf32, #tpu.memory_space<vmem_shared>> -> memref<10240x64xf32, #tpu.memory_space<vmem_shared>>
    tpu.wait_indirect_dma semaphore(%arg17 : memref<!tpu.dma_semaphore, #tpu.memory_space<semaphore_mem>>) src(%dma_wait3A_109 : memref<80x64xf32, #tpu.memory_space<vmem>>) dst(%dma_wait3A_115 : memref<10240x64xf32, #tpu.memory_space<vmem_shared>>)
    %dma_wait3A_116 = arith.constant 2 : i32
    %dma_wait3A_117 = arith.constant 0 : i32
    %dma_wait3A_118 = arith.constant 0 : i32
    %dma_wait3A_119 = arith.constant 0 : i32
    %dma_wait3A_120 = tpu.memref_slice %arg9[%dma_wait3A_116, %dma_wait3A_118, %dma_wait3A_119] : memref<5x80x64xf32, #tpu.memory_space<vmem>> -> memref<1x80x64xf32, #tpu.memory_space<vmem>>
    %dma_wait3A_121 = tpu.memref_squeeze %dma_wait3A_120 : memref<1x80x64xf32, #tpu.memory_space<vmem>> -> memref<80x64xf32, #tpu.memory_space<vmem>>
    %dma_wait3A_122 = arith.constant 0 : i32
    %dma_wait3A_123 = tpu.memref_slice %arg8[%dma_wait3A_117, %dma_wait3A_122] : memref<250x80xi32, #tpu.memory_space<vmem>> -> memref<1x80xi32, #tpu.memory_space<vmem>>
    %dma_wait3A_124 = tpu.memref_squeeze %dma_wait3A_123 : memref<1x80xi32, #tpu.memory_space<vmem>> -> memref<80xi32, #tpu.memory_space<vmem>>
    %dma_wait3A_125 = arith.constant 0 : i32
    %dma_wait3A_126 = arith.constant 0 : i32
    %dma_wait3A_127 = tpu.memref_slice %arg10[%dma_wait3A_125, %dma_wait3A_126] : memref<10240x64xf32, #tpu.memory_space<vmem_shared>> -> memref<10240x64xf32, #tpu.memory_space<vmem_shared>>
    tpu.wait_indirect_dma semaphore(%arg18 : memref<!tpu.dma_semaphore, #tpu.memory_space<semaphore_mem>>) src(%dma_wait3A_121 : memref<80x64xf32, #tpu.memory_space<vmem>>) dst(%dma_wait3A_127 : memref<10240x64xf32, #tpu.memory_space<vmem_shared>>)
    %dma_wait3A_128 = arith.constant 3 : i32
    %dma_wait3A_129 = arith.constant 0 : i32
    %dma_wait3A_130 = arith.constant 0 : i32
    %dma_wait3A_131 = arith.constant 0 : i32
    %dma_wait3A_132 = tpu.memref_slice %arg9[%dma_wait3A_128, %dma_wait3A_130, %dma_wait3A_131] : memref<5x80x64xf32, #tpu.memory_space<vmem>> -> memref<1x80x64xf32, #tpu.memory_space<vmem>>
    %dma_wait3A_133 = tpu.memref_squeeze %dma_wait3A_132 : memref<1x80x64xf32, #tpu.memory_space<vmem>> -> memref<80x64xf32, #tpu.memory_space<vmem>>
    %dma_wait3A_134 = arith.constant 0 : i32
    %dma_wait3A_135 = tpu.memref_slice %arg8[%dma_wait3A_129, %dma_wait3A_134] : memref<250x80xi32, #tpu.memory_space<vmem>> -> memref<1x80xi32, #tpu.memory_space<vmem>>
    %dma_wait3A_136 = tpu.memref_squeeze %dma_wait3A_135 : memref<1x80xi32, #tpu.memory_space<vmem>> -> memref<80xi32, #tpu.memory_space<vmem>>
    %dma_wait3A_137 = arith.constant 0 : i32
    %dma_wait3A_138 = arith.constant 0 : i32
    %dma_wait3A_139 = tpu.memref_slice %arg10[%dma_wait3A_137, %dma_wait3A_138] : memref<10240x64xf32, #tpu.memory_space<vmem_shared>> -> memref<10240x64xf32, #tpu.memory_space<vmem_shared>>
    tpu.wait_indirect_dma semaphore(%arg19 : memref<!tpu.dma_semaphore, #tpu.memory_space<semaphore_mem>>) src(%dma_wait3A_133 : memref<80x64xf32, #tpu.memory_space<vmem>>) dst(%dma_wait3A_139 : memref<10240x64xf32, #tpu.memory_space<vmem_shared>>)
    %dma_wait3A_140 = arith.constant 4 : i32
    %dma_wait3A_141 = arith.constant 0 : i32
    %dma_wait3A_142 = arith.constant 0 : i32
    %dma_wait3A_143 = arith.constant 0 : i32
    %dma_wait3A_144 = tpu.memref_slice %arg9[%dma_wait3A_140, %dma_wait3A_142, %dma_wait3A_143] : memref<5x80x64xf32, #tpu.memory_space<vmem>> -> memref<1x80x64xf32, #tpu.memory_space<vmem>>
    %dma_wait3A_145 = tpu.memref_squeeze %dma_wait3A_144 : memref<1x80x64xf32, #tpu.memory_space<vmem>> -> memref<80x64xf32, #tpu.memory_space<vmem>>
    %dma_wait3A_146 = arith.constant 0 : i32
    %dma_wait3A_147 = tpu.memref_slice %arg8[%dma_wait3A_141, %dma_wait3A_146] : memref<250x80xi32, #tpu.memory_space<vmem>> -> memref<1x80xi32, #tpu.memory_space<vmem>>
    %dma_wait3A_148 = tpu.memref_squeeze %dma_wait3A_147 : memref<1x80xi32, #tpu.memory_space<vmem>> -> memref<80xi32, #tpu.memory_space<vmem>>
    %dma_wait3A_149 = arith.constant 0 : i32
    %dma_wait3A_150 = arith.constant 0 : i32
    %dma_wait3A_151 = tpu.memref_slice %arg10[%dma_wait3A_149, %dma_wait3A_150] : memref<10240x64xf32, #tpu.memory_space<vmem_shared>> -> memref<10240x64xf32, #tpu.memory_space<vmem_shared>>
    tpu.wait_indirect_dma semaphore(%arg20 : memref<!tpu.dma_semaphore, #tpu.memory_space<semaphore_mem>>) src(%dma_wait3A_145 : memref<80x64xf32, #tpu.memory_space<vmem>>) dst(%dma_wait3A_151 : memref<10240x64xf32, #tpu.memory_space<vmem_shared>>)
    %barrier3A_152 = arith.constant 0 : index
    tpu.barrier barrier_id(%barrier3A_152)
    %mul3A_153 = arith.constant 640 : i32
    %mul3A_154 = arith.muli %arg1, %mul3A_153 : i32
    %mul3A_155 = arith.constant 640 : i32
    %mul3A_156 = arith.muli %arg1, %mul3A_155 : i32
    %mul3A_157 = arith.constant 64 : i32
    %mul3A_158 = arith.muli %arg0, %mul3A_157 : i32
    "tpu.region"() ({
      %run_scoped3A = tpu.sem_alloc : memref<!tpu.dma_semaphore, #tpu.memory_space<semaphore_mem>>
      %dma_start3A_159 = tpu.memref_slice %arg6[%mul3A_156, %mul3A_158] : memref<10240x128xf32, #tpu.memory_space<hbm>> -> memref<640x64xf32, #tpu.memory_space<hbm>>
      %dma_start3A_160 = arith.constant 0 : i32
      %dma_start3A_161 = tpu.memref_slice %arg10[%mul3A_154, %dma_start3A_160] : memref<10240x64xf32, #tpu.memory_space<vmem_shared>> -> memref<640x64xf32, #tpu.memory_space<vmem_shared>>
      tpu.enqueue_dma source(%dma_start3A_161 : memref<640x64xf32, #tpu.memory_space<vmem_shared>>) target(%dma_start3A_159 : memref<640x64xf32, #tpu.memory_space<hbm>>) target_semaphore(%run_scoped3A : memref<!tpu.dma_semaphore, #tpu.memory_space<semaphore_mem>>)
      %dma_wait3A_162 = tpu.memref_slice %arg6[%mul3A_156, %mul3A_158] : memref<10240x128xf32, #tpu.memory_space<hbm>> -> memref<640x64xf32, #tpu.memory_space<hbm>>
      %dma_wait3A_163 = arith.constant 0 : i32
      %dma_wait3A_164 = tpu.memref_slice %arg10[%mul3A_154, %dma_wait3A_163] : memref<10240x64xf32, #tpu.memory_space<vmem_shared>> -> memref<640x64xf32, #tpu.memory_space<vmem_shared>>
      tpu.wait_dma2 semaphore(%run_scoped3A : memref<!tpu.dma_semaphore, #tpu.memory_space<semaphore_mem>>) src(%dma_wait3A_164 : memref<640x64xf32, #tpu.memory_space<vmem_shared>>) dst(%dma_wait3A_162 : memref<640x64xf32, #tpu.memory_space<hbm>>)
      tpu.yield
    }) : () -> ()
    return
  }
}

module attributes {stable_mosaic.version = 14 : i64} {
  func.func @_scale_body(%arg0: i32, %arg1: memref<2x2048xf32, #tpu.memory_space<vmem>>, %arg2: memref<2048x128xf32, #tpu.memory_space<vmem>>, %arg3: memref<2048x128xf32, #tpu.memory_space<vmem>>) attributes {dimension_semantics = [#tpu.dimension_semantics<arbitrary>], iteration_bounds = array<i64: 5>, scalar_prefetch = 0 : i64, scratch_operands = 0 : i64, tpu.core_type = #tpu.core_type<tc>, window_params = [{transform_indices = @transform_0, window_bounds = array<i64: 2, 2048>}, {transform_indices = @transform_1, window_bounds = array<i64: 2048, 128>}, {transform_indices = @transform_2, window_bounds = array<i64: 2048, 128>}]} {
    %get3A = arith.constant 0 : index
    %get3A_0 = arith.constant 0 : index
    %get3A_1 = vector.load %arg1[%get3A, %get3A_0] : memref<2x2048xf32, #tpu.memory_space<vmem>>, vector<2x2048xf32>
    %transpose3A = tpu.transpose %get3A_1, [1, 0] : vector<2x2048xf32> -> vector<2048x2xf32>
    %slice3A = vector.extract_strided_slice %transpose3A {offsets = [0, 0], sizes = [2048, 1], strides = [1, 1]} : vector<2048x2xf32> to vector<2048x1xf32>
    %slice3A_2 = vector.extract_strided_slice %transpose3A {offsets = [0, 1], sizes = [2048, 1], strides = [1, 1]} : vector<2048x2xf32> to vector<2048x1xf32>
    %add3A = arith.addf %slice3A, %slice3A_2 : vector<2048x1xf32>
    %add3A_3 = arith.constant 1.000000e+00 : f32
    %add3A_4 = vector.broadcast %add3A_3 : f32 to vector<2048x1xf32>
    %add3A_5 = arith.addf %add3A, %add3A_4 : vector<2048x1xf32>
    %rsqrt3A = math.rsqrt %add3A_5 : vector<2048x1xf32>
    %get3A_6 = arith.constant 0 : index
    %get3A_7 = arith.constant 0 : index
    %get3A_8 = vector.load %arg2[%get3A_6, %get3A_7] : memref<2048x128xf32, #tpu.memory_space<vmem>>, vector<2048x128xf32>
    %mul3A = vector.broadcast %rsqrt3A : vector<2048x1xf32> to vector<2048x128xf32>
    %mul3A_9 = arith.mulf %mul3A, %get3A_8 : vector<2048x128xf32>
    %swap3A = arith.constant 0 : index
    %swap3A_10 = arith.constant 0 : index
    %swap3A_11 = vector.load %arg3[%swap3A, %swap3A_10] : memref<2048x128xf32, #tpu.memory_space<vmem>>, vector<2048x128xf32>
    tpu.vector_store %arg3[%swap3A, %swap3A_10], %mul3A_9 {strides = array<i32>} : memref<2048x128xf32, #tpu.memory_space<vmem>>, vector<2048x128xf32>,
    return
  }
  func.func @transform_0(%arg0: i32) -> (i32, i32) {
    %c0_i32 = arith.constant 0 : i32
    %c0_i32_0 = arith.constant 0 : i32
    return %c0_i32, %arg0 : i32, i32
  }
  func.func @transform_1(%arg0: i32) -> (i32, i32) {
    %c0_i32 = arith.constant 0 : i32
    %c0_i32_0 = arith.constant 0 : i32
    return %arg0, %c0_i32 : i32, i32
  }
  func.func @transform_2(%arg0: i32) -> (i32, i32) {
    %c0_i32 = arith.constant 0 : i32
    %c0_i32_0 = arith.constant 0 : i32
    return %arg0, %c0_i32 : i32, i32
  }
}

module attributes {stable_mosaic.version = 14 : i64} {
  func.func @_layer_body(%arg0: i32, %arg1: memref<2x2048xf32, #tpu.memory_space<vmem>>, %arg2: memref<2048x128xf32, #tpu.memory_space<vmem>>, %arg3: memref<2048x128xf32, #tpu.memory_space<vmem>>, %arg4: memref<128x128xf32, #tpu.memory_space<vmem>>, %arg5: memref<1x128xf32, #tpu.memory_space<vmem>>, %arg6: memref<2048x128xf32, #tpu.memory_space<vmem>>) attributes {dimension_semantics = [#tpu.dimension_semantics<arbitrary>], iteration_bounds = array<i64: 5>, scalar_prefetch = 0 : i64, scratch_operands = 0 : i64, tpu.core_type = #tpu.core_type<tc>, window_params = [{transform_indices = @transform_0, window_bounds = array<i64: 2, 2048>}, {transform_indices = @transform_1, window_bounds = array<i64: 2048, 128>}, {transform_indices = @transform_2, window_bounds = array<i64: 2048, 128>}, {pipeline_mode = #tpu.pipeline_mode<synchronous>, transform_indices = @transform_3, window_bounds = array<i64: 128, 128>}, {pipeline_mode = #tpu.pipeline_mode<synchronous>, transform_indices = @transform_4, window_bounds = array<i64: 1, 128>}, {transform_indices = @transform_5, window_bounds = array<i64: 2048, 128>}]} {
    %get3A = arith.constant 0 : index
    %get3A_0 = arith.constant 0 : index
    %get3A_1 = vector.load %arg1[%get3A, %get3A_0] : memref<2x2048xf32, #tpu.memory_space<vmem>>, vector<2x2048xf32>
    %transpose3A = tpu.transpose %get3A_1, [1, 0] : vector<2x2048xf32> -> vector<2048x2xf32>
    %slice3A = vector.extract_strided_slice %transpose3A {offsets = [0, 0], sizes = [2048, 1], strides = [1, 1]} : vector<2048x2xf32> to vector<2048x1xf32>
    %slice3A_2 = vector.extract_strided_slice %transpose3A {offsets = [0, 1], sizes = [2048, 1], strides = [1, 1]} : vector<2048x2xf32> to vector<2048x1xf32>
    %add3A = arith.addf %slice3A, %slice3A_2 : vector<2048x1xf32>
    %add3A_3 = arith.constant 1.000000e+00 : f32
    %add3A_4 = vector.broadcast %add3A_3 : f32 to vector<2048x1xf32>
    %add3A_5 = arith.addf %add3A, %add3A_4 : vector<2048x1xf32>
    %rsqrt3A = math.rsqrt %add3A_5 : vector<2048x1xf32>
    %get3A_6 = arith.constant 0 : index
    %get3A_7 = arith.constant 0 : index
    %get3A_8 = vector.load %arg2[%get3A_6, %get3A_7] : memref<2048x128xf32, #tpu.memory_space<vmem>>, vector<2048x128xf32>
    %get3A_9 = arith.constant 0 : index
    %get3A_10 = arith.constant 0 : index
    %get3A_11 = vector.load %arg3[%get3A_9, %get3A_10] : memref<2048x128xf32, #tpu.memory_space<vmem>>, vector<2048x128xf32>
    %add3A_12 = arith.addf %get3A_8, %get3A_11 : vector<2048x128xf32>
    %mul3A = vector.broadcast %rsqrt3A : vector<2048x1xf32> to vector<2048x128xf32>
    %mul3A_13 = arith.mulf %mul3A, %add3A_12 : vector<2048x128xf32>
    %get3A_14 = arith.constant 0 : index
    %get3A_15 = arith.constant 0 : index
    %get3A_16 = vector.load %arg4[%get3A_14, %get3A_15] : memref<128x128xf32, #tpu.memory_space<vmem>>, vector<128x128xf32>
    %dot_general3A = arith.constant dense<0.000000e+00> : vector<2048x128xf32>
    %dot_general3A_17 = tpu.matmul %mul3A_13, %get3A_16, %dot_general3A {dimension_numbers = #tpu.dot_dimension_numbers<[1], [0], [0], [1], [0, 0, 1, 1], [], []>, transpose_lhs_hint = false} : vector<2048x128xf32>, vector<128x128xf32>, vector<2048x128xf32> -> vector<2048x128xf32>
    %get3A_18 = arith.constant 0 : index
    %get3A_19 = arith.constant 0 : index
    %get3A_20 = vector.load %arg5[%get3A_18, %get3A_19] : memref<1x128xf32, #tpu.memory_space<vmem>>, vector<1x128xf32>
    %add3A_21 = vector.broadcast %get3A_20 : vector<1x128xf32> to vector<2048x128xf32>
    %add3A_22 = arith.addf %dot_general3A_17, %add3A_21 : vector<2048x128xf32>
    %tanh3A = math.tanh %add3A_22 : vector<2048x128xf32>
    %mul3A_23 = vector.broadcast %rsqrt3A : vector<2048x1xf32> to vector<2048x128xf32>
    %mul3A_24 = arith.mulf %mul3A_23, %tanh3A : vector<2048x128xf32>
    %swap3A = arith.constant 0 : index
    %swap3A_25 = arith.constant 0 : index
    %swap3A_26 = vector.load %arg6[%swap3A, %swap3A_25] : memref<2048x128xf32, #tpu.memory_space<vmem>>, vector<2048x128xf32>
    tpu.vector_store %arg6[%swap3A, %swap3A_25], %mul3A_24 {strides = array<i32>} : memref<2048x128xf32, #tpu.memory_space<vmem>>, vector<2048x128xf32>,
    return
  }
  func.func @transform_0(%arg0: i32) -> (i32, i32) {
    %c0_i32 = arith.constant 0 : i32
    %c0_i32_0 = arith.constant 0 : i32
    return %c0_i32, %arg0 : i32, i32
  }
  func.func @transform_1(%arg0: i32) -> (i32, i32) {
    %c0_i32 = arith.constant 0 : i32
    %c0_i32_0 = arith.constant 0 : i32
    return %arg0, %c0_i32 : i32, i32
  }
  func.func @transform_2(%arg0: i32) -> (i32, i32) {
    %c0_i32 = arith.constant 0 : i32
    %c0_i32_0 = arith.constant 0 : i32
    return %arg0, %c0_i32 : i32, i32
  }
  func.func @transform_3(%arg0: i32) -> (i32, i32) {
    %c0_i32 = arith.constant 0 : i32
    %c0_i32_0 = arith.constant 0 : i32
    %c0_i32_1 = arith.constant 0 : i32
    return %c0_i32, %c0_i32_0 : i32, i32
  }
  func.func @transform_4(%arg0: i32) -> (i32, i32) {
    %c0_i32 = arith.constant 0 : i32
    %c0_i32_0 = arith.constant 0 : i32
    %c0_i32_1 = arith.constant 0 : i32
    return %c0_i32, %c0_i32_0 : i32, i32
  }
  func.func @transform_5(%arg0: i32) -> (i32, i32) {
    %c0_i32 = arith.constant 0 : i32
    %c0_i32_0 = arith.constant 0 : i32
    return %arg0, %c0_i32 : i32, i32
  }
}

module attributes {stable_mosaic.version = 14 : i64} {
  func.func @_head_body(%arg0: i32, %arg1: memref<2x2048xf32, #tpu.memory_space<vmem>>, %arg2: memref<2048x128xf32, #tpu.memory_space<vmem>>, %arg3: memref<2048x128xf32, #tpu.memory_space<vmem>>, %arg4: memref<128x64xf32, #tpu.memory_space<vmem>>, %arg5: memref<1x64xf32, #tpu.memory_space<vmem>>, %arg6: memref<128x64xf32, #tpu.memory_space<vmem>>, %arg7: memref<1x64xf32, #tpu.memory_space<vmem>>, %arg8: memref<2048x64xf32, #tpu.memory_space<vmem>>, %arg9: memref<2048x64xf32, #tpu.memory_space<vmem>>, %arg10: memref<2048x64xf32, #tpu.memory_space<vmem>>, %arg11: memref<2048x64xf32, #tpu.memory_space<vmem>>) attributes {dimension_semantics = [#tpu.dimension_semantics<arbitrary>], iteration_bounds = array<i64: 5>, scalar_prefetch = 0 : i64, scratch_operands = 0 : i64, tpu.core_type = #tpu.core_type<tc>, window_params = [{transform_indices = @transform_0, window_bounds = array<i64: 2, 2048>}, {transform_indices = @transform_1, window_bounds = array<i64: 2048, 128>}, {transform_indices = @transform_2, window_bounds = array<i64: 2048, 128>}, {pipeline_mode = #tpu.pipeline_mode<synchronous>, transform_indices = @transform_3, window_bounds = array<i64: 128, 64>}, {pipeline_mode = #tpu.pipeline_mode<synchronous>, transform_indices = @transform_4, window_bounds = array<i64: 1, 64>}, {pipeline_mode = #tpu.pipeline_mode<synchronous>, transform_indices = @transform_5, window_bounds = array<i64: 128, 64>}, {pipeline_mode = #tpu.pipeline_mode<synchronous>, transform_indices = @transform_6, window_bounds = array<i64: 1, 64>}, {transform_indices = @transform_7, window_bounds = array<i64: 2048, 64>}, {transform_indices = @transform_8, window_bounds = array<i64: 2048, 64>}, {transform_indices = @transform_9, window_bounds = array<i64: 2048, 64>}, {transform_indices = @transform_10, window_bounds = array<i64: 2048, 64>}]} {
    %get3A = arith.constant 0 : index
    %get3A_0 = arith.constant 0 : index
    %get3A_1 = vector.load %arg1[%get3A, %get3A_0] : memref<2x2048xf32, #tpu.memory_space<vmem>>, vector<2x2048xf32>
    %transpose3A = tpu.transpose %get3A_1, [1, 0] : vector<2x2048xf32> -> vector<2048x2xf32>
    %slice3A = vector.extract_strided_slice %transpose3A {offsets = [0, 0], sizes = [2048, 1], strides = [1, 1]} : vector<2048x2xf32> to vector<2048x1xf32>
    %slice3A_2 = vector.extract_strided_slice %transpose3A {offsets = [0, 1], sizes = [2048, 1], strides = [1, 1]} : vector<2048x2xf32> to vector<2048x1xf32>
    %add3A = arith.addf %slice3A, %slice3A_2 : vector<2048x1xf32>
    %add3A_3 = arith.constant 1.000000e+00 : f32
    %add3A_4 = vector.broadcast %add3A_3 : f32 to vector<2048x1xf32>
    %add3A_5 = arith.addf %add3A, %add3A_4 : vector<2048x1xf32>
    %rsqrt3A = math.rsqrt %add3A_5 : vector<2048x1xf32>
    %get3A_6 = arith.constant 0 : index
    %get3A_7 = arith.constant 0 : index
    %get3A_8 = vector.load %arg2[%get3A_6, %get3A_7] : memref<2048x128xf32, #tpu.memory_space<vmem>>, vector<2048x128xf32>
    %get3A_9 = arith.constant 0 : index
    %get3A_10 = arith.constant 0 : index
    %get3A_11 = vector.load %arg3[%get3A_9, %get3A_10] : memref<2048x128xf32, #tpu.memory_space<vmem>>, vector<2048x128xf32>
    %add3A_12 = arith.addf %get3A_8, %get3A_11 : vector<2048x128xf32>
    %mul3A = vector.broadcast %rsqrt3A : vector<2048x1xf32> to vector<2048x128xf32>
    %mul3A_13 = arith.mulf %mul3A, %add3A_12 : vector<2048x128xf32>
    %get3A_14 = arith.constant 0 : index
    %get3A_15 = arith.constant 0 : index
    %get3A_16 = vector.load %arg4[%get3A_14, %get3A_15] : memref<128x64xf32, #tpu.memory_space<vmem>>, vector<128x64xf32>
    %dot_general3A = arith.constant dense<0.000000e+00> : vector<2048x64xf32>
    %dot_general3A_17 = tpu.matmul %mul3A_13, %get3A_16, %dot_general3A {dimension_numbers = #tpu.dot_dimension_numbers<[1], [0], [0], [1], [0, 0, 1, 1], [], []>, transpose_lhs_hint = false} : vector<2048x128xf32>, vector<128x64xf32>, vector<2048x64xf32> -> vector<2048x64xf32>
    %get3A_18 = arith.constant 0 : index
    %get3A_19 = arith.constant 0 : index
    %get3A_20 = vector.load %arg5[%get3A_18, %get3A_19] : memref<1x64xf32, #tpu.memory_space<vmem>>, vector<1x64xf32>
    %add3A_21 = vector.broadcast %get3A_20 : vector<1x64xf32> to vector<2048x64xf32>
    %add3A_22 = arith.addf %dot_general3A_17, %add3A_21 : vector<2048x64xf32>
    %get3A_23 = arith.constant 0 : index
    %get3A_24 = arith.constant 0 : index
    %get3A_25 = vector.load %arg6[%get3A_23, %get3A_24] : memref<128x64xf32, #tpu.memory_space<vmem>>, vector<128x64xf32>
    %dot_general3A_26 = arith.constant dense<0.000000e+00> : vector<2048x64xf32>
    %dot_general3A_27 = tpu.matmul %mul3A_13, %get3A_25, %dot_general3A_26 {dimension_numbers = #tpu.dot_dimension_numbers<[1], [0], [0], [1], [0, 0, 1, 1], [], []>, transpose_lhs_hint = false} : vector<2048x128xf32>, vector<128x64xf32>, vector<2048x64xf32> -> vector<2048x64xf32>
    %get3A_28 = arith.constant 0 : index
    %get3A_29 = arith.constant 0 : index
    %get3A_30 = vector.load %arg7[%get3A_28, %get3A_29] : memref<1x64xf32, #tpu.memory_space<vmem>>, vector<1x64xf32>
    %add3A_31 = vector.broadcast %get3A_30 : vector<1x64xf32> to vector<2048x64xf32>
    %add3A_32 = arith.addf %dot_general3A_27, %add3A_31 : vector<2048x64xf32>
    %swap3A = arith.constant 0 : index
    %swap3A_33 = arith.constant 0 : index
    %swap3A_34 = vector.load %arg10[%swap3A, %swap3A_33] : memref<2048x64xf32, #tpu.memory_space<vmem>>, vector<2048x64xf32>
    tpu.vector_store %arg10[%swap3A, %swap3A_33], %add3A_22 {strides = array<i32>} : memref<2048x64xf32, #tpu.memory_space<vmem>>, vector<2048x64xf32>,
    %swap3A_35 = arith.constant 0 : index
    %swap3A_36 = arith.constant 0 : index
    %swap3A_37 = vector.load %arg11[%swap3A_35, %swap3A_36] : memref<2048x64xf32, #tpu.memory_space<vmem>>, vector<2048x64xf32>
    tpu.vector_store %arg11[%swap3A_35, %swap3A_36], %add3A_32 {strides = array<i32>} : memref<2048x64xf32, #tpu.memory_space<vmem>>, vector<2048x64xf32>,
    %get3A_38 = arith.constant 0 : index
    %get3A_39 = arith.constant 0 : index
    %get3A_40 = vector.load %arg8[%get3A_38, %get3A_39] : memref<2048x64xf32, #tpu.memory_space<vmem>>, vector<2048x64xf32>
    %mul3A_41 = arith.constant 5.000000e-01 : f32
    %mul3A_42 = vector.broadcast %mul3A_41 : f32 to vector<2048x64xf32>
    %mul3A_43 = arith.mulf %mul3A_42, %add3A_32 : vector<2048x64xf32>
    %exp3A = math.exp %mul3A_43 : vector<2048x64xf32>
    %mul3A_44 = arith.mulf %get3A_40, %exp3A : vector<2048x64xf32>
    %add3A_45 = arith.addf %mul3A_44, %add3A_22 : vector<2048x64xf32>
    %swap3A_46 = arith.constant 0 : index
    %swap3A_47 = arith.constant 0 : index
    %swap3A_48 = vector.load %arg9[%swap3A_46, %swap3A_47] : memref<2048x64xf32, #tpu.memory_space<vmem>>, vector<2048x64xf32>
    tpu.vector_store %arg9[%swap3A_46, %swap3A_47], %add3A_45 {strides = array<i32>} : memref<2048x64xf32, #tpu.memory_space<vmem>>, vector<2048x64xf32>,
    return
  }
  func.func @transform_0(%arg0: i32) -> (i32, i32) {
    %c0_i32 = arith.constant 0 : i32
    %c0_i32_0 = arith.constant 0 : i32
    return %c0_i32, %arg0 : i32, i32
  }
  func.func @transform_1(%arg0: i32) -> (i32, i32) {
    %c0_i32 = arith.constant 0 : i32
    %c0_i32_0 = arith.constant 0 : i32
    return %arg0, %c0_i32 : i32, i32
  }
  func.func @transform_2(%arg0: i32) -> (i32, i32) {
    %c0_i32 = arith.constant 0 : i32
    %c0_i32_0 = arith.constant 0 : i32
    return %arg0, %c0_i32 : i32, i32
  }
  func.func @transform_3(%arg0: i32) -> (i32, i32) {
    %c0_i32 = arith.constant 0 : i32
    %c0_i32_0 = arith.constant 0 : i32
    %c0_i32_1 = arith.constant 0 : i32
    return %c0_i32, %c0_i32_0 : i32, i32
  }
  func.func @transform_4(%arg0: i32) -> (i32, i32) {
    %c0_i32 = arith.constant 0 : i32
    %c0_i32_0 = arith.constant 0 : i32
    %c0_i32_1 = arith.constant 0 : i32
    return %c0_i32, %c0_i32_0 : i32, i32
  }
  func.func @transform_5(%arg0: i32) -> (i32, i32) {
    %c0_i32 = arith.constant 0 : i32
    %c0_i32_0 = arith.constant 0 : i32
    %c0_i32_1 = arith.constant 0 : i32
    return %c0_i32, %c0_i32_0 : i32, i32
  }
  func.func @transform_6(%arg0: i32) -> (i32, i32) {
    %c0_i32 = arith.constant 0 : i32
    %c0_i32_0 = arith.constant 0 : i32
    %c0_i32_1 = arith.constant 0 : i32
    return %c0_i32, %c0_i32_0 : i32, i32
  }
  func.func @transform_7(%arg0: i32) -> (i32, i32) {
    %c0_i32 = arith.constant 0 : i32
    %c0_i32_0 = arith.constant 0 : i32
    return %arg0, %c0_i32 : i32, i32
  }
  func.func @transform_8(%arg0: i32) -> (i32, i32) {
    %c0_i32 = arith.constant 0 : i32
    %c0_i32_0 = arith.constant 0 : i32
    return %arg0, %c0_i32 : i32, i32
  }
  func.func @transform_9(%arg0: i32) -> (i32, i32) {
    %c0_i32 = arith.constant 0 : i32
    %c0_i32_0 = arith.constant 0 : i32
    return %arg0, %c0_i32 : i32, i32
  }
  func.func @transform_10(%arg0: i32) -> (i32, i32) {
    %c0_i32 = arith.constant 0 : i32
    %c0_i32_0 = arith.constant 0 : i32
    return %arg0, %c0_i32 : i32, i32
  }
}

</mosaic_0001>

<sc_bundles>
// kernel: kernel.10.cloned.1.call-start
scs
__scs_entry_jumppad:
0x0: {  	(pc) =	sbr.rel $0x88, $3  }
0x1: {  	(tag) =	ssettag $0x0;
	lr =	simm.s32 $0x1  }
0x2: {  	[smem:$0x3F96] =	sst lr;
	_ =	strace $0xD0000000  }
0x3: {  	_ = 	snop  }
0x4: {  	_ = 	snop  }
0x5: {  	_ = 	snop  }
0x6: {  	_ = 	snop  }
0x7: {  	_ = 	snop  }
__scs_overlays_trampoline_lowered:
0x8: {  	[smem:$0x3FA5] =	sst s0  }
0x9: {  	[smem:$0x3FA6] =	sst s1  }
0xa: {  	[smem:$0x3FA7] =	sst s2  }
0xb: {  	[smem:$0x3FA8] =	sst s3  }
0xc: {  	[smem:$0x3FA9] =	sst s4  }
0xd: {  	[smem:$0x3FAA] =	sst s5  }
0xe: {  	[smem:$0x3FAB] =	sst s6  }
0xf: {  	[smem:$0x3FAC] =	sst s7  }
0x10: {  	[smem:$0x3FAD] =	sst s8  }
0x11: {  	[smem:$0x3FAE] =	sst s9;
	s0 =	simm.s32 @!p0 $0x0  }
0x12: {  	s1 =	sld [smem:$0x3F94];
	s0 =	simm.s32 @p0 $0x1  }
0x13: {  	[smem:$0x3FAF] =	sst s0;
	s0 =	simm.s32 @!p1 $0x0  }
0x14: {  	s2 =	sld [smem:$0x3F93];
	s0 =	simm.s32 @p1 $0x1  }
0x15: {  	[smem:$0x3FB0] =	sst s0;
	s0 =	simm.s32 @!p2 $0x0  }
0x16: {  	s3 =	sld [smem:$0x3FDB];
	s0 =	simm.s32 @p2 $0x1  }
0x17: {  	s4 =	simm.s32 $0x1BF5;
	[smem:$0x3FB2] =	sst s0  }
0x18: {  	s0 =	sld [smem:$0x3F95];
	_ =	swait.ge [sflag:s4], $0x0  }
0x19: {  	s7 =	sld [smem:$0x3F96]  }
0x1a: {  	s8 =	sadd.s32 $0xFFFFE003, lr  }
0x1b: {  	s9 =	sadd.s32 $0xFFFFFEF7, lr;
	s5 =	simm.s32 $0xFFFFFFFF;
	p2 =	slt.u32 s8, $0xFFFFF086  }
0x1c: {  	p1 =	slt.u32 s9, $0xF7A;
	s5 =	simm.s32 @!p2 $0x0  }
0x1d: {  	s5 =	simm.s32 @p1 $0x1;
	p0 =	seq.s32 s7, s2  }
0x1e: {  	s7 =	smul.u32 @!p0 $0xF7A, s2;
	p2 =	seq.s32 @!p0 s5, $0x0  }
0x1f: {  	s9 =	smul.u32 $0xF7A, s1;
	s8 =	simm.s32 @!p0 $0x1BF5;
	p2 =	por !p2, p0  }
0x20: {  	[sflag:s8] =	ssyncset.s32 @!p0 $0xFFFFF086;
	s6 =	sadd.s32 @!p0 s3, s7;
	s7 =	simm.s32 @!p0 $0x108  }
0x21: {  	s3 =	sadd.s32 s3, s9;
	s6 =	sadd.s32 @!p0 $0x88, s6;
	s7 =	simm.s32 @p2 $0x1082  }
0x22: {  	[simem:s7], [sflag:s8] =	dma.local @!p0 [hbm:s6], $0xF7A  }
0x23: {  	s9 =	sor.u32 $0xD0000000, s2;
	s6 =	simm.s32 $0x108;
	_ =	swait.ge @!p0 [sflag:s8], $0x0  }
0x24: {  	s3 =	sadd.s32 $0x88, s3;
	s6 =	simm.s32 @!p1 $0x1082;
	[sflag:s4] =	ssyncset.s32 $0xFFFFF086  }
0x25: {  	[simem:s6], [sflag:s4] =	dma.local [hbm:s3], $0xF7A  }
0x26: {  	[smem:$0x3F96] =	sst s1;
	(tag) =	ssettag s2;
	_ =	strace s9  }
0x27: {  	s1 =	sld [smem:$0x3FA6]  }
0x28: {  	s2 =	sld [smem:$0x3FA7]  }
0x29: {  	s4 =	sld [smem:$0x3FA9]  }
0x2a: {  	p0 =	seq.s32 s5, $0x0;
	s5 =	sld [smem:$0x3FAA]  }
0x2b: {  	s6 =	sld [smem:$0x3FAB]  }
0x2c: {  	s7 =	sld [smem:$0x3FAC]  }
0x2d: {  	s3 =	simm.s32 $0x108;
	s8 =	sld [smem:$0x3FAD]  }
0x2e: {  	s3 =	simm.s32 @!p0 $0x1082;
	s9 =	sld [smem:$0x3FAE]  }
0x2f: {  	lr =	sadd.s32 s0, s3;
	s0 =	sld [smem:$0x3FA5]  }
0x30: {  	s3 =	sld [smem:$0x3FA8]  }
0x31: {  	[smem:$0x3FB1] =	sst s10  }
0x32: {  	s10 =	sld [smem:$0x3FAF];
	_ =	sdelay $0x3  }
0x33: {  	p0 =	seq.s32 s10, $0x1;
	s10 =	sld [smem:$0x3FB1];
	_ =	sdelay $0x3  }
0x34: {  	[smem:$0x3FB1] =	sst s10  }
0x35: {  	s10 =	sld [smem:$0x3FB0];
	_ =	sdelay $0x3  }
0x36: {  	p1 =	seq.s32 s10, $0x1;
	s10 =	sld [smem:$0x3FB1];
	_ =	sdelay $0x3  }
0x37: {  	[smem:$0x3FB1] =	sst s10  }
0x38: {  	s10 =	sld [smem:$0x3FB2]  }
0x39: {  	_ = 	snop;
	(pc) =	sbr.ind lr, $3  }
0x3a: {  	_ = 	snop  }
0x3b: {  	_ = 	snop  }
0x3c: {  	p2 =	seq.s32 s10, $0x1;
	s10 =	sld [smem:$0x3FB1]  }
0x3d: {  	_ =	shalt  }
0x3e: {  	_ =	shalt  }
0x3f: {  	_ =	shalt  }
0x40: {  	_ =	shalt  }
0x41: {  	_ =	shalt  }
0x42: {  	_ =	shalt  }
0x43: {  	_ =	shalt  }
0x44: {  	_ =	shalt  }
0x45: {  	_ =	shalt  }
0x46: {  	_ =	shalt  }
0x47: {  	_ =	shalt  }
0x48: {  	_ =	shalt  }
0x49: {  	_ =	shalt  }
0x4a: {  	_ =	shalt  }
0x4b: {  	_ =	shalt  }
0x4c: {  	_ =	shalt  }
0x4d: {  	_ =	shalt  }
0x4e: {  	_ =	shalt  }
0x4f: {  	_ =	shalt  }
0x50: {  	_ =	shalt  }
0x51: {  	_ =	shalt  }
0x52: {  	_ =	shalt  }
0x53: {  	_ =	shalt  }
0x54: {  	_ =	shalt  }
0x55: {  	_ =	shalt  }
0x56: {  	_ =	shalt  }
0x57: {  	_ =	shalt  }
0x58: {  	_ =	shalt  }
0x59: {  	_ =	shalt  }
0x5a: {  	_ =	shalt  }
0x5b: {  	_ =	shalt  }
0x5c: {  	_ =	shalt  }
0x5d: {  	_ =	shalt  }
0x5e: {  	_ =	shalt  }
0x5f: {  	_ =	shalt  }
0x60: {  	_ =	shalt  }
0x61: {  	_ =	shalt  }
0x62: {  	_ =	shalt  }
0x63: {  	_ =	shalt  }
0x64: {  	_ =	shalt  }
0x65: {  	_ =	shalt  }
0x66: {  	_ =	shalt  }
0x67: {  	_ =	shalt  }
0x68: {  	_ =	shalt  }
0x69: {  	_ =	shalt  }
0x6a: {  	_ =	shalt  }
0x6b: {  	_ =	shalt  }
0x6c: {  	_ =	shalt  }
0x6d: {  	_ =	shalt  }
0x6e: {  	_ =	shalt  }
0x6f: {  	_ =	shalt  }
0x70: {  	_ =	shalt  }
0x71: {  	_ =	shalt  }
0x72: {  	_ =	shalt  }
0x73: {  	_ =	shalt  }
0x74: {  	_ =	shalt  }
0x75: {  	_ =	shalt  }
0x76: {  	_ =	shalt  }
0x77: {  	_ =	shalt  }
0x78: {  	_ =	shalt  }
0x79: {  	_ =	shalt  }
0x7a: {  	_ =	shalt  }
0x7b: {  	_ =	shalt  }
0x7c: {  	_ =	shalt  }
0x7d: {  	_ =	shalt  }
0x7e: {  	_ =	shalt  }
0x7f: {  	_ =	shalt  }
0x80: {  	_ =	shalt  }
0x81: {  	_ =	shalt  }
0x82: {  	_ =	shalt  }
0x83: {  	_ =	shalt  }
0x84: {  	_ =	shalt  }
0x85: {  	_ =	shalt  }
0x86: {  	_ =	shalt  }
0x87: {  	_ =	shalt  }
.Lfunc_end0:
.L_simem_size_0:
called_computation_lowered:
.L_overlay_start_0:
0x88: {  	s2 =	sld [smem:$0x3FD9]  }
0x89: {  	s3 =	sld [smem:$0x3FFE];
	_ =	sdelay $0x1  }
0x8a: {  	s1 =	srdreg.scid  }
0x8b: {  	s0 =	sand.u32 $0x1, s1  }
0x8c: {  	s14 =	sshll.u32 s0, $0xA;
	s2 =	sadd.s32 s3, s2  }
0x8d: {  	s2 =	sadd.s32 s2, s14  }
0x8e: {  	[smem:$0x3FBD] =	sst s2  }
0x8f: {  	_ = 	snop  }
0x90: {  	s2 =	sld [smem:$0x3FD0];
	_ =	sdelay $0x2  }
0x91: {  	s15 =	simm.s32 $0xA;
	s4 =	simm.s32 $0x10  }
0x92: {  	[smem:s4], [sflag:s15] =	dma.local [hbm:s2], $0x1  }
0x93: {  	_ =	swait.eq [sflag:s15], $0x1  }
0x94: {  	[sflag:s15] =	ssyncset.done $0x0  }
0x95: {  	s16 =	sld [smem:$0x10];
	[sflag:s15] =	ssyncadd.s32 $0xFFFFFFFF  }
0x96: {  	s17 =	sld [smem:$0x11];
	(tm) =	ssettm $0x1  }
0x97: {  	s18 =	sld [smem:$0x3FFB];
	_ =	sdelay $0x3  }
0x98: {  	_ =	strace s18  }
0x99: {  	s4 =	sld [smem:$0x3FFC];
	_ =	sdelay $0x3  }
0x9a: {  	_ =	strace s4  }
0x9b: {  	s4 =	sld [smem:$0x3FFD];
	_ =	sdelay $0x3  }
0x9c: {  	_ =	strace s4  }
0x9d: {  	_ =	strace $0x8FFFFFFF  }
0x9e: {  	s19 =	sld [smem:$0x3FDB];
	_ =	sdelay $0x1  }
0x9f: {  	s5 =	simm.s32 $_scs_section_size  }
0xa0: {  	s6 =	simm.s32 $_size__tile_overlayer_lowered;
	s7 =	simm.s32 $_tile_overlayer_lowered  }
0xa1: {  	s22 =	simm.s32 $0x1BFF;
	s21 =	sshll.u32 s7, $0x1;
	s4 =	sadd.s32 s5, s19  }
0xa2: {  	s8 =	simm.s32 $0x0;
	s20 =	sshll.u32 s6, $0x1;
	s6 =	sadd.s32 s21, s4  }
0xa3: {  	[timem:s8], [sflag:s22] =	dma.local [hbm:s6], s20  }
0xa4: {  	_ =	swait.ge [sflag:s22], s20  }
0xa5: {  	s5 =	ssub.s32 $0x0, s20;
	[sflag:s22] =	ssyncset.done $0x0  }
0xa6: {  	[sflag:s22] =	ssyncadd.s32 s5;
	_ =	sdelay $0x1  }
0xa7: {  	s23 =	simm.s32 $0x1B8B  }
0xa8: {  	_ =	swait.ge [sflag:s23], $0x1  }
0xa9: {  	[sflag:s23] =	ssyncset.done $0x0  }
0xaa: {  	s25 =	simm.s32 $0x1B8E;
	s24 =	sld [smem:$0x3FFE];
	[sflag:s23] =	ssyncadd.s32 $0xFFFFFFFF  }
0xab: {  	s26 =	simm.s32 $execute0_lowered;
	[smem:$0x3FD2] =	sst s25  }
0xac: {  	s6 =	sshll.u32 s26, $0x1;
	_ =	strace $0x80000046;
	[dreg:$0x1] =	wrdreg $0xFFFFFFFF  }
0xad: {  	s28 =	simm.s32 $_size_execute0_lowered;
	s4 =	sadd.s32 s4, s6;
	[dreg:$0x0] =	wrdreg $0x0  }
0xae: {  	s6 =	sshll.u32 s28, $0x1;
	[dreg:$0x2] =	wrdreg s4  }
0xaf: {  	[dreg:$0x3] =	wrdreg s6  }
0xb0: {  	[dreg:$0x4] =	wrdreg $0xC0  }
0xb1: {  	_ =	task [dreg:s8], $0x5FFFF  }
0xb2: {  	[dreg:$0x1] =	wrdreg $0xFFFFFFFF  }
0xb3: {  	[dreg:$0x0] =	wrdreg $0x60  }
0xb4: {  	[dreg:$0x2] =	wrdreg s17  }
0xb5: {  	[dreg:$0x3] =	wrdreg s24  }
0xb6: {  	[dreg:$0x4] =	wrdreg s16  }
0xb7: {  	[dreg:$0x5] =	wrdreg $0x29E00  }
0xb8: {  	[dreg:$0x6] =	wrdreg $0x9  }
0xb9: {  	_ =	task.clear_ibuf [dreg:s8], $0x7FFFF;
	_ =	strace $0x90000046  }
0xba: {  	s29 =	simm.s32 $0x9;
	_ =	strace $0x80000048  }
0xbb: {  	_ =	swait.ge [sflag:s29], $0x1  }
0xbc: {  	[sflag:s29] =	ssyncadd.s32 $0xFFFFFFFF  }
0xbd: {  	_ =	strace $0x90000048  }
0xbe: {  	_ =	sfence  }
0xbf: {  	s30 =	sld [smem:$0x0];
	_ =	sdelay $0x2  }
0xc0: {  	s31 =	sshll.u32 s1, $0xD;
	s1 =	sshrl.u32 s1, $0x2  }
0xc1: {  	s3 =	sand.u32 $0x4000, s31;
	s1 =	sadd.s32 s1, s30  }
0xc2: {  	s0 =	sor.u32 s3, s0;
	s1 =	sshll.u32 s1, $0x11  }
0xc3: {  	s0 =	sor.u32 s1, s0  }
0xc4: {  	s0 =	sadd.s32 $0x8F2B, s0  }
0xc5: {  	[sflag:s0] =	ssyncadd.remote.s32 $0x1  }
0xc6: {  	_ =	sfence.sel $0xFFFF  }
0xc7: {  	[dreg:$0x0] =	wrdreg $0xFFFFFFFF;
	(pc) =	sbr.abs _section_cstart, $3  }
0xc8: {  	[dreg:$0x1] =	wrdreg $0xFFFFFFFF  }
0xc9: {  	_ =	task.clear_ibuf [dreg:s8], $0x2FFFF;
	_ =	strace $0x9FFFFFFF  }
0xca: {  	(tm) =	ssettm $0x7FFFFFFF  }
0xcb: {  	_ =	shalt  }
tec
execute0_lowered:
.L_overlay_start_1:
0x0: {  	(tag) =	ssettag $0x1  }
0x1: {  	s4 =	rddreg [dreg:$0x0]  }
0x2: {  	s5 =	rddreg [dreg:$0x1]  }
0x3: {  	s7 =	rddreg [dreg:$0x2]  }
0x4: {  	s2 =	rddreg [dreg:$0x3]  }
0x5: {  	s0 =	rddreg [dreg:$0x4];
	s1 =	stileid.u32  }
0x6: {  	s8 =	srdreg.scid;
	s3 =	simm.s32 $0x0;
	s13 =	simm.s32 $0x2710  }
0x7: {  	s14 =	simm.s32 $0xA0;
	s15 =	simm.s32 $0xF0;
	s16 =	simm.s32 $0x140  }
0x8: {  	s17 =	simm.s32 $0x1;
	s18 =	simm.s32 $0x2;
	s19 =	simm.s32 $0x3  }
0x9: {  	s20 =	simm.s32 $0x4;
	s21 =	simm.s32 $0x5;
	s22 =	simm.s32 $0x2760  }
0xa: {  	s23 =	simm.s32 $0x0;
	s6 =	smul.u32 $0x280, s1;
	s8 =	sand.u32 $0x1, s8  }
0xb: {  	s9 =	smul.u32 $0x4E20, s1;
	[smem:$0x7FF] =	sst s3;
	s31 =	sshll.u32 s1, $0x6  }
0xc: {  	s10 =	smul.u32 $0x2710, s8;
	_ =	strace $0x80000047;
	s12 =	ssub.s32 $0x2, s8  }
0xd: {  	s8 =	smul.u32 $0x2800, s8;
	s11 =	sshrl.u32 s6, $0x3;
	s29 =	sshrl.u32 s12, $0x1  }
0xe: {  	s9 =	sadd.s32 s10, s9;
	s28 =	sadd.s32 s11, s5;
	s30 =	ssub.s32 s12, s29  }
0xf: {  	s8 =	sadd.s32 s6, s8;
	s5 =	sadd.s32 s6, s2;
	s10 =	sor.u32 $0x1C06, s31  }
0x10: {  	s12 =	simm.s32 $0x50;
	s9 =	sshrl.u32 s9, $0x3;
	s6 =	sadd.s32 $0x3E00, s28  }
0x11: {  	s8 =	sshrl.u32 s8, $0x3;
	s11 =	sshrl.u32 s5, $0x3;
	s4 =	sadd.s32 s4, s9  }
0x12: {  	v0 =	vimm.f32 $1.000000000e+00;
	s7 =	sadd.s32 s7, s8;
	s8 =	smax.u32 s30, $0x1;
	s9 =	simm.s32 $0x6  }
.LBB2_1:
0x13: {  	[tilespmem:$0x2710] =	vst v0  }
0x14: {  	[tilespmem:$0x2720] =	vst v0  }
0x15: {  	[tilespmem:$0x2730] =	vst v0  }
0x16: {  	[tilespmem:$0x2740] =	vst v0  }
0x17: {  	[tilespmem:$0x2750] =	vst v0  }
0x18: {  	[tilespmem:s3], [sflag:$0x6] =	stream.linear.gather [hbm4b:s4+s3], $0x2710, $0x38;
	[tilespmem:$0x2C60] =	vst v63  }
0x19: {  	_ =	swait.ge [sflag:s9], $0x2710  }
0x1a: {  	[sflag:s9] =	ssyncset.done $0x0  }
0x1b: {  	[sflag:s9] =	ssyncadd.s32 $0xFFFFD8F0  }
0x1c: {  	[spmem:s11], [sflag:s10] =	dma.local [hbm:s6], $0x50  }
0x1d: {  	_ =	swait.ge [sflag:s9], $0x50  }
0x1e: {  	[sflag:s9] =	ssyncset.done $0x0  }
0x1f: {  	[sflag:s9] =	ssyncadd.s32 $0xFFFFFFB0  }
0x20: {  	[bflag:$0x0] =	sbarrier.arrive $0xFFFF  }
0x21: {  	[spmem:s2] =	stream.indirect.scatter.add.f32 [tilespmem:s13], [sflag:$0x1], $0x1, s3, s12, $0xb8;
	[tilespmem:$0x2C60] =	vst v63  }
0x22: {  	_ = 	snop  }
0x23: {  	[spmem:s2] =	stream.indirect.scatter.add.f32 [tilespmem:s13], [sflag:$0x2], $0x1, s12, s12, $0xb8;
	[tilespmem:$0x2C60] =	vst v63  }
0x24: {  	_ = 	snop  }
0x25: {  	[spmem:s2] =	stream.indirect.scatter.add.f32 [tilespmem:s13], [sflag:$0x3], $0x1, s14, s12, $0xb8;
	[tilespmem:$0x2C60] =	vst v63  }
0x26: {  	_ = 	snop  }
0x27: {  	[spmem:s2] =	stream.indirect.scatter.add.f32 [tilespmem:s13], [sflag:$0x4], $0x1, s15, s12, $0xb8;
	[tilespmem:$0x2C60] =	vst v63  }
0x28: {  	_ = 	snop  }
0x29: {  	[spmem:s2] =	stream.indirect.scatter.add.f32 [tilespmem:s13], [sflag:$0x5], $0x1, s16, s12, $0xb8;
	[tilespmem:$0x2C60] =	vst v63  }
0x2a: {  	_ =	swait.ge [sflag:s17], $0x50  }
0x2b: {  	[sflag:s17] =	ssyncset.done $0x0  }
0x2c: {  	s24 =	simm.s32 $0x190;
	[sflag:s17] =	ssyncadd.s32 $0xFFFFFFB0  }
0x2d: {  	[spmem:s2] =	stream.indirect.scatter.add.f32 [tilespmem:s13], [sflag:$0x1], $0x1, s24, s12, $0xb8;
	[tilespmem:$0x2C60] =	vst v63  }
0x2e: {  	_ =	swait.ge [sflag:s18], $0x50  }
0x2f: {  	[sflag:s18] =	ssyncset.done $0x0  }
0x30: {  	s29 =	simm.s32 $0x1E0;
	[sflag:s18] =	ssyncadd.s32 $0xFFFFFFB0  }
0x31: {  	[spmem:s2] =	stream.indirect.scatter.add.f32 [tilespmem:s13], [sflag:$0x2], $0x1, s29, s12, $0xb8;
	[tilespmem:$0x2C60] =	vst v63  }
0x32: {  	_ =	swait.ge [sflag:s19], $0x50  }
0x33: {  	[sflag:s19] =	ssyncset.done $0x0  }
0x34: {  	s30 =	simm.s32 $0x230;
	[sflag:s19] =	ssyncadd.s32 $0xFFFFFFB0  }
0x35: {  	[spmem:s2] =	stream.indirect.scatter.add.f32 [tilespmem:s13], [sflag:$0x3], $0x1, s30, s12, $0xb8;
	[tilespmem:$0x2C60] =	vst v63  }
0x36: {  	_ =	swait.ge [sflag:s20], $0x50  }
0x37: {  	[sflag:s20] =	ssyncset.done $0x0  }
0x38: {  	s31 =	simm.s32 $0x280;
	[sflag:s20] =	ssyncadd.s32 $0xFFFFFFB0  }
0x39: {  	[spmem:s2] =	stream.indirect.scatter.add.f32 [tilespmem:s13], [sflag:$0x4], $0x1, s31, s12, $0xb8;
	[tilespmem:$0x2C60] =	vst v63  }
0x3a: {  	_ =	swait.ge [sflag:s21], $0x50  }
0x3b: {  	[sflag:s21] =	ssyncset.done $0x0  }
0x3c: {  	s25 =	simm.s32 $0x2D0;
	s24 =	simm.s32 $0xFFFF7040;
	[sflag:s21] =	ssyncadd.s32 $0xFFFFFFB0  }
.LBB2_2:
0x3d: {  	[spmem:s2] =	stream.indirect.scatter.add.f32 [tilespmem:s13], [sflag:$0x5], $0x1, s25, s12, $0xb8;
	[tilespmem:$0x2C60] =	vst v63  }
0x3e: {  	s25 =	smov.u32 s24  }
0x3f: {  	p0 =	sne.s32 s24, $0xFFFFF9C0;
	s24 =	sadd.s32 $0x640, s24;
	_ =	swait.ge [sflag:s17], $0x50  }
0x40: {  	s25 =	sshra.s32 s25, $0x2;
	[sflag:s17] =	ssyncset.done $0x0  }
0x41: {  	s26 =	sadd.s32 $0x2710, s25;
	[sflag:s17] =	ssyncadd.s32 $0xFFFFFFB0  }
0x42: {  	[spmem:s2] =	stream.indirect.scatter.add.f32 [tilespmem:s13], [sflag:$0x1], $0x1, s26, s12, $0xb8;
	[tilespmem:$0x2C60] =	vst v63  }
0x43: {  	_ =	swait.ge [sflag:s18], $0x50  }
0x44: {  	[sflag:s18] =	ssyncset.done $0x0  }
0x45: {  	s26 =	sadd.s32 $0x2760, s25;
	[sflag:s18] =	ssyncadd.s32 $0xFFFFFFB0  }
0x46: {  	[spmem:s2] =	stream.indirect.scatter.add.f32 [tilespmem:s13], [sflag:$0x2], $0x1, s26, s12, $0xb8;
	[tilespmem:$0x2C60] =	vst v63  }
0x47: {  	_ =	swait.ge [sflag:s19], $0x50  }
0x48: {  	[sflag:s19] =	ssyncset.done $0x0  }
0x49: {  	s26 =	sadd.s32 $0x27B0, s25;
	[sflag:s19] =	ssyncadd.s32 $0xFFFFFFB0  }
0x4a: {  	[spmem:s2] =	stream.indirect.scatter.add.f32 [tilespmem:s13], [sflag:$0x3], $0x1, s26, s12, $0xb8;
	[tilespmem:$0x2C60] =	vst v63  }
0x4b: {  	_ =	swait.ge [sflag:s20], $0x50  }
0x4c: {  	[sflag:s20] =	ssyncset.done $0x0  }
.Ltmp0:
0x4d: {  	s26 =	sadd.s32 $0x2800, s25;
	[sflag:s20] =	ssyncadd.s32 $0xFFFFFFB0;
	(pc) =	sbr.rel @p0 .LBB2_2-.Ltmp0, $4  }
0x4e: {  	[spmem:s2] =	stream.indirect.scatter.add.f32 [tilespmem:s13], [sflag:$0x4], $0x1, s26, s12, $0xb8;
	[tilespmem:$0x2C60] =	vst v63  }
0x4f: {  	_ =	swait.ge [sflag:s21], $0x50  }
0x50: {  	[sflag:s21] =	ssyncset.done $0x0  }
0x51: {  	s25 =	sadd.s32 $0x2850, s25;
	[sflag:s21] =	ssyncadd.s32 $0xFFFFFFB0  }
0x52: {  	[spmem:s2] =	stream.indirect.scatter.add.f32 [tilespmem:s13], [sflag:$0x5], $0x1, s25, s12, $0xb8;
	[tilespmem:$0x2C60] =	vst v63  }
0x53: {  	_ =	swait.ge [sflag:s17], $0x50  }
0x54: {  	[sflag:s17] =	ssyncset.done $0x0  }
0x55: {  	[sflag:s17] =	ssyncadd.s32 $0xFFFFFFB0  }
0x56: {  	_ =	swait.ge [sflag:s18], $0x50  }
0x57: {  	[sflag:s18] =	ssyncset.done $0x0  }
0x58: {  	[sflag:s18] =	ssyncadd.s32 $0xFFFFFFB0  }
0x59: {  	_ =	swait.ge [sflag:s19], $0x50  }
0x5a: {  	[sflag:s19] =	ssyncset.done $0x0  }
0x5b: {  	[sflag:s19] =	ssyncadd.s32 $0xFFFFFFB0  }
0x5c: {  	_ =	swait.ge [sflag:s20], $0x50  }
0x5d: {  	[sflag:s20] =	ssyncset.done $0x0  }
0x5e: {  	[sflag:s20] =	ssyncadd.s32 $0xFFFFFFB0  }
0x5f: {  	_ =	swait.ge [sflag:s21], $0x50  }
0x60: {  	[sflag:s21] =	ssyncset.done $0x0  }
0x61: {  	[sflag:s21] =	ssyncadd.s32 $0xFFFFFFB0  }
0x62: {  	[bflag:$0x0] =	sbarrier.arrive $0xFFFF  }
0x63: {  	[tilespmem:s22], [sflag:$0x6] =	stream.linear.gather [spmem:s5], $0x280, $0x38;
	[tilespmem:$0x2C60] =	vst v63  }
0x64: {  	s23 =	sadd.s32 $0x1, s23;
	_ =	swait.ge [sflag:s9], $0x280  }
0x65: {  	p0 =	sne.s32 s23, s8;
	[sflag:s9] =	ssyncset.done $0x0  }
.Ltmp1:
0x66: {  	[sflag:s9] =	ssyncadd.s32 $0xFFFFFD80;
	(pc) =	sbr.rel @p0 .LBB2_1-.Ltmp1, $4  }
0x67: {  	[hbm4b:s7+s3] =	stream.linear.scatter [tilespmem:s22], [sflag:$0x6], $0x280, $0x38;
	[tilespmem:$0x2C60] =	vst v63  }
0x68: {  	_ =	swait.ge [sflag:s9], $0x280  }
0x69: {  	[sflag:s9] =	ssyncset.done $0x0  }
0x6a: {  	[sflag:s9] =	ssyncadd.s32 $0xFFFFFD80  }
0x6b: {  	_ =	sfence.sel $0x180000  }
0x6c: {  	[bflag:$0x0] =	sbarrier.arrive $0xFFFF  }
0x6d: {  	p0 =	sne.s32 s1, $0x0;
	_ =	strace $0x90000047  }
0x6e: {  	s0 =	sadd.s32 @!p0 $0x100000, s0;
	[bflag:$0x2] =	sbarrier.arrive $0xFFFF  }
0x6f: {  	[sflag:s0] =	ssyncadd.tile.s32 @!p0 $0x1;
	_ =	shalt  }
.Lfunc_end2:
_tile_overlayer_lowered:
.L_overlay_start_2:
0x70: {  	(tag) =	ssettag $0x2  }
0x71: {  	s0 =	rddreg [dreg:$0x0];
	s2 =	stileid.u32  }
0x72: {  	s1 =	rddreg [dreg:$0x1];
	p0 =	sne.s32 s2, $0x0  }
0x73: {  	s3 =	rddreg [dreg:$0x2];
	[bflag:$0x3] =	sbarrier.arrive $0xFFFF;
	s2 =	simm.s32 @!p0 $0x1C06  }
0x74: {  	[timem:s3], [sflag:s2] =	dma.local @!p0 [hbm:s0], s1  }
0x75: {  	s0 =	simm.s32 @!p0 $0x6  }
0x76: {  	_ =	swait.ge @!p0 [sflag:s0], s1  }
0x77: {  	s1 =	ssub.s32 @!p0 $0x0, s1;
	[sflag:s0] =	ssyncset.done @!p0 $0x0  }
0x78: {  	[sflag:s0] =	ssyncadd.s32 @!p0 s1  }
0x79: {  	[bflag:$0x3] =	sbarrier.arrive $0xFFFF  }
0x7a: {  	_ =	shalt  }

// kernel: kernel.13.cloned.1.call-start
scs
__scs_entry_jumppad:
0x0: {  	(pc) =	sbr.rel $0x88, $3  }
0x1: {  	(tag) =	ssettag $0x0;
	lr =	simm.s32 $0x1  }
0x2: {  	[smem:$0x3F96] =	sst lr;
	_ =	strace $0xD0000000  }
0x3: {  	_ = 	snop  }
0x4: {  	_ = 	snop  }
0x5: {  	_ = 	snop  }
0x6: {  	_ = 	snop  }
0x7: {  	_ = 	snop  }
__scs_overlays_trampoline_lowered:
0x8: {  	[smem:$0x3FA5] =	sst s0  }
0x9: {  	[smem:$0x3FA6] =	sst s1  }
0xa: {  	[smem:$0x3FA7] =	sst s2  }
0xb: {  	[smem:$0x3FA8] =	sst s3  }
0xc: {  	[smem:$0x3FA9] =	sst s4  }
0xd: {  	[smem:$0x3FAA] =	sst s5  }
0xe: {  	[smem:$0x3FAB] =	sst s6  }
0xf: {  	[smem:$0x3FAC] =	sst s7  }
0x10: {  	[smem:$0x3FAD] =	sst s8  }
0x11: {  	[smem:$0x3FAE] =	sst s9;
	s0 =	simm.s32 @!p0 $0x0  }
0x12: {  	s1 =	sld [smem:$0x3F94];
	s0 =	simm.s32 @p0 $0x1  }
0x13: {  	[smem:$0x3FAF] =	sst s0;
	s0 =	simm.s32 @!p1 $0x0  }
0x14: {  	s2 =	sld [smem:$0x3F93];
	s0 =	simm.s32 @p1 $0x1  }
0x15: {  	[smem:$0x3FB0] =	sst s0;
	s0 =	simm.s32 @!p2 $0x0  }
0x16: {  	s3 =	sld [smem:$0x3FDB];
	s0 =	simm.s32 @p2 $0x1  }
0x17: {  	s4 =	simm.s32 $0x1BF5;
	[smem:$0x3FB2] =	sst s0  }
0x18: {  	s0 =	sld [smem:$0x3F95];
	_ =	swait.ge [sflag:s4], $0x0  }
0x19: {  	s7 =	sld [smem:$0x3F96]  }
0x1a: {  	s8 =	sadd.s32 $0xFFFFE003, lr  }
0x1b: {  	s9 =	sadd.s32 $0xFFFFFEF7, lr;
	s5 =	simm.s32 $0xFFFFFFFF;
	p2 =	slt.u32 s8, $0xFFFFF086  }
0x1c: {  	p1 =	slt.u32 s9, $0xF7A;
	s5 =	simm.s32 @!p2 $0x0  }
0x1d: {  	s5 =	simm.s32 @p1 $0x1;
	p0 =	seq.s32 s7, s2  }
0x1e: {  	s7 =	smul.u32 @!p0 $0xF7A, s2;
	p2 =	seq.s32 @!p0 s5, $0x0  }
0x1f: {  	s9 =	smul.u32 $0xF7A, s1;
	s8 =	simm.s32 @!p0 $0x1BF5;
	p2 =	por !p2, p0  }
0x20: {  	[sflag:s8] =	ssyncset.s32 @!p0 $0xFFFFF086;
	s6 =	sadd.s32 @!p0 s3, s7;
	s7 =	simm.s32 @!p0 $0x108  }
0x21: {  	s3 =	sadd.s32 s3, s9;
	s6 =	sadd.s32 @!p0 $0x88, s6;
	s7 =	simm.s32 @p2 $0x1082  }
0x22: {  	[simem:s7], [sflag:s8] =	dma.local @!p0 [hbm:s6], $0xF7A  }
0x23: {  	s9 =	sor.u32 $0xD0000000, s2;
	s6 =	simm.s32 $0x108;
	_ =	swait.ge @!p0 [sflag:s8], $0x0  }
0x24: {  	s3 =	sadd.s32 $0x88, s3;
	s6 =	simm.s32 @!p1 $0x1082;
	[sflag:s4] =	ssyncset.s32 $0xFFFFF086  }
0x25: {  	[simem:s6], [sflag:s4] =	dma.local [hbm:s3], $0xF7A  }
0x26: {  	[smem:$0x3F96] =	sst s1;
	(tag) =	ssettag s2;
	_ =	strace s9  }
0x27: {  	s1 =	sld [smem:$0x3FA6]  }
0x28: {  	s2 =	sld [smem:$0x3FA7]  }
0x29: {  	s4 =	sld [smem:$0x3FA9]  }
0x2a: {  	p0 =	seq.s32 s5, $0x0;
	s5 =	sld [smem:$0x3FAA]  }
0x2b: {  	s6 =	sld [smem:$0x3FAB]  }
0x2c: {  	s7 =	sld [smem:$0x3FAC]  }
0x2d: {  	s3 =	simm.s32 $0x108;
	s8 =	sld [smem:$0x3FAD]  }
0x2e: {  	s3 =	simm.s32 @!p0 $0x1082;
	s9 =	sld [smem:$0x3FAE]  }
0x2f: {  	lr =	sadd.s32 s0, s3;
	s0 =	sld [smem:$0x3FA5]  }
0x30: {  	s3 =	sld [smem:$0x3FA8]  }
0x31: {  	[smem:$0x3FB1] =	sst s10  }
0x32: {  	s10 =	sld [smem:$0x3FAF];
	_ =	sdelay $0x3  }
0x33: {  	p0 =	seq.s32 s10, $0x1;
	s10 =	sld [smem:$0x3FB1];
	_ =	sdelay $0x3  }
0x34: {  	[smem:$0x3FB1] =	sst s10  }
0x35: {  	s10 =	sld [smem:$0x3FB0];
	_ =	sdelay $0x3  }
0x36: {  	p1 =	seq.s32 s10, $0x1;
	s10 =	sld [smem:$0x3FB1];
	_ =	sdelay $0x3  }
0x37: {  	[smem:$0x3FB1] =	sst s10  }
0x38: {  	s10 =	sld [smem:$0x3FB2]  }
0x39: {  	_ = 	snop;
	(pc) =	sbr.ind lr, $3  }
0x3a: {  	_ = 	snop  }
0x3b: {  	_ = 	snop  }
0x3c: {  	p2 =	seq.s32 s10, $0x1;
	s10 =	sld [smem:$0x3FB1]  }
0x3d: {  	_ =	shalt  }
0x3e: {  	_ =	shalt  }
0x3f: {  	_ =	shalt  }
0x40: {  	_ =	shalt  }
0x41: {  	_ =	shalt  }
0x42: {  	_ =	shalt  }
0x43: {  	_ =	shalt  }
0x44: {  	_ =	shalt  }
0x45: {  	_ =	shalt  }
0x46: {  	_ =	shalt  }
0x47: {  	_ =	shalt  }
0x48: {  	_ =	shalt  }
0x49: {  	_ =	shalt  }
0x4a: {  	_ =	shalt  }
0x4b: {  	_ =	shalt  }
0x4c: {  	_ =	shalt  }
0x4d: {  	_ =	shalt  }
0x4e: {  	_ =	shalt  }
0x4f: {  	_ =	shalt  }
0x50: {  	_ =	shalt  }
0x51: {  	_ =	shalt  }
0x52: {  	_ =	shalt  }
0x53: {  	_ =	shalt  }
0x54: {  	_ =	shalt  }
0x55: {  	_ =	shalt  }
0x56: {  	_ =	shalt  }
0x57: {  	_ =	shalt  }
0x58: {  	_ =	shalt  }
0x59: {  	_ =	shalt  }
0x5a: {  	_ =	shalt  }
0x5b: {  	_ =	shalt  }
0x5c: {  	_ =	shalt  }
0x5d: {  	_ =	shalt  }
0x5e: {  	_ =	shalt  }
0x5f: {  	_ =	shalt  }
0x60: {  	_ =	shalt  }
0x61: {  	_ =	shalt  }
0x62: {  	_ =	shalt  }
0x63: {  	_ =	shalt  }
0x64: {  	_ =	shalt  }
0x65: {  	_ =	shalt  }
0x66: {  	_ =	shalt  }
0x67: {  	_ =	shalt  }
0x68: {  	_ =	shalt  }
0x69: {  	_ =	shalt  }
0x6a: {  	_ =	shalt  }
0x6b: {  	_ =	shalt  }
0x6c: {  	_ =	shalt  }
0x6d: {  	_ =	shalt  }
0x6e: {  	_ =	shalt  }
0x6f: {  	_ =	shalt  }
0x70: {  	_ =	shalt  }
0x71: {  	_ =	shalt  }
0x72: {  	_ =	shalt  }
0x73: {  	_ =	shalt  }
0x74: {  	_ =	shalt  }
0x75: {  	_ =	shalt  }
0x76: {  	_ =	shalt  }
0x77: {  	_ =	shalt  }
0x78: {  	_ =	shalt  }
0x79: {  	_ =	shalt  }
0x7a: {  	_ =	shalt  }
0x7b: {  	_ =	shalt  }
0x7c: {  	_ =	shalt  }
0x7d: {  	_ =	shalt  }
0x7e: {  	_ =	shalt  }
0x7f: {  	_ =	shalt  }
0x80: {  	_ =	shalt  }
0x81: {  	_ =	shalt  }
0x82: {  	_ =	shalt  }
0x83: {  	_ =	shalt  }
0x84: {  	_ =	shalt  }
0x85: {  	_ =	shalt  }
0x86: {  	_ =	shalt  }
0x87: {  	_ =	shalt  }
.Lfunc_end0:
.L_simem_size_0:
called_computation.1_lowered:
.L_overlay_start_0:
0x88: {  	s2 =	sld [smem:$0x3FD9]  }
0x89: {  	s3 =	sld [smem:$0x3FFE];
	_ =	sdelay $0x1  }
0x8a: {  	s1 =	srdreg.scid  }
0x8b: {  	s0 =	sand.u32 $0x1, s1  }
0x8c: {  	s14 =	sshll.u32 s0, $0xA;
	s2 =	sadd.s32 s3, s2  }
0x8d: {  	s2 =	sadd.s32 s2, s14  }
0x8e: {  	[smem:$0x3FBD] =	sst s2  }
0x8f: {  	_ = 	snop  }
0x90: {  	s2 =	sld [smem:$0x3FD0];
	_ =	sdelay $0x2  }
0x91: {  	s15 =	simm.s32 $0xA;
	s4 =	simm.s32 $0x10  }
0x92: {  	[smem:s4], [sflag:s15] =	dma.local [hbm:s2], $0x1  }
0x93: {  	_ =	swait.eq [sflag:s15], $0x1  }
0x94: {  	[sflag:s15] =	ssyncset.done $0x0  }
0x95: {  	s16 =	sld [smem:$0x11];
	[sflag:s15] =	ssyncadd.s32 $0xFFFFFFFF  }
0x96: {  	s17 =	sld [smem:$0x12];
	(tm) =	ssettm $0x1  }
0x97: {  	s18 =	sld [smem:$0x3FFB];
	_ =	sdelay $0x3  }
0x98: {  	_ =	strace s18  }
0x99: {  	s4 =	sld [smem:$0x3FFC];
	_ =	sdelay $0x3  }
0x9a: {  	_ =	strace s4  }
0x9b: {  	s4 =	sld [smem:$0x3FFD];
	_ =	sdelay $0x3  }
0x9c: {  	_ =	strace s4  }
0x9d: {  	_ =	strace $0x8FFFFFFF  }
0x9e: {  	s19 =	sld [smem:$0x3FDB];
	_ =	sdelay $0x1  }
0x9f: {  	s5 =	simm.s32 $_scs_section_size  }
0xa0: {  	s6 =	simm.s32 $_size__tile_overlayer_lowered;
	s7 =	simm.s32 $_tile_overlayer_lowered  }
0xa1: {  	s22 =	simm.s32 $0x1BFF;
	s21 =	sshll.u32 s7, $0x1;
	s4 =	sadd.s32 s5, s19  }
0xa2: {  	s8 =	simm.s32 $0x0;
	s20 =	sshll.u32 s6, $0x1;
	s6 =	sadd.s32 s21, s4  }
0xa3: {  	[timem:s8], [sflag:s22] =	dma.local [hbm:s6], s20  }
0xa4: {  	_ =	swait.ge [sflag:s22], s20  }
0xa5: {  	s5 =	ssub.s32 $0x0, s20;
	[sflag:s22] =	ssyncset.done $0x0  }
0xa6: {  	[sflag:s22] =	ssyncadd.s32 s5;
	_ =	sdelay $0x1  }
0xa7: {  	s23 =	simm.s32 $0x1B8B  }
0xa8: {  	_ =	swait.ge [sflag:s23], $0x1  }
0xa9: {  	[sflag:s23] =	ssyncset.done $0x0  }
0xaa: {  	s25 =	simm.s32 $0x1B8E;
	s24 =	sld [smem:$0x3FFE];
	[sflag:s23] =	ssyncadd.s32 $0xFFFFFFFF  }
0xab: {  	s26 =	simm.s32 $execute0_lowered;
	[smem:$0x3FD2] =	sst s25  }
0xac: {  	s6 =	sshll.u32 s26, $0x1;
	_ =	strace $0x80000049;
	[dreg:$0x1] =	wrdreg $0xFFFFFFFF  }
0xad: {  	s28 =	simm.s32 $_size_execute0_lowered;
	s4 =	sadd.s32 s4, s6;
	[dreg:$0x0] =	wrdreg $0x0  }
0xae: {  	s6 =	sshll.u32 s28, $0x1;
	[dreg:$0x2] =	wrdreg s4  }
0xaf: {  	[dreg:$0x3] =	wrdreg s6  }
0xb0: {  	[dreg:$0x4] =	wrdreg $0xC0  }
0xb1: {  	_ =	task [dreg:s8], $0x5FFFF  }
0xb2: {  	[dreg:$0x1] =	wrdreg $0xFFFFFFFF  }
0xb3: {  	[dreg:$0x0] =	wrdreg $0x60  }
0xb4: {  	[dreg:$0x2] =	wrdreg s24  }
0xb5: {  	[dreg:$0x3] =	wrdreg s17  }
0xb6: {  	[dreg:$0x4] =	wrdreg s16  }
0xb7: {  	[dreg:$0x5] =	wrdreg $0x100400  }
0xb8: {  	[dreg:$0x6] =	wrdreg $0x9  }
0xb9: {  	_ =	task.clear_ibuf [dreg:s8], $0x7FFFF;
	_ =	strace $0x90000049  }
0xba: {  	s29 =	simm.s32 $0x9;
	_ =	strace $0x8000004B  }
0xbb: {  	_ =	swait.ge [sflag:s29], $0x1  }
0xbc: {  	[sflag:s29] =	ssyncadd.s32 $0xFFFFFFFF  }
0xbd: {  	_ =	strace $0x9000004B  }
0xbe: {  	_ =	sfence  }
0xbf: {  	s30 =	sld [smem:$0x0];
	_ =	sdelay $0x2  }
0xc0: {  	s31 =	sshll.u32 s1, $0xD;
	s1 =	sshrl.u32 s1, $0x2  }
0xc1: {  	s3 =	sand.u32 $0x4000, s31;
	s1 =	sadd.s32 s1, s30  }
0xc2: {  	s0 =	sor.u32 s3, s0;
	s1 =	sshll.u32 s1, $0x11  }
0xc3: {  	s0 =	sor.u32 s1, s0  }
0xc4: {  	s0 =	sadd.s32 $0x8F2B, s0  }
0xc5: {  	[sflag:s0] =	ssyncadd.remote.s32 $0x1  }
0xc6: {  	_ =	sfence.sel $0xFFFF  }
0xc7: {  	[dreg:$0x0] =	wrdreg $0xFFFFFFFF;
	(pc) =	sbr.abs _section_cstart, $3  }
0xc8: {  	[dreg:$0x1] =	wrdreg $0xFFFFFFFF  }
0xc9: {  	_ =	task.clear_ibuf [dreg:s8], $0x2FFFF;
	_ =	strace $0x9FFFFFFF  }
0xca: {  	(tm) =	ssettm $0x7FFFFFFF  }
0xcb: {  	_ =	shalt  }
tec
execute0_lowered:
.L_overlay_start_1:
0x0: {  	(tag) =	ssettag $0x1  }
0x1: {  	s0 =	rddreg [dreg:$0x0]  }
0x2: {  	s1 =	rddreg [dreg:$0x1]  }
0x3: {  	s3 =	rddreg [dreg:$0x2]  }
0x4: {  	s2 =	rddreg [dreg:$0x3]  }
0x5: {  	s13 =	stileid.u32;
	s5 =	simm.s32 $0x0;
	s4 =	srdreg.scid  }
0x6: {  	s14 =	simm.s32 $0x1;
	s15 =	simm.s32 $0x2;
	s16 =	simm.s32 $0x3  }
0x7: {  	s17 =	simm.s32 $0x50;
	s18 =	simm.s32 $0x9C40;
	s19 =	simm.s32 $0xB040  }
0x8: {  	s21 =	simm.s32 $0xC440;
	s29 =	simm.s32 $0x6;
	s31 =	simm.s32 $0x4  }
0x9: {  	s30 =	simm.s32 $0x9;
	s28 =	simm.s32 $0x0;
	s8 =	smul.u32 $0xA000, s13  }
0xa: {  	[smem:$0x7FF] =	sst s5;
	s20 =	sand.u32 $0x1, s4;
	s22 =	smul.u32 $0x14000, s13  }
0xb: {  	s4 =	sadd.s32 $0x3E00, s0;
	s10 =	smul.u32 $0x9C4, s13;
	_ =	strace $0x8000004A  }
0xc: {  	s6 =	sshll.u32 s20, $0x6;
	s23 =	ssub.s32 $0x2, s20;
	s7 =	sshrl.u32 s8, $0x3  }
0xd: {  	s5 =	sor.u32 s6, s22;
	s9 =	sshrl.u32 s23, $0x1;
	s1 =	sadd.s32 s1, s10  }
0xe: {  	s24 =	sadd.s32 s3, s10;
	s25 =	sadd.s32 s8, s2;
	s6 =	simm.s32 $0x4E20  }
0xf: {  	s22 =	simm.s32 $0x5;
	s5 =	sshrl.u32 s5, $0x3;
	[dreg:$0x5] =	wrdreg s1  }
0x10: {  	s11 =	sadd.s32 s7, s0;
	s12 =	ssub.s32 s23, s9;
	[dreg:$0x6] =	wrdreg s24  }
.Ltmp0:
0x11: {  	s7 =	sshll.u32 s13, $0x6;
	s13 =	sshrl.u32 s25, $0x3;
	(pc) =	sbr.rel .LBB2_1-.Ltmp0, $4  }
0x12: {  	s23 =	simm.s32 $0xD840;
	s1 =	simm.s32 $0x7;
	s25 =	simm.s32 $0x8  }
0x13: {  	s24 =	simm.s32 $0xB;
	s0 =	sadd.s32 s5, s0;
	s26 =	sadd.s32 $0x2BE00, s11  }
0x14: {  	s9 =	sor.u32 $0x1C03, s7;
	s11 =	smax.u32 s12, $0x1;
	[dreg:$0x7] =	wrdreg s26  }
0x15: {  	v0 =	vmov s20;
	s10 =	sadd.s32 $0x3FE00, s0;
	s26 =	simm.s32 $0xEC40;
	s0 =	simm.s32 $0xA  }
.LBB2_6:
0x16: {  	_ =	swait.ge [sflag:s29], $0x1400  }
0x17: {  	[sflag:s29] =	ssyncset.done $0x0  }
0x18: {  	[sflag:s29] =	ssyncadd.s32 $0xFFFFEC00  }
0x19: {  	_ =	swait.ge [sflag:s1], $0x1400  }
0x1a: {  	[sflag:s1] =	ssyncset.done $0x0  }
0x1b: {  	[sflag:s1] =	ssyncadd.s32 $0xFFFFEC00  }
0x1c: {  	_ =	swait.ge [sflag:s25], $0x1400  }
0x1d: {  	[sflag:s25] =	ssyncset.done $0x0  }
0x1e: {  	[sflag:s25] =	ssyncadd.s32 $0xFFFFEC00  }
0x1f: {  	_ =	swait.ge [sflag:s30], $0x1400  }
0x20: {  	[sflag:s30] =	ssyncset.done $0x0  }
0x21: {  	[sflag:s30] =	ssyncadd.s32 $0xFFFFEC00  }
0x22: {  	_ =	swait.ge [sflag:s0], $0x1400  }
0x23: {  	s28 =	sadd.s32 $0x1, s28;
	[sflag:s0] =	ssyncset.done $0x0  }
0x24: {  	s3 =	sor.u32 $0x1C0B, s7;
	p0 =	sne.s32 s28, s11;
	[sflag:s0] =	ssyncadd.s32 $0xFFFFEC00  }
.Ltmp1:
0x25: {  	s5 =	simm.s32 $0x10;
	[bflag:$0x0] =	sbarrier.arrive $0xFFFF;
	(pc) =	sbr.rel @!p0 .LBB2_7-.Ltmp1, $4  }
0x26: {  	[hbm:s10@s5], [sflag:s3] =	dma.strided [spmem:s13@s25], $0x1400, s14, $0x8   }
0x27: {  	_ =	swait.ge [sflag:s24], $0x1400  }
0x28: {  	[sflag:s24] =	ssyncset.done $0x0  }
0x29: {  	s6 =	simm.s32 $0x4E20;
	[sflag:s24] =	ssyncadd.s32 $0xFFFFEC00  }
.LBB2_1:
0x2a: {  	s5 =	rddreg [dreg:$0x5]  }
0x2b: {  	s3 =	simm.s32 $0x0;
	s12 =	rddreg [dreg:$0x6]  }
0x2c: {  	[tilespmem:s3], [sflag:$0x1] =	stream.linear.gather [hbm4b:s5+s3], $0x4E20, $0x38;
	[tilespmem:$0x1A040] =	vst v63  }
0x2d: {  	s20 =	rddreg [dreg:$0x7]  }
0x2e: {  	[tilespmem:s6], [sflag:$0x2] =	stream.linear.gather [hbm4b:s12+s3], $0x4E20, $0x38;
	[tilespmem:$0x1A040] =	vst v63  }
0x2f: {  	[spmem:s13], [sflag:s9] =	dma.local [hbm:s20], $0x1400  }
0x30: {  	_ =	swait.ge [sflag:s14], $0x4E20  }
0x31: {  	[sflag:s14] =	ssyncset.done $0x0  }
0x32: {  	s3 =	simm.s32 $0x0;
	[sflag:s14] =	ssyncadd.s32 $0xFFFFB1E0  }
0x33: {  	v3 =	vld [tilespmem:s3+$0x0]  }
0x34: {  	v4 =	vld [tilespmem:s3+$0x10]  }
0x35: {  	v2 =	vld [tilespmem:s3+$0x20]  }
0x36: {  	s20 =	simm.s32 $0x140;
	v1 =	vld [tilespmem:s3+$0x30]  }
.LBB2_2:
0x37: {  	p0 =	sne.s32 s20, $0x13740;
	v5 =	vld [tilespmem:s3+$0x40]  }
0x38: {  	v3 =	vshll.u32 v3, $0x1  }
0x39: {  	v3 =	vor.u32 v0, v3;
	v4 =	vshll.u32 v4, $0x1  }
.Ltmp2:
0x3a: {  	s5 =	sshra.s32 s20, $0x2;
	[tilespmem:s3+$0x0] =	vst v3;
	v4 =	vor.u32 v0, v4;
	v2 =	vshll.u32 v2, $0x1;
	(pc) =	sbr.rel @p0 .LBB2_2-.Ltmp2, $4  }
0x3b: {  	v3 =	vld [tilespmem:s5+$0x0];
	[tilespmem:s3+$0x10] =	vst v4;
	v2 =	vor.u32 v0, v2;
	v1 =	vshll.u32 v1, $0x1  }
0x3c: {  	v4 =	vld [tilespmem:s5+$0x10];
	[tilespmem:s3+$0x20] =	vst v2;
	v1 =	vor.u32 v0, v1;
	v5 =	vshll.u32 v5, $0x1  }
0x3d: {  	v2 =	vld [tilespmem:s5+$0x20];
	[tilespmem:s3+$0x30] =	vst v1;
	v5 =	vor.u32 v0, v5  }
0x3e: {  	s20 =	sadd.s32 $0x140, s20;
	v1 =	vld [tilespmem:s5+$0x30];
	[tilespmem:s3+$0x40] =	vst v5;
	s3 =	smov.u32 s5  }
0x3f: {  	v5 =	vld [tilespmem:s3+$0x40]  }
0x40: {  	v3 =	vshll.u32 v3, $0x1  }
0x41: {  	v3 =	vor.u32 v0, v3;
	v4 =	vshll.u32 v4, $0x1  }
0x42: {  	[tilespmem:s3+$0x0] =	vst v3;
	v3 =	vor.u32 v0, v4;
	v2 =	vshll.u32 v2, $0x1  }
0x43: {  	[tilespmem:s3+$0x10] =	vst v3;
	v2 =	vor.u32 v0, v2;
	v1 =	vshll.u32 v1, $0x1  }
0x44: {  	[tilespmem:s3+$0x20] =	vst v2;
	v1 =	vor.u32 v0, v1;
	v2 =	vshll.u32 v5, $0x1  }
0x45: {  	[tilespmem:s3+$0x30] =	vst v1;
	v1 =	vor.u32 v0, v2  }
0x46: {  	[tilespmem:s3+$0x40] =	vst v1  }
0x47: {  	_ =	swait.ge [sflag:s15], $0x4E20  }
0x48: {  	[sflag:s15] =	ssyncset.done $0x0  }
0x49: {  	[sflag:s15] =	ssyncadd.s32 $0xFFFFB1E0  }
0x4a: {  	_ =	swait.ge [sflag:s16], $0x1400  }
0x4b: {  	[sflag:s16] =	ssyncset.done $0x0  }
0x4c: {  	[sflag:s16] =	ssyncadd.s32 $0xFFFFEC00  }
0x4d: {  	s20 =	simm.s32 $0x0;
	[bflag:$0x0] =	sbarrier.arrive $0xFFFF  }
0x4e: {  	[tilespmem:s18], [sflag:$0x1] =	stream.indirect.gather [hbm4b:s4+s17], $0x40, s20, s17, $0xb8;
	[tilespmem:$0x1A040] =	vst v63  }
0x4f: {  	_ = 	snop  }
0x50: {  	[tilespmem:s19], [sflag:$0x2] =	stream.indirect.gather [hbm4b:s4+s17], $0x40, s17, s17, $0xb8;
	[tilespmem:$0x1A040] =	vst v63  }
0x51: {  	s8 =	simm.s32 $0xA0  }
0x52: {  	[tilespmem:s21], [sflag:$0x3] =	stream.indirect.gather [hbm4b:s4+s17], $0x40, s8, s17, $0xb8;
	[tilespmem:$0x1A040] =	vst v63  }
0x53: {  	_ =	swait.ge [sflag:s14], $0x1400  }
0x54: {  	[sflag:s14] =	ssyncset.done $0x0  }
0x55: {  	[sflag:s14] =	ssyncadd.s32 $0xFFFFEC00  }
0x56: {  	[spmem:s2] =	stream.indirect.scatter.add.f32 [tilespmem:s18], [sflag:$0x6], $0x40, s6, s17, $0xb8;
	[tilespmem:$0x1A040] =	vst v63  }
0x57: {  	s12 =	simm.s32 $0xF0  }
0x58: {  	[tilespmem:s23], [sflag:$0x4] =	stream.indirect.gather [hbm4b:s4+s17], $0x40, s12, s17, $0xb8;
	[tilespmem:$0x1A040] =	vst v63  }
0x59: {  	_ =	swait.ge [sflag:s15], $0x1400  }
0x5a: {  	[sflag:s15] =	ssyncset.done $0x0  }
0x5b: {  	s5 =	simm.s32 $0x4E70;
	[sflag:s15] =	ssyncadd.s32 $0xFFFFEC00  }
0x5c: {  	[spmem:s2] =	stream.indirect.scatter.add.f32 [tilespmem:s19], [sflag:$0x7], $0x40, s5, s17, $0xb8;
	[tilespmem:$0x1A040] =	vst v63  }
0x5d: {  	s6 =	simm.s32 $0x140  }
0x5e: {  	[tilespmem:s26], [sflag:$0x5] =	stream.indirect.gather [hbm4b:s4+s17], $0x40, s6, s17, $0xb8;
	[tilespmem:$0x1A040] =	vst v63  }
0x5f: {  	_ =	swait.ge [sflag:s16], $0x1400  }
0x60: {  	[sflag:s16] =	ssyncset.done $0x0  }
0x61: {  	s8 =	simm.s32 $0x4EC0;
	[sflag:s16] =	ssyncadd.s32 $0xFFFFEC00  }
0x62: {  	[spmem:s2] =	stream.indirect.scatter.add.f32 [tilespmem:s21], [sflag:$0x8], $0x40, s8, s17, $0xb8;
	[tilespmem:$0x1A040] =	vst v63  }
0x63: {  	_ =	swait.ge [sflag:s29], $0x1400  }
0x64: {  	[sflag:s29] =	ssyncset.done $0x0  }
0x65: {  	s12 =	simm.s32 $0x190;
	[sflag:s29] =	ssyncadd.s32 $0xFFFFEC00  }
0x66: {  	[tilespmem:s18], [sflag:$0x1] =	stream.indirect.gather [hbm4b:s4+s17], $0x40, s12, s17, $0xb8;
	[tilespmem:$0x1A040] =	vst v63  }
0x67: {  	_ =	swait.ge [sflag:s31], $0x1400  }
0x68: {  	[sflag:s31] =	ssyncset.done $0x0  }
0x69: {  	s5 =	simm.s32 $0x4F10;
	[sflag:s31] =	ssyncadd.s32 $0xFFFFEC00  }
0x6a: {  	[spmem:s2] =	stream.indirect.scatter.add.f32 [tilespmem:s23], [sflag:$0x9], $0x40, s5, s17, $0xb8;
	[tilespmem:$0x1A040] =	vst v63  }
0x6b: {  	_ =	swait.ge [sflag:s1], $0x1400  }
0x6c: {  	[sflag:s1] =	ssyncset.done $0x0  }
0x6d: {  	s6 =	simm.s32 $0x1E0;
	[sflag:s1] =	ssyncadd.s32 $0xFFFFEC00  }
0x6e: {  	[tilespmem:s19], [sflag:$0x2] =	stream.indirect.gather [hbm4b:s4+s17], $0x40, s6, s17, $0xb8;
	[tilespmem:$0x1A040] =	vst v63  }
0x6f: {  	_ =	swait.ge [sflag:s22], $0x1400  }
0x70: {  	[sflag:s22] =	ssyncset.done $0x0  }
0x71: {  	s8 =	simm.s32 $0x4F60;
	[sflag:s22] =	ssyncadd.s32 $0xFFFFEC00  }
0x72: {  	[spmem:s2] =	stream.indirect.scatter.add.f32 [tilespmem:s26], [sflag:$0xA], $0x40, s8, s17, $0xb8;
	[tilespmem:$0x1A040] =	vst v63  }
0x73: {  	_ =	swait.ge [sflag:s25], $0x1400  }
0x74: {  	[sflag:s25] =	ssyncset.done $0x0  }
0x75: {  	s12 =	simm.s32 $0x230;
	[sflag:s25] =	ssyncadd.s32 $0xFFFFEC00  }
0x76: {  	[tilespmem:s21], [sflag:$0x3] =	stream.indirect.gather [hbm4b:s4+s17], $0x40, s12, s17, $0xb8;
	[tilespmem:$0x1A040] =	vst v63  }
.LBB2_4:
0x77: {  	_ =	swait.ge [sflag:s14], $0x1400  }
0x78: {  	s3 =	sshra.s32 s20, $0x2;
	[sflag:s14] =	ssyncset.done $0x0  }
0x79: {  	s5 =	sadd.s32 $0x4FB0, s3;
	[sflag:s14] =	ssyncadd.s32 $0xFFFFEC00  }
0x7a: {  	[spmem:s2] =	stream.indirect.scatter.add.f32 [tilespmem:s18], [sflag:$0x6], $0x40, s5, s17, $0xb8;
	[tilespmem:$0x1A040] =	vst v63  }
0x7b: {  	_ =	swait.ge [sflag:s30], $0x1400  }
0x7c: {  	[sflag:s30] =	ssyncset.done $0x0  }
0x7d: {  	s8 =	sadd.s32 $0x280, s3;
	[sflag:s30] =	ssyncadd.s32 $0xFFFFEC00  }
0x7e: {  	[tilespmem:s23], [sflag:$0x4] =	stream.indirect.gather [hbm4b:s4+s17], $0x40, s8, s17, $0xb8;
	[tilespmem:$0x1A040] =	vst v63  }
0x7f: {  	_ =	swait.ge [sflag:s15], $0x1400  }
0x80: {  	[sflag:s15] =	ssyncset.done $0x0  }
0x81: {  	s12 =	sadd.s32 $0x5000, s3;
	[sflag:s15] =	ssyncadd.s32 $0xFFFFEC00  }
0x82: {  	[spmem:s2] =	stream.indirect.scatter.add.f32 [tilespmem:s19], [sflag:$0x7], $0x40, s12, s17, $0xb8;
	[tilespmem:$0x1A040] =	vst v63  }
0x83: {  	_ =	swait.ge [sflag:s0], $0x1400  }
0x84: {  	[sflag:s0] =	ssyncset.done $0x0  }
0x85: {  	s6 =	sadd.s32 $0x2D0, s3;
	[sflag:s0] =	ssyncadd.s32 $0xFFFFEC00  }
0x86: {  	[tilespmem:s26], [sflag:$0x5] =	stream.indirect.gather [hbm4b:s4+s17], $0x40, s6, s17, $0xb8;
	[tilespmem:$0x1A040] =	vst v63  }
0x87: {  	_ =	swait.ge [sflag:s16], $0x1400  }
0x88: {  	p0 =	seq.s32 s20, $0x12C00;
	[sflag:s16] =	ssyncset.done $0x0  }
0x89: {  	s5 =	simm.s32 @p0 $0x4;
	s8 =	sadd.s32 $0x5050, s3;
	[sflag:s16] =	ssyncadd.s32 $0xFFFFEC00  }
0x8a: {  	[spmem:s2] =	stream.indirect.scatter.add.f32 [tilespmem:s21], [sflag:$0x8], $0x40, s8, s17, $0xb8;
	[tilespmem:$0x1A040] =	vst v63  }
0x8b: {  	_ =	swait.ge @p0 [sflag:s5], $0x1400  }
0x8c: {  	[sflag:s5] =	ssyncset.done @p0 $0x0  }
0x8d: {  	[sflag:s5] =	ssyncadd.s32 @p0 $0xFFFFEC00;
	s5 =	sshra.s32 @p0 s20, $0x2  }
0x8e: {  	s12 =	simm.s32 @p0 $0xD840;
	s6 =	simm.s32 @p0 $0x50;
	s5 =	sadd.s32 @p0 $0x50A0, s5  }
0x8f: {  	[spmem:s2] =	stream.indirect.scatter.add.f32 @p0 [tilespmem:s12], [sflag:$0x9], $0x40, s5, s6, $0xb8;
	[tilespmem:$0x1A040] =	vst v63  }
0x90: {  	s5 =	simm.s32 @!p0 $0x6  }
0x91: {  	_ =	swait.ge @!p0 [sflag:s5], $0x1400  }
0x92: {  	[sflag:s5] =	ssyncset.done @!p0 $0x0  }
0x93: {  	[sflag:s5] =	ssyncadd.s32 @!p0 $0xFFFFEC00;
	s5 =	sshra.s32 @!p0 s20, $0x2  }
0x94: {  	s8 =	simm.s32 @!p0 $0x9C40;
	s12 =	simm.s32 @!p0 $0x50;
	s6 =	sadd.s32 @!p0 $0x320, s5  }
0x95: {  	[tilespmem:s8], [sflag:$0x1] =	stream.indirect.gather @!p0 [hbm4b:s4+s12], $0x40, s6, s12, $0xb8;
	[tilespmem:$0x1A040] =	vst v63  }
0x96: {  	s6 =	simm.s32 @!p0 $0x4  }
0x97: {  	_ =	swait.ge @!p0 [sflag:s6], $0x1400  }
0x98: {  	[sflag:s6] =	ssyncset.done @!p0 $0x0  }
0x99: {  	s8 =	simm.s32 @!p0 $0xD840;
	[sflag:s6] =	ssyncadd.s32 @!p0 $0xFFFFEC00;
	s6 =	sadd.s32 @!p0 $0x50A0, s5  }
0x9a: {  	[spmem:s2] =	stream.indirect.scatter.add.f32 @!p0 [tilespmem:s8], [sflag:$0x9], $0x40, s6, s12, $0xb8;
	[tilespmem:$0x1A040] =	vst v63  }
0x9b: {  	s6 =	simm.s32 @!p0 $0x7  }
0x9c: {  	_ =	swait.ge @!p0 [sflag:s6], $0x1400  }
0x9d: {  	[sflag:s6] =	ssyncset.done @!p0 $0x0  }
0x9e: {  	s5 =	sadd.s32 @!p0 $0x370, s5;
	[sflag:s6] =	ssyncadd.s32 @!p0 $0xFFFFEC00;
	s6 =	simm.s32 @!p0 $0xB040  }
0x9f: {  	[tilespmem:s6], [sflag:$0x2] =	stream.indirect.gather @!p0 [hbm4b:s4+s12], $0x40, s5, s12, $0xb8;
	[tilespmem:$0x1A040] =	vst v63  }
.Ltmp3:
0xa0: {  	_ = 	snop;
	(pc) =	sbr.rel @p0 .LBB2_6-.Ltmp3, $4  }
0xa1: {  	_ =	swait.ge [sflag:s22], $0x1400  }
0xa2: {  	[sflag:s22] =	ssyncset.done $0x0  }
0xa3: {  	s12 =	sadd.s32 $0x50F0, s3;
	[sflag:s22] =	ssyncadd.s32 $0xFFFFEC00  }
0xa4: {  	[spmem:s2] =	stream.indirect.scatter.add.f32 [tilespmem:s26], [sflag:$0xA], $0x40, s12, s17, $0xb8;
	[tilespmem:$0x1A040] =	vst v63  }
.Ltmp4:
0xa5: {  	(pc) =	sbr.rel .LBB2_4-.Ltmp4, $4  }
0xa6: {  	_ =	swait.ge [sflag:s25], $0x1400  }
0xa7: {  	[sflag:s25] =	ssyncset.done $0x0  }
0xa8: {  	s3 =	sadd.s32 $0x3C0, s3;
	s20 =	sadd.s32 $0x640, s20;
	[sflag:s25] =	ssyncadd.s32 $0xFFFFEC00  }
0xa9: {  	[tilespmem:s21], [sflag:$0x3] =	stream.indirect.gather [hbm4b:s4+s17], $0x40, s3, s17, $0xb8;
	[tilespmem:$0x1A040] =	vst v63  }
.LBB2_7:
0xaa: {  	_ =	sfence.sel $0x180000  }
0xab: {  	[bflag:$0x0] =	sbarrier.arrive $0xFFFF  }
0xac: {  	_ =	strace $0x9000004A  }
0xad: {  	s0 =	stileid.u32;
	[bflag:$0x2] =	sbarrier.arrive $0xFFFF  }
0xae: {  	p0 =	sne.s32 s0, $0x0;
	s0 =	rddreg [dreg:$0x4]  }
0xaf: {  	s0 =	sadd.s32 @!p0 $0x100000, s0  }
0xb0: {  	[sflag:s0] =	ssyncadd.tile.s32 @!p0 $0x1;
	_ =	shalt  }
.Lfunc_end2:
_tile_overlayer_lowered:
.L_overlay_start_2:
0xb1: {  	(tag) =	ssettag $0x2  }
0xb2: {  	s0 =	rddreg [dreg:$0x0];
	s2 =	stileid.u32  }
0xb3: {  	s1 =	rddreg [dreg:$0x1];
	p0 =	sne.s32 s2, $0x0  }
0xb4: {  	s3 =	rddreg [dreg:$0x2];
	[bflag:$0x3] =	sbarrier.arrive $0xFFFF;
	s2 =	simm.s32 @!p0 $0x1C0B  }
0xb5: {  	[timem:s3], [sflag:s2] =	dma.local @!p0 [hbm:s0], s1  }
0xb6: {  	s0 =	simm.s32 @!p0 $0xB  }
0xb7: {  	_ =	swait.ge @!p0 [sflag:s0], s1  }
0xb8: {  	s1 =	ssub.s32 @!p0 $0x0, s1;
	[sflag:s0] =	ssyncset.done @!p0 $0x0  }
0xb9: {  	[sflag:s0] =	ssyncadd.s32 @!p0 s1  }
0xba: {  	[bflag:$0x3] =	sbarrier.arrive $0xFFFF  }
0xbb: {  	_ =	shalt  }

// kernel: kernel.16.cloned.1.call-start
scs
__scs_entry_jumppad:
0x0: {  	(pc) =	sbr.rel $0x88, $3  }
0x1: {  	(tag) =	ssettag $0x0;
	lr =	simm.s32 $0x1  }
0x2: {  	[smem:$0x3F96] =	sst lr;
	_ =	strace $0xD0000000  }
0x3: {  	_ = 	snop  }
0x4: {  	_ = 	snop  }
0x5: {  	_ = 	snop  }
0x6: {  	_ = 	snop  }
0x7: {  	_ = 	snop  }
__scs_overlays_trampoline_lowered:
0x8: {  	[smem:$0x3FA5] =	sst s0  }
0x9: {  	[smem:$0x3FA6] =	sst s1  }
0xa: {  	[smem:$0x3FA7] =	sst s2  }
0xb: {  	[smem:$0x3FA8] =	sst s3  }
0xc: {  	[smem:$0x3FA9] =	sst s4  }
0xd: {  	[smem:$0x3FAA] =	sst s5  }
0xe: {  	[smem:$0x3FAB] =	sst s6  }
0xf: {  	[smem:$0x3FAC] =	sst s7  }
0x10: {  	[smem:$0x3FAD] =	sst s8  }
0x11: {  	[smem:$0x3FAE] =	sst s9;
	s0 =	simm.s32 @!p0 $0x0  }
0x12: {  	s1 =	sld [smem:$0x3F94];
	s0 =	simm.s32 @p0 $0x1  }
0x13: {  	[smem:$0x3FAF] =	sst s0;
	s0 =	simm.s32 @!p1 $0x0  }
0x14: {  	s2 =	sld [smem:$0x3F93];
	s0 =	simm.s32 @p1 $0x1  }
0x15: {  	[smem:$0x3FB0] =	sst s0;
	s0 =	simm.s32 @!p2 $0x0  }
0x16: {  	s3 =	sld [smem:$0x3FDB];
	s0 =	simm.s32 @p2 $0x1  }
0x17: {  	s4 =	simm.s32 $0x1BF5;
	[smem:$0x3FB2] =	sst s0  }
0x18: {  	s0 =	sld [smem:$0x3F95];
	_ =	swait.ge [sflag:s4], $0x0  }
0x19: {  	s7 =	sld [smem:$0x3F96]  }
0x1a: {  	s8 =	sadd.s32 $0xFFFFE003, lr  }
0x1b: {  	s9 =	sadd.s32 $0xFFFFFEF7, lr;
	s5 =	simm.s32 $0xFFFFFFFF;
	p2 =	slt.u32 s8, $0xFFFFF086  }
0x1c: {  	p1 =	slt.u32 s9, $0xF7A;
	s5 =	simm.s32 @!p2 $0x0  }
0x1d: {  	s5 =	simm.s32 @p1 $0x1;
	p0 =	seq.s32 s7, s2  }
0x1e: {  	s7 =	smul.u32 @!p0 $0xF7A, s2;
	p2 =	seq.s32 @!p0 s5, $0x0  }
0x1f: {  	s9 =	smul.u32 $0xF7A, s1;
	s8 =	simm.s32 @!p0 $0x1BF5;
	p2 =	por !p2, p0  }
0x20: {  	[sflag:s8] =	ssyncset.s32 @!p0 $0xFFFFF086;
	s6 =	sadd.s32 @!p0 s3, s7;
	s7 =	simm.s32 @!p0 $0x108  }
0x21: {  	s3 =	sadd.s32 s3, s9;
	s6 =	sadd.s32 @!p0 $0x88, s6;
	s7 =	simm.s32 @p2 $0x1082  }
0x22: {  	[simem:s7], [sflag:s8] =	dma.local @!p0 [hbm:s6], $0xF7A  }
0x23: {  	s9 =	sor.u32 $0xD0000000, s2;
	s6 =	simm.s32 $0x108;
	_ =	swait.ge @!p0 [sflag:s8], $0x0  }
0x24: {  	s3 =	sadd.s32 $0x88, s3;
	s6 =	simm.s32 @!p1 $0x1082;
	[sflag:s4] =	ssyncset.s32 $0xFFFFF086  }
0x25: {  	[simem:s6], [sflag:s4] =	dma.local [hbm:s3], $0xF7A  }
0x26: {  	[smem:$0x3F96] =	sst s1;
	(tag) =	ssettag s2;
	_ =	strace s9  }
0x27: {  	s1 =	sld [smem:$0x3FA6]  }
0x28: {  	s2 =	sld [smem:$0x3FA7]  }
0x29: {  	s4 =	sld [smem:$0x3FA9]  }
0x2a: {  	p0 =	seq.s32 s5, $0x0;
	s5 =	sld [smem:$0x3FAA]  }
0x2b: {  	s6 =	sld [smem:$0x3FAB]  }
0x2c: {  	s7 =	sld [smem:$0x3FAC]  }
0x2d: {  	s3 =	simm.s32 $0x108;
	s8 =	sld [smem:$0x3FAD]  }
0x2e: {  	s3 =	simm.s32 @!p0 $0x1082;
	s9 =	sld [smem:$0x3FAE]  }
0x2f: {  	lr =	sadd.s32 s0, s3;
	s0 =	sld [smem:$0x3FA5]  }
0x30: {  	s3 =	sld [smem:$0x3FA8]  }
0x31: {  	[smem:$0x3FB1] =	sst s10  }
0x32: {  	s10 =	sld [smem:$0x3FAF];
	_ =	sdelay $0x3  }
0x33: {  	p0 =	seq.s32 s10, $0x1;
	s10 =	sld [smem:$0x3FB1];
	_ =	sdelay $0x3  }
0x34: {  	[smem:$0x3FB1] =	sst s10  }
0x35: {  	s10 =	sld [smem:$0x3FB0];
	_ =	sdelay $0x3  }
0x36: {  	p1 =	seq.s32 s10, $0x1;
	s10 =	sld [smem:$0x3FB1];
	_ =	sdelay $0x3  }
0x37: {  	[smem:$0x3FB1] =	sst s10  }
0x38: {  	s10 =	sld [smem:$0x3FB2]  }
0x39: {  	_ = 	snop;
	(pc) =	sbr.ind lr, $3  }
0x3a: {  	_ = 	snop  }
0x3b: {  	_ = 	snop  }
0x3c: {  	p2 =	seq.s32 s10, $0x1;
	s10 =	sld [smem:$0x3FB1]  }
0x3d: {  	_ =	shalt  }
0x3e: {  	_ =	shalt  }
0x3f: {  	_ =	shalt  }
0x40: {  	_ =	shalt  }
0x41: {  	_ =	shalt  }
0x42: {  	_ =	shalt  }
0x43: {  	_ =	shalt  }
0x44: {  	_ =	shalt  }
0x45: {  	_ =	shalt  }
0x46: {  	_ =	shalt  }
0x47: {  	_ =	shalt  }
0x48: {  	_ =	shalt  }
0x49: {  	_ =	shalt  }
0x4a: {  	_ =	shalt  }
0x4b: {  	_ =	shalt  }
0x4c: {  	_ =	shalt  }
0x4d: {  	_ =	shalt  }
0x4e: {  	_ =	shalt  }
0x4f: {  	_ =	shalt  }
0x50: {  	_ =	shalt  }
0x51: {  	_ =	shalt  }
0x52: {  	_ =	shalt  }
0x53: {  	_ =	shalt  }
0x54: {  	_ =	shalt  }
0x55: {  	_ =	shalt  }
0x56: {  	_ =	shalt  }
0x57: {  	_ =	shalt  }
0x58: {  	_ =	shalt  }
0x59: {  	_ =	shalt  }
0x5a: {  	_ =	shalt  }
0x5b: {  	_ =	shalt  }
0x5c: {  	_ =	shalt  }
0x5d: {  	_ =	shalt  }
0x5e: {  	_ =	shalt  }
0x5f: {  	_ =	shalt  }
0x60: {  	_ =	shalt  }
0x61: {  	_ =	shalt  }
0x62: {  	_ =	shalt  }
0x63: {  	_ =	shalt  }
0x64: {  	_ =	shalt  }
0x65: {  	_ =	shalt  }
0x66: {  	_ =	shalt  }
0x67: {  	_ =	shalt  }
0x68: {  	_ =	shalt  }
0x69: {  	_ =	shalt  }
0x6a: {  	_ =	shalt  }
0x6b: {  	_ =	shalt  }
0x6c: {  	_ =	shalt  }
0x6d: {  	_ =	shalt  }
0x6e: {  	_ =	shalt  }
0x6f: {  	_ =	shalt  }
0x70: {  	_ =	shalt  }
0x71: {  	_ =	shalt  }
0x72: {  	_ =	shalt  }
0x73: {  	_ =	shalt  }
0x74: {  	_ =	shalt  }
0x75: {  	_ =	shalt  }
0x76: {  	_ =	shalt  }
0x77: {  	_ =	shalt  }
0x78: {  	_ =	shalt  }
0x79: {  	_ =	shalt  }
0x7a: {  	_ =	shalt  }
0x7b: {  	_ =	shalt  }
0x7c: {  	_ =	shalt  }
0x7d: {  	_ =	shalt  }
0x7e: {  	_ =	shalt  }
0x7f: {  	_ =	shalt  }
0x80: {  	_ =	shalt  }
0x81: {  	_ =	shalt  }
0x82: {  	_ =	shalt  }
0x83: {  	_ =	shalt  }
0x84: {  	_ =	shalt  }
0x85: {  	_ =	shalt  }
0x86: {  	_ =	shalt  }
0x87: {  	_ =	shalt  }
.Lfunc_end0:
.L_simem_size_0:
called_computation.2_lowered:
.L_overlay_start_0:
0x88: {  	s2 =	sld [smem:$0x3FD9]  }
0x89: {  	s3 =	sld [smem:$0x3FFE];
	_ =	sdelay $0x1  }
0x8a: {  	s1 =	srdreg.scid  }
0x8b: {  	s0 =	sand.u32 $0x1, s1  }
0x8c: {  	s14 =	sshll.u32 s0, $0xA;
	s2 =	sadd.s32 s3, s2  }
0x8d: {  	s2 =	sadd.s32 s2, s14  }
0x8e: {  	[smem:$0x3FBD] =	sst s2  }
0x8f: {  	_ = 	snop  }
0x90: {  	s2 =	sld [smem:$0x3FD0];
	_ =	sdelay $0x2  }
0x91: {  	s15 =	simm.s32 $0xA;
	s4 =	simm.s32 $0x10  }
0x92: {  	[smem:s4], [sflag:s15] =	dma.local [hbm:s2], $0x1  }
0x93: {  	_ =	swait.eq [sflag:s15], $0x1  }
0x94: {  	[sflag:s15] =	ssyncset.done $0x0  }
0x95: {  	s16 =	sld [smem:$0x11];
	[sflag:s15] =	ssyncadd.s32 $0xFFFFFFFF  }
0x96: {  	s17 =	sld [smem:$0x12];
	(tm) =	ssettm $0x1  }
0x97: {  	s18 =	sld [smem:$0x3FFB];
	_ =	sdelay $0x3  }
0x98: {  	_ =	strace s18  }
0x99: {  	s4 =	sld [smem:$0x3FFC];
	_ =	sdelay $0x3  }
0x9a: {  	_ =	strace s4  }
0x9b: {  	s4 =	sld [smem:$0x3FFD];
	_ =	sdelay $0x3  }
0x9c: {  	_ =	strace s4  }
0x9d: {  	_ =	strace $0x8FFFFFFF  }
0x9e: {  	s19 =	sld [smem:$0x3FDB];
	_ =	sdelay $0x1  }
0x9f: {  	s5 =	simm.s32 $_scs_section_size  }
0xa0: {  	s6 =	simm.s32 $_size__tile_overlayer_lowered;
	s7 =	simm.s32 $_tile_overlayer_lowered  }
0xa1: {  	s22 =	simm.s32 $0x1BFF;
	s21 =	sshll.u32 s7, $0x1;
	s4 =	sadd.s32 s5, s19  }
0xa2: {  	s8 =	simm.s32 $0x0;
	s20 =	sshll.u32 s6, $0x1;
	s6 =	sadd.s32 s21, s4  }
0xa3: {  	[timem:s8], [sflag:s22] =	dma.local [hbm:s6], s20  }
0xa4: {  	_ =	swait.ge [sflag:s22], s20  }
0xa5: {  	s5 =	ssub.s32 $0x0, s20;
	[sflag:s22] =	ssyncset.done $0x0  }
0xa6: {  	[sflag:s22] =	ssyncadd.s32 s5;
	_ =	sdelay $0x1  }
0xa7: {  	s23 =	simm.s32 $0x1B8B  }
0xa8: {  	_ =	swait.ge [sflag:s23], $0x1  }
0xa9: {  	[sflag:s23] =	ssyncset.done $0x0  }
0xaa: {  	s25 =	simm.s32 $0x1B8E;
	s24 =	sld [smem:$0x3FFE];
	[sflag:s23] =	ssyncadd.s32 $0xFFFFFFFF  }
0xab: {  	s26 =	simm.s32 $execute0_lowered;
	[smem:$0x3FD2] =	sst s25  }
0xac: {  	s6 =	sshll.u32 s26, $0x1;
	_ =	strace $0x8000004C;
	[dreg:$0x1] =	wrdreg $0xFFFFFFFF  }
0xad: {  	s28 =	simm.s32 $_size_execute0_lowered;
	s4 =	sadd.s32 s4, s6;
	[dreg:$0x0] =	wrdreg $0x0  }
0xae: {  	s6 =	sshll.u32 s28, $0x1;
	[dreg:$0x2] =	wrdreg s4  }
0xaf: {  	[dreg:$0x3] =	wrdreg s6  }
0xb0: {  	[dreg:$0x4] =	wrdreg $0xC0  }
0xb1: {  	_ =	task [dreg:s8], $0x5FFFF  }
0xb2: {  	[dreg:$0x1] =	wrdreg $0xFFFFFFFF  }
0xb3: {  	[dreg:$0x0] =	wrdreg $0x60  }
0xb4: {  	[dreg:$0x2] =	wrdreg s24  }
0xb5: {  	[dreg:$0x3] =	wrdreg s17  }
0xb6: {  	[dreg:$0x4] =	wrdreg s16  }
0xb7: {  	[dreg:$0x5] =	wrdreg $0x100400  }
0xb8: {  	[dreg:$0x6] =	wrdreg $0x9  }
0xb9: {  	_ =	task.clear_ibuf [dreg:s8], $0x7FFFF;
	_ =	strace $0x9000004C  }
0xba: {  	s29 =	simm.s32 $0x9;
	_ =	strace $0x8000004E  }
0xbb: {  	_ =	swait.ge [sflag:s29], $0x1  }
0xbc: {  	[sflag:s29] =	ssyncadd.s32 $0xFFFFFFFF  }
0xbd: {  	_ =	strace $0x9000004E  }
0xbe: {  	_ =	sfence  }
0xbf: {  	s30 =	sld [smem:$0x0];
	_ =	sdelay $0x2  }
0xc0: {  	s31 =	sshll.u32 s1, $0xD;
	s1 =	sshrl.u32 s1, $0x2  }
0xc1: {  	s3 =	sand.u32 $0x4000, s31;
	s1 =	sadd.s32 s1, s30  }
0xc2: {  	s0 =	sor.u32 s3, s0;
	s1 =	sshll.u32 s1, $0x11  }
0xc3: {  	s0 =	sor.u32 s1, s0  }
0xc4: {  	s0 =	sadd.s32 $0x8F2B, s0  }
0xc5: {  	[sflag:s0] =	ssyncadd.remote.s32 $0x1  }
0xc6: {  	_ =	sfence.sel $0xFFFF  }
0xc7: {  	[dreg:$0x0] =	wrdreg $0xFFFFFFFF;
	(pc) =	sbr.abs _section_cstart, $3  }
0xc8: {  	[dreg:$0x1] =	wrdreg $0xFFFFFFFF  }
0xc9: {  	_ =	task.clear_ibuf [dreg:s8], $0x2FFFF;
	_ =	strace $0x9FFFFFFF  }
0xca: {  	(tm) =	ssettm $0x7FFFFFFF  }
0xcb: {  	_ =	shalt  }
tec
execute0_lowered:
.L_overlay_start_1:
0x0: {  	(tag) =	ssettag $0x1  }
0x1: {  	s0 =	rddreg [dreg:$0x0]  }
0x2: {  	s1 =	rddreg [dreg:$0x1]  }
0x3: {  	s3 =	rddreg [dreg:$0x2]  }
0x4: {  	s2 =	rddreg [dreg:$0x3]  }
0x5: {  	s13 =	stileid.u32;
	s5 =	simm.s32 $0x0;
	s4 =	srdreg.scid  }
0x6: {  	s14 =	simm.s32 $0x1;
	s15 =	simm.s32 $0x2;
	s16 =	simm.s32 $0x3  }
0x7: {  	s17 =	simm.s32 $0x50;
	s18 =	simm.s32 $0x9C40;
	s19 =	simm.s32 $0xB040  }
0x8: {  	s21 =	simm.s32 $0xC440;
	s29 =	simm.s32 $0x6;
	s31 =	simm.s32 $0x4  }
0x9: {  	s30 =	simm.s32 $0x9;
	s28 =	simm.s32 $0x0;
	s8 =	smul.u32 $0xA000, s13  }
0xa: {  	[smem:$0x7FF] =	sst s5;
	s20 =	sand.u32 $0x1, s4;
	s22 =	smul.u32 $0x14000, s13  }
0xb: {  	s4 =	sadd.s32 $0x3E00, s0;
	s10 =	smul.u32 $0x9C4, s13;
	_ =	strace $0x8000004D  }
0xc: {  	s6 =	sshll.u32 s20, $0x6;
	s23 =	ssub.s32 $0x2, s20;
	s7 =	sshrl.u32 s8, $0x3  }
0xd: {  	s5 =	sor.u32 s6, s22;
	s9 =	sshrl.u32 s23, $0x1;
	s1 =	sadd.s32 s1, s10  }
0xe: {  	s24 =	sadd.s32 s3, s10;
	s25 =	sadd.s32 s8, s2;
	s6 =	simm.s32 $0x4E20  }
0xf: {  	s22 =	simm.s32 $0x5;
	s5 =	sshrl.u32 s5, $0x3;
	[dreg:$0x5] =	wrdreg s1  }
0x10: {  	s11 =	sadd.s32 s7, s0;
	s12 =	ssub.s32 s23, s9;
	[dreg:$0x6] =	wrdreg s24  }
.Ltmp0:
0x11: {  	s7 =	sshll.u32 s13, $0x6;
	s13 =	sshrl.u32 s25, $0x3;
	(pc) =	sbr.rel .LBB2_1-.Ltmp0, $4  }
0x12: {  	s23 =	simm.s32 $0xD840;
	s1 =	simm.s32 $0x7;
	s25 =	simm.s32 $0x8  }
0x13: {  	s24 =	simm.s32 $0xB;
	s0 =	sadd.s32 s5, s0;
	s26 =	sadd.s32 $0x2BE00, s11  }
0x14: {  	s9 =	sor.u32 $0x1C03, s7;
	s11 =	smax.u32 s12, $0x1;
	[dreg:$0x7] =	wrdreg s26  }
0x15: {  	v0 =	vmov s20;
	s10 =	sadd.s32 $0x3FE00, s0;
	s26 =	simm.s32 $0xEC40;
	s0 =	simm.s32 $0xA  }
.LBB2_6:
0x16: {  	_ =	swait.ge [sflag:s29], $0x1400  }
0x17: {  	[sflag:s29] =	ssyncset.done $0x0  }
0x18: {  	[sflag:s29] =	ssyncadd.s32 $0xFFFFEC00  }
0x19: {  	_ =	swait.ge [sflag:s1], $0x1400  }
0x1a: {  	[sflag:s1] =	ssyncset.done $0x0  }
0x1b: {  	[sflag:s1] =	ssyncadd.s32 $0xFFFFEC00  }
0x1c: {  	_ =	swait.ge [sflag:s25], $0x1400  }
0x1d: {  	[sflag:s25] =	ssyncset.done $0x0  }
0x1e: {  	[sflag:s25] =	ssyncadd.s32 $0xFFFFEC00  }
0x1f: {  	_ =	swait.ge [sflag:s30], $0x1400  }
0x20: {  	[sflag:s30] =	ssyncset.done $0x0  }
0x21: {  	[sflag:s30] =	ssyncadd.s32 $0xFFFFEC00  }
0x22: {  	_ =	swait.ge [sflag:s0], $0x1400  }
0x23: {  	s28 =	sadd.s32 $0x1, s28;
	[sflag:s0] =	ssyncset.done $0x0  }
0x24: {  	s3 =	sor.u32 $0x1C0B, s7;
	p0 =	sne.s32 s28, s11;
	[sflag:s0] =	ssyncadd.s32 $0xFFFFEC00  }
.Ltmp1:
0x25: {  	s5 =	simm.s32 $0x10;
	[bflag:$0x0] =	sbarrier.arrive $0xFFFF;
	(pc) =	sbr.rel @!p0 .LBB2_7-.Ltmp1, $4  }
0x26: {  	[hbm:s10@s5], [sflag:s3] =	dma.strided [spmem:s13@s25], $0x1400, s14, $0x8   }
0x27: {  	_ =	swait.ge [sflag:s24], $0x1400  }
0x28: {  	[sflag:s24] =	ssyncset.done $0x0  }
0x29: {  	s6 =	simm.s32 $0x4E20;
	[sflag:s24] =	ssyncadd.s32 $0xFFFFEC00  }
.LBB2_1:
0x2a: {  	s5 =	rddreg [dreg:$0x5]  }
0x2b: {  	s3 =	simm.s32 $0x0;
	s12 =	rddreg [dreg:$0x6]  }
0x2c: {  	[tilespmem:s3], [sflag:$0x1] =	stream.linear.gather [hbm4b:s5+s3], $0x4E20, $0x38;
	[tilespmem:$0x1A040] =	vst v63  }
0x2d: {  	s20 =	rddreg [dreg:$0x7]  }
0x2e: {  	[tilespmem:s6], [sflag:$0x2] =	stream.linear.gather [hbm4b:s12+s3], $0x4E20, $0x38;
	[tilespmem:$0x1A040] =	vst v63  }
0x2f: {  	[spmem:s13], [sflag:s9] =	dma.local [hbm:s20], $0x1400  }
0x30: {  	_ =	swait.ge [sflag:s14], $0x4E20  }
0x31: {  	[sflag:s14] =	ssyncset.done $0x0  }
0x32: {  	s3 =	simm.s32 $0x0;
	[sflag:s14] =	ssyncadd.s32 $0xFFFFB1E0  }
0x33: {  	v3 =	vld [tilespmem:s3+$0x0]  }
0x34: {  	v4 =	vld [tilespmem:s3+$0x10]  }
0x35: {  	v2 =	vld [tilespmem:s3+$0x20]  }
0x36: {  	s20 =	simm.s32 $0x140;
	v1 =	vld [tilespmem:s3+$0x30]  }
.LBB2_2:
0x37: {  	p0 =	sne.s32 s20, $0x13740;
	v5 =	vld [tilespmem:s3+$0x40]  }
0x38: {  	v3 =	vshll.u32 v3, $0x1  }
0x39: {  	v3 =	vor.u32 v0, v3;
	v4 =	vshll.u32 v4, $0x1  }
.Ltmp2:
0x3a: {  	s5 =	sshra.s32 s20, $0x2;
	[tilespmem:s3+$0x0] =	vst v3;
	v4 =	vor.u32 v0, v4;
	v2 =	vshll.u32 v2, $0x1;
	(pc) =	sbr.rel @p0 .LBB2_2-.Ltmp2, $4  }
0x3b: {  	v3 =	vld [tilespmem:s5+$0x0];
	[tilespmem:s3+$0x10] =	vst v4;
	v2 =	vor.u32 v0, v2;
	v1 =	vshll.u32 v1, $0x1  }
0x3c: {  	v4 =	vld [tilespmem:s5+$0x10];
	[tilespmem:s3+$0x20] =	vst v2;
	v1 =	vor.u32 v0, v1;
	v5 =	vshll.u32 v5, $0x1  }
0x3d: {  	v2 =	vld [tilespmem:s5+$0x20];
	[tilespmem:s3+$0x30] =	vst v1;
	v5 =	vor.u32 v0, v5  }
0x3e: {  	s20 =	sadd.s32 $0x140, s20;
	v1 =	vld [tilespmem:s5+$0x30];
	[tilespmem:s3+$0x40] =	vst v5;
	s3 =	smov.u32 s5  }
0x3f: {  	v5 =	vld [tilespmem:s3+$0x40]  }
0x40: {  	v3 =	vshll.u32 v3, $0x1  }
0x41: {  	v3 =	vor.u32 v0, v3;
	v4 =	vshll.u32 v4, $0x1  }
0x42: {  	[tilespmem:s3+$0x0] =	vst v3;
	v3 =	vor.u32 v0, v4;
	v2 =	vshll.u32 v2, $0x1  }
0x43: {  	[tilespmem:s3+$0x10] =	vst v3;
	v2 =	vor.u32 v0, v2;
	v1 =	vshll.u32 v1, $0x1  }
0x44: {  	[tilespmem:s3+$0x20] =	vst v2;
	v1 =	vor.u32 v0, v1;
	v2 =	vshll.u32 v5, $0x1  }
0x45: {  	[tilespmem:s3+$0x30] =	vst v1;
	v1 =	vor.u32 v0, v2  }
0x46: {  	[tilespmem:s3+$0x40] =	vst v1  }
0x47: {  	_ =	swait.ge [sflag:s15], $0x4E20  }
0x48: {  	[sflag:s15] =	ssyncset.done $0x0  }
0x49: {  	[sflag:s15] =	ssyncadd.s32 $0xFFFFB1E0  }
0x4a: {  	_ =	swait.ge [sflag:s16], $0x1400  }
0x4b: {  	[sflag:s16] =	ssyncset.done $0x0  }
0x4c: {  	[sflag:s16] =	ssyncadd.s32 $0xFFFFEC00  }
0x4d: {  	s20 =	simm.s32 $0x0;
	[bflag:$0x0] =	sbarrier.arrive $0xFFFF  }
0x4e: {  	[tilespmem:s18], [sflag:$0x1] =	stream.indirect.gather [hbm4b:s4+s17], $0x40, s20, s17, $0xb8;
	[tilespmem:$0x1A040] =	vst v63  }
0x4f: {  	_ = 	snop  }
0x50: {  	[tilespmem:s19], [sflag:$0x2] =	stream.indirect.gather [hbm4b:s4+s17], $0x40, s17, s17, $0xb8;
	[tilespmem:$0x1A040] =	vst v63  }
0x51: {  	s8 =	simm.s32 $0xA0  }
0x52: {  	[tilespmem:s21], [sflag:$0x3] =	stream.indirect.gather [hbm4b:s4+s17], $0x40, s8, s17, $0xb8;
	[tilespmem:$0x1A040] =	vst v63  }
0x53: {  	_ =	swait.ge [sflag:s14], $0x1400  }
0x54: {  	[sflag:s14] =	ssyncset.done $0x0  }
0x55: {  	[sflag:s14] =	ssyncadd.s32 $0xFFFFEC00  }
0x56: {  	[spmem:s2] =	stream.indirect.scatter.add.f32 [tilespmem:s18], [sflag:$0x6], $0x40, s6, s17, $0xb8;
	[tilespmem:$0x1A040] =	vst v63  }
0x57: {  	s12 =	simm.s32 $0xF0  }
0x58: {  	[tilespmem:s23], [sflag:$0x4] =	stream.indirect.gather [hbm4b:s4+s17], $0x40, s12, s17, $0xb8;
	[tilespmem:$0x1A040] =	vst v63  }
0x59: {  	_ =	swait.ge [sflag:s15], $0x1400  }
0x5a: {  	[sflag:s15] =	ssyncset.done $0x0  }
0x5b: {  	s5 =	simm.s32 $0x4E70;
	[sflag:s15] =	ssyncadd.s32 $0xFFFFEC00  }
0x5c: {  	[spmem:s2] =	stream.indirect.scatter.add.f32 [tilespmem:s19], [sflag:$0x7], $0x40, s5, s17, $0xb8;
	[tilespmem:$0x1A040] =	vst v63  }
0x5d: {  	s6 =	simm.s32 $0x140  }
0x5e: {  	[tilespmem:s26], [sflag:$0x5] =	stream.indirect.gather [hbm4b:s4+s17], $0x40, s6, s17, $0xb8;
	[tilespmem:$0x1A040] =	vst v63  }
0x5f: {  	_ =	swait.ge [sflag:s16], $0x1400  }
0x60: {  	[sflag:s16] =	ssyncset.done $0x0  }
0x61: {  	s8 =	simm.s32 $0x4EC0;
	[sflag:s16] =	ssyncadd.s32 $0xFFFFEC00  }
0x62: {  	[spmem:s2] =	stream.indirect.scatter.add.f32 [tilespmem:s21], [sflag:$0x8], $0x40, s8, s17, $0xb8;
	[tilespmem:$0x1A040] =	vst v63  }
0x63: {  	_ =	swait.ge [sflag:s29], $0x1400  }
0x64: {  	[sflag:s29] =	ssyncset.done $0x0  }
0x65: {  	s12 =	simm.s32 $0x190;
	[sflag:s29] =	ssyncadd.s32 $0xFFFFEC00  }
0x66: {  	[tilespmem:s18], [sflag:$0x1] =	stream.indirect.gather [hbm4b:s4+s17], $0x40, s12, s17, $0xb8;
	[tilespmem:$0x1A040] =	vst v63  }
0x67: {  	_ =	swait.ge [sflag:s31], $0x1400  }
0x68: {  	[sflag:s31] =	ssyncset.done $0x0  }
0x69: {  	s5 =	simm.s32 $0x4F10;
	[sflag:s31] =	ssyncadd.s32 $0xFFFFEC00  }
0x6a: {  	[spmem:s2] =	stream.indirect.scatter.add.f32 [tilespmem:s23], [sflag:$0x9], $0x40, s5, s17, $0xb8;
	[tilespmem:$0x1A040] =	vst v63  }
0x6b: {  	_ =	swait.ge [sflag:s1], $0x1400  }
0x6c: {  	[sflag:s1] =	ssyncset.done $0x0  }
0x6d: {  	s6 =	simm.s32 $0x1E0;
	[sflag:s1] =	ssyncadd.s32 $0xFFFFEC00  }
0x6e: {  	[tilespmem:s19], [sflag:$0x2] =	stream.indirect.gather [hbm4b:s4+s17], $0x40, s6, s17, $0xb8;
	[tilespmem:$0x1A040] =	vst v63  }
0x6f: {  	_ =	swait.ge [sflag:s22], $0x1400  }
0x70: {  	[sflag:s22] =	ssyncset.done $0x0  }
0x71: {  	s8 =	simm.s32 $0x4F60;
	[sflag:s22] =	ssyncadd.s32 $0xFFFFEC00  }
0x72: {  	[spmem:s2] =	stream.indirect.scatter.add.f32 [tilespmem:s26], [sflag:$0xA], $0x40, s8, s17, $0xb8;
	[tilespmem:$0x1A040] =	vst v63  }
0x73: {  	_ =	swait.ge [sflag:s25], $0x1400  }
0x74: {  	[sflag:s25] =	ssyncset.done $0x0  }
0x75: {  	s12 =	simm.s32 $0x230;
	[sflag:s25] =	ssyncadd.s32 $0xFFFFEC00  }
0x76: {  	[tilespmem:s21], [sflag:$0x3] =	stream.indirect.gather [hbm4b:s4+s17], $0x40, s12, s17, $0xb8;
	[tilespmem:$0x1A040] =	vst v63  }
.LBB2_4:
0x77: {  	_ =	swait.ge [sflag:s14], $0x1400  }
0x78: {  	s3 =	sshra.s32 s20, $0x2;
	[sflag:s14] =	ssyncset.done $0x0  }
0x79: {  	s5 =	sadd.s32 $0x4FB0, s3;
	[sflag:s14] =	ssyncadd.s32 $0xFFFFEC00  }
0x7a: {  	[spmem:s2] =	stream.indirect.scatter.add.f32 [tilespmem:s18], [sflag:$0x6], $0x40, s5, s17, $0xb8;
	[tilespmem:$0x1A040] =	vst v63  }
0x7b: {  	_ =	swait.ge [sflag:s30], $0x1400  }
0x7c: {  	[sflag:s30] =	ssyncset.done $0x0  }
0x7d: {  	s8 =	sadd.s32 $0x280, s3;
	[sflag:s30] =	ssyncadd.s32 $0xFFFFEC00  }
0x7e: {  	[tilespmem:s23], [sflag:$0x4] =	stream.indirect.gather [hbm4b:s4+s17], $0x40, s8, s17, $0xb8;
	[tilespmem:$0x1A040] =	vst v63  }
0x7f: {  	_ =	swait.ge [sflag:s15], $0x1400  }
0x80: {  	[sflag:s15] =	ssyncset.done $0x0  }
0x81: {  	s12 =	sadd.s32 $0x5000, s3;
	[sflag:s15] =	ssyncadd.s32 $0xFFFFEC00  }
0x82: {  	[spmem:s2] =	stream.indirect.scatter.add.f32 [tilespmem:s19], [sflag:$0x7], $0x40, s12, s17, $0xb8;
	[tilespmem:$0x1A040] =	vst v63  }
0x83: {  	_ =	swait.ge [sflag:s0], $0x1400  }
0x84: {  	[sflag:s0] =	ssyncset.done $0x0  }
0x85: {  	s6 =	sadd.s32 $0x2D0, s3;
	[sflag:s0] =	ssyncadd.s32 $0xFFFFEC00  }
0x86: {  	[tilespmem:s26], [sflag:$0x5] =	stream.indirect.gather [hbm4b:s4+s17], $0x40, s6, s17, $0xb8;
	[tilespmem:$0x1A040] =	vst v63  }
0x87: {  	_ =	swait.ge [sflag:s16], $0x1400  }
0x88: {  	p0 =	seq.s32 s20, $0x12C00;
	[sflag:s16] =	ssyncset.done $0x0  }
0x89: {  	s5 =	simm.s32 @p0 $0x4;
	s8 =	sadd.s32 $0x5050, s3;
	[sflag:s16] =	ssyncadd.s32 $0xFFFFEC00  }
0x8a: {  	[spmem:s2] =	stream.indirect.scatter.add.f32 [tilespmem:s21], [sflag:$0x8], $0x40, s8, s17, $0xb8;
	[tilespmem:$0x1A040] =	vst v63  }
0x8b: {  	_ =	swait.ge @p0 [sflag:s5], $0x1400  }
0x8c: {  	[sflag:s5] =	ssyncset.done @p0 $0x0  }
0x8d: {  	[sflag:s5] =	ssyncadd.s32 @p0 $0xFFFFEC00;
	s5 =	sshra.s32 @p0 s20, $0x2  }
0x8e: {  	s12 =	simm.s32 @p0 $0xD840;
	s6 =	simm.s32 @p0 $0x50;
	s5 =	sadd.s32 @p0 $0x50A0, s5  }
0x8f: {  	[spmem:s2] =	stream.indirect.scatter.add.f32 @p0 [tilespmem:s12], [sflag:$0x9], $0x40, s5, s6, $0xb8;
	[tilespmem:$0x1A040] =	vst v63  }
0x90: {  	s5 =	simm.s32 @!p0 $0x6  }
0x91: {  	_ =	swait.ge @!p0 [sflag:s5], $0x1400  }
0x92: {  	[sflag:s5] =	ssyncset.done @!p0 $0x0  }
0x93: {  	[sflag:s5] =	ssyncadd.s32 @!p0 $0xFFFFEC00;
	s5 =	sshra.s32 @!p0 s20, $0x2  }
0x94: {  	s8 =	simm.s32 @!p0 $0x9C40;
	s12 =	simm.s32 @!p0 $0x50;
	s6 =	sadd.s32 @!p0 $0x320, s5  }
0x95: {  	[tilespmem:s8], [sflag:$0x1] =	stream.indirect.gather @!p0 [hbm4b:s4+s12], $0x40, s6, s12, $0xb8;
	[tilespmem:$0x1A040] =	vst v63  }
0x96: {  	s6 =	simm.s32 @!p0 $0x4  }
0x97: {  	_ =	swait.ge @!p0 [sflag:s6], $0x1400  }
0x98: {  	[sflag:s6] =	ssyncset.done @!p0 $0x0  }
0x99: {  	s8 =	simm.s32 @!p0 $0xD840;
	[sflag:s6] =	ssyncadd.s32 @!p0 $0xFFFFEC00;
	s6 =	sadd.s32 @!p0 $0x50A0, s5  }
0x9a: {  	[spmem:s2] =	stream.indirect.scatter.add.f32 @!p0 [tilespmem:s8], [sflag:$0x9], $0x40, s6, s12, $0xb8;
	[tilespmem:$0x1A040] =	vst v63  }
0x9b: {  	s6 =	simm.s32 @!p0 $0x7  }
0x9c: {  	_ =	swait.ge @!p0 [sflag:s6], $0x1400  }
0x9d: {  	[sflag:s6] =	ssyncset.done @!p0 $0x0  }
0x9e: {  	s5 =	sadd.s32 @!p0 $0x370, s5;
	[sflag:s6] =	ssyncadd.s32 @!p0 $0xFFFFEC00;
	s6 =	simm.s32 @!p0 $0xB040  }
0x9f: {  	[tilespmem:s6], [sflag:$0x2] =	stream.indirect.gather @!p0 [hbm4b:s4+s12], $0x40, s5, s12, $0xb8;
	[tilespmem:$0x1A040] =	vst v63  }
.Ltmp3:
0xa0: {  	_ = 	snop;
	(pc) =	sbr.rel @p0 .LBB2_6-.Ltmp3, $4  }
0xa1: {  	_ =	swait.ge [sflag:s22], $0x1400  }
0xa2: {  	[sflag:s22] =	ssyncset.done $0x0  }
0xa3: {  	s12 =	sadd.s32 $0x50F0, s3;
	[sflag:s22] =	ssyncadd.s32 $0xFFFFEC00  }
0xa4: {  	[spmem:s2] =	stream.indirect.scatter.add.f32 [tilespmem:s26], [sflag:$0xA], $0x40, s12, s17, $0xb8;
	[tilespmem:$0x1A040] =	vst v63  }
.Ltmp4:
0xa5: {  	(pc) =	sbr.rel .LBB2_4-.Ltmp4, $4  }
0xa6: {  	_ =	swait.ge [sflag:s25], $0x1400  }
0xa7: {  	[sflag:s25] =	ssyncset.done $0x0  }
0xa8: {  	s3 =	sadd.s32 $0x3C0, s3;
	s20 =	sadd.s32 $0x640, s20;
	[sflag:s25] =	ssyncadd.s32 $0xFFFFEC00  }
0xa9: {  	[tilespmem:s21], [sflag:$0x3] =	stream.indirect.gather [hbm4b:s4+s17], $0x40, s3, s17, $0xb8;
	[tilespmem:$0x1A040] =	vst v63  }
.LBB2_7:
0xaa: {  	_ =	sfence.sel $0x180000  }
0xab: {  	[bflag:$0x0] =	sbarrier.arrive $0xFFFF  }
0xac: {  	_ =	strace $0x9000004D  }
0xad: {  	s0 =	stileid.u32;
	[bflag:$0x2] =	sbarrier.arrive $0xFFFF  }
0xae: {  	p0 =	sne.s32 s0, $0x0;
	s0 =	rddreg [dreg:$0x4]  }
0xaf: {  	s0 =	sadd.s32 @!p0 $0x100000, s0  }
0xb0: {  	[sflag:s0] =	ssyncadd.tile.s32 @!p0 $0x1;
	_ =	shalt  }
.Lfunc_end2:
_tile_overlayer_lowered:
.L_overlay_start_2:
0xb1: {  	(tag) =	ssettag $0x2  }
0xb2: {  	s0 =	rddreg [dreg:$0x0];
	s2 =	stileid.u32  }
0xb3: {  	s1 =	rddreg [dreg:$0x1];
	p0 =	sne.s32 s2, $0x0  }
0xb4: {  	s3 =	rddreg [dreg:$0x2];
	[bflag:$0x3] =	sbarrier.arrive $0xFFFF;
	s2 =	simm.s32 @!p0 $0x1C0B  }
0xb5: {  	[timem:s3], [sflag:s2] =	dma.local @!p0 [hbm:s0], s1  }
0xb6: {  	s0 =	simm.s32 @!p0 $0xB  }
0xb7: {  	_ =	swait.ge @!p0 [sflag:s0], s1  }
0xb8: {  	s1 =	ssub.s32 @!p0 $0x0, s1;
	[sflag:s0] =	ssyncset.done @!p0 $0x0  }
0xb9: {  	[sflag:s0] =	ssyncadd.s32 @!p0 s1  }
0xba: {  	[bflag:$0x3] =	sbarrier.arrive $0xFFFF  }
0xbb: {  	_ =	shalt  }

// kernel: kernel.19.cloned.1.call-start
scs
__scs_entry_jumppad:
0x0: {  	(pc) =	sbr.rel $0x88, $3  }
0x1: {  	(tag) =	ssettag $0x0;
	lr =	simm.s32 $0x1  }
0x2: {  	[smem:$0x3F96] =	sst lr;
	_ =	strace $0xD0000000  }
0x3: {  	_ = 	snop  }
0x4: {  	_ = 	snop  }
0x5: {  	_ = 	snop  }
0x6: {  	_ = 	snop  }
0x7: {  	_ = 	snop  }
__scs_overlays_trampoline_lowered:
0x8: {  	[smem:$0x3FA5] =	sst s0  }
0x9: {  	[smem:$0x3FA6] =	sst s1  }
0xa: {  	[smem:$0x3FA7] =	sst s2  }
0xb: {  	[smem:$0x3FA8] =	sst s3  }
0xc: {  	[smem:$0x3FA9] =	sst s4  }
0xd: {  	[smem:$0x3FAA] =	sst s5  }
0xe: {  	[smem:$0x3FAB] =	sst s6  }
0xf: {  	[smem:$0x3FAC] =	sst s7  }
0x10: {  	[smem:$0x3FAD] =	sst s8  }
0x11: {  	[smem:$0x3FAE] =	sst s9;
	s0 =	simm.s32 @!p0 $0x0  }
0x12: {  	s1 =	sld [smem:$0x3F94];
	s0 =	simm.s32 @p0 $0x1  }
0x13: {  	[smem:$0x3FAF] =	sst s0;
	s0 =	simm.s32 @!p1 $0x0  }
0x14: {  	s2 =	sld [smem:$0x3F93];
	s0 =	simm.s32 @p1 $0x1  }
0x15: {  	[smem:$0x3FB0] =	sst s0;
	s0 =	simm.s32 @!p2 $0x0  }
0x16: {  	s3 =	sld [smem:$0x3FDB];
	s0 =	simm.s32 @p2 $0x1  }
0x17: {  	s4 =	simm.s32 $0x1BF5;
	[smem:$0x3FB2] =	sst s0  }
0x18: {  	s0 =	sld [smem:$0x3F95];
	_ =	swait.ge [sflag:s4], $0x0  }
0x19: {  	s7 =	sld [smem:$0x3F96]  }
0x1a: {  	s8 =	sadd.s32 $0xFFFFE003, lr  }
0x1b: {  	s9 =	sadd.s32 $0xFFFFFEF7, lr;
	s5 =	simm.s32 $0xFFFFFFFF;
	p2 =	slt.u32 s8, $0xFFFFF086  }
0x1c: {  	p1 =	slt.u32 s9, $0xF7A;
	s5 =	simm.s32 @!p2 $0x0  }
0x1d: {  	s5 =	simm.s32 @p1 $0x1;
	p0 =	seq.s32 s7, s2  }
0x1e: {  	s7 =	smul.u32 @!p0 $0xF7A, s2;
	p2 =	seq.s32 @!p0 s5, $0x0  }
0x1f: {  	s9 =	smul.u32 $0xF7A, s1;
	s8 =	simm.s32 @!p0 $0x1BF5;
	p2 =	por !p2, p0  }
0x20: {  	[sflag:s8] =	ssyncset.s32 @!p0 $0xFFFFF086;
	s6 =	sadd.s32 @!p0 s3, s7;
	s7 =	simm.s32 @!p0 $0x108  }
0x21: {  	s3 =	sadd.s32 s3, s9;
	s6 =	sadd.s32 @!p0 $0x88, s6;
	s7 =	simm.s32 @p2 $0x1082  }
0x22: {  	[simem:s7], [sflag:s8] =	dma.local @!p0 [hbm:s6], $0xF7A  }
0x23: {  	s9 =	sor.u32 $0xD0000000, s2;
	s6 =	simm.s32 $0x108;
	_ =	swait.ge @!p0 [sflag:s8], $0x0  }
0x24: {  	s3 =	sadd.s32 $0x88, s3;
	s6 =	simm.s32 @!p1 $0x1082;
	[sflag:s4] =	ssyncset.s32 $0xFFFFF086  }
0x25: {  	[simem:s6], [sflag:s4] =	dma.local [hbm:s3], $0xF7A  }
0x26: {  	[smem:$0x3F96] =	sst s1;
	(tag) =	ssettag s2;
	_ =	strace s9  }
0x27: {  	s1 =	sld [smem:$0x3FA6]  }
0x28: {  	s2 =	sld [smem:$0x3FA7]  }
0x29: {  	s4 =	sld [smem:$0x3FA9]  }
0x2a: {  	p0 =	seq.s32 s5, $0x0;
	s5 =	sld [smem:$0x3FAA]  }
0x2b: {  	s6 =	sld [smem:$0x3FAB]  }
0x2c: {  	s7 =	sld [smem:$0x3FAC]  }
0x2d: {  	s3 =	simm.s32 $0x108;
	s8 =	sld [smem:$0x3FAD]  }
0x2e: {  	s3 =	simm.s32 @!p0 $0x1082;
	s9 =	sld [smem:$0x3FAE]  }
0x2f: {  	lr =	sadd.s32 s0, s3;
	s0 =	sld [smem:$0x3FA5]  }
0x30: {  	s3 =	sld [smem:$0x3FA8]  }
0x31: {  	[smem:$0x3FB1] =	sst s10  }
0x32: {  	s10 =	sld [smem:$0x3FAF];
	_ =	sdelay $0x3  }
0x33: {  	p0 =	seq.s32 s10, $0x1;
	s10 =	sld [smem:$0x3FB1];
	_ =	sdelay $0x3  }
0x34: {  	[smem:$0x3FB1] =	sst s10  }
0x35: {  	s10 =	sld [smem:$0x3FB0];
	_ =	sdelay $0x3  }
0x36: {  	p1 =	seq.s32 s10, $0x1;
	s10 =	sld [smem:$0x3FB1];
	_ =	sdelay $0x3  }
0x37: {  	[smem:$0x3FB1] =	sst s10  }
0x38: {  	s10 =	sld [smem:$0x3FB2]  }
0x39: {  	_ = 	snop;
	(pc) =	sbr.ind lr, $3  }
0x3a: {  	_ = 	snop  }
0x3b: {  	_ = 	snop  }
0x3c: {  	p2 =	seq.s32 s10, $0x1;
	s10 =	sld [smem:$0x3FB1]  }
0x3d: {  	_ =	shalt  }
0x3e: {  	_ =	shalt  }
0x3f: {  	_ =	shalt  }
0x40: {  	_ =	shalt  }
0x41: {  	_ =	shalt  }
0x42: {  	_ =	shalt  }
0x43: {  	_ =	shalt  }
0x44: {  	_ =	shalt  }
0x45: {  	_ =	shalt  }
0x46: {  	_ =	shalt  }
0x47: {  	_ =	shalt  }
0x48: {  	_ =	shalt  }
0x49: {  	_ =	shalt  }
0x4a: {  	_ =	shalt  }
0x4b: {  	_ =	shalt  }
0x4c: {  	_ =	shalt  }
0x4d: {  	_ =	shalt  }
0x4e: {  	_ =	shalt  }
0x4f: {  	_ =	shalt  }
0x50: {  	_ =	shalt  }
0x51: {  	_ =	shalt  }
0x52: {  	_ =	shalt  }
0x53: {  	_ =	shalt  }
0x54: {  	_ =	shalt  }
0x55: {  	_ =	shalt  }
0x56: {  	_ =	shalt  }
0x57: {  	_ =	shalt  }
0x58: {  	_ =	shalt  }
0x59: {  	_ =	shalt  }
0x5a: {  	_ =	shalt  }
0x5b: {  	_ =	shalt  }
0x5c: {  	_ =	shalt  }
0x5d: {  	_ =	shalt  }
0x5e: {  	_ =	shalt  }
0x5f: {  	_ =	shalt  }
0x60: {  	_ =	shalt  }
0x61: {  	_ =	shalt  }
0x62: {  	_ =	shalt  }
0x63: {  	_ =	shalt  }
0x64: {  	_ =	shalt  }
0x65: {  	_ =	shalt  }
0x66: {  	_ =	shalt  }
0x67: {  	_ =	shalt  }
0x68: {  	_ =	shalt  }
0x69: {  	_ =	shalt  }
0x6a: {  	_ =	shalt  }
0x6b: {  	_ =	shalt  }
0x6c: {  	_ =	shalt  }
0x6d: {  	_ =	shalt  }
0x6e: {  	_ =	shalt  }
0x6f: {  	_ =	shalt  }
0x70: {  	_ =	shalt  }
0x71: {  	_ =	shalt  }
0x72: {  	_ =	shalt  }
0x73: {  	_ =	shalt  }
0x74: {  	_ =	shalt  }
0x75: {  	_ =	shalt  }
0x76: {  	_ =	shalt  }
0x77: {  	_ =	shalt  }
0x78: {  	_ =	shalt  }
0x79: {  	_ =	shalt  }
0x7a: {  	_ =	shalt  }
0x7b: {  	_ =	shalt  }
0x7c: {  	_ =	shalt  }
0x7d: {  	_ =	shalt  }
0x7e: {  	_ =	shalt  }
0x7f: {  	_ =	shalt  }
0x80: {  	_ =	shalt  }
0x81: {  	_ =	shalt  }
0x82: {  	_ =	shalt  }
0x83: {  	_ =	shalt  }
0x84: {  	_ =	shalt  }
0x85: {  	_ =	shalt  }
0x86: {  	_ =	shalt  }
0x87: {  	_ =	shalt  }
.Lfunc_end0:
.L_simem_size_0:
called_computation.3_lowered:
.L_overlay_start_0:
0x88: {  	s2 =	sld [smem:$0x3FD9]  }
0x89: {  	s3 =	sld [smem:$0x3FFE];
	_ =	sdelay $0x1  }
0x8a: {  	s1 =	srdreg.scid  }
0x8b: {  	s0 =	sand.u32 $0x1, s1  }
0x8c: {  	s14 =	sshll.u32 s0, $0xA;
	s2 =	sadd.s32 s3, s2  }
0x8d: {  	s2 =	sadd.s32 s2, s14  }
0x8e: {  	[smem:$0x3FBD] =	sst s2  }
0x8f: {  	_ = 	snop  }
0x90: {  	s2 =	sld [smem:$0x3FD0];
	_ =	sdelay $0x2  }
0x91: {  	s15 =	simm.s32 $0xA;
	s4 =	simm.s32 $0x10  }
0x92: {  	[smem:s4], [sflag:s15] =	dma.local [hbm:s2], $0x1  }
0x93: {  	_ =	swait.eq [sflag:s15], $0x1  }
0x94: {  	[sflag:s15] =	ssyncset.done $0x0  }
0x95: {  	s16 =	sld [smem:$0x11];
	[sflag:s15] =	ssyncadd.s32 $0xFFFFFFFF  }
0x96: {  	s17 =	sld [smem:$0x12];
	(tm) =	ssettm $0x1  }
0x97: {  	s18 =	sld [smem:$0x3FFB];
	_ =	sdelay $0x3  }
0x98: {  	_ =	strace s18  }
0x99: {  	s4 =	sld [smem:$0x3FFC];
	_ =	sdelay $0x3  }
0x9a: {  	_ =	strace s4  }
0x9b: {  	s4 =	sld [smem:$0x3FFD];
	_ =	sdelay $0x3  }
0x9c: {  	_ =	strace s4  }
0x9d: {  	_ =	strace $0x8FFFFFFF  }
0x9e: {  	s19 =	sld [smem:$0x3FDB];
	_ =	sdelay $0x1  }
0x9f: {  	s5 =	simm.s32 $_scs_section_size  }
0xa0: {  	s6 =	simm.s32 $_size__tile_overlayer_lowered;
	s7 =	simm.s32 $_tile_overlayer_lowered  }
0xa1: {  	s22 =	simm.s32 $0x1BFF;
	s21 =	sshll.u32 s7, $0x1;
	s4 =	sadd.s32 s5, s19  }
0xa2: {  	s8 =	simm.s32 $0x0;
	s20 =	sshll.u32 s6, $0x1;
	s6 =	sadd.s32 s21, s4  }
0xa3: {  	[timem:s8], [sflag:s22] =	dma.local [hbm:s6], s20  }
0xa4: {  	_ =	swait.ge [sflag:s22], s20  }
0xa5: {  	s5 =	ssub.s32 $0x0, s20;
	[sflag:s22] =	ssyncset.done $0x0  }
0xa6: {  	[sflag:s22] =	ssyncadd.s32 s5;
	_ =	sdelay $0x1  }
0xa7: {  	s23 =	simm.s32 $0x1B8B  }
0xa8: {  	_ =	swait.ge [sflag:s23], $0x1  }
0xa9: {  	[sflag:s23] =	ssyncset.done $0x0  }
0xaa: {  	s25 =	simm.s32 $0x1B8E;
	s24 =	sld [smem:$0x3FFE];
	[sflag:s23] =	ssyncadd.s32 $0xFFFFFFFF  }
0xab: {  	s26 =	simm.s32 $execute0_lowered;
	[smem:$0x3FD2] =	sst s25  }
0xac: {  	s6 =	sshll.u32 s26, $0x1;
	_ =	strace $0x8000004F;
	[dreg:$0x1] =	wrdreg $0xFFFFFFFF  }
0xad: {  	s28 =	simm.s32 $_size_execute0_lowered;
	s4 =	sadd.s32 s4, s6;
	[dreg:$0x0] =	wrdreg $0x0  }
0xae: {  	s6 =	sshll.u32 s28, $0x1;
	[dreg:$0x2] =	wrdreg s4  }
0xaf: {  	[dreg:$0x3] =	wrdreg s6  }
0xb0: {  	[dreg:$0x4] =	wrdreg $0xC0  }
0xb1: {  	_ =	task [dreg:s8], $0x5FFFF  }
0xb2: {  	[dreg:$0x1] =	wrdreg $0xFFFFFFFF  }
0xb3: {  	[dreg:$0x0] =	wrdreg $0x60  }
0xb4: {  	[dreg:$0x2] =	wrdreg s24  }
0xb5: {  	[dreg:$0x3] =	wrdreg s17  }
0xb6: {  	[dreg:$0x4] =	wrdreg s16  }
0xb7: {  	[dreg:$0x5] =	wrdreg $0x100400  }
0xb8: {  	[dreg:$0x6] =	wrdreg $0x9  }
0xb9: {  	_ =	task.clear_ibuf [dreg:s8], $0x7FFFF;
	_ =	strace $0x9000004F  }
0xba: {  	s29 =	simm.s32 $0x9;
	_ =	strace $0x80000051  }
0xbb: {  	_ =	swait.ge [sflag:s29], $0x1  }
0xbc: {  	[sflag:s29] =	ssyncadd.s32 $0xFFFFFFFF  }
0xbd: {  	_ =	strace $0x90000051  }
0xbe: {  	_ =	sfence  }
0xbf: {  	s30 =	sld [smem:$0x0];
	_ =	sdelay $0x2  }
0xc0: {  	s31 =	sshll.u32 s1, $0xD;
	s1 =	sshrl.u32 s1, $0x2  }
0xc1: {  	s3 =	sand.u32 $0x4000, s31;
	s1 =	sadd.s32 s1, s30  }
0xc2: {  	s0 =	sor.u32 s3, s0;
	s1 =	sshll.u32 s1, $0x11  }
0xc3: {  	s0 =	sor.u32 s1, s0  }
0xc4: {  	s0 =	sadd.s32 $0x8F2B, s0  }
0xc5: {  	[sflag:s0] =	ssyncadd.remote.s32 $0x1  }
0xc6: {  	_ =	sfence.sel $0xFFFF  }
0xc7: {  	[dreg:$0x0] =	wrdreg $0xFFFFFFFF;
	(pc) =	sbr.abs _section_cstart, $3  }
0xc8: {  	[dreg:$0x1] =	wrdreg $0xFFFFFFFF  }
0xc9: {  	_ =	task.clear_ibuf [dreg:s8], $0x2FFFF;
	_ =	strace $0x9FFFFFFF  }
0xca: {  	(tm) =	ssettm $0x7FFFFFFF  }
0xcb: {  	_ =	shalt  }
tec
execute0_lowered:
.L_overlay_start_1:
0x0: {  	(tag) =	ssettag $0x1  }
0x1: {  	s0 =	rddreg [dreg:$0x0]  }
0x2: {  	s1 =	rddreg [dreg:$0x1]  }
0x3: {  	s3 =	rddreg [dreg:$0x2]  }
0x4: {  	s2 =	rddreg [dreg:$0x3]  }
0x5: {  	s13 =	stileid.u32;
	s5 =	simm.s32 $0x0;
	s4 =	srdreg.scid  }
0x6: {  	s14 =	simm.s32 $0x1;
	s15 =	simm.s32 $0x2;
	s16 =	simm.s32 $0x3  }
0x7: {  	s17 =	simm.s32 $0x50;
	s18 =	simm.s32 $0x9C40;
	s19 =	simm.s32 $0xB040  }
0x8: {  	s21 =	simm.s32 $0xC440;
	s29 =	simm.s32 $0x6;
	s31 =	simm.s32 $0x4  }
0x9: {  	s30 =	simm.s32 $0x9;
	s28 =	simm.s32 $0x0;
	s8 =	smul.u32 $0xA000, s13  }
0xa: {  	[smem:$0x7FF] =	sst s5;
	s20 =	sand.u32 $0x1, s4;
	s22 =	smul.u32 $0x14000, s13  }
0xb: {  	s4 =	sadd.s32 $0x3E00, s0;
	s10 =	smul.u32 $0x9C4, s13;
	_ =	strace $0x80000050  }
0xc: {  	s6 =	sshll.u32 s20, $0x6;
	s23 =	ssub.s32 $0x2, s20;
	s7 =	sshrl.u32 s8, $0x3  }
0xd: {  	s5 =	sor.u32 s6, s22;
	s9 =	sshrl.u32 s23, $0x1;
	s1 =	sadd.s32 s1, s10  }
0xe: {  	s24 =	sadd.s32 s3, s10;
	s25 =	sadd.s32 s8, s2;
	s6 =	simm.s32 $0x4E20  }
0xf: {  	s22 =	simm.s32 $0x5;
	s5 =	sshrl.u32 s5, $0x3;
	[dreg:$0x5] =	wrdreg s1  }
0x10: {  	s11 =	sadd.s32 s7, s0;
	s12 =	ssub.s32 s23, s9;
	[dreg:$0x6] =	wrdreg s24  }
.Ltmp0:
0x11: {  	s7 =	sshll.u32 s13, $0x6;
	s13 =	sshrl.u32 s25, $0x3;
	(pc) =	sbr.rel .LBB2_1-.Ltmp0, $4  }
0x12: {  	s23 =	simm.s32 $0xD840;
	s1 =	simm.s32 $0x7;
	s25 =	simm.s32 $0x8  }
0x13: {  	s24 =	simm.s32 $0xB;
	s0 =	sadd.s32 s5, s0;
	s26 =	sadd.s32 $0x2BE00, s11  }
0x14: {  	s9 =	sor.u32 $0x1C03, s7;
	s11 =	smax.u32 s12, $0x1;
	[dreg:$0x7] =	wrdreg s26  }
0x15: {  	v0 =	vmov s20;
	s10 =	sadd.s32 $0x3FE00, s0;
	s26 =	simm.s32 $0xEC40;
	s0 =	simm.s32 $0xA  }
.LBB2_6:
0x16: {  	_ =	swait.ge [sflag:s29], $0x1400  }
0x17: {  	[sflag:s29] =	ssyncset.done $0x0  }
0x18: {  	[sflag:s29] =	ssyncadd.s32 $0xFFFFEC00  }
0x19: {  	_ =	swait.ge [sflag:s1], $0x1400  }
0x1a: {  	[sflag:s1] =	ssyncset.done $0x0  }
0x1b: {  	[sflag:s1] =	ssyncadd.s32 $0xFFFFEC00  }
0x1c: {  	_ =	swait.ge [sflag:s25], $0x1400  }
0x1d: {  	[sflag:s25] =	ssyncset.done $0x0  }
0x1e: {  	[sflag:s25] =	ssyncadd.s32 $0xFFFFEC00  }
0x1f: {  	_ =	swait.ge [sflag:s30], $0x1400  }
0x20: {  	[sflag:s30] =	ssyncset.done $0x0  }
0x21: {  	[sflag:s30] =	ssyncadd.s32 $0xFFFFEC00  }
0x22: {  	_ =	swait.ge [sflag:s0], $0x1400  }
0x23: {  	s28 =	sadd.s32 $0x1, s28;
	[sflag:s0] =	ssyncset.done $0x0  }
0x24: {  	s3 =	sor.u32 $0x1C0B, s7;
	p0 =	sne.s32 s28, s11;
	[sflag:s0] =	ssyncadd.s32 $0xFFFFEC00  }
.Ltmp1:
0x25: {  	s5 =	simm.s32 $0x10;
	[bflag:$0x0] =	sbarrier.arrive $0xFFFF;
	(pc) =	sbr.rel @!p0 .LBB2_7-.Ltmp1, $4  }
0x26: {  	[hbm:s10@s5], [sflag:s3] =	dma.strided [spmem:s13@s25], $0x1400, s14, $0x8   }
0x27: {  	_ =	swait.ge [sflag:s24], $0x1400  }
0x28: {  	[sflag:s24] =	ssyncset.done $0x0  }
0x29: {  	s6 =	simm.s32 $0x4E20;
	[sflag:s24] =	ssyncadd.s32 $0xFFFFEC00  }
.LBB2_1:
0x2a: {  	s5 =	rddreg [dreg:$0x5]  }
0x2b: {  	s3 =	simm.s32 $0x0;
	s12 =	rddreg [dreg:$0x6]  }
0x2c: {  	[tilespmem:s3], [sflag:$0x1] =	stream.linear.gather [hbm4b:s5+s3], $0x4E20, $0x38;
	[tilespmem:$0x1A040] =	vst v63  }
0x2d: {  	s20 =	rddreg [dreg:$0x7]  }
0x2e: {  	[tilespmem:s6], [sflag:$0x2] =	stream.linear.gather [hbm4b:s12+s3], $0x4E20, $0x38;
	[tilespmem:$0x1A040] =	vst v63  }
0x2f: {  	[spmem:s13], [sflag:s9] =	dma.local [hbm:s20], $0x1400  }
0x30: {  	_ =	swait.ge [sflag:s14], $0x4E20  }
0x31: {  	[sflag:s14] =	ssyncset.done $0x0  }
0x32: {  	s3 =	simm.s32 $0x0;
	[sflag:s14] =	ssyncadd.s32 $0xFFFFB1E0  }
0x33: {  	v3 =	vld [tilespmem:s3+$0x0]  }
0x34: {  	v4 =	vld [tilespmem:s3+$0x10]  }
0x35: {  	v2 =	vld [tilespmem:s3+$0x20]  }
0x36: {  	s20 =	simm.s32 $0x140;
	v1 =	vld [tilespmem:s3+$0x30]  }
.LBB2_2:
0x37: {  	p0 =	sne.s32 s20, $0x13740;
	v5 =	vld [tilespmem:s3+$0x40]  }
0x38: {  	v3 =	vshll.u32 v3, $0x1  }
0x39: {  	v3 =	vor.u32 v0, v3;
	v4 =	vshll.u32 v4, $0x1  }
.Ltmp2:
0x3a: {  	s5 =	sshra.s32 s20, $0x2;
	[tilespmem:s3+$0x0] =	vst v3;
	v4 =	vor.u32 v0, v4;
	v2 =	vshll.u32 v2, $0x1;
	(pc) =	sbr.rel @p0 .LBB2_2-.Ltmp2, $4  }
0x3b: {  	v3 =	vld [tilespmem:s5+$0x0];
	[tilespmem:s3+$0x10] =	vst v4;
	v2 =	vor.u32 v0, v2;
	v1 =	vshll.u32 v1, $0x1  }
0x3c: {  	v4 =	vld [tilespmem:s5+$0x10];
	[tilespmem:s3+$0x20] =	vst v2;
	v1 =	vor.u32 v0, v1;
	v5 =	vshll.u32 v5, $0x1  }
0x3d: {  	v2 =	vld [tilespmem:s5+$0x20];
	[tilespmem:s3+$0x30] =	vst v1;
	v5 =	vor.u32 v0, v5  }
0x3e: {  	s20 =	sadd.s32 $0x140, s20;
	v1 =	vld [tilespmem:s5+$0x30];
	[tilespmem:s3+$0x40] =	vst v5;
	s3 =	smov.u32 s5  }
0x3f: {  	v5 =	vld [tilespmem:s3+$0x40]  }
0x40: {  	v3 =	vshll.u32 v3, $0x1  }
0x41: {  	v3 =	vor.u32 v0, v3;
	v4 =	vshll.u32 v4, $0x1  }
0x42: {  	[tilespmem:s3+$0x0] =	vst v3;
	v3 =	vor.u32 v0, v4;
	v2 =	vshll.u32 v2, $0x1  }
0x43: {  	[tilespmem:s3+$0x10] =	vst v3;
	v2 =	vor.u32 v0, v2;
	v1 =	vshll.u32 v1, $0x1  }
0x44: {  	[tilespmem:s3+$0x20] =	vst v2;
	v1 =	vor.u32 v0, v1;
	v2 =	vshll.u32 v5, $0x1  }
0x45: {  	[tilespmem:s3+$0x30] =	vst v1;
	v1 =	vor.u32 v0, v2  }
0x46: {  	[tilespmem:s3+$0x40] =	vst v1  }
0x47: {  	_ =	swait.ge [sflag:s15], $0x4E20  }
0x48: {  	[sflag:s15] =	ssyncset.done $0x0  }
0x49: {  	[sflag:s15] =	ssyncadd.s32 $0xFFFFB1E0  }
0x4a: {  	_ =	swait.ge [sflag:s16], $0x1400  }
0x4b: {  	[sflag:s16] =	ssyncset.done $0x0  }
0x4c: {  	[sflag:s16] =	ssyncadd.s32 $0xFFFFEC00  }
0x4d: {  	s20 =	simm.s32 $0x0;
	[bflag:$0x0] =	sbarrier.arrive $0xFFFF  }
0x4e: {  	[tilespmem:s18], [sflag:$0x1] =	stream.indirect.gather [hbm4b:s4+s17], $0x40, s20, s17, $0xb8;
	[tilespmem:$0x1A040] =	vst v63  }
0x4f: {  	_ = 	snop  }
0x50: {  	[tilespmem:s19], [sflag:$0x2] =	stream.indirect.gather [hbm4b:s4+s17], $0x40, s17, s17, $0xb8;
	[tilespmem:$0x1A040] =	vst v63  }
0x51: {  	s8 =	simm.s32 $0xA0  }
0x52: {  	[tilespmem:s21], [sflag:$0x3] =	stream.indirect.gather [hbm4b:s4+s17], $0x40, s8, s17, $0xb8;
	[tilespmem:$0x1A040] =	vst v63  }
0x53: {  	_ =	swait.ge [sflag:s14], $0x1400  }
0x54: {  	[sflag:s14] =	ssyncset.done $0x0  }
0x55: {  	[sflag:s14] =	ssyncadd.s32 $0xFFFFEC00  }
0x56: {  	[spmem:s2] =	stream.indirect.scatter.add.f32 [tilespmem:s18], [sflag:$0x6], $0x40, s6, s17, $0xb8;
	[tilespmem:$0x1A040] =	vst v63  }
0x57: {  	s12 =	simm.s32 $0xF0  }
0x58: {  	[tilespmem:s23], [sflag:$0x4] =	stream.indirect.gather [hbm4b:s4+s17], $0x40, s12, s17, $0xb8;
	[tilespmem:$0x1A040] =	vst v63  }
0x59: {  	_ =	swait.ge [sflag:s15], $0x1400  }
0x5a: {  	[sflag:s15] =	ssyncset.done $0x0  }
0x5b: {  	s5 =	simm.s32 $0x4E70;
	[sflag:s15] =	ssyncadd.s32 $0xFFFFEC00  }
0x5c: {  	[spmem:s2] =	stream.indirect.scatter.add.f32 [tilespmem:s19], [sflag:$0x7], $0x40, s5, s17, $0xb8;
	[tilespmem:$0x1A040] =	vst v63  }
0x5d: {  	s6 =	simm.s32 $0x140  }
0x5e: {  	[tilespmem:s26], [sflag:$0x5] =	stream.indirect.gather [hbm4b:s4+s17], $0x40, s6, s17, $0xb8;
	[tilespmem:$0x1A040] =	vst v63  }
0x5f: {  	_ =	swait.ge [sflag:s16], $0x1400  }
0x60: {  	[sflag:s16] =	ssyncset.done $0x0  }
0x61: {  	s8 =	simm.s32 $0x4EC0;
	[sflag:s16] =	ssyncadd.s32 $0xFFFFEC00  }
0x62: {  	[spmem:s2] =	stream.indirect.scatter.add.f32 [tilespmem:s21], [sflag:$0x8], $0x40, s8, s17, $0xb8;
	[tilespmem:$0x1A040] =	vst v63  }
0x63: {  	_ =	swait.ge [sflag:s29], $0x1400  }
0x64: {  	[sflag:s29] =	ssyncset.done $0x0  }
0x65: {  	s12 =	simm.s32 $0x190;
	[sflag:s29] =	ssyncadd.s32 $0xFFFFEC00  }
0x66: {  	[tilespmem:s18], [sflag:$0x1] =	stream.indirect.gather [hbm4b:s4+s17], $0x40, s12, s17, $0xb8;
	[tilespmem:$0x1A040] =	vst v63  }
0x67: {  	_ =	swait.ge [sflag:s31], $0x1400  }
0x68: {  	[sflag:s31] =	ssyncset.done $0x0  }
0x69: {  	s5 =	simm.s32 $0x4F10;
	[sflag:s31] =	ssyncadd.s32 $0xFFFFEC00  }
0x6a: {  	[spmem:s2] =	stream.indirect.scatter.add.f32 [tilespmem:s23], [sflag:$0x9], $0x40, s5, s17, $0xb8;
	[tilespmem:$0x1A040] =	vst v63  }
0x6b: {  	_ =	swait.ge [sflag:s1], $0x1400  }
0x6c: {  	[sflag:s1] =	ssyncset.done $0x0  }
0x6d: {  	s6 =	simm.s32 $0x1E0;
	[sflag:s1] =	ssyncadd.s32 $0xFFFFEC00  }
0x6e: {  	[tilespmem:s19], [sflag:$0x2] =	stream.indirect.gather [hbm4b:s4+s17], $0x40, s6, s17, $0xb8;
	[tilespmem:$0x1A040] =	vst v63  }
0x6f: {  	_ =	swait.ge [sflag:s22], $0x1400  }
0x70: {  	[sflag:s22] =	ssyncset.done $0x0  }
0x71: {  	s8 =	simm.s32 $0x4F60;
	[sflag:s22] =	ssyncadd.s32 $0xFFFFEC00  }
0x72: {  	[spmem:s2] =	stream.indirect.scatter.add.f32 [tilespmem:s26], [sflag:$0xA], $0x40, s8, s17, $0xb8;
	[tilespmem:$0x1A040] =	vst v63  }
0x73: {  	_ =	swait.ge [sflag:s25], $0x1400  }
0x74: {  	[sflag:s25] =	ssyncset.done $0x0  }
0x75: {  	s12 =	simm.s32 $0x230;
	[sflag:s25] =	ssyncadd.s32 $0xFFFFEC00  }
0x76: {  	[tilespmem:s21], [sflag:$0x3] =	stream.indirect.gather [hbm4b:s4+s17], $0x40, s12, s17, $0xb8;
	[tilespmem:$0x1A040] =	vst v63  }
.LBB2_4:
0x77: {  	_ =	swait.ge [sflag:s14], $0x1400  }
0x78: {  	s3 =	sshra.s32 s20, $0x2;
	[sflag:s14] =	ssyncset.done $0x0  }
0x79: {  	s5 =	sadd.s32 $0x4FB0, s3;
	[sflag:s14] =	ssyncadd.s32 $0xFFFFEC00  }
0x7a: {  	[spmem:s2] =	stream.indirect.scatter.add.f32 [tilespmem:s18], [sflag:$0x6], $0x40, s5, s17, $0xb8;
	[tilespmem:$0x1A040] =	vst v63  }
0x7b: {  	_ =	swait.ge [sflag:s30], $0x1400  }
0x7c: {  	[sflag:s30] =	ssyncset.done $0x0  }
0x7d: {  	s8 =	sadd.s32 $0x280, s3;
	[sflag:s30] =	ssyncadd.s32 $0xFFFFEC00  }
0x7e: {  	[tilespmem:s23], [sflag:$0x4] =	stream.indirect.gather [hbm4b:s4+s17], $0x40, s8, s17, $0xb8;
	[tilespmem:$0x1A040] =	vst v63  }
0x7f: {  	_ =	swait.ge [sflag:s15], $0x1400  }
0x80: {  	[sflag:s15] =	ssyncset.done $0x0  }
0x81: {  	s12 =	sadd.s32 $0x5000, s3;
	[sflag:s15] =	ssyncadd.s32 $0xFFFFEC00  }
0x82: {  	[spmem:s2] =	stream.indirect.scatter.add.f32 [tilespmem:s19], [sflag:$0x7], $0x40, s12, s17, $0xb8;
	[tilespmem:$0x1A040] =	vst v63  }
0x83: {  	_ =	swait.ge [sflag:s0], $0x1400  }
0x84: {  	[sflag:s0] =	ssyncset.done $0x0  }
0x85: {  	s6 =	sadd.s32 $0x2D0, s3;
	[sflag:s0] =	ssyncadd.s32 $0xFFFFEC00  }
0x86: {  	[tilespmem:s26], [sflag:$0x5] =	stream.indirect.gather [hbm4b:s4+s17], $0x40, s6, s17, $0xb8;
	[tilespmem:$0x1A040] =	vst v63  }
0x87: {  	_ =	swait.ge [sflag:s16], $0x1400  }
0x88: {  	p0 =	seq.s32 s20, $0x12C00;
	[sflag:s16] =	ssyncset.done $0x0  }
0x89: {  	s5 =	simm.s32 @p0 $0x4;
	s8 =	sadd.s32 $0x5050, s3;
	[sflag:s16] =	ssyncadd.s32 $0xFFFFEC00  }
0x8a: {  	[spmem:s2] =	stream.indirect.scatter.add.f32 [tilespmem:s21], [sflag:$0x8], $0x40, s8, s17, $0xb8;
	[tilespmem:$0x1A040] =	vst v63  }
0x8b: {  	_ =	swait.ge @p0 [sflag:s5], $0x1400  }
0x8c: {  	[sflag:s5] =	ssyncset.done @p0 $0x0  }
0x8d: {  	[sflag:s5] =	ssyncadd.s32 @p0 $0xFFFFEC00;
	s5 =	sshra.s32 @p0 s20, $0x2  }
0x8e: {  	s12 =	simm.s32 @p0 $0xD840;
	s6 =	simm.s32 @p0 $0x50;
	s5 =	sadd.s32 @p0 $0x50A0, s5  }
0x8f: {  	[spmem:s2] =	stream.indirect.scatter.add.f32 @p0 [tilespmem:s12], [sflag:$0x9], $0x40, s5, s6, $0xb8;
	[tilespmem:$0x1A040] =	vst v63  }
0x90: {  	s5 =	simm.s32 @!p0 $0x6  }
0x91: {  	_ =	swait.ge @!p0 [sflag:s5], $0x1400  }
0x92: {  	[sflag:s5] =	ssyncset.done @!p0 $0x0  }
0x93: {  	[sflag:s5] =	ssyncadd.s32 @!p0 $0xFFFFEC00;
	s5 =	sshra.s32 @!p0 s20, $0x2  }
0x94: {  	s8 =	simm.s32 @!p0 $0x9C40;
	s12 =	simm.s32 @!p0 $0x50;
	s6 =	sadd.s32 @!p0 $0x320, s5  }
0x95: {  	[tilespmem:s8], [sflag:$0x1] =	stream.indirect.gather @!p0 [hbm4b:s4+s12], $0x40, s6, s12, $0xb8;
	[tilespmem:$0x1A040] =	vst v63  }
0x96: {  	s6 =	simm.s32 @!p0 $0x4  }
0x97: {  	_ =	swait.ge @!p0 [sflag:s6], $0x1400  }
0x98: {  	[sflag:s6] =	ssyncset.done @!p0 $0x0  }
0x99: {  	s8 =	simm.s32 @!p0 $0xD840;
	[sflag:s6] =	ssyncadd.s32 @!p0 $0xFFFFEC00;
	s6 =	sadd.s32 @!p0 $0x50A0, s5  }
0x9a: {  	[spmem:s2] =	stream.indirect.scatter.add.f32 @!p0 [tilespmem:s8], [sflag:$0x9], $0x40, s6, s12, $0xb8;
	[tilespmem:$0x1A040] =	vst v63  }
0x9b: {  	s6 =	simm.s32 @!p0 $0x7  }
0x9c: {  	_ =	swait.ge @!p0 [sflag:s6], $0x1400  }
0x9d: {  	[sflag:s6] =	ssyncset.done @!p0 $0x0  }
0x9e: {  	s5 =	sadd.s32 @!p0 $0x370, s5;
	[sflag:s6] =	ssyncadd.s32 @!p0 $0xFFFFEC00;
	s6 =	simm.s32 @!p0 $0xB040  }
0x9f: {  	[tilespmem:s6], [sflag:$0x2] =	stream.indirect.gather @!p0 [hbm4b:s4+s12], $0x40, s5, s12, $0xb8;
	[tilespmem:$0x1A040] =	vst v63  }
.Ltmp3:
0xa0: {  	_ = 	snop;
	(pc) =	sbr.rel @p0 .LBB2_6-.Ltmp3, $4  }
0xa1: {  	_ =	swait.ge [sflag:s22], $0x1400  }
0xa2: {  	[sflag:s22] =	ssyncset.done $0x0  }
0xa3: {  	s12 =	sadd.s32 $0x50F0, s3;
	[sflag:s22] =	ssyncadd.s32 $0xFFFFEC00  }
0xa4: {  	[spmem:s2] =	stream.indirect.scatter.add.f32 [tilespmem:s26], [sflag:$0xA], $0x40, s12, s17, $0xb8;
	[tilespmem:$0x1A040] =	vst v63  }
.Ltmp4:
0xa5: {  	(pc) =	sbr.rel .LBB2_4-.Ltmp4, $4  }
0xa6: {  	_ =	swait.ge [sflag:s25], $0x1400  }
0xa7: {  	[sflag:s25] =	ssyncset.done $0x0  }
0xa8: {  	s3 =	sadd.s32 $0x3C0, s3;
	s20 =	sadd.s32 $0x640, s20;
	[sflag:s25] =	ssyncadd.s32 $0xFFFFEC00  }
0xa9: {  	[tilespmem:s21], [sflag:$0x3] =	stream.indirect.gather [hbm4b:s4+s17], $0x40, s3, s17, $0xb8;
	[tilespmem:$0x1A040] =	vst v63  }
.LBB2_7:
0xaa: {  	_ =	sfence.sel $0x180000  }
0xab: {  	[bflag:$0x0] =	sbarrier.arrive $0xFFFF  }
0xac: {  	_ =	strace $0x90000050  }
0xad: {  	s0 =	stileid.u32;
	[bflag:$0x2] =	sbarrier.arrive $0xFFFF  }
0xae: {  	p0 =	sne.s32 s0, $0x0;
	s0 =	rddreg [dreg:$0x4]  }
0xaf: {  	s0 =	sadd.s32 @!p0 $0x100000, s0  }
0xb0: {  	[sflag:s0] =	ssyncadd.tile.s32 @!p0 $0x1;
	_ =	shalt  }
.Lfunc_end2:
_tile_overlayer_lowered:
.L_overlay_start_2:
0xb1: {  	(tag) =	ssettag $0x2  }
0xb2: {  	s0 =	rddreg [dreg:$0x0];
	s2 =	stileid.u32  }
0xb3: {  	s1 =	rddreg [dreg:$0x1];
	p0 =	sne.s32 s2, $0x0  }
0xb4: {  	s3 =	rddreg [dreg:$0x2];
	[bflag:$0x3] =	sbarrier.arrive $0xFFFF;
	s2 =	simm.s32 @!p0 $0x1C0B  }
0xb5: {  	[timem:s3], [sflag:s2] =	dma.local @!p0 [hbm:s0], s1  }
0xb6: {  	s0 =	simm.s32 @!p0 $0xB  }
0xb7: {  	_ =	swait.ge @!p0 [sflag:s0], s1  }
0xb8: {  	s1 =	ssub.s32 @!p0 $0x0, s1;
	[sflag:s0] =	ssyncset.done @!p0 $0x0  }
0xb9: {  	[sflag:s0] =	ssyncadd.s32 @!p0 s1  }
0xba: {  	[bflag:$0x3] =	sbarrier.arrive $0xFFFF  }
0xbb: {  	_ =	shalt  }

</sc_bundles>
